<compile_context>
chip_gen: v7x
topology: tpu7x:2x2x1
jax: 0.10.2.dev20260603
libtpu: 0.0.44.dev20260713+nightly
codegen_flags: <defaults>
</compile_context>

<pallas_src>
import functools

import jax
import jax.numpy as jnp
from jax import lax
from jax.experimental import pallas as pl
from jax.experimental.pallas import tpu as pltpu
from jax.experimental.pallas import tpu_sc as plsc

_N = 10000
_E = 320000
_NC = 2
_NS = 16
_NW = _NC * _NS
_K = 80
_NBD = _E // (_NW * _K)
_NB = _E // (_NS * _K)
_NP = 10240
_RPT = _NP // _NS
_ZR = 128
_DW = 8
_RB = 1000


def _make_deg_kernel():
    mesh = plsc.VectorSubcoreMesh(core_axis_name="c", subcore_axis_name="s")

    @functools.partial(
        pl.kernel,
        out_type=jax.ShapeDtypeStruct((_NC, _NP, _DW), jnp.float32),
        mesh=mesh,
        compiler_params=pltpu.CompilerParams(use_tc_tiling_on_sc=False),
        scratch_types=[
            pltpu.VMEM((_NBD, _K), jnp.int32),
            pltpu.VMEM((_K + _ZR, _DW), jnp.float32),
            pltpu.VMEM_SHARED((_NP, _DW), jnp.float32),
            pltpu.SemaphoreType.DMA,
        ],
    )
    def deg_kernel(const_hbm, dst_hbm, out_hbm, dst_v, const_v, acc, hsem):
        cid = lax.axis_index("c")
        sid = lax.axis_index("s")
        wid = cid * _NS + sid
        pltpu.sync_copy(dst_hbm.at[wid], dst_v)
        pltpu.sync_copy(const_hbm, const_v)
        ones_v = const_v.at[pl.ds(0, _K)]
        zero_v = const_v.at[pl.ds(_K, _ZR)]

        base = sid * _RPT
        for j in range(_RPT // _ZR):
            pltpu.sync_copy(zero_v, acc.at[pl.ds(base + j * _ZR, _ZR)])
        plsc.subcore_barrier()

        def fire(b):
            pltpu.async_copy(ones_v, acc.at[dst_v.at[b]], hsem, add=True)

        def drainone():
            pltpu.make_async_copy(ones_v, acc.at[dst_v.at[0]],
                                  hsem).wait()

        for b in range(4):
            fire(b)

        def body(b, carry):
            drainone()
            fire(b + 4)
            return carry

        lax.fori_loop(0, _NBD - 4, body, 0)
        for _ in range(4):
            drainone()
        plsc.subcore_barrier()
        pltpu.sync_copy(acc.at[pl.ds(base, _RPT)],
                        out_hbm.at[cid, pl.ds(base, _RPT)])

    return deg_kernel


def _make_spmm_kernel(d, nbuf, pref):
    drain = nbuf - pref
    mesh = plsc.VectorSubcoreMesh(core_axis_name="c", subcore_axis_name="s")

    @functools.partial(
        pl.kernel,
        out_type=jax.ShapeDtypeStruct((_NC, _NP, d), jnp.float32),
        mesh=mesh,
        compiler_params=pltpu.CompilerParams(use_tc_tiling_on_sc=False),
        scratch_types=[
            pltpu.VMEM((_NB, _K), jnp.int32),
            pltpu.VMEM((_NB, _K), jnp.int32),
            [pltpu.VMEM((_K, d), jnp.float32)] * nbuf,
            pltpu.VMEM((_ZR, d), jnp.float32),
            pltpu.VMEM_SHARED((_NP, d), jnp.float32),
            [pltpu.SemaphoreType.DMA] * nbuf,
            [pltpu.SemaphoreType.DMA] * nbuf,
        ],
    )
    def spmm(x_hbm, src_hbm, dst_hbm, out_hbm,
             src_v, dst_v, bufs, zero_v, acc,
             gsems, ssems):
        cid = lax.axis_index("c")
        sid = lax.axis_index("s")
        tab = x_hbm.at[cid]
        pltpu.sync_copy(src_hbm.at[sid], src_v)
        pltpu.sync_copy(dst_hbm.at[sid], dst_v)

        zer = jnp.zeros((16,), jnp.float32)

        def zfill(r, carry):
            for c in range(d // 16):
                zero_v[r, pl.ds(c * 16, 16)] = zer
            return carry

        lax.fori_loop(0, _ZR, zfill, 0)

        base = sid * _RPT
        for j in range(_RPT // _ZR):
            pltpu.sync_copy(zero_v, acc.at[pl.ds(base + j * _ZR, _ZR)])
        plsc.subcore_barrier()

        def start_g(b, j):
            pltpu.async_copy(tab.at[src_v.at[b]], bufs[j], gsems[j])

        def wait_g(b, j):
            pltpu.make_async_copy(tab.at[src_v.at[b]], bufs[j],
                                  gsems[j]).wait()

        def start_s(b, j):
            pltpu.async_copy(bufs[j], acc.at[dst_v.at[b]], ssems[j],
                             add=True)

        def wait_s(j):
            pltpu.make_async_copy(bufs[j], acc.at[dst_v.at[0]],
                                  ssems[j]).wait()

        for b in range(pref):
            start_g(b, b)
        for b in range(drain):
            wait_g(b, b)
            start_s(b, b)
            start_g(b + pref, b + pref)

        def body(i, carry):
            b0 = nbuf * i + drain
            for k in range(nbuf):
                b = b0 + k
                j = (drain + k) % nbuf
                j2 = (drain + k + pref) % nbuf
                wait_g(b, j)
                start_s(b, j)
                wait_s(j2)
                start_g(b + pref, j2)
            return carry

        lax.fori_loop(0, (_NB - nbuf) // nbuf, body, 0)

        for b in range(_NB - pref, _NB):
            j = b % nbuf
            j2 = (b + pref) % nbuf
            wait_g(b, j)
            start_s(b, j)
            wait_s(j2)
        for b in range(_NB - drain, _NB):
            wait_s(b % nbuf)

        plsc.subcore_barrier()
        pltpu.sync_copy(acc.at[pl.ds(base, _RPT)],
                        out_hbm.at[cid, pl.ds(base, _RPT)])

    return spmm


_deg_call = _make_deg_kernel()
_spmm_l1_call = _make_spmm_kernel(64, 5, 3)
_spmm_l2_call = _make_spmm_kernel(32, 10, 5)


def _prep_call(degp, stc):
    def body(degp_ref, stc_ref, dinv_ref, xs2_ref):
        deg = degp_ref[0, :, :1] + degp_ref[1, :, :1] + 1.0
        dinv = lax.rsqrt(deg)
        dinv_ref[...] = dinv
        xs = stc_ref[...] * dinv
        xs2_ref[0] = xs[:, :64]
        xs2_ref[1] = xs[:, 64:]

    return pl.pallas_call(
        body,
        grid=(_N // _RB,),
        in_specs=[
            pl.BlockSpec((_NC, _RB, _DW), lambda i: (0, i, 0)),
            pl.BlockSpec((_RB, 128), lambda i: (i, 0)),
        ],
        out_specs=[
            pl.BlockSpec((_RB, 1), lambda i: (i, 0)),
            pl.BlockSpec((_NC, _RB, 64), lambda i: (0, i, 0)),
        ],
        out_shape=[
            jax.ShapeDtypeStruct((_N, 1), jnp.float32),
            jax.ShapeDtypeStruct((_NC, _N, 64), jnp.float32),
        ],
    )(degp, stc)


def _mid_call(p, xs2, dinv, w1, b1, w2):
    def body(p_ref, xs_ref, dinv_ref, w1_ref, b1_ref, w2_ref, ms2_ref):
        pfull = jnp.concatenate([p_ref[0], p_ref[1]], axis=-1)
        xfull = jnp.concatenate([xs_ref[0], xs_ref[1]], axis=-1)
        t = (pfull + xfull) * dinv_ref[...]
        h1 = jnp.dot(t, w1_ref[...],
                     preferred_element_type=jnp.float32) + b1_ref[...]
        m = jnp.dot(h1, w2_ref[...], preferred_element_type=jnp.float32)
        ms = m * dinv_ref[...]
        ms2_ref[0] = ms[:, :32]
        ms2_ref[1] = ms[:, 32:]

    return pl.pallas_call(
        body,
        grid=(_N // _RB,),
        in_specs=[
            pl.BlockSpec((_NC, _RB, 64), lambda i: (0, i, 0)),
            pl.BlockSpec((_NC, _RB, 64), lambda i: (0, i, 0)),
            pl.BlockSpec((_RB, 1), lambda i: (i, 0)),
            pl.BlockSpec((128, 256), lambda i: (0, 0)),
            pl.BlockSpec((1, 256), lambda i: (0, 0)),
            pl.BlockSpec((256, 64), lambda i: (0, 0)),
        ],
        out_specs=pl.BlockSpec((_NC, _RB, 32), lambda i: (0, i, 0)),
        out_shape=jax.ShapeDtypeStruct((_NC, _N, 32), jnp.float32),
    )(p, xs2, dinv, w1, b1, w2)


def _final_call(q, ms2, dinv, b2, emb_a, wca, wcb, bc):
    def body(q_ref, ms_ref, dinv_ref, b2_ref, emb_ref, wca_ref, wcb_ref,
             bc_ref, out_ref):
        qfull = jnp.concatenate([q_ref[0], q_ref[1]], axis=-1)
        msfull = jnp.concatenate([ms_ref[0], ms_ref[1]], axis=-1)
        y2 = (qfull + msfull) * dinv_ref[...] + b2_ref[...]
        h2 = jnp.maximum(y2, 0.0)
        out_ref[...] = (
            jnp.dot(emb_ref[...], wca_ref[...],
                    preferred_element_type=jnp.float32)
            + jnp.dot(h2, wcb_ref[...], preferred_element_type=jnp.float32)
            + bc_ref[...])

    return pl.pallas_call(
        body,
        grid=(_N // _RB,),
        in_specs=[
            pl.BlockSpec((_NC, _RB, 32), lambda i: (0, i, 0)),
            pl.BlockSpec((_NC, _RB, 32), lambda i: (0, i, 0)),
            pl.BlockSpec((_RB, 1), lambda i: (i, 0)),
            pl.BlockSpec((1, 64), lambda i: (0, 0)),
            pl.BlockSpec((_RB, 64), lambda i: (i, 0)),
            pl.BlockSpec((64, 64), lambda i: (0, 0)),
            pl.BlockSpec((64, 64), lambda i: (0, 0)),
            pl.BlockSpec((1, 64), lambda i: (0, 0)),
        ],
        out_specs=pl.BlockSpec((_RB, 64), lambda i: (i, 0)),
        out_shape=jax.ShapeDtypeStruct((_N, 64), jnp.float32),
    )(q, ms2, dinv, b2, emb_a, wca, wcb, bc)


def kernel(x, stc_enc, emb_a, W1, b1, W2, b2, Wc, bc, edge_index):
    dst32 = edge_index[1].reshape(_NW, _NBD, _K)
    src16 = edge_index[0].reshape(_NS, _NB, _K)
    dst16 = edge_index[1].reshape(_NS, _NB, _K)
    const = jnp.zeros((_K + _ZR, _DW), jnp.float32).at[:_K, 0].set(1.0)
    degp = _deg_call(const, dst32)
    dinv, xs2 = _prep_call(degp, stc_enc)
    p = _spmm_l1_call(xs2, src16, dst16)
    ms2 = _mid_call(p, xs2, dinv, W1, b1.reshape(1, -1), W2)
    q = _spmm_l2_call(ms2, src16, dst16)
    return _final_call(q, ms2, dinv, b2.reshape(1, -1), emb_a,
                       Wc[:64], Wc[64:], bc.reshape(1, -1))

# --- scband reference (transcript-rebuilt; emitter-appended) ---
"""Pipeline reference for scband-top-learner-14611478741514 (READ-ONLY COPY).

The authoritative reference and input builder live on the scoring server;
editing this copy changes nothing except your own understanding.
"""

import jax, jax.numpy as jnp
import numpy as np

N = 10000
E = 320000
IN_H = 128      # RWE + 2
NHID_TOP = 256
OUT_H = 64      # max(1, int(IN_H / nhid * nclass)) = int(128/128*64)
NCLASS = 64


def gcn_conv(x, edge_index, W, b):
    # torch_geometric GCNConv: add self-loops, symmetric normalization, linear transform, scatter-add
    n = x.shape[0]
    loop = jnp.arange(n, dtype=edge_index.dtype)
    src = jnp.concatenate([edge_index[0], loop])
    dst = jnp.concatenate([edge_index[1], loop])
    xw = x @ W
    deg = jnp.zeros((n,), dtype=x.dtype).at[dst].add(1.0)
    dinv = jnp.where(deg > 0, jax.lax.rsqrt(deg), 0.0)
    norm = dinv[src] * dinv[dst]
    msg = jnp.take(xw, src, axis=0) * norm[:, None]
    out = jnp.zeros((n, W.shape[1]), dtype=x.dtype).at[dst].add(msg)
    return out + b


def setup_inputs(seed: int = 0) -> dict:
    key = jax.random.key(seed)
    ks = jax.random.split(key, 10)
    x = jax.random.normal(ks[0], (N, 128), dtype=jnp.float32)
    stc_enc = jax.random.normal(ks[1], (N, IN_H), dtype=jnp.float32)
    edge_index = jax.random.randint(ks[2], (2, E), 0, N, dtype=jnp.int32)
    emb_a = jax.random.normal(ks[3], (N, NCLASS), dtype=jnp.float32)
    W1 = jax.random.normal(ks[4], (IN_H, NHID_TOP), dtype=jnp.float32) * (1.0 / np.sqrt(IN_H))
    b1 = jnp.zeros((NHID_TOP,), dtype=jnp.float32)
    W2 = jax.random.normal(ks[5], (NHID_TOP, OUT_H), dtype=jnp.float32) * (1.0 / np.sqrt(NHID_TOP))
    b2 = jnp.zeros((OUT_H,), dtype=jnp.float32)
    Wc = jax.random.normal(ks[6], (NCLASS + OUT_H, NCLASS), dtype=jnp.float32) * (1.0 / np.sqrt(NCLASS + OUT_H))
    bc = jnp.zeros((NCLASS,), dtype=jnp.float32)
    return {"x": x, "stc_enc": stc_enc, "emb_a": emb_a, "W1": W1, "b1": b1,
            "W2": W2, "b2": b2, "Wc": Wc, "bc": bc, "edge_index": edge_index}


def reference(x, stc_enc, emb_a, W1, b1, W2, b2, Wc, bc, edge_index):
    # forward of Top_learner (eval mode: F.dropout with training=False is identity;
    # data.x is read but unused in the torch forward)
    h = gcn_conv(stc_enc, edge_index, W1, b1)          # structural_layer_1
    # dropout (identity in eval)
    h = gcn_conv(h, edge_index, W2, b2)                # structural_layer_2
    h = jax.nn.relu(h)
    emb_b = h                                          # dropout identity
    emb = jnp.concatenate([emb_a, emb_b], axis=-1)
    out = emb @ Wc + bc                                # clsif
    return out

if __name__ == "__main__":
    import jax
    _d = setup_inputs()
    print(jax.jit(kernel)(*tuple(_d.values())))

</pallas_src>

<mosaic_0001>
#map = affine_map<(d0, d1) -> (0, 0)>
#map1 = affine_map<(d0, d1) -> (0, 0, 0)>
module attributes {stable_mosaic.version = 14 : i64} {
  func.func @deg_kernel(%arg0: i32, %arg1: i32, %arg2: memref<208x8xf32, #tpu.memory_space<hbm>>, %arg3: memref<32x125x80xi32, #tpu.memory_space<hbm>>, %arg4: memref<2x10240x8xf32, #tpu.memory_space<hbm>>, %arg5: memref<125x80xi32, #tpu.memory_space<vmem>>, %arg6: memref<208x8xf32, #tpu.memory_space<vmem>>, %arg7: memref<10240x8xf32, #tpu.memory_space<vmem_shared>>, %arg8: memref<!tpu.dma_semaphore, #tpu.memory_space<semaphore_mem>>) attributes {dimension_semantics = [#tpu.dimension_semantics<core_parallel>, #tpu.dimension_semantics<subcore_parallel>], iteration_bounds = array<i64: 2, 16>, scalar_prefetch = 0 : i64, scratch_operands = 4 : i64, tpu.core_type = #tpu.core_type<sc_vector_subcore>, window_params = [{transform_indices = #map}, {transform_indices = #map1}, {transform_indices = #map1}]} {
    %mul3A = arith.constant 16 : i32
    %mul3A_0 = arith.muli %arg0, %mul3A : i32
    %add3A = arith.addi %mul3A_0, %arg1 : i32
    "tpu.region"() ({
      %run_scoped3A = tpu.sem_alloc : memref<!tpu.dma_semaphore, #tpu.memory_space<semaphore_mem>>
      %dma_start3A_97 = arith.constant 0 : i32
      %dma_start3A_98 = arith.constant 0 : i32
      %dma_start3A_99 = tpu.memref_slice %arg3[%add3A, %dma_start3A_97, %dma_start3A_98] : memref<32x125x80xi32, #tpu.memory_space<hbm>> -> memref<1x125x80xi32, #tpu.memory_space<hbm>>
      %dma_start3A_100 = tpu.memref_squeeze %dma_start3A_99 : memref<1x125x80xi32, #tpu.memory_space<hbm>> -> memref<125x80xi32, #tpu.memory_space<hbm>>
      %dma_start3A_101 = arith.constant 0 : i32
      %dma_start3A_102 = arith.constant 0 : i32
      %dma_start3A_103 = tpu.memref_slice %arg3[%add3A, %dma_start3A_101, %dma_start3A_102] : memref<32x125x80xi32, #tpu.memory_space<hbm>> -> memref<1x125x80xi32, #tpu.memory_space<hbm>>
      %dma_start3A_104 = tpu.memref_squeeze %dma_start3A_103 : memref<1x125x80xi32, #tpu.memory_space<hbm>> -> memref<125x80xi32, #tpu.memory_space<hbm>>
      tpu.enqueue_dma source(%dma_start3A_104 : memref<125x80xi32, #tpu.memory_space<hbm>>) target(%arg5 : memref<125x80xi32, #tpu.memory_space<vmem>>) target_semaphore(%run_scoped3A : memref<!tpu.dma_semaphore, #tpu.memory_space<semaphore_mem>>)
      %dma_wait3A_105 = arith.constant 0 : i32
      %dma_wait3A_106 = arith.constant 0 : i32
      %dma_wait3A_107 = tpu.memref_slice %arg3[%add3A, %dma_wait3A_105, %dma_wait3A_106] : memref<32x125x80xi32, #tpu.memory_space<hbm>> -> memref<1x125x80xi32, #tpu.memory_space<hbm>>
      %dma_wait3A_108 = tpu.memref_squeeze %dma_wait3A_107 : memref<1x125x80xi32, #tpu.memory_space<hbm>> -> memref<125x80xi32, #tpu.memory_space<hbm>>
      %dma_wait3A_109 = arith.constant 0 : i32
      %dma_wait3A_110 = arith.constant 0 : i32
      %dma_wait3A_111 = tpu.memref_slice %arg3[%add3A, %dma_wait3A_109, %dma_wait3A_110] : memref<32x125x80xi32, #tpu.memory_space<hbm>> -> memref<1x125x80xi32, #tpu.memory_space<hbm>>
      %dma_wait3A_112 = tpu.memref_squeeze %dma_wait3A_111 : memref<1x125x80xi32, #tpu.memory_space<hbm>> -> memref<125x80xi32, #tpu.memory_space<hbm>>
      tpu.wait_dma2 semaphore(%run_scoped3A : memref<!tpu.dma_semaphore, #tpu.memory_space<semaphore_mem>>) src(%dma_wait3A_112 : memref<125x80xi32, #tpu.memory_space<hbm>>) dst(%arg5 : memref<125x80xi32, #tpu.memory_space<vmem>>)
      tpu.yield
    }) : () -> ()
    "tpu.region"() ({
      %run_scoped3A = tpu.sem_alloc : memref<!tpu.dma_semaphore, #tpu.memory_space<semaphore_mem>>
      tpu.enqueue_dma source(%arg2 : memref<208x8xf32, #tpu.memory_space<hbm>>) target(%arg6 : memref<208x8xf32, #tpu.memory_space<vmem>>) target_semaphore(%run_scoped3A : memref<!tpu.dma_semaphore, #tpu.memory_space<semaphore_mem>>)
      tpu.wait_dma2 semaphore(%run_scoped3A : memref<!tpu.dma_semaphore, #tpu.memory_space<semaphore_mem>>) src(%arg2 : memref<208x8xf32, #tpu.memory_space<hbm>>) dst(%arg6 : memref<208x8xf32, #tpu.memory_space<vmem>>)
      tpu.yield
    }) : () -> ()
    %mul3A_1 = arith.constant 640 : i32
    %mul3A_2 = arith.muli %arg1, %mul3A_1 : i32
    %add3A_3 = arith.constant 0 : i32
    %add3A_4 = arith.addi %mul3A_2, %add3A_3 : i32
    "tpu.region"() ({
      %run_scoped3A = tpu.sem_alloc : memref<!tpu.dma_semaphore, #tpu.memory_space<semaphore_mem>>
      %dma_start3A_97 = arith.constant 80 : i32
      %dma_start3A_98 = arith.constant 0 : i32
      %dma_start3A_99 = tpu.memref_slice %arg6[%dma_start3A_97, %dma_start3A_98] : memref<208x8xf32, #tpu.memory_space<vmem>> -> memref<128x8xf32, #tpu.memory_space<vmem>>
      %dma_start3A_100 = arith.constant 0 : i32
      %dma_start3A_101 = tpu.memref_slice %arg7[%add3A_4, %dma_start3A_100] : memref<10240x8xf32, #tpu.memory_space<vmem_shared>> -> memref<128x8xf32, #tpu.memory_space<vmem_shared>>
      %dma_start3A_102 = arith.constant 0 : i32
      %dma_start3A_103 = tpu.memref_slice %arg7[%add3A_4, %dma_start3A_102] : memref<10240x8xf32, #tpu.memory_space<vmem_shared>> -> memref<128x8xf32, #tpu.memory_space<vmem_shared>>
      %dma_start3A_104 = arith.constant 80 : i32
      %dma_start3A_105 = arith.constant 0 : i32
      %dma_start3A_106 = tpu.memref_slice %arg6[%dma_start3A_104, %dma_start3A_105] : memref<208x8xf32, #tpu.memory_space<vmem>> -> memref<128x8xf32, #tpu.memory_space<vmem>>
      tpu.enqueue_dma source(%dma_start3A_106 : memref<128x8xf32, #tpu.memory_space<vmem>>) target(%dma_start3A_103 : memref<128x8xf32, #tpu.memory_space<vmem_shared>>) target_semaphore(%run_scoped3A : memref<!tpu.dma_semaphore, #tpu.memory_space<semaphore_mem>>)
      %dma_wait3A_107 = arith.constant 80 : i32
      %dma_wait3A_108 = arith.constant 0 : i32
      %dma_wait3A_109 = tpu.memref_slice %arg6[%dma_wait3A_107, %dma_wait3A_108] : memref<208x8xf32, #tpu.memory_space<vmem>> -> memref<128x8xf32, #tpu.memory_space<vmem>>
      %dma_wait3A_110 = arith.constant 0 : i32
      %dma_wait3A_111 = tpu.memref_slice %arg7[%add3A_4, %dma_wait3A_110] : memref<10240x8xf32, #tpu.memory_space<vmem_shared>> -> memref<128x8xf32, #tpu.memory_space<vmem_shared>>
      %dma_wait3A_112 = arith.constant 0 : i32
      %dma_wait3A_113 = tpu.memref_slice %arg7[%add3A_4, %dma_wait3A_112] : memref<10240x8xf32, #tpu.memory_space<vmem_shared>> -> memref<128x8xf32, #tpu.memory_space<vmem_shared>>
      %dma_wait3A_114 = arith.constant 80 : i32
      %dma_wait3A_115 = arith.constant 0 : i32
      %dma_wait3A_116 = tpu.memref_slice %arg6[%dma_wait3A_114, %dma_wait3A_115] : memref<208x8xf32, #tpu.memory_space<vmem>> -> memref<128x8xf32, #tpu.memory_space<vmem>>
      tpu.wait_dma2 semaphore(%run_scoped3A : memref<!tpu.dma_semaphore, #tpu.memory_space<semaphore_mem>>) src(%dma_wait3A_116 : memref<128x8xf32, #tpu.memory_space<vmem>>) dst(%dma_wait3A_113 : memref<128x8xf32, #tpu.memory_space<vmem_shared>>)
      tpu.yield
    }) : () -> ()
    %add3A_5 = arith.constant 128 : i32
    %add3A_6 = arith.addi %mul3A_2, %add3A_5 : i32
    "tpu.region"() ({
      %run_scoped3A = tpu.sem_alloc : memref<!tpu.dma_semaphore, #tpu.memory_space<semaphore_mem>>
      %dma_start3A_97 = arith.constant 80 : i32
      %dma_start3A_98 = arith.constant 0 : i32
      %dma_start3A_99 = tpu.memref_slice %arg6[%dma_start3A_97, %dma_start3A_98] : memref<208x8xf32, #tpu.memory_space<vmem>> -> memref<128x8xf32, #tpu.memory_space<vmem>>
      %dma_start3A_100 = arith.constant 0 : i32
      %dma_start3A_101 = tpu.memref_slice %arg7[%add3A_6, %dma_start3A_100] : memref<10240x8xf32, #tpu.memory_space<vmem_shared>> -> memref<128x8xf32, #tpu.memory_space<vmem_shared>>
      %dma_start3A_102 = arith.constant 0 : i32
      %dma_start3A_103 = tpu.memref_slice %arg7[%add3A_6, %dma_start3A_102] : memref<10240x8xf32, #tpu.memory_space<vmem_shared>> -> memref<128x8xf32, #tpu.memory_space<vmem_shared>>
      %dma_start3A_104 = arith.constant 80 : i32
      %dma_start3A_105 = arith.constant 0 : i32
      %dma_start3A_106 = tpu.memref_slice %arg6[%dma_start3A_104, %dma_start3A_105] : memref<208x8xf32, #tpu.memory_space<vmem>> -> memref<128x8xf32, #tpu.memory_space<vmem>>
      tpu.enqueue_dma source(%dma_start3A_106 : memref<128x8xf32, #tpu.memory_space<vmem>>) target(%dma_start3A_103 : memref<128x8xf32, #tpu.memory_space<vmem_shared>>) target_semaphore(%run_scoped3A : memref<!tpu.dma_semaphore, #tpu.memory_space<semaphore_mem>>)
      %dma_wait3A_107 = arith.constant 80 : i32
      %dma_wait3A_108 = arith.constant 0 : i32
      %dma_wait3A_109 = tpu.memref_slice %arg6[%dma_wait3A_107, %dma_wait3A_108] : memref<208x8xf32, #tpu.memory_space<vmem>> -> memref<128x8xf32, #tpu.memory_space<vmem>>
      %dma_wait3A_110 = arith.constant 0 : i32
      %dma_wait3A_111 = tpu.memref_slice %arg7[%add3A_6, %dma_wait3A_110] : memref<10240x8xf32, #tpu.memory_space<vmem_shared>> -> memref<128x8xf32, #tpu.memory_space<vmem_shared>>
      %dma_wait3A_112 = arith.constant 0 : i32
      %dma_wait3A_113 = tpu.memref_slice %arg7[%add3A_6, %dma_wait3A_112] : memref<10240x8xf32, #tpu.memory_space<vmem_shared>> -> memref<128x8xf32, #tpu.memory_space<vmem_shared>>
      %dma_wait3A_114 = arith.constant 80 : i32
      %dma_wait3A_115 = arith.constant 0 : i32
      %dma_wait3A_116 = tpu.memref_slice %arg6[%dma_wait3A_114, %dma_wait3A_115] : memref<208x8xf32, #tpu.memory_space<vmem>> -> memref<128x8xf32, #tpu.memory_space<vmem>>
      tpu.wait_dma2 semaphore(%run_scoped3A : memref<!tpu.dma_semaphore, #tpu.memory_space<semaphore_mem>>) src(%dma_wait3A_116 : memref<128x8xf32, #tpu.memory_space<vmem>>) dst(%dma_wait3A_113 : memref<128x8xf32, #tpu.memory_space<vmem_shared>>)
      tpu.yield
    }) : () -> ()
    %add3A_7 = arith.constant 256 : i32
    %add3A_8 = arith.addi %mul3A_2, %add3A_7 : i32
    "tpu.region"() ({
      %run_scoped3A = tpu.sem_alloc : memref<!tpu.dma_semaphore, #tpu.memory_space<semaphore_mem>>
      %dma_start3A_97 = arith.constant 80 : i32
      %dma_start3A_98 = arith.constant 0 : i32
      %dma_start3A_99 = tpu.memref_slice %arg6[%dma_start3A_97, %dma_start3A_98] : memref<208x8xf32, #tpu.memory_space<vmem>> -> memref<128x8xf32, #tpu.memory_space<vmem>>
      %dma_start3A_100 = arith.constant 0 : i32
      %dma_start3A_101 = tpu.memref_slice %arg7[%add3A_8, %dma_start3A_100] : memref<10240x8xf32, #tpu.memory_space<vmem_shared>> -> memref<128x8xf32, #tpu.memory_space<vmem_shared>>
      %dma_start3A_102 = arith.constant 0 : i32
      %dma_start3A_103 = tpu.memref_slice %arg7[%add3A_8, %dma_start3A_102] : memref<10240x8xf32, #tpu.memory_space<vmem_shared>> -> memref<128x8xf32, #tpu.memory_space<vmem_shared>>
      %dma_start3A_104 = arith.constant 80 : i32
      %dma_start3A_105 = arith.constant 0 : i32
      %dma_start3A_106 = tpu.memref_slice %arg6[%dma_start3A_104, %dma_start3A_105] : memref<208x8xf32, #tpu.memory_space<vmem>> -> memref<128x8xf32, #tpu.memory_space<vmem>>
      tpu.enqueue_dma source(%dma_start3A_106 : memref<128x8xf32, #tpu.memory_space<vmem>>) target(%dma_start3A_103 : memref<128x8xf32, #tpu.memory_space<vmem_shared>>) target_semaphore(%run_scoped3A : memref<!tpu.dma_semaphore, #tpu.memory_space<semaphore_mem>>)
      %dma_wait3A_107 = arith.constant 80 : i32
      %dma_wait3A_108 = arith.constant 0 : i32
      %dma_wait3A_109 = tpu.memref_slice %arg6[%dma_wait3A_107, %dma_wait3A_108] : memref<208x8xf32, #tpu.memory_space<vmem>> -> memref<128x8xf32, #tpu.memory_space<vmem>>
      %dma_wait3A_110 = arith.constant 0 : i32
      %dma_wait3A_111 = tpu.memref_slice %arg7[%add3A_8, %dma_wait3A_110] : memref<10240x8xf32, #tpu.memory_space<vmem_shared>> -> memref<128x8xf32, #tpu.memory_space<vmem_shared>>
      %dma_wait3A_112 = arith.constant 0 : i32
      %dma_wait3A_113 = tpu.memref_slice %arg7[%add3A_8, %dma_wait3A_112] : memref<10240x8xf32, #tpu.memory_space<vmem_shared>> -> memref<128x8xf32, #tpu.memory_space<vmem_shared>>
      %dma_wait3A_114 = arith.constant 80 : i32
      %dma_wait3A_115 = arith.constant 0 : i32
      %dma_wait3A_116 = tpu.memref_slice %arg6[%dma_wait3A_114, %dma_wait3A_115] : memref<208x8xf32, #tpu.memory_space<vmem>> -> memref<128x8xf32, #tpu.memory_space<vmem>>
      tpu.wait_dma2 semaphore(%run_scoped3A : memref<!tpu.dma_semaphore, #tpu.memory_space<semaphore_mem>>) src(%dma_wait3A_116 : memref<128x8xf32, #tpu.memory_space<vmem>>) dst(%dma_wait3A_113 : memref<128x8xf32, #tpu.memory_space<vmem_shared>>)
      tpu.yield
    }) : () -> ()
    %add3A_9 = arith.constant 384 : i32
    %add3A_10 = arith.addi %mul3A_2, %add3A_9 : i32
    "tpu.region"() ({
      %run_scoped3A = tpu.sem_alloc : memref<!tpu.dma_semaphore, #tpu.memory_space<semaphore_mem>>
      %dma_start3A_97 = arith.constant 80 : i32
      %dma_start3A_98 = arith.constant 0 : i32
      %dma_start3A_99 = tpu.memref_slice %arg6[%dma_start3A_97, %dma_start3A_98] : memref<208x8xf32, #tpu.memory_space<vmem>> -> memref<128x8xf32, #tpu.memory_space<vmem>>
      %dma_start3A_100 = arith.constant 0 : i32
      %dma_start3A_101 = tpu.memref_slice %arg7[%add3A_10, %dma_start3A_100] : memref<10240x8xf32, #tpu.memory_space<vmem_shared>> -> memref<128x8xf32, #tpu.memory_space<vmem_shared>>
      %dma_start3A_102 = arith.constant 0 : i32
      %dma_start3A_103 = tpu.memref_slice %arg7[%add3A_10, %dma_start3A_102] : memref<10240x8xf32, #tpu.memory_space<vmem_shared>> -> memref<128x8xf32, #tpu.memory_space<vmem_shared>>
      %dma_start3A_104 = arith.constant 80 : i32
      %dma_start3A_105 = arith.constant 0 : i32
      %dma_start3A_106 = tpu.memref_slice %arg6[%dma_start3A_104, %dma_start3A_105] : memref<208x8xf32, #tpu.memory_space<vmem>> -> memref<128x8xf32, #tpu.memory_space<vmem>>
      tpu.enqueue_dma source(%dma_start3A_106 : memref<128x8xf32, #tpu.memory_space<vmem>>) target(%dma_start3A_103 : memref<128x8xf32, #tpu.memory_space<vmem_shared>>) target_semaphore(%run_scoped3A : memref<!tpu.dma_semaphore, #tpu.memory_space<semaphore_mem>>)
      %dma_wait3A_107 = arith.constant 80 : i32
      %dma_wait3A_108 = arith.constant 0 : i32
      %dma_wait3A_109 = tpu.memref_slice %arg6[%dma_wait3A_107, %dma_wait3A_108] : memref<208x8xf32, #tpu.memory_space<vmem>> -> memref<128x8xf32, #tpu.memory_space<vmem>>
      %dma_wait3A_110 = arith.constant 0 : i32
      %dma_wait3A_111 = tpu.memref_slice %arg7[%add3A_10, %dma_wait3A_110] : memref<10240x8xf32, #tpu.memory_space<vmem_shared>> -> memref<128x8xf32, #tpu.memory_space<vmem_shared>>
      %dma_wait3A_112 = arith.constant 0 : i32
      %dma_wait3A_113 = tpu.memref_slice %arg7[%add3A_10, %dma_wait3A_112] : memref<10240x8xf32, #tpu.memory_space<vmem_shared>> -> memref<128x8xf32, #tpu.memory_space<vmem_shared>>
      %dma_wait3A_114 = arith.constant 80 : i32
      %dma_wait3A_115 = arith.constant 0 : i32
      %dma_wait3A_116 = tpu.memref_slice %arg6[%dma_wait3A_114, %dma_wait3A_115] : memref<208x8xf32, #tpu.memory_space<vmem>> -> memref<128x8xf32, #tpu.memory_space<vmem>>
      tpu.wait_dma2 semaphore(%run_scoped3A : memref<!tpu.dma_semaphore, #tpu.memory_space<semaphore_mem>>) src(%dma_wait3A_116 : memref<128x8xf32, #tpu.memory_space<vmem>>) dst(%dma_wait3A_113 : memref<128x8xf32, #tpu.memory_space<vmem_shared>>)
      tpu.yield
    }) : () -> ()
    %add3A_11 = arith.constant 512 : i32
    %add3A_12 = arith.addi %mul3A_2, %add3A_11 : i32
    "tpu.region"() ({
      %run_scoped3A = tpu.sem_alloc : memref<!tpu.dma_semaphore, #tpu.memory_space<semaphore_mem>>
      %dma_start3A_97 = arith.constant 80 : i32
      %dma_start3A_98 = arith.constant 0 : i32
      %dma_start3A_99 = tpu.memref_slice %arg6[%dma_start3A_97, %dma_start3A_98] : memref<208x8xf32, #tpu.memory_space<vmem>> -> memref<128x8xf32, #tpu.memory_space<vmem>>
      %dma_start3A_100 = arith.constant 0 : i32
      %dma_start3A_101 = tpu.memref_slice %arg7[%add3A_12, %dma_start3A_100] : memref<10240x8xf32, #tpu.memory_space<vmem_shared>> -> memref<128x8xf32, #tpu.memory_space<vmem_shared>>
      %dma_start3A_102 = arith.constant 0 : i32
      %dma_start3A_103 = tpu.memref_slice %arg7[%add3A_12, %dma_start3A_102] : memref<10240x8xf32, #tpu.memory_space<vmem_shared>> -> memref<128x8xf32, #tpu.memory_space<vmem_shared>>
      %dma_start3A_104 = arith.constant 80 : i32
      %dma_start3A_105 = arith.constant 0 : i32
      %dma_start3A_106 = tpu.memref_slice %arg6[%dma_start3A_104, %dma_start3A_105] : memref<208x8xf32, #tpu.memory_space<vmem>> -> memref<128x8xf32, #tpu.memory_space<vmem>>
      tpu.enqueue_dma source(%dma_start3A_106 : memref<128x8xf32, #tpu.memory_space<vmem>>) target(%dma_start3A_103 : memref<128x8xf32, #tpu.memory_space<vmem_shared>>) target_semaphore(%run_scoped3A : memref<!tpu.dma_semaphore, #tpu.memory_space<semaphore_mem>>)
      %dma_wait3A_107 = arith.constant 80 : i32
      %dma_wait3A_108 = arith.constant 0 : i32
      %dma_wait3A_109 = tpu.memref_slice %arg6[%dma_wait3A_107, %dma_wait3A_108] : memref<208x8xf32, #tpu.memory_space<vmem>> -> memref<128x8xf32, #tpu.memory_space<vmem>>
      %dma_wait3A_110 = arith.constant 0 : i32
      %dma_wait3A_111 = tpu.memref_slice %arg7[%add3A_12, %dma_wait3A_110] : memref<10240x8xf32, #tpu.memory_space<vmem_shared>> -> memref<128x8xf32, #tpu.memory_space<vmem_shared>>
      %dma_wait3A_112 = arith.constant 0 : i32
      %dma_wait3A_113 = tpu.memref_slice %arg7[%add3A_12, %dma_wait3A_112] : memref<10240x8xf32, #tpu.memory_space<vmem_shared>> -> memref<128x8xf32, #tpu.memory_space<vmem_shared>>
      %dma_wait3A_114 = arith.constant 80 : i32
      %dma_wait3A_115 = arith.constant 0 : i32
      %dma_wait3A_116 = tpu.memref_slice %arg6[%dma_wait3A_114, %dma_wait3A_115] : memref<208x8xf32, #tpu.memory_space<vmem>> -> memref<128x8xf32, #tpu.memory_space<vmem>>
      tpu.wait_dma2 semaphore(%run_scoped3A : memref<!tpu.dma_semaphore, #tpu.memory_space<semaphore_mem>>) src(%dma_wait3A_116 : memref<128x8xf32, #tpu.memory_space<vmem>>) dst(%dma_wait3A_113 : memref<128x8xf32, #tpu.memory_space<vmem_shared>>)
      tpu.yield
    }) : () -> ()
    %barrier3A = arith.constant 0 : index
    tpu.barrier barrier_id(%barrier3A)
    %dma_start3A = arith.constant 0 : i32
    %dma_start3A_13 = arith.constant 0 : i32
    %dma_start3A_14 = arith.constant 0 : i32
    %dma_start3A_15 = tpu.memref_slice %arg6[%dma_start3A_13, %dma_start3A_14] : memref<208x8xf32, #tpu.memory_space<vmem>> -> memref<80x8xf32, #tpu.memory_space<vmem>>
    %dma_start3A_16 = arith.constant 0 : i32
    %dma_start3A_17 = tpu.memref_slice %arg5[%dma_start3A, %dma_start3A_16] : memref<125x80xi32, #tpu.memory_space<vmem>> -> memref<1x80xi32, #tpu.memory_space<vmem>>
    %dma_start3A_18 = tpu.memref_squeeze %dma_start3A_17 : memref<1x80xi32, #tpu.memory_space<vmem>> -> memref<80xi32, #tpu.memory_space<vmem>>
    %dma_start3A_19 = arith.constant 0 : i32
    %dma_start3A_20 = arith.constant 0 : i32
    %dma_start3A_21 = tpu.memref_slice %arg7[%dma_start3A_19, %dma_start3A_20] : memref<10240x8xf32, #tpu.memory_space<vmem_shared>> -> memref<10240x8xf32, #tpu.memory_space<vmem_shared>>
    tpu.enqueue_indirect_dma source(%dma_start3A_15 : memref<80x8xf32, #tpu.memory_space<vmem>>) target(%dma_start3A_21 : memref<10240x8xf32, #tpu.memory_space<vmem_shared>>) offsets(%dma_start3A_18 : memref<80xi32, #tpu.memory_space<vmem>>) semaphore(%arg8 : memref<!tpu.dma_semaphore, #tpu.memory_space<semaphore_mem>>) {add = true}
    %dma_start3A_22 = arith.constant 1 : i32
    %dma_start3A_23 = arith.constant 0 : i32
    %dma_start3A_24 = arith.constant 0 : i32
    %dma_start3A_25 = tpu.memref_slice %arg6[%dma_start3A_23, %dma_start3A_24] : memref<208x8xf32, #tpu.memory_space<vmem>> -> memref<80x8xf32, #tpu.memory_space<vmem>>
    %dma_start3A_26 = arith.constant 0 : i32
    %dma_start3A_27 = tpu.memref_slice %arg5[%dma_start3A_22, %dma_start3A_26] : memref<125x80xi32, #tpu.memory_space<vmem>> -> memref<1x80xi32, #tpu.memory_space<vmem>>
    %dma_start3A_28 = tpu.memref_squeeze %dma_start3A_27 : memref<1x80xi32, #tpu.memory_space<vmem>> -> memref<80xi32, #tpu.memory_space<vmem>>
    %dma_start3A_29 = arith.constant 0 : i32
    %dma_start3A_30 = arith.constant 0 : i32
    %dma_start3A_31 = tpu.memref_slice %arg7[%dma_start3A_29, %dma_start3A_30] : memref<10240x8xf32, #tpu.memory_space<vmem_shared>> -> memref<10240x8xf32, #tpu.memory_space<vmem_shared>>
    tpu.enqueue_indirect_dma source(%dma_start3A_25 : memref<80x8xf32, #tpu.memory_space<vmem>>) target(%dma_start3A_31 : memref<10240x8xf32, #tpu.memory_space<vmem_shared>>) offsets(%dma_start3A_28 : memref<80xi32, #tpu.memory_space<vmem>>) semaphore(%arg8 : memref<!tpu.dma_semaphore, #tpu.memory_space<semaphore_mem>>) {add = true}
    %dma_start3A_32 = arith.constant 2 : i32
    %dma_start3A_33 = arith.constant 0 : i32
    %dma_start3A_34 = arith.constant 0 : i32
    %dma_start3A_35 = tpu.memref_slice %arg6[%dma_start3A_33, %dma_start3A_34] : memref<208x8xf32, #tpu.memory_space<vmem>> -> memref<80x8xf32, #tpu.memory_space<vmem>>
    %dma_start3A_36 = arith.constant 0 : i32
    %dma_start3A_37 = tpu.memref_slice %arg5[%dma_start3A_32, %dma_start3A_36] : memref<125x80xi32, #tpu.memory_space<vmem>> -> memref<1x80xi32, #tpu.memory_space<vmem>>
    %dma_start3A_38 = tpu.memref_squeeze %dma_start3A_37 : memref<1x80xi32, #tpu.memory_space<vmem>> -> memref<80xi32, #tpu.memory_space<vmem>>
    %dma_start3A_39 = arith.constant 0 : i32
    %dma_start3A_40 = arith.constant 0 : i32
    %dma_start3A_41 = tpu.memref_slice %arg7[%dma_start3A_39, %dma_start3A_40] : memref<10240x8xf32, #tpu.memory_space<vmem_shared>> -> memref<10240x8xf32, #tpu.memory_space<vmem_shared>>
    tpu.enqueue_indirect_dma source(%dma_start3A_35 : memref<80x8xf32, #tpu.memory_space<vmem>>) target(%dma_start3A_41 : memref<10240x8xf32, #tpu.memory_space<vmem_shared>>) offsets(%dma_start3A_38 : memref<80xi32, #tpu.memory_space<vmem>>) semaphore(%arg8 : memref<!tpu.dma_semaphore, #tpu.memory_space<semaphore_mem>>) {add = true}
    %dma_start3A_42 = arith.constant 3 : i32
    %dma_start3A_43 = arith.constant 0 : i32
    %dma_start3A_44 = arith.constant 0 : i32
    %dma_start3A_45 = tpu.memref_slice %arg6[%dma_start3A_43, %dma_start3A_44] : memref<208x8xf32, #tpu.memory_space<vmem>> -> memref<80x8xf32, #tpu.memory_space<vmem>>
    %dma_start3A_46 = arith.constant 0 : i32
    %dma_start3A_47 = tpu.memref_slice %arg5[%dma_start3A_42, %dma_start3A_46] : memref<125x80xi32, #tpu.memory_space<vmem>> -> memref<1x80xi32, #tpu.memory_space<vmem>>
    %dma_start3A_48 = tpu.memref_squeeze %dma_start3A_47 : memref<1x80xi32, #tpu.memory_space<vmem>> -> memref<80xi32, #tpu.memory_space<vmem>>
    %dma_start3A_49 = arith.constant 0 : i32
    %dma_start3A_50 = arith.constant 0 : i32
    %dma_start3A_51 = tpu.memref_slice %arg7[%dma_start3A_49, %dma_start3A_50] : memref<10240x8xf32, #tpu.memory_space<vmem_shared>> -> memref<10240x8xf32, #tpu.memory_space<vmem_shared>>
    tpu.enqueue_indirect_dma source(%dma_start3A_45 : memref<80x8xf32, #tpu.memory_space<vmem>>) target(%dma_start3A_51 : memref<10240x8xf32, #tpu.memory_space<vmem_shared>>) offsets(%dma_start3A_48 : memref<80xi32, #tpu.memory_space<vmem>>) semaphore(%arg8 : memref<!tpu.dma_semaphore, #tpu.memory_space<semaphore_mem>>) {add = true}
    %scan3A = arith.constant 0 : i32
    %scan3A_52 = arith.constant 0 : i32
    %scan3A_53 = arith.constant 121 : i32
    %scan3A_54 = arith.addi %scan3A_52, %scan3A_53 : i32
    %scan3A_55 = arith.constant 1 : i32
    scf.for %scan3A_97 = %scan3A_52 to %scan3A_54 step %scan3A_55  : i32 {
      %dma_wait3A_98 = arith.constant 0 : i32
      %dma_wait3A_99 = arith.constant 0 : i32
      %dma_wait3A_100 = arith.constant 0 : i32
      %dma_wait3A_101 = tpu.memref_slice %arg6[%dma_wait3A_99, %dma_wait3A_100] : memref<208x8xf32, #tpu.memory_space<vmem>> -> memref<80x8xf32, #tpu.memory_space<vmem>>
      %dma_wait3A_102 = arith.constant 0 : i32
      %dma_wait3A_103 = tpu.memref_slice %arg5[%dma_wait3A_98, %dma_wait3A_102] : memref<125x80xi32, #tpu.memory_space<vmem>> -> memref<1x80xi32, #tpu.memory_space<vmem>>
      %dma_wait3A_104 = tpu.memref_squeeze %dma_wait3A_103 : memref<1x80xi32, #tpu.memory_space<vmem>> -> memref<80xi32, #tpu.memory_space<vmem>>
      %dma_wait3A_105 = arith.constant 0 : i32
      %dma_wait3A_106 = arith.constant 0 : i32
      %dma_wait3A_107 = tpu.memref_slice %arg7[%dma_wait3A_105, %dma_wait3A_106] : memref<10240x8xf32, #tpu.memory_space<vmem_shared>> -> memref<10240x8xf32, #tpu.memory_space<vmem_shared>>
      tpu.wait_indirect_dma semaphore(%arg8 : memref<!tpu.dma_semaphore, #tpu.memory_space<semaphore_mem>>) src(%dma_wait3A_101 : memref<80x8xf32, #tpu.memory_space<vmem>>) dst(%dma_wait3A_107 : memref<10240x8xf32, #tpu.memory_space<vmem_shared>>)
      %add3A_108 = arith.constant 4 : i32
      %add3A_109 = arith.addi %scan3A_97, %add3A_108 : i32
      %dma_start3A_110 = arith.constant 0 : i32
      %dma_start3A_111 = arith.constant 0 : i32
      %dma_start3A_112 = tpu.memref_slice %arg6[%dma_start3A_110, %dma_start3A_111] : memref<208x8xf32, #tpu.memory_space<vmem>> -> memref<80x8xf32, #tpu.memory_space<vmem>>
      %dma_start3A_113 = arith.constant 0 : i32
      %dma_start3A_114 = tpu.memref_slice %arg5[%add3A_109, %dma_start3A_113] : memref<125x80xi32, #tpu.memory_space<vmem>> -> memref<1x80xi32, #tpu.memory_space<vmem>>
      %dma_start3A_115 = tpu.memref_squeeze %dma_start3A_114 : memref<1x80xi32, #tpu.memory_space<vmem>> -> memref<80xi32, #tpu.memory_space<vmem>>
      %dma_start3A_116 = arith.constant 0 : i32
      %dma_start3A_117 = arith.constant 0 : i32
      %dma_start3A_118 = tpu.memref_slice %arg7[%dma_start3A_116, %dma_start3A_117] : memref<10240x8xf32, #tpu.memory_space<vmem_shared>> -> memref<10240x8xf32, #tpu.memory_space<vmem_shared>>
      tpu.enqueue_indirect_dma source(%dma_start3A_112 : memref<80x8xf32, #tpu.memory_space<vmem>>) target(%dma_start3A_118 : memref<10240x8xf32, #tpu.memory_space<vmem_shared>>) offsets(%dma_start3A_115 : memref<80xi32, #tpu.memory_space<vmem>>) semaphore(%arg8 : memref<!tpu.dma_semaphore, #tpu.memory_space<semaphore_mem>>) {add = true}
    }
    %scan3A_56 = arith.constant 121 : i32
    %dma_wait3A = arith.constant 0 : i32
    %dma_wait3A_57 = arith.constant 0 : i32
    %dma_wait3A_58 = arith.constant 0 : i32
    %dma_wait3A_59 = tpu.memref_slice %arg6[%dma_wait3A_57, %dma_wait3A_58] : memref<208x8xf32, #tpu.memory_space<vmem>> -> memref<80x8xf32, #tpu.memory_space<vmem>>
    %dma_wait3A_60 = arith.constant 0 : i32
    %dma_wait3A_61 = tpu.memref_slice %arg5[%dma_wait3A, %dma_wait3A_60] : memref<125x80xi32, #tpu.memory_space<vmem>> -> memref<1x80xi32, #tpu.memory_space<vmem>>
    %dma_wait3A_62 = tpu.memref_squeeze %dma_wait3A_61 : memref<1x80xi32, #tpu.memory_space<vmem>> -> memref<80xi32, #tpu.memory_space<vmem>>
    %dma_wait3A_63 = arith.constant 0 : i32
    %dma_wait3A_64 = arith.constant 0 : i32
    %dma_wait3A_65 = tpu.memref_slice %arg7[%dma_wait3A_63, %dma_wait3A_64] : memref<10240x8xf32, #tpu.memory_space<vmem_shared>> -> memref<10240x8xf32, #tpu.memory_space<vmem_shared>>
    tpu.wait_indirect_dma semaphore(%arg8 : memref<!tpu.dma_semaphore, #tpu.memory_space<semaphore_mem>>) src(%dma_wait3A_59 : memref<80x8xf32, #tpu.memory_space<vmem>>) dst(%dma_wait3A_65 : memref<10240x8xf32, #tpu.memory_space<vmem_shared>>)
    %dma_wait3A_66 = arith.constant 0 : i32
    %dma_wait3A_67 = arith.constant 0 : i32
    %dma_wait3A_68 = arith.constant 0 : i32
    %dma_wait3A_69 = tpu.memref_slice %arg6[%dma_wait3A_67, %dma_wait3A_68] : memref<208x8xf32, #tpu.memory_space<vmem>> -> memref<80x8xf32, #tpu.memory_space<vmem>>
    %dma_wait3A_70 = arith.constant 0 : i32
    %dma_wait3A_71 = tpu.memref_slice %arg5[%dma_wait3A_66, %dma_wait3A_70] : memref<125x80xi32, #tpu.memory_space<vmem>> -> memref<1x80xi32, #tpu.memory_space<vmem>>
    %dma_wait3A_72 = tpu.memref_squeeze %dma_wait3A_71 : memref<1x80xi32, #tpu.memory_space<vmem>> -> memref<80xi32, #tpu.memory_space<vmem>>
    %dma_wait3A_73 = arith.constant 0 : i32
    %dma_wait3A_74 = arith.constant 0 : i32
    %dma_wait3A_75 = tpu.memref_slice %arg7[%dma_wait3A_73, %dma_wait3A_74] : memref<10240x8xf32, #tpu.memory_space<vmem_shared>> -> memref<10240x8xf32, #tpu.memory_space<vmem_shared>>
    tpu.wait_indirect_dma semaphore(%arg8 : memref<!tpu.dma_semaphore, #tpu.memory_space<semaphore_mem>>) src(%dma_wait3A_69 : memref<80x8xf32, #tpu.memory_space<vmem>>) dst(%dma_wait3A_75 : memref<10240x8xf32, #tpu.memory_space<vmem_shared>>)
    %dma_wait3A_76 = arith.constant 0 : i32
    %dma_wait3A_77 = arith.constant 0 : i32
    %dma_wait3A_78 = arith.constant 0 : i32
    %dma_wait3A_79 = tpu.memref_slice %arg6[%dma_wait3A_77, %dma_wait3A_78] : memref<208x8xf32, #tpu.memory_space<vmem>> -> memref<80x8xf32, #tpu.memory_space<vmem>>
    %dma_wait3A_80 = arith.constant 0 : i32
    %dma_wait3A_81 = tpu.memref_slice %arg5[%dma_wait3A_76, %dma_wait3A_80] : memref<125x80xi32, #tpu.memory_space<vmem>> -> memref<1x80xi32, #tpu.memory_space<vmem>>
    %dma_wait3A_82 = tpu.memref_squeeze %dma_wait3A_81 : memref<1x80xi32, #tpu.memory_space<vmem>> -> memref<80xi32, #tpu.memory_space<vmem>>
    %dma_wait3A_83 = arith.constant 0 : i32
    %dma_wait3A_84 = arith.constant 0 : i32
    %dma_wait3A_85 = tpu.memref_slice %arg7[%dma_wait3A_83, %dma_wait3A_84] : memref<10240x8xf32, #tpu.memory_space<vmem_shared>> -> memref<10240x8xf32, #tpu.memory_space<vmem_shared>>
    tpu.wait_indirect_dma semaphore(%arg8 : memref<!tpu.dma_semaphore, #tpu.memory_space<semaphore_mem>>) src(%dma_wait3A_79 : memref<80x8xf32, #tpu.memory_space<vmem>>) dst(%dma_wait3A_85 : memref<10240x8xf32, #tpu.memory_space<vmem_shared>>)
    %dma_wait3A_86 = arith.constant 0 : i32
    %dma_wait3A_87 = arith.constant 0 : i32
    %dma_wait3A_88 = arith.constant 0 : i32
    %dma_wait3A_89 = tpu.memref_slice %arg6[%dma_wait3A_87, %dma_wait3A_88] : memref<208x8xf32, #tpu.memory_space<vmem>> -> memref<80x8xf32, #tpu.memory_space<vmem>>
    %dma_wait3A_90 = arith.constant 0 : i32
    %dma_wait3A_91 = tpu.memref_slice %arg5[%dma_wait3A_86, %dma_wait3A_90] : memref<125x80xi32, #tpu.memory_space<vmem>> -> memref<1x80xi32, #tpu.memory_space<vmem>>
    %dma_wait3A_92 = tpu.memref_squeeze %dma_wait3A_91 : memref<1x80xi32, #tpu.memory_space<vmem>> -> memref<80xi32, #tpu.memory_space<vmem>>
    %dma_wait3A_93 = arith.constant 0 : i32
    %dma_wait3A_94 = arith.constant 0 : i32
    %dma_wait3A_95 = tpu.memref_slice %arg7[%dma_wait3A_93, %dma_wait3A_94] : memref<10240x8xf32, #tpu.memory_space<vmem_shared>> -> memref<10240x8xf32, #tpu.memory_space<vmem_shared>>
    tpu.wait_indirect_dma semaphore(%arg8 : memref<!tpu.dma_semaphore, #tpu.memory_space<semaphore_mem>>) src(%dma_wait3A_89 : memref<80x8xf32, #tpu.memory_space<vmem>>) dst(%dma_wait3A_95 : memref<10240x8xf32, #tpu.memory_space<vmem_shared>>)
    %barrier3A_96 = arith.constant 0 : index
    tpu.barrier barrier_id(%barrier3A_96)
    "tpu.region"() ({
      %run_scoped3A = tpu.sem_alloc : memref<!tpu.dma_semaphore, #tpu.memory_space<semaphore_mem>>
      %dma_start3A_97 = arith.constant 0 : i32
      %dma_start3A_98 = tpu.memref_slice %arg4[%arg0, %mul3A_2, %dma_start3A_97] : memref<2x10240x8xf32, #tpu.memory_space<hbm>> -> memref<1x640x8xf32, #tpu.memory_space<hbm>>
      %dma_start3A_99 = tpu.memref_squeeze %dma_start3A_98 : memref<1x640x8xf32, #tpu.memory_space<hbm>> -> memref<640x8xf32, #tpu.memory_space<hbm>>
      %dma_start3A_100 = arith.constant 0 : i32
      %dma_start3A_101 = tpu.memref_slice %arg7[%mul3A_2, %dma_start3A_100] : memref<10240x8xf32, #tpu.memory_space<vmem_shared>> -> memref<640x8xf32, #tpu.memory_space<vmem_shared>>
      tpu.enqueue_dma source(%dma_start3A_101 : memref<640x8xf32, #tpu.memory_space<vmem_shared>>) target(%dma_start3A_99 : memref<640x8xf32, #tpu.memory_space<hbm>>) target_semaphore(%run_scoped3A : memref<!tpu.dma_semaphore, #tpu.memory_space<semaphore_mem>>)
      %dma_wait3A_102 = arith.constant 0 : i32
      %dma_wait3A_103 = tpu.memref_slice %arg4[%arg0, %mul3A_2, %dma_wait3A_102] : memref<2x10240x8xf32, #tpu.memory_space<hbm>> -> memref<1x640x8xf32, #tpu.memory_space<hbm>>
      %dma_wait3A_104 = tpu.memref_squeeze %dma_wait3A_103 : memref<1x640x8xf32, #tpu.memory_space<hbm>> -> memref<640x8xf32, #tpu.memory_space<hbm>>
      %dma_wait3A_105 = arith.constant 0 : i32
      %dma_wait3A_106 = tpu.memref_slice %arg7[%mul3A_2, %dma_wait3A_105] : memref<10240x8xf32, #tpu.memory_space<vmem_shared>> -> memref<640x8xf32, #tpu.memory_space<vmem_shared>>
      tpu.wait_dma2 semaphore(%run_scoped3A : memref<!tpu.dma_semaphore, #tpu.memory_space<semaphore_mem>>) src(%dma_wait3A_106 : memref<640x8xf32, #tpu.memory_space<vmem_shared>>) dst(%dma_wait3A_104 : memref<640x8xf32, #tpu.memory_space<hbm>>)
      tpu.yield
    }) : () -> ()
    return
  }
}

#map = affine_map<(d0, d1) -> (0, 0, 0)>
module attributes {stable_mosaic.version = 14 : i64} {
  func.func @spmm(%arg0: i32, %arg1: i32, %arg2: memref<2x10000x64xf32, #tpu.memory_space<hbm>>, %arg3: memref<16x250x80xi32, #tpu.memory_space<hbm>>, %arg4: memref<16x250x80xi32, #tpu.memory_space<hbm>>, %arg5: memref<2x10240x64xf32, #tpu.memory_space<hbm>>, %arg6: memref<250x80xi32, #tpu.memory_space<vmem>>, %arg7: memref<250x80xi32, #tpu.memory_space<vmem>>, %arg8: memref<80x64xf32, #tpu.memory_space<vmem>>, %arg9: memref<80x64xf32, #tpu.memory_space<vmem>>, %arg10: memref<80x64xf32, #tpu.memory_space<vmem>>, %arg11: memref<80x64xf32, #tpu.memory_space<vmem>>, %arg12: memref<80x64xf32, #tpu.memory_space<vmem>>, %arg13: memref<128x64xf32, #tpu.memory_space<vmem>>, %arg14: memref<10240x64xf32, #tpu.memory_space<vmem_shared>>, %arg15: memref<!tpu.dma_semaphore, #tpu.memory_space<semaphore_mem>>, %arg16: memref<!tpu.dma_semaphore, #tpu.memory_space<semaphore_mem>>, %arg17: memref<!tpu.dma_semaphore, #tpu.memory_space<semaphore_mem>>, %arg18: memref<!tpu.dma_semaphore, #tpu.memory_space<semaphore_mem>>, %arg19: memref<!tpu.dma_semaphore, #tpu.memory_space<semaphore_mem>>, %arg20: memref<!tpu.dma_semaphore, #tpu.memory_space<semaphore_mem>>, %arg21: memref<!tpu.dma_semaphore, #tpu.memory_space<semaphore_mem>>, %arg22: memref<!tpu.dma_semaphore, #tpu.memory_space<semaphore_mem>>, %arg23: memref<!tpu.dma_semaphore, #tpu.memory_space<semaphore_mem>>, %arg24: memref<!tpu.dma_semaphore, #tpu.memory_space<semaphore_mem>>) attributes {dimension_semantics = [#tpu.dimension_semantics<core_parallel>, #tpu.dimension_semantics<subcore_parallel>], iteration_bounds = array<i64: 2, 16>, scalar_prefetch = 0 : i64, scratch_operands = 19 : i64, tpu.core_type = #tpu.core_type<sc_vector_subcore>, window_params = [{transform_indices = #map}, {transform_indices = #map}, {transform_indices = #map}, {transform_indices = #map}]} {
    "tpu.region"() ({
      %run_scoped3A = tpu.sem_alloc : memref<!tpu.dma_semaphore, #tpu.memory_space<semaphore_mem>>
      %dma_start3A_201 = arith.constant 0 : i32
      %dma_start3A_202 = arith.constant 0 : i32
      %dma_start3A_203 = tpu.memref_slice %arg3[%arg1, %dma_start3A_201, %dma_start3A_202] : memref<16x250x80xi32, #tpu.memory_space<hbm>> -> memref<1x250x80xi32, #tpu.memory_space<hbm>>
      %dma_start3A_204 = tpu.memref_squeeze %dma_start3A_203 : memref<1x250x80xi32, #tpu.memory_space<hbm>> -> memref<250x80xi32, #tpu.memory_space<hbm>>
      %dma_start3A_205 = arith.constant 0 : i32
      %dma_start3A_206 = arith.constant 0 : i32
      %dma_start3A_207 = tpu.memref_slice %arg3[%arg1, %dma_start3A_205, %dma_start3A_206] : memref<16x250x80xi32, #tpu.memory_space<hbm>> -> memref<1x250x80xi32, #tpu.memory_space<hbm>>
      %dma_start3A_208 = tpu.memref_squeeze %dma_start3A_207 : memref<1x250x80xi32, #tpu.memory_space<hbm>> -> memref<250x80xi32, #tpu.memory_space<hbm>>
      tpu.enqueue_dma source(%dma_start3A_208 : memref<250x80xi32, #tpu.memory_space<hbm>>) target(%arg6 : memref<250x80xi32, #tpu.memory_space<vmem>>) target_semaphore(%run_scoped3A : memref<!tpu.dma_semaphore, #tpu.memory_space<semaphore_mem>>)
      %dma_wait3A_209 = arith.constant 0 : i32
      %dma_wait3A_210 = arith.constant 0 : i32
      %dma_wait3A_211 = tpu.memref_slice %arg3[%arg1, %dma_wait3A_209, %dma_wait3A_210] : memref<16x250x80xi32, #tpu.memory_space<hbm>> -> memref<1x250x80xi32, #tpu.memory_space<hbm>>
      %dma_wait3A_212 = tpu.memref_squeeze %dma_wait3A_211 : memref<1x250x80xi32, #tpu.memory_space<hbm>> -> memref<250x80xi32, #tpu.memory_space<hbm>>
      %dma_wait3A_213 = arith.constant 0 : i32
      %dma_wait3A_214 = arith.constant 0 : i32
      %dma_wait3A_215 = tpu.memref_slice %arg3[%arg1, %dma_wait3A_213, %dma_wait3A_214] : memref<16x250x80xi32, #tpu.memory_space<hbm>> -> memref<1x250x80xi32, #tpu.memory_space<hbm>>
      %dma_wait3A_216 = tpu.memref_squeeze %dma_wait3A_215 : memref<1x250x80xi32, #tpu.memory_space<hbm>> -> memref<250x80xi32, #tpu.memory_space<hbm>>
      tpu.wait_dma2 semaphore(%run_scoped3A : memref<!tpu.dma_semaphore, #tpu.memory_space<semaphore_mem>>) src(%dma_wait3A_216 : memref<250x80xi32, #tpu.memory_space<hbm>>) dst(%arg6 : memref<250x80xi32, #tpu.memory_space<vmem>>)
      tpu.yield
    }) : () -> ()
    "tpu.region"() ({
      %run_scoped3A = tpu.sem_alloc : memref<!tpu.dma_semaphore, #tpu.memory_space<semaphore_mem>>
      %dma_start3A_201 = arith.constant 0 : i32
      %dma_start3A_202 = arith.constant 0 : i32
      %dma_start3A_203 = tpu.memref_slice %arg4[%arg1, %dma_start3A_201, %dma_start3A_202] : memref<16x250x80xi32, #tpu.memory_space<hbm>> -> memref<1x250x80xi32, #tpu.memory_space<hbm>>
      %dma_start3A_204 = tpu.memref_squeeze %dma_start3A_203 : memref<1x250x80xi32, #tpu.memory_space<hbm>> -> memref<250x80xi32, #tpu.memory_space<hbm>>
      %dma_start3A_205 = arith.constant 0 : i32
      %dma_start3A_206 = arith.constant 0 : i32
      %dma_start3A_207 = tpu.memref_slice %arg4[%arg1, %dma_start3A_205, %dma_start3A_206] : memref<16x250x80xi32, #tpu.memory_space<hbm>> -> memref<1x250x80xi32, #tpu.memory_space<hbm>>
      %dma_start3A_208 = tpu.memref_squeeze %dma_start3A_207 : memref<1x250x80xi32, #tpu.memory_space<hbm>> -> memref<250x80xi32, #tpu.memory_space<hbm>>
      tpu.enqueue_dma source(%dma_start3A_208 : memref<250x80xi32, #tpu.memory_space<hbm>>) target(%arg7 : memref<250x80xi32, #tpu.memory_space<vmem>>) target_semaphore(%run_scoped3A : memref<!tpu.dma_semaphore, #tpu.memory_space<semaphore_mem>>)
      %dma_wait3A_209 = arith.constant 0 : i32
      %dma_wait3A_210 = arith.constant 0 : i32
      %dma_wait3A_211 = tpu.memref_slice %arg4[%arg1, %dma_wait3A_209, %dma_wait3A_210] : memref<16x250x80xi32, #tpu.memory_space<hbm>> -> memref<1x250x80xi32, #tpu.memory_space<hbm>>
      %dma_wait3A_212 = tpu.memref_squeeze %dma_wait3A_211 : memref<1x250x80xi32, #tpu.memory_space<hbm>> -> memref<250x80xi32, #tpu.memory_space<hbm>>
      %dma_wait3A_213 = arith.constant 0 : i32
      %dma_wait3A_214 = arith.constant 0 : i32
      %dma_wait3A_215 = tpu.memref_slice %arg4[%arg1, %dma_wait3A_213, %dma_wait3A_214] : memref<16x250x80xi32, #tpu.memory_space<hbm>> -> memref<1x250x80xi32, #tpu.memory_space<hbm>>
      %dma_wait3A_216 = tpu.memref_squeeze %dma_wait3A_215 : memref<1x250x80xi32, #tpu.memory_space<hbm>> -> memref<250x80xi32, #tpu.memory_space<hbm>>
      tpu.wait_dma2 semaphore(%run_scoped3A : memref<!tpu.dma_semaphore, #tpu.memory_space<semaphore_mem>>) src(%dma_wait3A_216 : memref<250x80xi32, #tpu.memory_space<hbm>>) dst(%arg7 : memref<250x80xi32, #tpu.memory_space<vmem>>)
      tpu.yield
    }) : () -> ()
    %broadcast_in_dim3A = arith.constant 0.000000e+00 : f32
    %broadcast_in_dim3A_0 = vector.broadcast %broadcast_in_dim3A : f32 to vector<16xf32>
    %scan3A = arith.constant 0 : i32
    %scan3A_1 = arith.constant 0 : i32
    %scan3A_2 = arith.constant 128 : i32
    %scan3A_3 = arith.addi %scan3A_1, %scan3A_2 : i32
    %scan3A_4 = arith.constant 1 : i32
    scf.for %scan3A_201 = %scan3A_1 to %scan3A_3 step %scan3A_4  : i32 {
      %swap3A = arith.index_cast %scan3A_201 : i32 to index
      %swap3A_202 = arith.constant 0 : index
      %swap3A_203 = tpu.vector_load %arg13[%swap3A, %swap3A_202] {strides = array<i32>} : memref<128x64xf32, #tpu.memory_space<vmem>>, vector<1x16xf32>,
      %swap3A_204 = vector.shape_cast %swap3A_203 : vector<1x16xf32> to vector<16xf32>
      %swap3A_205 = vector.shape_cast %broadcast_in_dim3A_0 : vector<16xf32> to vector<1x16xf32>
      tpu.vector_store %arg13[%swap3A, %swap3A_202], %swap3A_205 {strides = array<i32>} : memref<128x64xf32, #tpu.memory_space<vmem>>, vector<1x16xf32>,
      %swap3A_206 = arith.index_cast %scan3A_201 : i32 to index
      %swap3A_207 = arith.constant 16 : index
      %swap3A_208 = tpu.vector_load %arg13[%swap3A_206, %swap3A_207] {strides = array<i32>} : memref<128x64xf32, #tpu.memory_space<vmem>>, vector<1x16xf32>,
      %swap3A_209 = vector.shape_cast %swap3A_208 : vector<1x16xf32> to vector<16xf32>
      %swap3A_210 = vector.shape_cast %broadcast_in_dim3A_0 : vector<16xf32> to vector<1x16xf32>
      tpu.vector_store %arg13[%swap3A_206, %swap3A_207], %swap3A_210 {strides = array<i32>} : memref<128x64xf32, #tpu.memory_space<vmem>>, vector<1x16xf32>,
      %swap3A_211 = arith.index_cast %scan3A_201 : i32 to index
      %swap3A_212 = arith.constant 32 : index
      %swap3A_213 = tpu.vector_load %arg13[%swap3A_211, %swap3A_212] {strides = array<i32>} : memref<128x64xf32, #tpu.memory_space<vmem>>, vector<1x16xf32>,
      %swap3A_214 = vector.shape_cast %swap3A_213 : vector<1x16xf32> to vector<16xf32>
      %swap3A_215 = vector.shape_cast %broadcast_in_dim3A_0 : vector<16xf32> to vector<1x16xf32>
      tpu.vector_store %arg13[%swap3A_211, %swap3A_212], %swap3A_215 {strides = array<i32>} : memref<128x64xf32, #tpu.memory_space<vmem>>, vector<1x16xf32>,
      %swap3A_216 = arith.index_cast %scan3A_201 : i32 to index
      %swap3A_217 = arith.constant 48 : index
      %swap3A_218 = tpu.vector_load %arg13[%swap3A_216, %swap3A_217] {strides = array<i32>} : memref<128x64xf32, #tpu.memory_space<vmem>>, vector<1x16xf32>,
      %swap3A_219 = vector.shape_cast %swap3A_218 : vector<1x16xf32> to vector<16xf32>
      %swap3A_220 = vector.shape_cast %broadcast_in_dim3A_0 : vector<16xf32> to vector<1x16xf32>
      tpu.vector_store %arg13[%swap3A_216, %swap3A_217], %swap3A_220 {strides = array<i32>} : memref<128x64xf32, #tpu.memory_space<vmem>>, vector<1x16xf32>,
    }
    %scan3A_5 = arith.constant 128 : i32
    %mul3A = arith.constant 640 : i32
    %mul3A_6 = arith.muli %arg1, %mul3A : i32
    %add3A = arith.constant 0 : i32
    %add3A_7 = arith.addi %mul3A_6, %add3A : i32
    "tpu.region"() ({
      %run_scoped3A = tpu.sem_alloc : memref<!tpu.dma_semaphore, #tpu.memory_space<semaphore_mem>>
      %dma_start3A_201 = arith.constant 0 : i32
      %dma_start3A_202 = tpu.memref_slice %arg14[%add3A_7, %dma_start3A_201] : memref<10240x64xf32, #tpu.memory_space<vmem_shared>> -> memref<128x64xf32, #tpu.memory_space<vmem_shared>>
      %dma_start3A_203 = arith.constant 0 : i32
      %dma_start3A_204 = tpu.memref_slice %arg14[%add3A_7, %dma_start3A_203] : memref<10240x64xf32, #tpu.memory_space<vmem_shared>> -> memref<128x64xf32, #tpu.memory_space<vmem_shared>>
      tpu.enqueue_dma source(%arg13 : memref<128x64xf32, #tpu.memory_space<vmem>>) target(%dma_start3A_204 : memref<128x64xf32, #tpu.memory_space<vmem_shared>>) target_semaphore(%run_scoped3A : memref<!tpu.dma_semaphore, #tpu.memory_space<semaphore_mem>>)
      %dma_wait3A_205 = arith.constant 0 : i32
      %dma_wait3A_206 = tpu.memref_slice %arg14[%add3A_7, %dma_wait3A_205] : memref<10240x64xf32, #tpu.memory_space<vmem_shared>> -> memref<128x64xf32, #tpu.memory_space<vmem_shared>>
      %dma_wait3A_207 = arith.constant 0 : i32
      %dma_wait3A_208 = tpu.memref_slice %arg14[%add3A_7, %dma_wait3A_207] : memref<10240x64xf32, #tpu.memory_space<vmem_shared>> -> memref<128x64xf32, #tpu.memory_space<vmem_shared>>
      tpu.wait_dma2 semaphore(%run_scoped3A : memref<!tpu.dma_semaphore, #tpu.memory_space<semaphore_mem>>) src(%arg13 : memref<128x64xf32, #tpu.memory_space<vmem>>) dst(%dma_wait3A_208 : memref<128x64xf32, #tpu.memory_space<vmem_shared>>)
      tpu.yield
    }) : () -> ()
    %add3A_8 = arith.constant 128 : i32
    %add3A_9 = arith.addi %mul3A_6, %add3A_8 : i32
    "tpu.region"() ({
      %run_scoped3A = tpu.sem_alloc : memref<!tpu.dma_semaphore, #tpu.memory_space<semaphore_mem>>
      %dma_start3A_201 = arith.constant 0 : i32
      %dma_start3A_202 = tpu.memref_slice %arg14[%add3A_9, %dma_start3A_201] : memref<10240x64xf32, #tpu.memory_space<vmem_shared>> -> memref<128x64xf32, #tpu.memory_space<vmem_shared>>
      %dma_start3A_203 = arith.constant 0 : i32
      %dma_start3A_204 = tpu.memref_slice %arg14[%add3A_9, %dma_start3A_203] : memref<10240x64xf32, #tpu.memory_space<vmem_shared>> -> memref<128x64xf32, #tpu.memory_space<vmem_shared>>
      tpu.enqueue_dma source(%arg13 : memref<128x64xf32, #tpu.memory_space<vmem>>) target(%dma_start3A_204 : memref<128x64xf32, #tpu.memory_space<vmem_shared>>) target_semaphore(%run_scoped3A : memref<!tpu.dma_semaphore, #tpu.memory_space<semaphore_mem>>)
      %dma_wait3A_205 = arith.constant 0 : i32
      %dma_wait3A_206 = tpu.memref_slice %arg14[%add3A_9, %dma_wait3A_205] : memref<10240x64xf32, #tpu.memory_space<vmem_shared>> -> memref<128x64xf32, #tpu.memory_space<vmem_shared>>
      %dma_wait3A_207 = arith.constant 0 : i32
      %dma_wait3A_208 = tpu.memref_slice %arg14[%add3A_9, %dma_wait3A_207] : memref<10240x64xf32, #tpu.memory_space<vmem_shared>> -> memref<128x64xf32, #tpu.memory_space<vmem_shared>>
      tpu.wait_dma2 semaphore(%run_scoped3A : memref<!tpu.dma_semaphore, #tpu.memory_space<semaphore_mem>>) src(%arg13 : memref<128x64xf32, #tpu.memory_space<vmem>>) dst(%dma_wait3A_208 : memref<128x64xf32, #tpu.memory_space<vmem_shared>>)
      tpu.yield
    }) : () -> ()
    %add3A_10 = arith.constant 256 : i32
    %add3A_11 = arith.addi %mul3A_6, %add3A_10 : i32
    "tpu.region"() ({
      %run_scoped3A = tpu.sem_alloc : memref<!tpu.dma_semaphore, #tpu.memory_space<semaphore_mem>>
      %dma_start3A_201 = arith.constant 0 : i32
      %dma_start3A_202 = tpu.memref_slice %arg14[%add3A_11, %dma_start3A_201] : memref<10240x64xf32, #tpu.memory_space<vmem_shared>> -> memref<128x64xf32, #tpu.memory_space<vmem_shared>>
      %dma_start3A_203 = arith.constant 0 : i32
      %dma_start3A_204 = tpu.memref_slice %arg14[%add3A_11, %dma_start3A_203] : memref<10240x64xf32, #tpu.memory_space<vmem_shared>> -> memref<128x64xf32, #tpu.memory_space<vmem_shared>>
      tpu.enqueue_dma source(%arg13 : memref<128x64xf32, #tpu.memory_space<vmem>>) target(%dma_start3A_204 : memref<128x64xf32, #tpu.memory_space<vmem_shared>>) target_semaphore(%run_scoped3A : memref<!tpu.dma_semaphore, #tpu.memory_space<semaphore_mem>>)
      %dma_wait3A_205 = arith.constant 0 : i32
      %dma_wait3A_206 = tpu.memref_slice %arg14[%add3A_11, %dma_wait3A_205] : memref<10240x64xf32, #tpu.memory_space<vmem_shared>> -> memref<128x64xf32, #tpu.memory_space<vmem_shared>>
      %dma_wait3A_207 = arith.constant 0 : i32
      %dma_wait3A_208 = tpu.memref_slice %arg14[%add3A_11, %dma_wait3A_207] : memref<10240x64xf32, #tpu.memory_space<vmem_shared>> -> memref<128x64xf32, #tpu.memory_space<vmem_shared>>
      tpu.wait_dma2 semaphore(%run_scoped3A : memref<!tpu.dma_semaphore, #tpu.memory_space<semaphore_mem>>) src(%arg13 : memref<128x64xf32, #tpu.memory_space<vmem>>) dst(%dma_wait3A_208 : memref<128x64xf32, #tpu.memory_space<vmem_shared>>)
      tpu.yield
    }) : () -> ()
    %add3A_12 = arith.constant 384 : i32
    %add3A_13 = arith.addi %mul3A_6, %add3A_12 : i32
    "tpu.region"() ({
      %run_scoped3A = tpu.sem_alloc : memref<!tpu.dma_semaphore, #tpu.memory_space<semaphore_mem>>
      %dma_start3A_201 = arith.constant 0 : i32
      %dma_start3A_202 = tpu.memref_slice %arg14[%add3A_13, %dma_start3A_201] : memref<10240x64xf32, #tpu.memory_space<vmem_shared>> -> memref<128x64xf32, #tpu.memory_space<vmem_shared>>
      %dma_start3A_203 = arith.constant 0 : i32
      %dma_start3A_204 = tpu.memref_slice %arg14[%add3A_13, %dma_start3A_203] : memref<10240x64xf32, #tpu.memory_space<vmem_shared>> -> memref<128x64xf32, #tpu.memory_space<vmem_shared>>
      tpu.enqueue_dma source(%arg13 : memref<128x64xf32, #tpu.memory_space<vmem>>) target(%dma_start3A_204 : memref<128x64xf32, #tpu.memory_space<vmem_shared>>) target_semaphore(%run_scoped3A : memref<!tpu.dma_semaphore, #tpu.memory_space<semaphore_mem>>)
      %dma_wait3A_205 = arith.constant 0 : i32
      %dma_wait3A_206 = tpu.memref_slice %arg14[%add3A_13, %dma_wait3A_205] : memref<10240x64xf32, #tpu.memory_space<vmem_shared>> -> memref<128x64xf32, #tpu.memory_space<vmem_shared>>
      %dma_wait3A_207 = arith.constant 0 : i32
      %dma_wait3A_208 = tpu.memref_slice %arg14[%add3A_13, %dma_wait3A_207] : memref<10240x64xf32, #tpu.memory_space<vmem_shared>> -> memref<128x64xf32, #tpu.memory_space<vmem_shared>>
      tpu.wait_dma2 semaphore(%run_scoped3A : memref<!tpu.dma_semaphore, #tpu.memory_space<semaphore_mem>>) src(%arg13 : memref<128x64xf32, #tpu.memory_space<vmem>>) dst(%dma_wait3A_208 : memref<128x64xf32, #tpu.memory_space<vmem_shared>>)
      tpu.yield
    }) : () -> ()
    %add3A_14 = arith.constant 512 : i32
    %add3A_15 = arith.addi %mul3A_6, %add3A_14 : i32
    "tpu.region"() ({
      %run_scoped3A = tpu.sem_alloc : memref<!tpu.dma_semaphore, #tpu.memory_space<semaphore_mem>>
      %dma_start3A_201 = arith.constant 0 : i32
      %dma_start3A_202 = tpu.memref_slice %arg14[%add3A_15, %dma_start3A_201] : memref<10240x64xf32, #tpu.memory_space<vmem_shared>> -> memref<128x64xf32, #tpu.memory_space<vmem_shared>>
      %dma_start3A_203 = arith.constant 0 : i32
      %dma_start3A_204 = tpu.memref_slice %arg14[%add3A_15, %dma_start3A_203] : memref<10240x64xf32, #tpu.memory_space<vmem_shared>> -> memref<128x64xf32, #tpu.memory_space<vmem_shared>>
      tpu.enqueue_dma source(%arg13 : memref<128x64xf32, #tpu.memory_space<vmem>>) target(%dma_start3A_204 : memref<128x64xf32, #tpu.memory_space<vmem_shared>>) target_semaphore(%run_scoped3A : memref<!tpu.dma_semaphore, #tpu.memory_space<semaphore_mem>>)
      %dma_wait3A_205 = arith.constant 0 : i32
      %dma_wait3A_206 = tpu.memref_slice %arg14[%add3A_15, %dma_wait3A_205] : memref<10240x64xf32, #tpu.memory_space<vmem_shared>> -> memref<128x64xf32, #tpu.memory_space<vmem_shared>>
      %dma_wait3A_207 = arith.constant 0 : i32
      %dma_wait3A_208 = tpu.memref_slice %arg14[%add3A_15, %dma_wait3A_207] : memref<10240x64xf32, #tpu.memory_space<vmem_shared>> -> memref<128x64xf32, #tpu.memory_space<vmem_shared>>
      tpu.wait_dma2 semaphore(%run_scoped3A : memref<!tpu.dma_semaphore, #tpu.memory_space<semaphore_mem>>) src(%arg13 : memref<128x64xf32, #tpu.memory_space<vmem>>) dst(%dma_wait3A_208 : memref<128x64xf32, #tpu.memory_space<vmem_shared>>)
      tpu.yield
    }) : () -> ()
    %barrier3A = arith.constant 0 : index
    tpu.barrier barrier_id(%barrier3A)
    %dma_start3A = arith.constant 0 : i32
    %dma_start3A_16 = arith.constant 0 : i32
    %dma_start3A_17 = tpu.memref_slice %arg6[%dma_start3A, %dma_start3A_16] : memref<250x80xi32, #tpu.memory_space<vmem>> -> memref<1x80xi32, #tpu.memory_space<vmem>>
    %dma_start3A_18 = tpu.memref_squeeze %dma_start3A_17 : memref<1x80xi32, #tpu.memory_space<vmem>> -> memref<80xi32, #tpu.memory_space<vmem>>
    %dma_start3A_19 = arith.constant 0 : i32
    %dma_start3A_20 = arith.constant 0 : i32
    %dma_start3A_21 = tpu.memref_slice %arg2[%arg0, %dma_start3A_19, %dma_start3A_20] : memref<2x10000x64xf32, #tpu.memory_space<hbm>> -> memref<1x10000x64xf32, #tpu.memory_space<hbm>>
    %dma_start3A_22 = tpu.memref_squeeze %dma_start3A_21 : memref<1x10000x64xf32, #tpu.memory_space<hbm>> -> memref<10000x64xf32, #tpu.memory_space<hbm>>
    %dma_start3A_23 = arith.constant 0 : i32
    %dma_start3A_24 = arith.constant 0 : i32
    %dma_start3A_25 = tpu.memref_slice %dma_start3A_22[%dma_start3A_23, %dma_start3A_24] : memref<10000x64xf32, #tpu.memory_space<hbm>> -> memref<10000x64xf32, #tpu.memory_space<hbm>>
    tpu.enqueue_indirect_dma source(%dma_start3A_25 : memref<10000x64xf32, #tpu.memory_space<hbm>>) target(%arg8 : memref<80x64xf32, #tpu.memory_space<vmem>>) offsets(%dma_start3A_18 : memref<80xi32, #tpu.memory_space<vmem>>) semaphore(%arg15 : memref<!tpu.dma_semaphore, #tpu.memory_space<semaphore_mem>>)
    %dma_start3A_26 = arith.constant 1 : i32
    %dma_start3A_27 = arith.constant 0 : i32
    %dma_start3A_28 = tpu.memref_slice %arg6[%dma_start3A_26, %dma_start3A_27] : memref<250x80xi32, #tpu.memory_space<vmem>> -> memref<1x80xi32, #tpu.memory_space<vmem>>
    %dma_start3A_29 = tpu.memref_squeeze %dma_start3A_28 : memref<1x80xi32, #tpu.memory_space<vmem>> -> memref<80xi32, #tpu.memory_space<vmem>>
    %dma_start3A_30 = arith.constant 0 : i32
    %dma_start3A_31 = arith.constant 0 : i32
    %dma_start3A_32 = tpu.memref_slice %arg2[%arg0, %dma_start3A_30, %dma_start3A_31] : memref<2x10000x64xf32, #tpu.memory_space<hbm>> -> memref<1x10000x64xf32, #tpu.memory_space<hbm>>
    %dma_start3A_33 = tpu.memref_squeeze %dma_start3A_32 : memref<1x10000x64xf32, #tpu.memory_space<hbm>> -> memref<10000x64xf32, #tpu.memory_space<hbm>>
    %dma_start3A_34 = arith.constant 0 : i32
    %dma_start3A_35 = arith.constant 0 : i32
    %dma_start3A_36 = tpu.memref_slice %dma_start3A_33[%dma_start3A_34, %dma_start3A_35] : memref<10000x64xf32, #tpu.memory_space<hbm>> -> memref<10000x64xf32, #tpu.memory_space<hbm>>
    tpu.enqueue_indirect_dma source(%dma_start3A_36 : memref<10000x64xf32, #tpu.memory_space<hbm>>) target(%arg9 : memref<80x64xf32, #tpu.memory_space<vmem>>) offsets(%dma_start3A_29 : memref<80xi32, #tpu.memory_space<vmem>>) semaphore(%arg16 : memref<!tpu.dma_semaphore, #tpu.memory_space<semaphore_mem>>)
    %dma_start3A_37 = arith.constant 2 : i32
    %dma_start3A_38 = arith.constant 0 : i32
    %dma_start3A_39 = tpu.memref_slice %arg6[%dma_start3A_37, %dma_start3A_38] : memref<250x80xi32, #tpu.memory_space<vmem>> -> memref<1x80xi32, #tpu.memory_space<vmem>>
    %dma_start3A_40 = tpu.memref_squeeze %dma_start3A_39 : memref<1x80xi32, #tpu.memory_space<vmem>> -> memref<80xi32, #tpu.memory_space<vmem>>
    %dma_start3A_41 = arith.constant 0 : i32
    %dma_start3A_42 = arith.constant 0 : i32
    %dma_start3A_43 = tpu.memref_slice %arg2[%arg0, %dma_start3A_41, %dma_start3A_42] : memref<2x10000x64xf32, #tpu.memory_space<hbm>> -> memref<1x10000x64xf32, #tpu.memory_space<hbm>>
    %dma_start3A_44 = tpu.memref_squeeze %dma_start3A_43 : memref<1x10000x64xf32, #tpu.memory_space<hbm>> -> memref<10000x64xf32, #tpu.memory_space<hbm>>
    %dma_start3A_45 = arith.constant 0 : i32
    %dma_start3A_46 = arith.constant 0 : i32
    %dma_start3A_47 = tpu.memref_slice %dma_start3A_44[%dma_start3A_45, %dma_start3A_46] : memref<10000x64xf32, #tpu.memory_space<hbm>> -> memref<10000x64xf32, #tpu.memory_space<hbm>>
    tpu.enqueue_indirect_dma source(%dma_start3A_47 : memref<10000x64xf32, #tpu.memory_space<hbm>>) target(%arg10 : memref<80x64xf32, #tpu.memory_space<vmem>>) offsets(%dma_start3A_40 : memref<80xi32, #tpu.memory_space<vmem>>) semaphore(%arg17 : memref<!tpu.dma_semaphore, #tpu.memory_space<semaphore_mem>>)
    %dma_wait3A = arith.constant 0 : i32
    %dma_wait3A_48 = arith.constant 0 : i32
    %dma_wait3A_49 = tpu.memref_slice %arg6[%dma_wait3A, %dma_wait3A_48] : memref<250x80xi32, #tpu.memory_space<vmem>> -> memref<1x80xi32, #tpu.memory_space<vmem>>
    %dma_wait3A_50 = tpu.memref_squeeze %dma_wait3A_49 : memref<1x80xi32, #tpu.memory_space<vmem>> -> memref<80xi32, #tpu.memory_space<vmem>>
    %dma_wait3A_51 = arith.constant 0 : i32
    %dma_wait3A_52 = arith.constant 0 : i32
    %dma_wait3A_53 = tpu.memref_slice %arg2[%arg0, %dma_wait3A_51, %dma_wait3A_52] : memref<2x10000x64xf32, #tpu.memory_space<hbm>> -> memref<1x10000x64xf32, #tpu.memory_space<hbm>>
    %dma_wait3A_54 = tpu.memref_squeeze %dma_wait3A_53 : memref<1x10000x64xf32, #tpu.memory_space<hbm>> -> memref<10000x64xf32, #tpu.memory_space<hbm>>
    %dma_wait3A_55 = arith.constant 0 : i32
    %dma_wait3A_56 = arith.constant 0 : i32
    %dma_wait3A_57 = tpu.memref_slice %dma_wait3A_54[%dma_wait3A_55, %dma_wait3A_56] : memref<10000x64xf32, #tpu.memory_space<hbm>> -> memref<10000x64xf32, #tpu.memory_space<hbm>>
    tpu.wait_indirect_dma semaphore(%arg15 : memref<!tpu.dma_semaphore, #tpu.memory_space<semaphore_mem>>) src(%dma_wait3A_57 : memref<10000x64xf32, #tpu.memory_space<hbm>>) dst(%arg8 : memref<80x64xf32, #tpu.memory_space<vmem>>)
    %dma_start3A_58 = arith.constant 0 : i32
    %dma_start3A_59 = arith.constant 0 : i32
    %dma_start3A_60 = tpu.memref_slice %arg7[%dma_start3A_58, %dma_start3A_59] : memref<250x80xi32, #tpu.memory_space<vmem>> -> memref<1x80xi32, #tpu.memory_space<vmem>>
    %dma_start3A_61 = tpu.memref_squeeze %dma_start3A_60 : memref<1x80xi32, #tpu.memory_space<vmem>> -> memref<80xi32, #tpu.memory_space<vmem>>
    %dma_start3A_62 = arith.constant 0 : i32
    %dma_start3A_63 = arith.constant 0 : i32
    %dma_start3A_64 = tpu.memref_slice %arg14[%dma_start3A_62, %dma_start3A_63] : memref<10240x64xf32, #tpu.memory_space<vmem_shared>> -> memref<10240x64xf32, #tpu.memory_space<vmem_shared>>
    tpu.enqueue_indirect_dma source(%arg8 : memref<80x64xf32, #tpu.memory_space<vmem>>) target(%dma_start3A_64 : memref<10240x64xf32, #tpu.memory_space<vmem_shared>>) offsets(%dma_start3A_61 : memref<80xi32, #tpu.memory_space<vmem>>) semaphore(%arg20 : memref<!tpu.dma_semaphore, #tpu.memory_space<semaphore_mem>>) {add = true}
    %dma_start3A_65 = arith.constant 3 : i32
    %dma_start3A_66 = arith.constant 0 : i32
    %dma_start3A_67 = tpu.memref_slice %arg6[%dma_start3A_65, %dma_start3A_66] : memref<250x80xi32, #tpu.memory_space<vmem>> -> memref<1x80xi32, #tpu.memory_space<vmem>>
    %dma_start3A_68 = tpu.memref_squeeze %dma_start3A_67 : memref<1x80xi32, #tpu.memory_space<vmem>> -> memref<80xi32, #tpu.memory_space<vmem>>
    %dma_start3A_69 = arith.constant 0 : i32
    %dma_start3A_70 = arith.constant 0 : i32
    %dma_start3A_71 = tpu.memref_slice %arg2[%arg0, %dma_start3A_69, %dma_start3A_70] : memref<2x10000x64xf32, #tpu.memory_space<hbm>> -> memref<1x10000x64xf32, #tpu.memory_space<hbm>>
    %dma_start3A_72 = tpu.memref_squeeze %dma_start3A_71 : memref<1x10000x64xf32, #tpu.memory_space<hbm>> -> memref<10000x64xf32, #tpu.memory_space<hbm>>
    %dma_start3A_73 = arith.constant 0 : i32
    %dma_start3A_74 = arith.constant 0 : i32
    %dma_start3A_75 = tpu.memref_slice %dma_start3A_72[%dma_start3A_73, %dma_start3A_74] : memref<10000x64xf32, #tpu.memory_space<hbm>> -> memref<10000x64xf32, #tpu.memory_space<hbm>>
    tpu.enqueue_indirect_dma source(%dma_start3A_75 : memref<10000x64xf32, #tpu.memory_space<hbm>>) target(%arg11 : memref<80x64xf32, #tpu.memory_space<vmem>>) offsets(%dma_start3A_68 : memref<80xi32, #tpu.memory_space<vmem>>) semaphore(%arg18 : memref<!tpu.dma_semaphore, #tpu.memory_space<semaphore_mem>>)
    %dma_wait3A_76 = arith.constant 1 : i32
    %dma_wait3A_77 = arith.constant 0 : i32
    %dma_wait3A_78 = tpu.memref_slice %arg6[%dma_wait3A_76, %dma_wait3A_77] : memref<250x80xi32, #tpu.memory_space<vmem>> -> memref<1x80xi32, #tpu.memory_space<vmem>>
    %dma_wait3A_79 = tpu.memref_squeeze %dma_wait3A_78 : memref<1x80xi32, #tpu.memory_space<vmem>> -> memref<80xi32, #tpu.memory_space<vmem>>
    %dma_wait3A_80 = arith.constant 0 : i32
    %dma_wait3A_81 = arith.constant 0 : i32
    %dma_wait3A_82 = tpu.memref_slice %arg2[%arg0, %dma_wait3A_80, %dma_wait3A_81] : memref<2x10000x64xf32, #tpu.memory_space<hbm>> -> memref<1x10000x64xf32, #tpu.memory_space<hbm>>
    %dma_wait3A_83 = tpu.memref_squeeze %dma_wait3A_82 : memref<1x10000x64xf32, #tpu.memory_space<hbm>> -> memref<10000x64xf32, #tpu.memory_space<hbm>>
    %dma_wait3A_84 = arith.constant 0 : i32
    %dma_wait3A_85 = arith.constant 0 : i32
    %dma_wait3A_86 = tpu.memref_slice %dma_wait3A_83[%dma_wait3A_84, %dma_wait3A_85] : memref<10000x64xf32, #tpu.memory_space<hbm>> -> memref<10000x64xf32, #tpu.memory_space<hbm>>
    tpu.wait_indirect_dma semaphore(%arg16 : memref<!tpu.dma_semaphore, #tpu.memory_space<semaphore_mem>>) src(%dma_wait3A_86 : memref<10000x64xf32, #tpu.memory_space<hbm>>) dst(%arg9 : memref<80x64xf32, #tpu.memory_space<vmem>>)
    %dma_start3A_87 = arith.constant 1 : i32
    %dma_start3A_88 = arith.constant 0 : i32
    %dma_start3A_89 = tpu.memref_slice %arg7[%dma_start3A_87, %dma_start3A_88] : memref<250x80xi32, #tpu.memory_space<vmem>> -> memref<1x80xi32, #tpu.memory_space<vmem>>
    %dma_start3A_90 = tpu.memref_squeeze %dma_start3A_89 : memref<1x80xi32, #tpu.memory_space<vmem>> -> memref<80xi32, #tpu.memory_space<vmem>>
    %dma_start3A_91 = arith.constant 0 : i32
    %dma_start3A_92 = arith.constant 0 : i32
    %dma_start3A_93 = tpu.memref_slice %arg14[%dma_start3A_91, %dma_start3A_92] : memref<10240x64xf32, #tpu.memory_space<vmem_shared>> -> memref<10240x64xf32, #tpu.memory_space<vmem_shared>>
    tpu.enqueue_indirect_dma source(%arg9 : memref<80x64xf32, #tpu.memory_space<vmem>>) target(%dma_start3A_93 : memref<10240x64xf32, #tpu.memory_space<vmem_shared>>) offsets(%dma_start3A_90 : memref<80xi32, #tpu.memory_space<vmem>>) semaphore(%arg21 : memref<!tpu.dma_semaphore, #tpu.memory_space<semaphore_mem>>) {add = true}
    %dma_start3A_94 = arith.constant 4 : i32
    %dma_start3A_95 = arith.constant 0 : i32
    %dma_start3A_96 = tpu.memref_slice %arg6[%dma_start3A_94, %dma_start3A_95] : memref<250x80xi32, #tpu.memory_space<vmem>> -> memref<1x80xi32, #tpu.memory_space<vmem>>
    %dma_start3A_97 = tpu.memref_squeeze %dma_start3A_96 : memref<1x80xi32, #tpu.memory_space<vmem>> -> memref<80xi32, #tpu.memory_space<vmem>>
    %dma_start3A_98 = arith.constant 0 : i32
    %dma_start3A_99 = arith.constant 0 : i32
    %dma_start3A_100 = tpu.memref_slice %arg2[%arg0, %dma_start3A_98, %dma_start3A_99] : memref<2x10000x64xf32, #tpu.memory_space<hbm>> -> memref<1x10000x64xf32, #tpu.memory_space<hbm>>
    %dma_start3A_101 = tpu.memref_squeeze %dma_start3A_100 : memref<1x10000x64xf32, #tpu.memory_space<hbm>> -> memref<10000x64xf32, #tpu.memory_space<hbm>>
    %dma_start3A_102 = arith.constant 0 : i32
    %dma_start3A_103 = arith.constant 0 : i32
    %dma_start3A_104 = tpu.memref_slice %dma_start3A_101[%dma_start3A_102, %dma_start3A_103] : memref<10000x64xf32, #tpu.memory_space<hbm>> -> memref<10000x64xf32, #tpu.memory_space<hbm>>
    tpu.enqueue_indirect_dma source(%dma_start3A_104 : memref<10000x64xf32, #tpu.memory_space<hbm>>) target(%arg12 : memref<80x64xf32, #tpu.memory_space<vmem>>) offsets(%dma_start3A_97 : memref<80xi32, #tpu.memory_space<vmem>>) semaphore(%arg19 : memref<!tpu.dma_semaphore, #tpu.memory_space<semaphore_mem>>)
    %scan3A_105 = arith.constant 0 : i32
    %scan3A_106 = arith.constant 0 : i32
    %scan3A_107 = arith.constant 49 : i32
    %scan3A_108 = arith.addi %scan3A_106, %scan3A_107 : i32
    %scan3A_109 = arith.constant 1 : i32
    scf.for %scan3A_201 = %scan3A_106 to %scan3A_108 step %scan3A_109  : i32 {
      %mul3A_202 = arith.constant 5 : i32
      %mul3A_203 = arith.muli %mul3A_202, %scan3A_201 : i32
      %add3A_204 = arith.constant 2 : i32
      %add3A_205 = arith.addi %mul3A_203, %add3A_204 : i32
      %add3A_206 = arith.constant 0 : i32
      %add3A_207 = arith.addi %add3A_205, %add3A_206 : i32
      %dma_wait3A_208 = arith.constant 0 : i32
      %dma_wait3A_209 = tpu.memref_slice %arg6[%add3A_207, %dma_wait3A_208] : memref<250x80xi32, #tpu.memory_space<vmem>> -> memref<1x80xi32, #tpu.memory_space<vmem>>
      %dma_wait3A_210 = tpu.memref_squeeze %dma_wait3A_209 : memref<1x80xi32, #tpu.memory_space<vmem>> -> memref<80xi32, #tpu.memory_space<vmem>>
      %dma_wait3A_211 = arith.constant 0 : i32
      %dma_wait3A_212 = arith.constant 0 : i32
      %dma_wait3A_213 = tpu.memref_slice %arg2[%arg0, %dma_wait3A_211, %dma_wait3A_212] : memref<2x10000x64xf32, #tpu.memory_space<hbm>> -> memref<1x10000x64xf32, #tpu.memory_space<hbm>>
      %dma_wait3A_214 = tpu.memref_squeeze %dma_wait3A_213 : memref<1x10000x64xf32, #tpu.memory_space<hbm>> -> memref<10000x64xf32, #tpu.memory_space<hbm>>
      %dma_wait3A_215 = arith.constant 0 : i32
      %dma_wait3A_216 = arith.constant 0 : i32
      %dma_wait3A_217 = tpu.memref_slice %dma_wait3A_214[%dma_wait3A_215, %dma_wait3A_216] : memref<10000x64xf32, #tpu.memory_space<hbm>> -> memref<10000x64xf32, #tpu.memory_space<hbm>>
      tpu.wait_indirect_dma semaphore(%arg17 : memref<!tpu.dma_semaphore, #tpu.memory_space<semaphore_mem>>) src(%dma_wait3A_217 : memref<10000x64xf32, #tpu.memory_space<hbm>>) dst(%arg10 : memref<80x64xf32, #tpu.memory_space<vmem>>)
      %dma_start3A_218 = arith.constant 0 : i32
      %dma_start3A_219 = tpu.memref_slice %arg7[%add3A_207, %dma_start3A_218] : memref<250x80xi32, #tpu.memory_space<vmem>> -> memref<1x80xi32, #tpu.memory_space<vmem>>
      %dma_start3A_220 = tpu.memref_squeeze %dma_start3A_219 : memref<1x80xi32, #tpu.memory_space<vmem>> -> memref<80xi32, #tpu.memory_space<vmem>>
      %dma_start3A_221 = arith.constant 0 : i32
      %dma_start3A_222 = arith.constant 0 : i32
      %dma_start3A_223 = tpu.memref_slice %arg14[%dma_start3A_221, %dma_start3A_222] : memref<10240x64xf32, #tpu.memory_space<vmem_shared>> -> memref<10240x64xf32, #tpu.memory_space<vmem_shared>>
      tpu.enqueue_indirect_dma source(%arg10 : memref<80x64xf32, #tpu.memory_space<vmem>>) target(%dma_start3A_223 : memref<10240x64xf32, #tpu.memory_space<vmem_shared>>) offsets(%dma_start3A_220 : memref<80xi32, #tpu.memory_space<vmem>>) semaphore(%arg22 : memref<!tpu.dma_semaphore, #tpu.memory_space<semaphore_mem>>) {add = true}
      %dma_wait3A_224 = arith.constant 0 : i32
      %dma_wait3A_225 = arith.constant 0 : i32
      %dma_wait3A_226 = tpu.memref_slice %arg7[%dma_wait3A_224, %dma_wait3A_225] : memref<250x80xi32, #tpu.memory_space<vmem>> -> memref<1x80xi32, #tpu.memory_space<vmem>>
      %dma_wait3A_227 = tpu.memref_squeeze %dma_wait3A_226 : memref<1x80xi32, #tpu.memory_space<vmem>> -> memref<80xi32, #tpu.memory_space<vmem>>
      %dma_wait3A_228 = arith.constant 0 : i32
      %dma_wait3A_229 = arith.constant 0 : i32
      %dma_wait3A_230 = tpu.memref_slice %arg14[%dma_wait3A_228, %dma_wait3A_229] : memref<10240x64xf32, #tpu.memory_space<vmem_shared>> -> memref<10240x64xf32, #tpu.memory_space<vmem_shared>>
      tpu.wait_indirect_dma semaphore(%arg20 : memref<!tpu.dma_semaphore, #tpu.memory_space<semaphore_mem>>) src(%arg8 : memref<80x64xf32, #tpu.memory_space<vmem>>) dst(%dma_wait3A_230 : memref<10240x64xf32, #tpu.memory_space<vmem_shared>>)
      %add3A_231 = arith.constant 3 : i32
      %add3A_232 = arith.addi %add3A_207, %add3A_231 : i32
      %dma_start3A_233 = arith.constant 0 : i32
      %dma_start3A_234 = tpu.memref_slice %arg6[%add3A_232, %dma_start3A_233] : memref<250x80xi32, #tpu.memory_space<vmem>> -> memref<1x80xi32, #tpu.memory_space<vmem>>
      %dma_start3A_235 = tpu.memref_squeeze %dma_start3A_234 : memref<1x80xi32, #tpu.memory_space<vmem>> -> memref<80xi32, #tpu.memory_space<vmem>>
      %dma_start3A_236 = arith.constant 0 : i32
      %dma_start3A_237 = arith.constant 0 : i32
      %dma_start3A_238 = tpu.memref_slice %arg2[%arg0, %dma_start3A_236, %dma_start3A_237] : memref<2x10000x64xf32, #tpu.memory_space<hbm>> -> memref<1x10000x64xf32, #tpu.memory_space<hbm>>
      %dma_start3A_239 = tpu.memref_squeeze %dma_start3A_238 : memref<1x10000x64xf32, #tpu.memory_space<hbm>> -> memref<10000x64xf32, #tpu.memory_space<hbm>>
      %dma_start3A_240 = arith.constant 0 : i32
      %dma_start3A_241 = arith.constant 0 : i32
      %dma_start3A_242 = tpu.memref_slice %dma_start3A_239[%dma_start3A_240, %dma_start3A_241] : memref<10000x64xf32, #tpu.memory_space<hbm>> -> memref<10000x64xf32, #tpu.memory_space<hbm>>
      tpu.enqueue_indirect_dma source(%dma_start3A_242 : memref<10000x64xf32, #tpu.memory_space<hbm>>) target(%arg8 : memref<80x64xf32, #tpu.memory_space<vmem>>) offsets(%dma_start3A_235 : memref<80xi32, #tpu.memory_space<vmem>>) semaphore(%arg15 : memref<!tpu.dma_semaphore, #tpu.memory_space<semaphore_mem>>)
      %add3A_243 = arith.constant 1 : i32
      %add3A_244 = arith.addi %add3A_205, %add3A_243 : i32
      %dma_wait3A_245 = arith.constant 0 : i32
      %dma_wait3A_246 = tpu.memref_slice %arg6[%add3A_244, %dma_wait3A_245] : memref<250x80xi32, #tpu.memory_space<vmem>> -> memref<1x80xi32, #tpu.memory_space<vmem>>
      %dma_wait3A_247 = tpu.memref_squeeze %dma_wait3A_246 : memref<1x80xi32, #tpu.memory_space<vmem>> -> memref<80xi32, #tpu.memory_space<vmem>>
      %dma_wait3A_248 = arith.constant 0 : i32
      %dma_wait3A_249 = arith.constant 0 : i32
      %dma_wait3A_250 = tpu.memref_slice %arg2[%arg0, %dma_wait3A_248, %dma_wait3A_249] : memref<2x10000x64xf32, #tpu.memory_space<hbm>> -> memref<1x10000x64xf32, #tpu.memory_space<hbm>>
      %dma_wait3A_251 = tpu.memref_squeeze %dma_wait3A_250 : memref<1x10000x64xf32, #tpu.memory_space<hbm>> -> memref<10000x64xf32, #tpu.memory_space<hbm>>
      %dma_wait3A_252 = arith.constant 0 : i32
      %dma_wait3A_253 = arith.constant 0 : i32
      %dma_wait3A_254 = tpu.memref_slice %dma_wait3A_251[%dma_wait3A_252, %dma_wait3A_253] : memref<10000x64xf32, #tpu.memory_space<hbm>> -> memref<10000x64xf32, #tpu.memory_space<hbm>>
      tpu.wait_indirect_dma semaphore(%arg18 : memref<!tpu.dma_semaphore, #tpu.memory_space<semaphore_mem>>) src(%dma_wait3A_254 : memref<10000x64xf32, #tpu.memory_space<hbm>>) dst(%arg11 : memref<80x64xf32, #tpu.memory_space<vmem>>)
      %dma_start3A_255 = arith.constant 0 : i32
      %dma_start3A_256 = tpu.memref_slice %arg7[%add3A_244, %dma_start3A_255] : memref<250x80xi32, #tpu.memory_space<vmem>> -> memref<1x80xi32, #tpu.memory_space<vmem>>
      %dma_start3A_257 = tpu.memref_squeeze %dma_start3A_256 : memref<1x80xi32, #tpu.memory_space<vmem>> -> memref<80xi32, #tpu.memory_space<vmem>>
      %dma_start3A_258 = arith.constant 0 : i32
      %dma_start3A_259 = arith.constant 0 : i32
      %dma_start3A_260 = tpu.memref_slice %arg14[%dma_start3A_258, %dma_start3A_259] : memref<10240x64xf32, #tpu.memory_space<vmem_shared>> -> memref<10240x64xf32, #tpu.memory_space<vmem_shared>>
      tpu.enqueue_indirect_dma source(%arg11 : memref<80x64xf32, #tpu.memory_space<vmem>>) target(%dma_start3A_260 : memref<10240x64xf32, #tpu.memory_space<vmem_shared>>) offsets(%dma_start3A_257 : memref<80xi32, #tpu.memory_space<vmem>>) semaphore(%arg23 : memref<!tpu.dma_semaphore, #tpu.memory_space<semaphore_mem>>) {add = true}
      %dma_wait3A_261 = arith.constant 0 : i32
      %dma_wait3A_262 = arith.constant 0 : i32
      %dma_wait3A_263 = tpu.memref_slice %arg7[%dma_wait3A_261, %dma_wait3A_262] : memref<250x80xi32, #tpu.memory_space<vmem>> -> memref<1x80xi32, #tpu.memory_space<vmem>>
      %dma_wait3A_264 = tpu.memref_squeeze %dma_wait3A_263 : memref<1x80xi32, #tpu.memory_space<vmem>> -> memref<80xi32, #tpu.memory_space<vmem>>
      %dma_wait3A_265 = arith.constant 0 : i32
      %dma_wait3A_266 = arith.constant 0 : i32
      %dma_wait3A_267 = tpu.memref_slice %arg14[%dma_wait3A_265, %dma_wait3A_266] : memref<10240x64xf32, #tpu.memory_space<vmem_shared>> -> memref<10240x64xf32, #tpu.memory_space<vmem_shared>>
      tpu.wait_indirect_dma semaphore(%arg21 : memref<!tpu.dma_semaphore, #tpu.memory_space<semaphore_mem>>) src(%arg9 : memref<80x64xf32, #tpu.memory_space<vmem>>) dst(%dma_wait3A_267 : memref<10240x64xf32, #tpu.memory_space<vmem_shared>>)
      %add3A_268 = arith.constant 3 : i32
      %add3A_269 = arith.addi %add3A_244, %add3A_268 : i32
      %dma_start3A_270 = arith.constant 0 : i32
      %dma_start3A_271 = tpu.memref_slice %arg6[%add3A_269, %dma_start3A_270] : memref<250x80xi32, #tpu.memory_space<vmem>> -> memref<1x80xi32, #tpu.memory_space<vmem>>
      %dma_start3A_272 = tpu.memref_squeeze %dma_start3A_271 : memref<1x80xi32, #tpu.memory_space<vmem>> -> memref<80xi32, #tpu.memory_space<vmem>>
      %dma_start3A_273 = arith.constant 0 : i32
      %dma_start3A_274 = arith.constant 0 : i32
      %dma_start3A_275 = tpu.memref_slice %arg2[%arg0, %dma_start3A_273, %dma_start3A_274] : memref<2x10000x64xf32, #tpu.memory_space<hbm>> -> memref<1x10000x64xf32, #tpu.memory_space<hbm>>
      %dma_start3A_276 = tpu.memref_squeeze %dma_start3A_275 : memref<1x10000x64xf32, #tpu.memory_space<hbm>> -> memref<10000x64xf32, #tpu.memory_space<hbm>>
      %dma_start3A_277 = arith.constant 0 : i32
      %dma_start3A_278 = arith.constant 0 : i32
      %dma_start3A_279 = tpu.memref_slice %dma_start3A_276[%dma_start3A_277, %dma_start3A_278] : memref<10000x64xf32, #tpu.memory_space<hbm>> -> memref<10000x64xf32, #tpu.memory_space<hbm>>
      tpu.enqueue_indirect_dma source(%dma_start3A_279 : memref<10000x64xf32, #tpu.memory_space<hbm>>) target(%arg9 : memref<80x64xf32, #tpu.memory_space<vmem>>) offsets(%dma_start3A_272 : memref<80xi32, #tpu.memory_space<vmem>>) semaphore(%arg16 : memref<!tpu.dma_semaphore, #tpu.memory_space<semaphore_mem>>)
      %add3A_280 = arith.constant 2 : i32
      %add3A_281 = arith.addi %add3A_205, %add3A_280 : i32
      %dma_wait3A_282 = arith.constant 0 : i32
      %dma_wait3A_283 = tpu.memref_slice %arg6[%add3A_281, %dma_wait3A_282] : memref<250x80xi32, #tpu.memory_space<vmem>> -> memref<1x80xi32, #tpu.memory_space<vmem>>
      %dma_wait3A_284 = tpu.memref_squeeze %dma_wait3A_283 : memref<1x80xi32, #tpu.memory_space<vmem>> -> memref<80xi32, #tpu.memory_space<vmem>>
      %dma_wait3A_285 = arith.constant 0 : i32
      %dma_wait3A_286 = arith.constant 0 : i32
      %dma_wait3A_287 = tpu.memref_slice %arg2[%arg0, %dma_wait3A_285, %dma_wait3A_286] : memref<2x10000x64xf32, #tpu.memory_space<hbm>> -> memref<1x10000x64xf32, #tpu.memory_space<hbm>>
      %dma_wait3A_288 = tpu.memref_squeeze %dma_wait3A_287 : memref<1x10000x64xf32, #tpu.memory_space<hbm>> -> memref<10000x64xf32, #tpu.memory_space<hbm>>
      %dma_wait3A_289 = arith.constant 0 : i32
      %dma_wait3A_290 = arith.constant 0 : i32
      %dma_wait3A_291 = tpu.memref_slice %dma_wait3A_288[%dma_wait3A_289, %dma_wait3A_290] : memref<10000x64xf32, #tpu.memory_space<hbm>> -> memref<10000x64xf32, #tpu.memory_space<hbm>>
      tpu.wait_indirect_dma semaphore(%arg19 : memref<!tpu.dma_semaphore, #tpu.memory_space<semaphore_mem>>) src(%dma_wait3A_291 : memref<10000x64xf32, #tpu.memory_space<hbm>>) dst(%arg12 : memref<80x64xf32, #tpu.memory_space<vmem>>)
      %dma_start3A_292 = arith.constant 0 : i32
      %dma_start3A_293 = tpu.memref_slice %arg7[%add3A_281, %dma_start3A_292] : memref<250x80xi32, #tpu.memory_space<vmem>> -> memref<1x80xi32, #tpu.memory_space<vmem>>
      %dma_start3A_294 = tpu.memref_squeeze %dma_start3A_293 : memref<1x80xi32, #tpu.memory_space<vmem>> -> memref<80xi32, #tpu.memory_space<vmem>>
      %dma_start3A_295 = arith.constant 0 : i32
      %dma_start3A_296 = arith.constant 0 : i32
      %dma_start3A_297 = tpu.memref_slice %arg14[%dma_start3A_295, %dma_start3A_296] : memref<10240x64xf32, #tpu.memory_space<vmem_shared>> -> memref<10240x64xf32, #tpu.memory_space<vmem_shared>>
      tpu.enqueue_indirect_dma source(%arg12 : memref<80x64xf32, #tpu.memory_space<vmem>>) target(%dma_start3A_297 : memref<10240x64xf32, #tpu.memory_space<vmem_shared>>) offsets(%dma_start3A_294 : memref<80xi32, #tpu.memory_space<vmem>>) semaphore(%arg24 : memref<!tpu.dma_semaphore, #tpu.memory_space<semaphore_mem>>) {add = true}
      %dma_wait3A_298 = arith.constant 0 : i32
      %dma_wait3A_299 = arith.constant 0 : i32
      %dma_wait3A_300 = tpu.memref_slice %arg7[%dma_wait3A_298, %dma_wait3A_299] : memref<250x80xi32, #tpu.memory_space<vmem>> -> memref<1x80xi32, #tpu.memory_space<vmem>>
      %dma_wait3A_301 = tpu.memref_squeeze %dma_wait3A_300 : memref<1x80xi32, #tpu.memory_space<vmem>> -> memref<80xi32, #tpu.memory_space<vmem>>
      %dma_wait3A_302 = arith.constant 0 : i32
      %dma_wait3A_303 = arith.constant 0 : i32
      %dma_wait3A_304 = tpu.memref_slice %arg14[%dma_wait3A_302, %dma_wait3A_303] : memref<10240x64xf32, #tpu.memory_space<vmem_shared>> -> memref<10240x64xf32, #tpu.memory_space<vmem_shared>>
      tpu.wait_indirect_dma semaphore(%arg22 : memref<!tpu.dma_semaphore, #tpu.memory_space<semaphore_mem>>) src(%arg10 : memref<80x64xf32, #tpu.memory_space<vmem>>) dst(%dma_wait3A_304 : memref<10240x64xf32, #tpu.memory_space<vmem_shared>>)
      %add3A_305 = arith.constant 3 : i32
      %add3A_306 = arith.addi %add3A_281, %add3A_305 : i32
      %dma_start3A_307 = arith.constant 0 : i32
      %dma_start3A_308 = tpu.memref_slice %arg6[%add3A_306, %dma_start3A_307] : memref<250x80xi32, #tpu.memory_space<vmem>> -> memref<1x80xi32, #tpu.memory_space<vmem>>
      %dma_start3A_309 = tpu.memref_squeeze %dma_start3A_308 : memref<1x80xi32, #tpu.memory_space<vmem>> -> memref<80xi32, #tpu.memory_space<vmem>>
      %dma_start3A_310 = arith.constant 0 : i32
      %dma_start3A_311 = arith.constant 0 : i32
      %dma_start3A_312 = tpu.memref_slice %arg2[%arg0, %dma_start3A_310, %dma_start3A_311] : memref<2x10000x64xf32, #tpu.memory_space<hbm>> -> memref<1x10000x64xf32, #tpu.memory_space<hbm>>
      %dma_start3A_313 = tpu.memref_squeeze %dma_start3A_312 : memref<1x10000x64xf32, #tpu.memory_space<hbm>> -> memref<10000x64xf32, #tpu.memory_space<hbm>>
      %dma_start3A_314 = arith.constant 0 : i32
      %dma_start3A_315 = arith.constant 0 : i32
      %dma_start3A_316 = tpu.memref_slice %dma_start3A_313[%dma_start3A_314, %dma_start3A_315] : memref<10000x64xf32, #tpu.memory_space<hbm>> -> memref<10000x64xf32, #tpu.memory_space<hbm>>
      tpu.enqueue_indirect_dma source(%dma_start3A_316 : memref<10000x64xf32, #tpu.memory_space<hbm>>) target(%arg10 : memref<80x64xf32, #tpu.memory_space<vmem>>) offsets(%dma_start3A_309 : memref<80xi32, #tpu.memory_space<vmem>>) semaphore(%arg17 : memref<!tpu.dma_semaphore, #tpu.memory_space<semaphore_mem>>)
      %add3A_317 = arith.constant 3 : i32
      %add3A_318 = arith.addi %add3A_205, %add3A_317 : i32
      %dma_wait3A_319 = arith.constant 0 : i32
      %dma_wait3A_320 = tpu.memref_slice %arg6[%add3A_318, %dma_wait3A_319] : memref<250x80xi32, #tpu.memory_space<vmem>> -> memref<1x80xi32, #tpu.memory_space<vmem>>
      %dma_wait3A_321 = tpu.memref_squeeze %dma_wait3A_320 : memref<1x80xi32, #tpu.memory_space<vmem>> -> memref<80xi32, #tpu.memory_space<vmem>>
      %dma_wait3A_322 = arith.constant 0 : i32
      %dma_wait3A_323 = arith.constant 0 : i32
      %dma_wait3A_324 = tpu.memref_slice %arg2[%arg0, %dma_wait3A_322, %dma_wait3A_323] : memref<2x10000x64xf32, #tpu.memory_space<hbm>> -> memref<1x10000x64xf32, #tpu.memory_space<hbm>>
      %dma_wait3A_325 = tpu.memref_squeeze %dma_wait3A_324 : memref<1x10000x64xf32, #tpu.memory_space<hbm>> -> memref<10000x64xf32, #tpu.memory_space<hbm>>
      %dma_wait3A_326 = arith.constant 0 : i32
      %dma_wait3A_327 = arith.constant 0 : i32
      %dma_wait3A_328 = tpu.memref_slice %dma_wait3A_325[%dma_wait3A_326, %dma_wait3A_327] : memref<10000x64xf32, #tpu.memory_space<hbm>> -> memref<10000x64xf32, #tpu.memory_space<hbm>>
      tpu.wait_indirect_dma semaphore(%arg15 : memref<!tpu.dma_semaphore, #tpu.memory_space<semaphore_mem>>) src(%dma_wait3A_328 : memref<10000x64xf32, #tpu.memory_space<hbm>>) dst(%arg8 : memref<80x64xf32, #tpu.memory_space<vmem>>)
      %dma_start3A_329 = arith.constant 0 : i32
      %dma_start3A_330 = tpu.memref_slice %arg7[%add3A_318, %dma_start3A_329] : memref<250x80xi32, #tpu.memory_space<vmem>> -> memref<1x80xi32, #tpu.memory_space<vmem>>
      %dma_start3A_331 = tpu.memref_squeeze %dma_start3A_330 : memref<1x80xi32, #tpu.memory_space<vmem>> -> memref<80xi32, #tpu.memory_space<vmem>>
      %dma_start3A_332 = arith.constant 0 : i32
      %dma_start3A_333 = arith.constant 0 : i32
      %dma_start3A_334 = tpu.memref_slice %arg14[%dma_start3A_332, %dma_start3A_333] : memref<10240x64xf32, #tpu.memory_space<vmem_shared>> -> memref<10240x64xf32, #tpu.memory_space<vmem_shared>>
      tpu.enqueue_indirect_dma source(%arg8 : memref<80x64xf32, #tpu.memory_space<vmem>>) target(%dma_start3A_334 : memref<10240x64xf32, #tpu.memory_space<vmem_shared>>) offsets(%dma_start3A_331 : memref<80xi32, #tpu.memory_space<vmem>>) semaphore(%arg20 : memref<!tpu.dma_semaphore, #tpu.memory_space<semaphore_mem>>) {add = true}
      %dma_wait3A_335 = arith.constant 0 : i32
      %dma_wait3A_336 = arith.constant 0 : i32
      %dma_wait3A_337 = tpu.memref_slice %arg7[%dma_wait3A_335, %dma_wait3A_336] : memref<250x80xi32, #tpu.memory_space<vmem>> -> memref<1x80xi32, #tpu.memory_space<vmem>>
      %dma_wait3A_338 = tpu.memref_squeeze %dma_wait3A_337 : memref<1x80xi32, #tpu.memory_space<vmem>> -> memref<80xi32, #tpu.memory_space<vmem>>
      %dma_wait3A_339 = arith.constant 0 : i32
      %dma_wait3A_340 = arith.constant 0 : i32
      %dma_wait3A_341 = tpu.memref_slice %arg14[%dma_wait3A_339, %dma_wait3A_340] : memref<10240x64xf32, #tpu.memory_space<vmem_shared>> -> memref<10240x64xf32, #tpu.memory_space<vmem_shared>>
      tpu.wait_indirect_dma semaphore(%arg23 : memref<!tpu.dma_semaphore, #tpu.memory_space<semaphore_mem>>) src(%arg11 : memref<80x64xf32, #tpu.memory_space<vmem>>) dst(%dma_wait3A_341 : memref<10240x64xf32, #tpu.memory_space<vmem_shared>>)
      %add3A_342 = arith.constant 3 : i32
      %add3A_343 = arith.addi %add3A_318, %add3A_342 : i32
      %dma_start3A_344 = arith.constant 0 : i32
      %dma_start3A_345 = tpu.memref_slice %arg6[%add3A_343, %dma_start3A_344] : memref<250x80xi32, #tpu.memory_space<vmem>> -> memref<1x80xi32, #tpu.memory_space<vmem>>
      %dma_start3A_346 = tpu.memref_squeeze %dma_start3A_345 : memref<1x80xi32, #tpu.memory_space<vmem>> -> memref<80xi32, #tpu.memory_space<vmem>>
      %dma_start3A_347 = arith.constant 0 : i32
      %dma_start3A_348 = arith.constant 0 : i32
      %dma_start3A_349 = tpu.memref_slice %arg2[%arg0, %dma_start3A_347, %dma_start3A_348] : memref<2x10000x64xf32, #tpu.memory_space<hbm>> -> memref<1x10000x64xf32, #tpu.memory_space<hbm>>
      %dma_start3A_350 = tpu.memref_squeeze %dma_start3A_349 : memref<1x10000x64xf32, #tpu.memory_space<hbm>> -> memref<10000x64xf32, #tpu.memory_space<hbm>>
      %dma_start3A_351 = arith.constant 0 : i32
      %dma_start3A_352 = arith.constant 0 : i32
      %dma_start3A_353 = tpu.memref_slice %dma_start3A_350[%dma_start3A_351, %dma_start3A_352] : memref<10000x64xf32, #tpu.memory_space<hbm>> -> memref<10000x64xf32, #tpu.memory_space<hbm>>
      tpu.enqueue_indirect_dma source(%dma_start3A_353 : memref<10000x64xf32, #tpu.memory_space<hbm>>) target(%arg11 : memref<80x64xf32, #tpu.memory_space<vmem>>) offsets(%dma_start3A_346 : memref<80xi32, #tpu.memory_space<vmem>>) semaphore(%arg18 : memref<!tpu.dma_semaphore, #tpu.memory_space<semaphore_mem>>)
      %add3A_354 = arith.constant 4 : i32
      %add3A_355 = arith.addi %add3A_205, %add3A_354 : i32
      %dma_wait3A_356 = arith.constant 0 : i32
      %dma_wait3A_357 = tpu.memref_slice %arg6[%add3A_355, %dma_wait3A_356] : memref<250x80xi32, #tpu.memory_space<vmem>> -> memref<1x80xi32, #tpu.memory_space<vmem>>
      %dma_wait3A_358 = tpu.memref_squeeze %dma_wait3A_357 : memref<1x80xi32, #tpu.memory_space<vmem>> -> memref<80xi32, #tpu.memory_space<vmem>>
      %dma_wait3A_359 = arith.constant 0 : i32
      %dma_wait3A_360 = arith.constant 0 : i32
      %dma_wait3A_361 = tpu.memref_slice %arg2[%arg0, %dma_wait3A_359, %dma_wait3A_360] : memref<2x10000x64xf32, #tpu.memory_space<hbm>> -> memref<1x10000x64xf32, #tpu.memory_space<hbm>>
      %dma_wait3A_362 = tpu.memref_squeeze %dma_wait3A_361 : memref<1x10000x64xf32, #tpu.memory_space<hbm>> -> memref<10000x64xf32, #tpu.memory_space<hbm>>
      %dma_wait3A_363 = arith.constant 0 : i32
      %dma_wait3A_364 = arith.constant 0 : i32
      %dma_wait3A_365 = tpu.memref_slice %dma_wait3A_362[%dma_wait3A_363, %dma_wait3A_364] : memref<10000x64xf32, #tpu.memory_space<hbm>> -> memref<10000x64xf32, #tpu.memory_space<hbm>>
      tpu.wait_indirect_dma semaphore(%arg16 : memref<!tpu.dma_semaphore, #tpu.memory_space<semaphore_mem>>) src(%dma_wait3A_365 : memref<10000x64xf32, #tpu.memory_space<hbm>>) dst(%arg9 : memref<80x64xf32, #tpu.memory_space<vmem>>)
      %dma_start3A_366 = arith.constant 0 : i32
      %dma_start3A_367 = tpu.memref_slice %arg7[%add3A_355, %dma_start3A_366] : memref<250x80xi32, #tpu.memory_space<vmem>> -> memref<1x80xi32, #tpu.memory_space<vmem>>
      %dma_start3A_368 = tpu.memref_squeeze %dma_start3A_367 : memref<1x80xi32, #tpu.memory_space<vmem>> -> memref<80xi32, #tpu.memory_space<vmem>>
      %dma_start3A_369 = arith.constant 0 : i32
      %dma_start3A_370 = arith.constant 0 : i32
      %dma_start3A_371 = tpu.memref_slice %arg14[%dma_start3A_369, %dma_start3A_370] : memref<10240x64xf32, #tpu.memory_space<vmem_shared>> -> memref<10240x64xf32, #tpu.memory_space<vmem_shared>>
      tpu.enqueue_indirect_dma source(%arg9 : memref<80x64xf32, #tpu.memory_space<vmem>>) target(%dma_start3A_371 : memref<10240x64xf32, #tpu.memory_space<vmem_shared>>) offsets(%dma_start3A_368 : memref<80xi32, #tpu.memory_space<vmem>>) semaphore(%arg21 : memref<!tpu.dma_semaphore, #tpu.memory_space<semaphore_mem>>) {add = true}
      %dma_wait3A_372 = arith.constant 0 : i32
      %dma_wait3A_373 = arith.constant 0 : i32
      %dma_wait3A_374 = tpu.memref_slice %arg7[%dma_wait3A_372, %dma_wait3A_373] : memref<250x80xi32, #tpu.memory_space<vmem>> -> memref<1x80xi32, #tpu.memory_space<vmem>>
      %dma_wait3A_375 = tpu.memref_squeeze %dma_wait3A_374 : memref<1x80xi32, #tpu.memory_space<vmem>> -> memref<80xi32, #tpu.memory_space<vmem>>
      %dma_wait3A_376 = arith.constant 0 : i32
      %dma_wait3A_377 = arith.constant 0 : i32
      %dma_wait3A_378 = tpu.memref_slice %arg14[%dma_wait3A_376, %dma_wait3A_377] : memref<10240x64xf32, #tpu.memory_space<vmem_shared>> -> memref<10240x64xf32, #tpu.memory_space<vmem_shared>>
      tpu.wait_indirect_dma semaphore(%arg24 : memref<!tpu.dma_semaphore, #tpu.memory_space<semaphore_mem>>) src(%arg12 : memref<80x64xf32, #tpu.memory_space<vmem>>) dst(%dma_wait3A_378 : memref<10240x64xf32, #tpu.memory_space<vmem_shared>>)
      %add3A_379 = arith.constant 3 : i32
      %add3A_380 = arith.addi %add3A_355, %add3A_379 : i32
      %dma_start3A_381 = arith.constant 0 : i32
      %dma_start3A_382 = tpu.memref_slice %arg6[%add3A_380, %dma_start3A_381] : memref<250x80xi32, #tpu.memory_space<vmem>> -> memref<1x80xi32, #tpu.memory_space<vmem>>
      %dma_start3A_383 = tpu.memref_squeeze %dma_start3A_382 : memref<1x80xi32, #tpu.memory_space<vmem>> -> memref<80xi32, #tpu.memory_space<vmem>>
      %dma_start3A_384 = arith.constant 0 : i32
      %dma_start3A_385 = arith.constant 0 : i32
      %dma_start3A_386 = tpu.memref_slice %arg2[%arg0, %dma_start3A_384, %dma_start3A_385] : memref<2x10000x64xf32, #tpu.memory_space<hbm>> -> memref<1x10000x64xf32, #tpu.memory_space<hbm>>
      %dma_start3A_387 = tpu.memref_squeeze %dma_start3A_386 : memref<1x10000x64xf32, #tpu.memory_space<hbm>> -> memref<10000x64xf32, #tpu.memory_space<hbm>>
      %dma_start3A_388 = arith.constant 0 : i32
      %dma_start3A_389 = arith.constant 0 : i32
      %dma_start3A_390 = tpu.memref_slice %dma_start3A_387[%dma_start3A_388, %dma_start3A_389] : memref<10000x64xf32, #tpu.memory_space<hbm>> -> memref<10000x64xf32, #tpu.memory_space<hbm>>
      tpu.enqueue_indirect_dma source(%dma_start3A_390 : memref<10000x64xf32, #tpu.memory_space<hbm>>) target(%arg12 : memref<80x64xf32, #tpu.memory_space<vmem>>) offsets(%dma_start3A_383 : memref<80xi32, #tpu.memory_space<vmem>>) semaphore(%arg19 : memref<!tpu.dma_semaphore, #tpu.memory_space<semaphore_mem>>)
    }
    %scan3A_110 = arith.constant 49 : i32
    %dma_wait3A_111 = arith.constant 247 : i32
    %dma_wait3A_112 = arith.constant 0 : i32
    %dma_wait3A_113 = tpu.memref_slice %arg6[%dma_wait3A_111, %dma_wait3A_112] : memref<250x80xi32, #tpu.memory_space<vmem>> -> memref<1x80xi32, #tpu.memory_space<vmem>>
    %dma_wait3A_114 = tpu.memref_squeeze %dma_wait3A_113 : memref<1x80xi32, #tpu.memory_space<vmem>> -> memref<80xi32, #tpu.memory_space<vmem>>
    %dma_wait3A_115 = arith.constant 0 : i32
    %dma_wait3A_116 = arith.constant 0 : i32
    %dma_wait3A_117 = tpu.memref_slice %arg2[%arg0, %dma_wait3A_115, %dma_wait3A_116] : memref<2x10000x64xf32, #tpu.memory_space<hbm>> -> memref<1x10000x64xf32, #tpu.memory_space<hbm>>
    %dma_wait3A_118 = tpu.memref_squeeze %dma_wait3A_117 : memref<1x10000x64xf32, #tpu.memory_space<hbm>> -> memref<10000x64xf32, #tpu.memory_space<hbm>>
    %dma_wait3A_119 = arith.constant 0 : i32
    %dma_wait3A_120 = arith.constant 0 : i32
    %dma_wait3A_121 = tpu.memref_slice %dma_wait3A_118[%dma_wait3A_119, %dma_wait3A_120] : memref<10000x64xf32, #tpu.memory_space<hbm>> -> memref<10000x64xf32, #tpu.memory_space<hbm>>
    tpu.wait_indirect_dma semaphore(%arg17 : memref<!tpu.dma_semaphore, #tpu.memory_space<semaphore_mem>>) src(%dma_wait3A_121 : memref<10000x64xf32, #tpu.memory_space<hbm>>) dst(%arg10 : memref<80x64xf32, #tpu.memory_space<vmem>>)
    %dma_start3A_122 = arith.constant 247 : i32
    %dma_start3A_123 = arith.constant 0 : i32
    %dma_start3A_124 = tpu.memref_slice %arg7[%dma_start3A_122, %dma_start3A_123] : memref<250x80xi32, #tpu.memory_space<vmem>> -> memref<1x80xi32, #tpu.memory_space<vmem>>
    %dma_start3A_125 = tpu.memref_squeeze %dma_start3A_124 : memref<1x80xi32, #tpu.memory_space<vmem>> -> memref<80xi32, #tpu.memory_space<vmem>>
    %dma_start3A_126 = arith.constant 0 : i32
    %dma_start3A_127 = arith.constant 0 : i32
    %dma_start3A_128 = tpu.memref_slice %arg14[%dma_start3A_126, %dma_start3A_127] : memref<10240x64xf32, #tpu.memory_space<vmem_shared>> -> memref<10240x64xf32, #tpu.memory_space<vmem_shared>>
    tpu.enqueue_indirect_dma source(%arg10 : memref<80x64xf32, #tpu.memory_space<vmem>>) target(%dma_start3A_128 : memref<10240x64xf32, #tpu.memory_space<vmem_shared>>) offsets(%dma_start3A_125 : memref<80xi32, #tpu.memory_space<vmem>>) semaphore(%arg22 : memref<!tpu.dma_semaphore, #tpu.memory_space<semaphore_mem>>) {add = true}
    %dma_wait3A_129 = arith.constant 0 : i32
    %dma_wait3A_130 = arith.constant 0 : i32
    %dma_wait3A_131 = tpu.memref_slice %arg7[%dma_wait3A_129, %dma_wait3A_130] : memref<250x80xi32, #tpu.memory_space<vmem>> -> memref<1x80xi32, #tpu.memory_space<vmem>>
    %dma_wait3A_132 = tpu.memref_squeeze %dma_wait3A_131 : memref<1x80xi32, #tpu.memory_space<vmem>> -> memref<80xi32, #tpu.memory_space<vmem>>
    %dma_wait3A_133 = arith.constant 0 : i32
    %dma_wait3A_134 = arith.constant 0 : i32
    %dma_wait3A_135 = tpu.memref_slice %arg14[%dma_wait3A_133, %dma_wait3A_134] : memref<10240x64xf32, #tpu.memory_space<vmem_shared>> -> memref<10240x64xf32, #tpu.memory_space<vmem_shared>>
    tpu.wait_indirect_dma semaphore(%arg20 : memref<!tpu.dma_semaphore, #tpu.memory_space<semaphore_mem>>) src(%arg8 : memref<80x64xf32, #tpu.memory_space<vmem>>) dst(%dma_wait3A_135 : memref<10240x64xf32, #tpu.memory_space<vmem_shared>>)
    %dma_wait3A_136 = arith.constant 248 : i32
    %dma_wait3A_137 = arith.constant 0 : i32
    %dma_wait3A_138 = tpu.memref_slice %arg6[%dma_wait3A_136, %dma_wait3A_137] : memref<250x80xi32, #tpu.memory_space<vmem>> -> memref<1x80xi32, #tpu.memory_space<vmem>>
    %dma_wait3A_139 = tpu.memref_squeeze %dma_wait3A_138 : memref<1x80xi32, #tpu.memory_space<vmem>> -> memref<80xi32, #tpu.memory_space<vmem>>
    %dma_wait3A_140 = arith.constant 0 : i32
    %dma_wait3A_141 = arith.constant 0 : i32
    %dma_wait3A_142 = tpu.memref_slice %arg2[%arg0, %dma_wait3A_140, %dma_wait3A_141] : memref<2x10000x64xf32, #tpu.memory_space<hbm>> -> memref<1x10000x64xf32, #tpu.memory_space<hbm>>
    %dma_wait3A_143 = tpu.memref_squeeze %dma_wait3A_142 : memref<1x10000x64xf32, #tpu.memory_space<hbm>> -> memref<10000x64xf32, #tpu.memory_space<hbm>>
    %dma_wait3A_144 = arith.constant 0 : i32
    %dma_wait3A_145 = arith.constant 0 : i32
    %dma_wait3A_146 = tpu.memref_slice %dma_wait3A_143[%dma_wait3A_144, %dma_wait3A_145] : memref<10000x64xf32, #tpu.memory_space<hbm>> -> memref<10000x64xf32, #tpu.memory_space<hbm>>
    tpu.wait_indirect_dma semaphore(%arg18 : memref<!tpu.dma_semaphore, #tpu.memory_space<semaphore_mem>>) src(%dma_wait3A_146 : memref<10000x64xf32, #tpu.memory_space<hbm>>) dst(%arg11 : memref<80x64xf32, #tpu.memory_space<vmem>>)
    %dma_start3A_147 = arith.constant 248 : i32
    %dma_start3A_148 = arith.constant 0 : i32
    %dma_start3A_149 = tpu.memref_slice %arg7[%dma_start3A_147, %dma_start3A_148] : memref<250x80xi32, #tpu.memory_space<vmem>> -> memref<1x80xi32, #tpu.memory_space<vmem>>
    %dma_start3A_150 = tpu.memref_squeeze %dma_start3A_149 : memref<1x80xi32, #tpu.memory_space<vmem>> -> memref<80xi32, #tpu.memory_space<vmem>>
    %dma_start3A_151 = arith.constant 0 : i32
    %dma_start3A_152 = arith.constant 0 : i32
    %dma_start3A_153 = tpu.memref_slice %arg14[%dma_start3A_151, %dma_start3A_152] : memref<10240x64xf32, #tpu.memory_space<vmem_shared>> -> memref<10240x64xf32, #tpu.memory_space<vmem_shared>>
    tpu.enqueue_indirect_dma source(%arg11 : memref<80x64xf32, #tpu.memory_space<vmem>>) target(%dma_start3A_153 : memref<10240x64xf32, #tpu.memory_space<vmem_shared>>) offsets(%dma_start3A_150 : memref<80xi32, #tpu.memory_space<vmem>>) semaphore(%arg23 : memref<!tpu.dma_semaphore, #tpu.memory_space<semaphore_mem>>) {add = true}
    %dma_wait3A_154 = arith.constant 0 : i32
    %dma_wait3A_155 = arith.constant 0 : i32
    %dma_wait3A_156 = tpu.memref_slice %arg7[%dma_wait3A_154, %dma_wait3A_155] : memref<250x80xi32, #tpu.memory_space<vmem>> -> memref<1x80xi32, #tpu.memory_space<vmem>>
    %dma_wait3A_157 = tpu.memref_squeeze %dma_wait3A_156 : memref<1x80xi32, #tpu.memory_space<vmem>> -> memref<80xi32, #tpu.memory_space<vmem>>
    %dma_wait3A_158 = arith.constant 0 : i32
    %dma_wait3A_159 = arith.constant 0 : i32
    %dma_wait3A_160 = tpu.memref_slice %arg14[%dma_wait3A_158, %dma_wait3A_159] : memref<10240x64xf32, #tpu.memory_space<vmem_shared>> -> memref<10240x64xf32, #tpu.memory_space<vmem_shared>>
    tpu.wait_indirect_dma semaphore(%arg21 : memref<!tpu.dma_semaphore, #tpu.memory_space<semaphore_mem>>) src(%arg9 : memref<80x64xf32, #tpu.memory_space<vmem>>) dst(%dma_wait3A_160 : memref<10240x64xf32, #tpu.memory_space<vmem_shared>>)
    %dma_wait3A_161 = arith.constant 249 : i32
    %dma_wait3A_162 = arith.constant 0 : i32
    %dma_wait3A_163 = tpu.memref_slice %arg6[%dma_wait3A_161, %dma_wait3A_162] : memref<250x80xi32, #tpu.memory_space<vmem>> -> memref<1x80xi32, #tpu.memory_space<vmem>>
    %dma_wait3A_164 = tpu.memref_squeeze %dma_wait3A_163 : memref<1x80xi32, #tpu.memory_space<vmem>> -> memref<80xi32, #tpu.memory_space<vmem>>
    %dma_wait3A_165 = arith.constant 0 : i32
    %dma_wait3A_166 = arith.constant 0 : i32
    %dma_wait3A_167 = tpu.memref_slice %arg2[%arg0, %dma_wait3A_165, %dma_wait3A_166] : memref<2x10000x64xf32, #tpu.memory_space<hbm>> -> memref<1x10000x64xf32, #tpu.memory_space<hbm>>
    %dma_wait3A_168 = tpu.memref_squeeze %dma_wait3A_167 : memref<1x10000x64xf32, #tpu.memory_space<hbm>> -> memref<10000x64xf32, #tpu.memory_space<hbm>>
    %dma_wait3A_169 = arith.constant 0 : i32
    %dma_wait3A_170 = arith.constant 0 : i32
    %dma_wait3A_171 = tpu.memref_slice %dma_wait3A_168[%dma_wait3A_169, %dma_wait3A_170] : memref<10000x64xf32, #tpu.memory_space<hbm>> -> memref<10000x64xf32, #tpu.memory_space<hbm>>
    tpu.wait_indirect_dma semaphore(%arg19 : memref<!tpu.dma_semaphore, #tpu.memory_space<semaphore_mem>>) src(%dma_wait3A_171 : memref<10000x64xf32, #tpu.memory_space<hbm>>) dst(%arg12 : memref<80x64xf32, #tpu.memory_space<vmem>>)
    %dma_start3A_172 = arith.constant 249 : i32
    %dma_start3A_173 = arith.constant 0 : i32
    %dma_start3A_174 = tpu.memref_slice %arg7[%dma_start3A_172, %dma_start3A_173] : memref<250x80xi32, #tpu.memory_space<vmem>> -> memref<1x80xi32, #tpu.memory_space<vmem>>
    %dma_start3A_175 = tpu.memref_squeeze %dma_start3A_174 : memref<1x80xi32, #tpu.memory_space<vmem>> -> memref<80xi32, #tpu.memory_space<vmem>>
    %dma_start3A_176 = arith.constant 0 : i32
    %dma_start3A_177 = arith.constant 0 : i32
    %dma_start3A_178 = tpu.memref_slice %arg14[%dma_start3A_176, %dma_start3A_177] : memref<10240x64xf32, #tpu.memory_space<vmem_shared>> -> memref<10240x64xf32, #tpu.memory_space<vmem_shared>>
    tpu.enqueue_indirect_dma source(%arg12 : memref<80x64xf32, #tpu.memory_space<vmem>>) target(%dma_start3A_178 : memref<10240x64xf32, #tpu.memory_space<vmem_shared>>) offsets(%dma_start3A_175 : memref<80xi32, #tpu.memory_space<vmem>>) semaphore(%arg24 : memref<!tpu.dma_semaphore, #tpu.memory_space<semaphore_mem>>) {add = true}
    %dma_wait3A_179 = arith.constant 0 : i32
    %dma_wait3A_180 = arith.constant 0 : i32
    %dma_wait3A_181 = tpu.memref_slice %arg7[%dma_wait3A_179, %dma_wait3A_180] : memref<250x80xi32, #tpu.memory_space<vmem>> -> memref<1x80xi32, #tpu.memory_space<vmem>>
    %dma_wait3A_182 = tpu.memref_squeeze %dma_wait3A_181 : memref<1x80xi32, #tpu.memory_space<vmem>> -> memref<80xi32, #tpu.memory_space<vmem>>
    %dma_wait3A_183 = arith.constant 0 : i32
    %dma_wait3A_184 = arith.constant 0 : i32
    %dma_wait3A_185 = tpu.memref_slice %arg14[%dma_wait3A_183, %dma_wait3A_184] : memref<10240x64xf32, #tpu.memory_space<vmem_shared>> -> memref<10240x64xf32, #tpu.memory_space<vmem_shared>>
    tpu.wait_indirect_dma semaphore(%arg22 : memref<!tpu.dma_semaphore, #tpu.memory_space<semaphore_mem>>) src(%arg10 : memref<80x64xf32, #tpu.memory_space<vmem>>) dst(%dma_wait3A_185 : memref<10240x64xf32, #tpu.memory_space<vmem_shared>>)
    %dma_wait3A_186 = arith.constant 0 : i32
    %dma_wait3A_187 = arith.constant 0 : i32
    %dma_wait3A_188 = tpu.memref_slice %arg7[%dma_wait3A_186, %dma_wait3A_187] : memref<250x80xi32, #tpu.memory_space<vmem>> -> memref<1x80xi32, #tpu.memory_space<vmem>>
    %dma_wait3A_189 = tpu.memref_squeeze %dma_wait3A_188 : memref<1x80xi32, #tpu.memory_space<vmem>> -> memref<80xi32, #tpu.memory_space<vmem>>
    %dma_wait3A_190 = arith.constant 0 : i32
    %dma_wait3A_191 = arith.constant 0 : i32
    %dma_wait3A_192 = tpu.memref_slice %arg14[%dma_wait3A_190, %dma_wait3A_191] : memref<10240x64xf32, #tpu.memory_space<vmem_shared>> -> memref<10240x64xf32, #tpu.memory_space<vmem_shared>>
    tpu.wait_indirect_dma semaphore(%arg23 : memref<!tpu.dma_semaphore, #tpu.memory_space<semaphore_mem>>) src(%arg11 : memref<80x64xf32, #tpu.memory_space<vmem>>) dst(%dma_wait3A_192 : memref<10240x64xf32, #tpu.memory_space<vmem_shared>>)
    %dma_wait3A_193 = arith.constant 0 : i32
    %dma_wait3A_194 = arith.constant 0 : i32
    %dma_wait3A_195 = tpu.memref_slice %arg7[%dma_wait3A_193, %dma_wait3A_194] : memref<250x80xi32, #tpu.memory_space<vmem>> -> memref<1x80xi32, #tpu.memory_space<vmem>>
    %dma_wait3A_196 = tpu.memref_squeeze %dma_wait3A_195 : memref<1x80xi32, #tpu.memory_space<vmem>> -> memref<80xi32, #tpu.memory_space<vmem>>
    %dma_wait3A_197 = arith.constant 0 : i32
    %dma_wait3A_198 = arith.constant 0 : i32
    %dma_wait3A_199 = tpu.memref_slice %arg14[%dma_wait3A_197, %dma_wait3A_198] : memref<10240x64xf32, #tpu.memory_space<vmem_shared>> -> memref<10240x64xf32, #tpu.memory_space<vmem_shared>>
    tpu.wait_indirect_dma semaphore(%arg24 : memref<!tpu.dma_semaphore, #tpu.memory_space<semaphore_mem>>) src(%arg12 : memref<80x64xf32, #tpu.memory_space<vmem>>) dst(%dma_wait3A_199 : memref<10240x64xf32, #tpu.memory_space<vmem_shared>>)
    %barrier3A_200 = arith.constant 0 : index
    tpu.barrier barrier_id(%barrier3A_200)
    "tpu.region"() ({
      %run_scoped3A = tpu.sem_alloc : memref<!tpu.dma_semaphore, #tpu.memory_space<semaphore_mem>>
      %dma_start3A_201 = arith.constant 0 : i32
      %dma_start3A_202 = tpu.memref_slice %arg5[%arg0, %mul3A_6, %dma_start3A_201] : memref<2x10240x64xf32, #tpu.memory_space<hbm>> -> memref<1x640x64xf32, #tpu.memory_space<hbm>>
      %dma_start3A_203 = tpu.memref_squeeze %dma_start3A_202 : memref<1x640x64xf32, #tpu.memory_space<hbm>> -> memref<640x64xf32, #tpu.memory_space<hbm>>
      %dma_start3A_204 = arith.constant 0 : i32
      %dma_start3A_205 = tpu.memref_slice %arg14[%mul3A_6, %dma_start3A_204] : memref<10240x64xf32, #tpu.memory_space<vmem_shared>> -> memref<640x64xf32, #tpu.memory_space<vmem_shared>>
      tpu.enqueue_dma source(%dma_start3A_205 : memref<640x64xf32, #tpu.memory_space<vmem_shared>>) target(%dma_start3A_203 : memref<640x64xf32, #tpu.memory_space<hbm>>) target_semaphore(%run_scoped3A : memref<!tpu.dma_semaphore, #tpu.memory_space<semaphore_mem>>)
      %dma_wait3A_206 = arith.constant 0 : i32
      %dma_wait3A_207 = tpu.memref_slice %arg5[%arg0, %mul3A_6, %dma_wait3A_206] : memref<2x10240x64xf32, #tpu.memory_space<hbm>> -> memref<1x640x64xf32, #tpu.memory_space<hbm>>
      %dma_wait3A_208 = tpu.memref_squeeze %dma_wait3A_207 : memref<1x640x64xf32, #tpu.memory_space<hbm>> -> memref<640x64xf32, #tpu.memory_space<hbm>>
      %dma_wait3A_209 = arith.constant 0 : i32
      %dma_wait3A_210 = tpu.memref_slice %arg14[%mul3A_6, %dma_wait3A_209] : memref<10240x64xf32, #tpu.memory_space<vmem_shared>> -> memref<640x64xf32, #tpu.memory_space<vmem_shared>>
      tpu.wait_dma2 semaphore(%run_scoped3A : memref<!tpu.dma_semaphore, #tpu.memory_space<semaphore_mem>>) src(%dma_wait3A_210 : memref<640x64xf32, #tpu.memory_space<vmem_shared>>) dst(%dma_wait3A_208 : memref<640x64xf32, #tpu.memory_space<hbm>>)
      tpu.yield
    }) : () -> ()
    return
  }
}

#map = affine_map<(d0, d1) -> (0, 0, 0)>
module attributes {stable_mosaic.version = 14 : i64} {
  func.func @spmm(%arg0: i32, %arg1: i32, %arg2: memref<2x10000x32xf32, #tpu.memory_space<hbm>>, %arg3: memref<16x250x80xi32, #tpu.memory_space<hbm>>, %arg4: memref<16x250x80xi32, #tpu.memory_space<hbm>>, %arg5: memref<2x10240x32xf32, #tpu.memory_space<hbm>>, %arg6: memref<250x80xi32, #tpu.memory_space<vmem>>, %arg7: memref<250x80xi32, #tpu.memory_space<vmem>>, %arg8: memref<80x32xf32, #tpu.memory_space<vmem>>, %arg9: memref<80x32xf32, #tpu.memory_space<vmem>>, %arg10: memref<80x32xf32, #tpu.memory_space<vmem>>, %arg11: memref<80x32xf32, #tpu.memory_space<vmem>>, %arg12: memref<80x32xf32, #tpu.memory_space<vmem>>, %arg13: memref<80x32xf32, #tpu.memory_space<vmem>>, %arg14: memref<80x32xf32, #tpu.memory_space<vmem>>, %arg15: memref<80x32xf32, #tpu.memory_space<vmem>>, %arg16: memref<80x32xf32, #tpu.memory_space<vmem>>, %arg17: memref<80x32xf32, #tpu.memory_space<vmem>>, %arg18: memref<128x32xf32, #tpu.memory_space<vmem>>, %arg19: memref<10240x32xf32, #tpu.memory_space<vmem_shared>>, %arg20: memref<!tpu.dma_semaphore, #tpu.memory_space<semaphore_mem>>, %arg21: memref<!tpu.dma_semaphore, #tpu.memory_space<semaphore_mem>>, %arg22: memref<!tpu.dma_semaphore, #tpu.memory_space<semaphore_mem>>, %arg23: memref<!tpu.dma_semaphore, #tpu.memory_space<semaphore_mem>>, %arg24: memref<!tpu.dma_semaphore, #tpu.memory_space<semaphore_mem>>, %arg25: memref<!tpu.dma_semaphore, #tpu.memory_space<semaphore_mem>>, %arg26: memref<!tpu.dma_semaphore, #tpu.memory_space<semaphore_mem>>, %arg27: memref<!tpu.dma_semaphore, #tpu.memory_space<semaphore_mem>>, %arg28: memref<!tpu.dma_semaphore, #tpu.memory_space<semaphore_mem>>, %arg29: memref<!tpu.dma_semaphore, #tpu.memory_space<semaphore_mem>>, %arg30: memref<!tpu.dma_semaphore, #tpu.memory_space<semaphore_mem>>, %arg31: memref<!tpu.dma_semaphore, #tpu.memory_space<semaphore_mem>>, %arg32: memref<!tpu.dma_semaphore, #tpu.memory_space<semaphore_mem>>, %arg33: memref<!tpu.dma_semaphore, #tpu.memory_space<semaphore_mem>>, %arg34: memref<!tpu.dma_semaphore, #tpu.memory_space<semaphore_mem>>, %arg35: memref<!tpu.dma_semaphore, #tpu.memory_space<semaphore_mem>>, %arg36: memref<!tpu.dma_semaphore, #tpu.memory_space<semaphore_mem>>, %arg37: memref<!tpu.dma_semaphore, #tpu.memory_space<semaphore_mem>>, %arg38: memref<!tpu.dma_semaphore, #tpu.memory_space<semaphore_mem>>, %arg39: memref<!tpu.dma_semaphore, #tpu.memory_space<semaphore_mem>>) attributes {dimension_semantics = [#tpu.dimension_semantics<core_parallel>, #tpu.dimension_semantics<subcore_parallel>], iteration_bounds = array<i64: 2, 16>, scalar_prefetch = 0 : i64, scratch_operands = 34 : i64, tpu.core_type = #tpu.core_type<sc_vector_subcore>, window_params = [{transform_indices = #map}, {transform_indices = #map}, {transform_indices = #map}, {transform_indices = #map}]} {
    "tpu.region"() ({
      %run_scoped3A = tpu.sem_alloc : memref<!tpu.dma_semaphore, #tpu.memory_space<semaphore_mem>>
      %dma_start3A_381 = arith.constant 0 : i32
      %dma_start3A_382 = arith.constant 0 : i32
      %dma_start3A_383 = tpu.memref_slice %arg3[%arg1, %dma_start3A_381, %dma_start3A_382] : memref<16x250x80xi32, #tpu.memory_space<hbm>> -> memref<1x250x80xi32, #tpu.memory_space<hbm>>
      %dma_start3A_384 = tpu.memref_squeeze %dma_start3A_383 : memref<1x250x80xi32, #tpu.memory_space<hbm>> -> memref<250x80xi32, #tpu.memory_space<hbm>>
      %dma_start3A_385 = arith.constant 0 : i32
      %dma_start3A_386 = arith.constant 0 : i32
      %dma_start3A_387 = tpu.memref_slice %arg3[%arg1, %dma_start3A_385, %dma_start3A_386] : memref<16x250x80xi32, #tpu.memory_space<hbm>> -> memref<1x250x80xi32, #tpu.memory_space<hbm>>
      %dma_start3A_388 = tpu.memref_squeeze %dma_start3A_387 : memref<1x250x80xi32, #tpu.memory_space<hbm>> -> memref<250x80xi32, #tpu.memory_space<hbm>>
      tpu.enqueue_dma source(%dma_start3A_388 : memref<250x80xi32, #tpu.memory_space<hbm>>) target(%arg6 : memref<250x80xi32, #tpu.memory_space<vmem>>) target_semaphore(%run_scoped3A : memref<!tpu.dma_semaphore, #tpu.memory_space<semaphore_mem>>)
      %dma_wait3A_389 = arith.constant 0 : i32
      %dma_wait3A_390 = arith.constant 0 : i32
      %dma_wait3A_391 = tpu.memref_slice %arg3[%arg1, %dma_wait3A_389, %dma_wait3A_390] : memref<16x250x80xi32, #tpu.memory_space<hbm>> -> memref<1x250x80xi32, #tpu.memory_space<hbm>>
      %dma_wait3A_392 = tpu.memref_squeeze %dma_wait3A_391 : memref<1x250x80xi32, #tpu.memory_space<hbm>> -> memref<250x80xi32, #tpu.memory_space<hbm>>
      %dma_wait3A_393 = arith.constant 0 : i32
      %dma_wait3A_394 = arith.constant 0 : i32
      %dma_wait3A_395 = tpu.memref_slice %arg3[%arg1, %dma_wait3A_393, %dma_wait3A_394] : memref<16x250x80xi32, #tpu.memory_space<hbm>> -> memref<1x250x80xi32, #tpu.memory_space<hbm>>
      %dma_wait3A_396 = tpu.memref_squeeze %dma_wait3A_395 : memref<1x250x80xi32, #tpu.memory_space<hbm>> -> memref<250x80xi32, #tpu.memory_space<hbm>>
      tpu.wait_dma2 semaphore(%run_scoped3A : memref<!tpu.dma_semaphore, #tpu.memory_space<semaphore_mem>>) src(%dma_wait3A_396 : memref<250x80xi32, #tpu.memory_space<hbm>>) dst(%arg6 : memref<250x80xi32, #tpu.memory_space<vmem>>)
      tpu.yield
    }) : () -> ()
    "tpu.region"() ({
      %run_scoped3A = tpu.sem_alloc : memref<!tpu.dma_semaphore, #tpu.memory_space<semaphore_mem>>
      %dma_start3A_381 = arith.constant 0 : i32
      %dma_start3A_382 = arith.constant 0 : i32
      %dma_start3A_383 = tpu.memref_slice %arg4[%arg1, %dma_start3A_381, %dma_start3A_382] : memref<16x250x80xi32, #tpu.memory_space<hbm>> -> memref<1x250x80xi32, #tpu.memory_space<hbm>>
      %dma_start3A_384 = tpu.memref_squeeze %dma_start3A_383 : memref<1x250x80xi32, #tpu.memory_space<hbm>> -> memref<250x80xi32, #tpu.memory_space<hbm>>
      %dma_start3A_385 = arith.constant 0 : i32
      %dma_start3A_386 = arith.constant 0 : i32
      %dma_start3A_387 = tpu.memref_slice %arg4[%arg1, %dma_start3A_385, %dma_start3A_386] : memref<16x250x80xi32, #tpu.memory_space<hbm>> -> memref<1x250x80xi32, #tpu.memory_space<hbm>>
      %dma_start3A_388 = tpu.memref_squeeze %dma_start3A_387 : memref<1x250x80xi32, #tpu.memory_space<hbm>> -> memref<250x80xi32, #tpu.memory_space<hbm>>
      tpu.enqueue_dma source(%dma_start3A_388 : memref<250x80xi32, #tpu.memory_space<hbm>>) target(%arg7 : memref<250x80xi32, #tpu.memory_space<vmem>>) target_semaphore(%run_scoped3A : memref<!tpu.dma_semaphore, #tpu.memory_space<semaphore_mem>>)
      %dma_wait3A_389 = arith.constant 0 : i32
      %dma_wait3A_390 = arith.constant 0 : i32
      %dma_wait3A_391 = tpu.memref_slice %arg4[%arg1, %dma_wait3A_389, %dma_wait3A_390] : memref<16x250x80xi32, #tpu.memory_space<hbm>> -> memref<1x250x80xi32, #tpu.memory_space<hbm>>
      %dma_wait3A_392 = tpu.memref_squeeze %dma_wait3A_391 : memref<1x250x80xi32, #tpu.memory_space<hbm>> -> memref<250x80xi32, #tpu.memory_space<hbm>>
      %dma_wait3A_393 = arith.constant 0 : i32
      %dma_wait3A_394 = arith.constant 0 : i32
      %dma_wait3A_395 = tpu.memref_slice %arg4[%arg1, %dma_wait3A_393, %dma_wait3A_394] : memref<16x250x80xi32, #tpu.memory_space<hbm>> -> memref<1x250x80xi32, #tpu.memory_space<hbm>>
      %dma_wait3A_396 = tpu.memref_squeeze %dma_wait3A_395 : memref<1x250x80xi32, #tpu.memory_space<hbm>> -> memref<250x80xi32, #tpu.memory_space<hbm>>
      tpu.wait_dma2 semaphore(%run_scoped3A : memref<!tpu.dma_semaphore, #tpu.memory_space<semaphore_mem>>) src(%dma_wait3A_396 : memref<250x80xi32, #tpu.memory_space<hbm>>) dst(%arg7 : memref<250x80xi32, #tpu.memory_space<vmem>>)
      tpu.yield
    }) : () -> ()
    %broadcast_in_dim3A = arith.constant 0.000000e+00 : f32
    %broadcast_in_dim3A_0 = vector.broadcast %broadcast_in_dim3A : f32 to vector<16xf32>
    %scan3A = arith.constant 0 : i32
    %scan3A_1 = arith.constant 0 : i32
    %scan3A_2 = arith.constant 128 : i32
    %scan3A_3 = arith.addi %scan3A_1, %scan3A_2 : i32
    %scan3A_4 = arith.constant 1 : i32
    scf.for %scan3A_381 = %scan3A_1 to %scan3A_3 step %scan3A_4  : i32 {
      %swap3A = arith.index_cast %scan3A_381 : i32 to index
      %swap3A_382 = arith.constant 0 : index
      %swap3A_383 = tpu.vector_load %arg18[%swap3A, %swap3A_382] {strides = array<i32>} : memref<128x32xf32, #tpu.memory_space<vmem>>, vector<1x16xf32>,
      %swap3A_384 = vector.shape_cast %swap3A_383 : vector<1x16xf32> to vector<16xf32>
      %swap3A_385 = vector.shape_cast %broadcast_in_dim3A_0 : vector<16xf32> to vector<1x16xf32>
      tpu.vector_store %arg18[%swap3A, %swap3A_382], %swap3A_385 {strides = array<i32>} : memref<128x32xf32, #tpu.memory_space<vmem>>, vector<1x16xf32>,
      %swap3A_386 = arith.index_cast %scan3A_381 : i32 to index
      %swap3A_387 = arith.constant 16 : index
      %swap3A_388 = tpu.vector_load %arg18[%swap3A_386, %swap3A_387] {strides = array<i32>} : memref<128x32xf32, #tpu.memory_space<vmem>>, vector<1x16xf32>,
      %swap3A_389 = vector.shape_cast %swap3A_388 : vector<1x16xf32> to vector<16xf32>
      %swap3A_390 = vector.shape_cast %broadcast_in_dim3A_0 : vector<16xf32> to vector<1x16xf32>
      tpu.vector_store %arg18[%swap3A_386, %swap3A_387], %swap3A_390 {strides = array<i32>} : memref<128x32xf32, #tpu.memory_space<vmem>>, vector<1x16xf32>,
    }
    %scan3A_5 = arith.constant 128 : i32
    %mul3A = arith.constant 640 : i32
    %mul3A_6 = arith.muli %arg1, %mul3A : i32
    %add3A = arith.constant 0 : i32
    %add3A_7 = arith.addi %mul3A_6, %add3A : i32
    "tpu.region"() ({
      %run_scoped3A = tpu.sem_alloc : memref<!tpu.dma_semaphore, #tpu.memory_space<semaphore_mem>>
      %dma_start3A_381 = arith.constant 0 : i32
      %dma_start3A_382 = tpu.memref_slice %arg19[%add3A_7, %dma_start3A_381] : memref<10240x32xf32, #tpu.memory_space<vmem_shared>> -> memref<128x32xf32, #tpu.memory_space<vmem_shared>>
      %dma_start3A_383 = arith.constant 0 : i32
      %dma_start3A_384 = tpu.memref_slice %arg19[%add3A_7, %dma_start3A_383] : memref<10240x32xf32, #tpu.memory_space<vmem_shared>> -> memref<128x32xf32, #tpu.memory_space<vmem_shared>>
      tpu.enqueue_dma source(%arg18 : memref<128x32xf32, #tpu.memory_space<vmem>>) target(%dma_start3A_384 : memref<128x32xf32, #tpu.memory_space<vmem_shared>>) target_semaphore(%run_scoped3A : memref<!tpu.dma_semaphore, #tpu.memory_space<semaphore_mem>>)
      %dma_wait3A_385 = arith.constant 0 : i32
      %dma_wait3A_386 = tpu.memref_slice %arg19[%add3A_7, %dma_wait3A_385] : memref<10240x32xf32, #tpu.memory_space<vmem_shared>> -> memref<128x32xf32, #tpu.memory_space<vmem_shared>>
      %dma_wait3A_387 = arith.constant 0 : i32
      %dma_wait3A_388 = tpu.memref_slice %arg19[%add3A_7, %dma_wait3A_387] : memref<10240x32xf32, #tpu.memory_space<vmem_shared>> -> memref<128x32xf32, #tpu.memory_space<vmem_shared>>
      tpu.wait_dma2 semaphore(%run_scoped3A : memref<!tpu.dma_semaphore, #tpu.memory_space<semaphore_mem>>) src(%arg18 : memref<128x32xf32, #tpu.memory_space<vmem>>) dst(%dma_wait3A_388 : memref<128x32xf32, #tpu.memory_space<vmem_shared>>)
      tpu.yield
    }) : () -> ()
    %add3A_8 = arith.constant 128 : i32
    %add3A_9 = arith.addi %mul3A_6, %add3A_8 : i32
    "tpu.region"() ({
      %run_scoped3A = tpu.sem_alloc : memref<!tpu.dma_semaphore, #tpu.memory_space<semaphore_mem>>
      %dma_start3A_381 = arith.constant 0 : i32
      %dma_start3A_382 = tpu.memref_slice %arg19[%add3A_9, %dma_start3A_381] : memref<10240x32xf32, #tpu.memory_space<vmem_shared>> -> memref<128x32xf32, #tpu.memory_space<vmem_shared>>
      %dma_start3A_383 = arith.constant 0 : i32
      %dma_start3A_384 = tpu.memref_slice %arg19[%add3A_9, %dma_start3A_383] : memref<10240x32xf32, #tpu.memory_space<vmem_shared>> -> memref<128x32xf32, #tpu.memory_space<vmem_shared>>
      tpu.enqueue_dma source(%arg18 : memref<128x32xf32, #tpu.memory_space<vmem>>) target(%dma_start3A_384 : memref<128x32xf32, #tpu.memory_space<vmem_shared>>) target_semaphore(%run_scoped3A : memref<!tpu.dma_semaphore, #tpu.memory_space<semaphore_mem>>)
      %dma_wait3A_385 = arith.constant 0 : i32
      %dma_wait3A_386 = tpu.memref_slice %arg19[%add3A_9, %dma_wait3A_385] : memref<10240x32xf32, #tpu.memory_space<vmem_shared>> -> memref<128x32xf32, #tpu.memory_space<vmem_shared>>
      %dma_wait3A_387 = arith.constant 0 : i32
      %dma_wait3A_388 = tpu.memref_slice %arg19[%add3A_9, %dma_wait3A_387] : memref<10240x32xf32, #tpu.memory_space<vmem_shared>> -> memref<128x32xf32, #tpu.memory_space<vmem_shared>>
      tpu.wait_dma2 semaphore(%run_scoped3A : memref<!tpu.dma_semaphore, #tpu.memory_space<semaphore_mem>>) src(%arg18 : memref<128x32xf32, #tpu.memory_space<vmem>>) dst(%dma_wait3A_388 : memref<128x32xf32, #tpu.memory_space<vmem_shared>>)
      tpu.yield
    }) : () -> ()
    %add3A_10 = arith.constant 256 : i32
    %add3A_11 = arith.addi %mul3A_6, %add3A_10 : i32
    "tpu.region"() ({
      %run_scoped3A = tpu.sem_alloc : memref<!tpu.dma_semaphore, #tpu.memory_space<semaphore_mem>>
      %dma_start3A_381 = arith.constant 0 : i32
      %dma_start3A_382 = tpu.memref_slice %arg19[%add3A_11, %dma_start3A_381] : memref<10240x32xf32, #tpu.memory_space<vmem_shared>> -> memref<128x32xf32, #tpu.memory_space<vmem_shared>>
      %dma_start3A_383 = arith.constant 0 : i32
      %dma_start3A_384 = tpu.memref_slice %arg19[%add3A_11, %dma_start3A_383] : memref<10240x32xf32, #tpu.memory_space<vmem_shared>> -> memref<128x32xf32, #tpu.memory_space<vmem_shared>>
      tpu.enqueue_dma source(%arg18 : memref<128x32xf32, #tpu.memory_space<vmem>>) target(%dma_start3A_384 : memref<128x32xf32, #tpu.memory_space<vmem_shared>>) target_semaphore(%run_scoped3A : memref<!tpu.dma_semaphore, #tpu.memory_space<semaphore_mem>>)
      %dma_wait3A_385 = arith.constant 0 : i32
      %dma_wait3A_386 = tpu.memref_slice %arg19[%add3A_11, %dma_wait3A_385] : memref<10240x32xf32, #tpu.memory_space<vmem_shared>> -> memref<128x32xf32, #tpu.memory_space<vmem_shared>>
      %dma_wait3A_387 = arith.constant 0 : i32
      %dma_wait3A_388 = tpu.memref_slice %arg19[%add3A_11, %dma_wait3A_387] : memref<10240x32xf32, #tpu.memory_space<vmem_shared>> -> memref<128x32xf32, #tpu.memory_space<vmem_shared>>
      tpu.wait_dma2 semaphore(%run_scoped3A : memref<!tpu.dma_semaphore, #tpu.memory_space<semaphore_mem>>) src(%arg18 : memref<128x32xf32, #tpu.memory_space<vmem>>) dst(%dma_wait3A_388 : memref<128x32xf32, #tpu.memory_space<vmem_shared>>)
      tpu.yield
    }) : () -> ()
    %add3A_12 = arith.constant 384 : i32
    %add3A_13 = arith.addi %mul3A_6, %add3A_12 : i32
    "tpu.region"() ({
      %run_scoped3A = tpu.sem_alloc : memref<!tpu.dma_semaphore, #tpu.memory_space<semaphore_mem>>
      %dma_start3A_381 = arith.constant 0 : i32
      %dma_start3A_382 = tpu.memref_slice %arg19[%add3A_13, %dma_start3A_381] : memref<10240x32xf32, #tpu.memory_space<vmem_shared>> -> memref<128x32xf32, #tpu.memory_space<vmem_shared>>
      %dma_start3A_383 = arith.constant 0 : i32
      %dma_start3A_384 = tpu.memref_slice %arg19[%add3A_13, %dma_start3A_383] : memref<10240x32xf32, #tpu.memory_space<vmem_shared>> -> memref<128x32xf32, #tpu.memory_space<vmem_shared>>
      tpu.enqueue_dma source(%arg18 : memref<128x32xf32, #tpu.memory_space<vmem>>) target(%dma_start3A_384 : memref<128x32xf32, #tpu.memory_space<vmem_shared>>) target_semaphore(%run_scoped3A : memref<!tpu.dma_semaphore, #tpu.memory_space<semaphore_mem>>)
      %dma_wait3A_385 = arith.constant 0 : i32
      %dma_wait3A_386 = tpu.memref_slice %arg19[%add3A_13, %dma_wait3A_385] : memref<10240x32xf32, #tpu.memory_space<vmem_shared>> -> memref<128x32xf32, #tpu.memory_space<vmem_shared>>
      %dma_wait3A_387 = arith.constant 0 : i32
      %dma_wait3A_388 = tpu.memref_slice %arg19[%add3A_13, %dma_wait3A_387] : memref<10240x32xf32, #tpu.memory_space<vmem_shared>> -> memref<128x32xf32, #tpu.memory_space<vmem_shared>>
      tpu.wait_dma2 semaphore(%run_scoped3A : memref<!tpu.dma_semaphore, #tpu.memory_space<semaphore_mem>>) src(%arg18 : memref<128x32xf32, #tpu.memory_space<vmem>>) dst(%dma_wait3A_388 : memref<128x32xf32, #tpu.memory_space<vmem_shared>>)
      tpu.yield
    }) : () -> ()
    %add3A_14 = arith.constant 512 : i32
    %add3A_15 = arith.addi %mul3A_6, %add3A_14 : i32
    "tpu.region"() ({
      %run_scoped3A = tpu.sem_alloc : memref<!tpu.dma_semaphore, #tpu.memory_space<semaphore_mem>>
      %dma_start3A_381 = arith.constant 0 : i32
      %dma_start3A_382 = tpu.memref_slice %arg19[%add3A_15, %dma_start3A_381] : memref<10240x32xf32, #tpu.memory_space<vmem_shared>> -> memref<128x32xf32, #tpu.memory_space<vmem_shared>>
      %dma_start3A_383 = arith.constant 0 : i32
      %dma_start3A_384 = tpu.memref_slice %arg19[%add3A_15, %dma_start3A_383] : memref<10240x32xf32, #tpu.memory_space<vmem_shared>> -> memref<128x32xf32, #tpu.memory_space<vmem_shared>>
      tpu.enqueue_dma source(%arg18 : memref<128x32xf32, #tpu.memory_space<vmem>>) target(%dma_start3A_384 : memref<128x32xf32, #tpu.memory_space<vmem_shared>>) target_semaphore(%run_scoped3A : memref<!tpu.dma_semaphore, #tpu.memory_space<semaphore_mem>>)
      %dma_wait3A_385 = arith.constant 0 : i32
      %dma_wait3A_386 = tpu.memref_slice %arg19[%add3A_15, %dma_wait3A_385] : memref<10240x32xf32, #tpu.memory_space<vmem_shared>> -> memref<128x32xf32, #tpu.memory_space<vmem_shared>>
      %dma_wait3A_387 = arith.constant 0 : i32
      %dma_wait3A_388 = tpu.memref_slice %arg19[%add3A_15, %dma_wait3A_387] : memref<10240x32xf32, #tpu.memory_space<vmem_shared>> -> memref<128x32xf32, #tpu.memory_space<vmem_shared>>
      tpu.wait_dma2 semaphore(%run_scoped3A : memref<!tpu.dma_semaphore, #tpu.memory_space<semaphore_mem>>) src(%arg18 : memref<128x32xf32, #tpu.memory_space<vmem>>) dst(%dma_wait3A_388 : memref<128x32xf32, #tpu.memory_space<vmem_shared>>)
      tpu.yield
    }) : () -> ()
    %barrier3A = arith.constant 0 : index
    tpu.barrier barrier_id(%barrier3A)
    %dma_start3A = arith.constant 0 : i32
    %dma_start3A_16 = arith.constant 0 : i32
    %dma_start3A_17 = tpu.memref_slice %arg6[%dma_start3A, %dma_start3A_16] : memref<250x80xi32, #tpu.memory_space<vmem>> -> memref<1x80xi32, #tpu.memory_space<vmem>>
    %dma_start3A_18 = tpu.memref_squeeze %dma_start3A_17 : memref<1x80xi32, #tpu.memory_space<vmem>> -> memref<80xi32, #tpu.memory_space<vmem>>
    %dma_start3A_19 = arith.constant 0 : i32
    %dma_start3A_20 = arith.constant 0 : i32
    %dma_start3A_21 = tpu.memref_slice %arg2[%arg0, %dma_start3A_19, %dma_start3A_20] : memref<2x10000x32xf32, #tpu.memory_space<hbm>> -> memref<1x10000x32xf32, #tpu.memory_space<hbm>>
    %dma_start3A_22 = tpu.memref_squeeze %dma_start3A_21 : memref<1x10000x32xf32, #tpu.memory_space<hbm>> -> memref<10000x32xf32, #tpu.memory_space<hbm>>
    %dma_start3A_23 = arith.constant 0 : i32
    %dma_start3A_24 = arith.constant 0 : i32
    %dma_start3A_25 = tpu.memref_slice %dma_start3A_22[%dma_start3A_23, %dma_start3A_24] : memref<10000x32xf32, #tpu.memory_space<hbm>> -> memref<10000x32xf32, #tpu.memory_space<hbm>>
    tpu.enqueue_indirect_dma source(%dma_start3A_25 : memref<10000x32xf32, #tpu.memory_space<hbm>>) target(%arg8 : memref<80x32xf32, #tpu.memory_space<vmem>>) offsets(%dma_start3A_18 : memref<80xi32, #tpu.memory_space<vmem>>) semaphore(%arg20 : memref<!tpu.dma_semaphore, #tpu.memory_space<semaphore_mem>>)
    %dma_start3A_26 = arith.constant 1 : i32
    %dma_start3A_27 = arith.constant 0 : i32
    %dma_start3A_28 = tpu.memref_slice %arg6[%dma_start3A_26, %dma_start3A_27] : memref<250x80xi32, #tpu.memory_space<vmem>> -> memref<1x80xi32, #tpu.memory_space<vmem>>
    %dma_start3A_29 = tpu.memref_squeeze %dma_start3A_28 : memref<1x80xi32, #tpu.memory_space<vmem>> -> memref<80xi32, #tpu.memory_space<vmem>>
    %dma_start3A_30 = arith.constant 0 : i32
    %dma_start3A_31 = arith.constant 0 : i32
    %dma_start3A_32 = tpu.memref_slice %arg2[%arg0, %dma_start3A_30, %dma_start3A_31] : memref<2x10000x32xf32, #tpu.memory_space<hbm>> -> memref<1x10000x32xf32, #tpu.memory_space<hbm>>
    %dma_start3A_33 = tpu.memref_squeeze %dma_start3A_32 : memref<1x10000x32xf32, #tpu.memory_space<hbm>> -> memref<10000x32xf32, #tpu.memory_space<hbm>>
    %dma_start3A_34 = arith.constant 0 : i32
    %dma_start3A_35 = arith.constant 0 : i32
    %dma_start3A_36 = tpu.memref_slice %dma_start3A_33[%dma_start3A_34, %dma_start3A_35] : memref<10000x32xf32, #tpu.memory_space<hbm>> -> memref<10000x32xf32, #tpu.memory_space<hbm>>
    tpu.enqueue_indirect_dma source(%dma_start3A_36 : memref<10000x32xf32, #tpu.memory_space<hbm>>) target(%arg9 : memref<80x32xf32, #tpu.memory_space<vmem>>) offsets(%dma_start3A_29 : memref<80xi32, #tpu.memory_space<vmem>>) semaphore(%arg21 : memref<!tpu.dma_semaphore, #tpu.memory_space<semaphore_mem>>)
    %dma_start3A_37 = arith.constant 2 : i32
    %dma_start3A_38 = arith.constant 0 : i32
    %dma_start3A_39 = tpu.memref_slice %arg6[%dma_start3A_37, %dma_start3A_38] : memref<250x80xi32, #tpu.memory_space<vmem>> -> memref<1x80xi32, #tpu.memory_space<vmem>>
    %dma_start3A_40 = tpu.memref_squeeze %dma_start3A_39 : memref<1x80xi32, #tpu.memory_space<vmem>> -> memref<80xi32, #tpu.memory_space<vmem>>
    %dma_start3A_41 = arith.constant 0 : i32
    %dma_start3A_42 = arith.constant 0 : i32
    %dma_start3A_43 = tpu.memref_slice %arg2[%arg0, %dma_start3A_41, %dma_start3A_42] : memref<2x10000x32xf32, #tpu.memory_space<hbm>> -> memref<1x10000x32xf32, #tpu.memory_space<hbm>>
    %dma_start3A_44 = tpu.memref_squeeze %dma_start3A_43 : memref<1x10000x32xf32, #tpu.memory_space<hbm>> -> memref<10000x32xf32, #tpu.memory_space<hbm>>
    %dma_start3A_45 = arith.constant 0 : i32
    %dma_start3A_46 = arith.constant 0 : i32
    %dma_start3A_47 = tpu.memref_slice %dma_start3A_44[%dma_start3A_45, %dma_start3A_46] : memref<10000x32xf32, #tpu.memory_space<hbm>> -> memref<10000x32xf32, #tpu.memory_space<hbm>>
    tpu.enqueue_indirect_dma source(%dma_start3A_47 : memref<10000x32xf32, #tpu.memory_space<hbm>>) target(%arg10 : memref<80x32xf32, #tpu.memory_space<vmem>>) offsets(%dma_start3A_40 : memref<80xi32, #tpu.memory_space<vmem>>) semaphore(%arg22 : memref<!tpu.dma_semaphore, #tpu.memory_space<semaphore_mem>>)
    %dma_start3A_48 = arith.constant 3 : i32
    %dma_start3A_49 = arith.constant 0 : i32
    %dma_start3A_50 = tpu.memref_slice %arg6[%dma_start3A_48, %dma_start3A_49] : memref<250x80xi32, #tpu.memory_space<vmem>> -> memref<1x80xi32, #tpu.memory_space<vmem>>
    %dma_start3A_51 = tpu.memref_squeeze %dma_start3A_50 : memref<1x80xi32, #tpu.memory_space<vmem>> -> memref<80xi32, #tpu.memory_space<vmem>>
    %dma_start3A_52 = arith.constant 0 : i32
    %dma_start3A_53 = arith.constant 0 : i32
    %dma_start3A_54 = tpu.memref_slice %arg2[%arg0, %dma_start3A_52, %dma_start3A_53] : memref<2x10000x32xf32, #tpu.memory_space<hbm>> -> memref<1x10000x32xf32, #tpu.memory_space<hbm>>
    %dma_start3A_55 = tpu.memref_squeeze %dma_start3A_54 : memref<1x10000x32xf32, #tpu.memory_space<hbm>> -> memref<10000x32xf32, #tpu.memory_space<hbm>>
    %dma_start3A_56 = arith.constant 0 : i32
    %dma_start3A_57 = arith.constant 0 : i32
    %dma_start3A_58 = tpu.memref_slice %dma_start3A_55[%dma_start3A_56, %dma_start3A_57] : memref<10000x32xf32, #tpu.memory_space<hbm>> -> memref<10000x32xf32, #tpu.memory_space<hbm>>
    tpu.enqueue_indirect_dma source(%dma_start3A_58 : memref<10000x32xf32, #tpu.memory_space<hbm>>) target(%arg11 : memref<80x32xf32, #tpu.memory_space<vmem>>) offsets(%dma_start3A_51 : memref<80xi32, #tpu.memory_space<vmem>>) semaphore(%arg23 : memref<!tpu.dma_semaphore, #tpu.memory_space<semaphore_mem>>)
    %dma_start3A_59 = arith.constant 4 : i32
    %dma_start3A_60 = arith.constant 0 : i32
    %dma_start3A_61 = tpu.memref_slice %arg6[%dma_start3A_59, %dma_start3A_60] : memref<250x80xi32, #tpu.memory_space<vmem>> -> memref<1x80xi32, #tpu.memory_space<vmem>>
    %dma_start3A_62 = tpu.memref_squeeze %dma_start3A_61 : memref<1x80xi32, #tpu.memory_space<vmem>> -> memref<80xi32, #tpu.memory_space<vmem>>
    %dma_start3A_63 = arith.constant 0 : i32
    %dma_start3A_64 = arith.constant 0 : i32
    %dma_start3A_65 = tpu.memref_slice %arg2[%arg0, %dma_start3A_63, %dma_start3A_64] : memref<2x10000x32xf32, #tpu.memory_space<hbm>> -> memref<1x10000x32xf32, #tpu.memory_space<hbm>>
    %dma_start3A_66 = tpu.memref_squeeze %dma_start3A_65 : memref<1x10000x32xf32, #tpu.memory_space<hbm>> -> memref<10000x32xf32, #tpu.memory_space<hbm>>
    %dma_start3A_67 = arith.constant 0 : i32
    %dma_start3A_68 = arith.constant 0 : i32
    %dma_start3A_69 = tpu.memref_slice %dma_start3A_66[%dma_start3A_67, %dma_start3A_68] : memref<10000x32xf32, #tpu.memory_space<hbm>> -> memref<10000x32xf32, #tpu.memory_space<hbm>>
    tpu.enqueue_indirect_dma source(%dma_start3A_69 : memref<10000x32xf32, #tpu.memory_space<hbm>>) target(%arg12 : memref<80x32xf32, #tpu.memory_space<vmem>>) offsets(%dma_start3A_62 : memref<80xi32, #tpu.memory_space<vmem>>) semaphore(%arg24 : memref<!tpu.dma_semaphore, #tpu.memory_space<semaphore_mem>>)
    %dma_wait3A = arith.constant 0 : i32
    %dma_wait3A_70 = arith.constant 0 : i32
    %dma_wait3A_71 = tpu.memref_slice %arg6[%dma_wait3A, %dma_wait3A_70] : memref<250x80xi32, #tpu.memory_space<vmem>> -> memref<1x80xi32, #tpu.memory_space<vmem>>
    %dma_wait3A_72 = tpu.memref_squeeze %dma_wait3A_71 : memref<1x80xi32, #tpu.memory_space<vmem>> -> memref<80xi32, #tpu.memory_space<vmem>>
    %dma_wait3A_73 = arith.constant 0 : i32
    %dma_wait3A_74 = arith.constant 0 : i32
    %dma_wait3A_75 = tpu.memref_slice %arg2[%arg0, %dma_wait3A_73, %dma_wait3A_74] : memref<2x10000x32xf32, #tpu.memory_space<hbm>> -> memref<1x10000x32xf32, #tpu.memory_space<hbm>>
    %dma_wait3A_76 = tpu.memref_squeeze %dma_wait3A_75 : memref<1x10000x32xf32, #tpu.memory_space<hbm>> -> memref<10000x32xf32, #tpu.memory_space<hbm>>
    %dma_wait3A_77 = arith.constant 0 : i32
    %dma_wait3A_78 = arith.constant 0 : i32
    %dma_wait3A_79 = tpu.memref_slice %dma_wait3A_76[%dma_wait3A_77, %dma_wait3A_78] : memref<10000x32xf32, #tpu.memory_space<hbm>> -> memref<10000x32xf32, #tpu.memory_space<hbm>>
    tpu.wait_indirect_dma semaphore(%arg20 : memref<!tpu.dma_semaphore, #tpu.memory_space<semaphore_mem>>) src(%dma_wait3A_79 : memref<10000x32xf32, #tpu.memory_space<hbm>>) dst(%arg8 : memref<80x32xf32, #tpu.memory_space<vmem>>)
    %dma_start3A_80 = arith.constant 0 : i32
    %dma_start3A_81 = arith.constant 0 : i32
    %dma_start3A_82 = tpu.memref_slice %arg7[%dma_start3A_80, %dma_start3A_81] : memref<250x80xi32, #tpu.memory_space<vmem>> -> memref<1x80xi32, #tpu.memory_space<vmem>>
    %dma_start3A_83 = tpu.memref_squeeze %dma_start3A_82 : memref<1x80xi32, #tpu.memory_space<vmem>> -> memref<80xi32, #tpu.memory_space<vmem>>
    %dma_start3A_84 = arith.constant 0 : i32
    %dma_start3A_85 = arith.constant 0 : i32
    %dma_start3A_86 = tpu.memref_slice %arg19[%dma_start3A_84, %dma_start3A_85] : memref<10240x32xf32, #tpu.memory_space<vmem_shared>> -> memref<10240x32xf32, #tpu.memory_space<vmem_shared>>
    tpu.enqueue_indirect_dma source(%arg8 : memref<80x32xf32, #tpu.memory_space<vmem>>) target(%dma_start3A_86 : memref<10240x32xf32, #tpu.memory_space<vmem_shared>>) offsets(%dma_start3A_83 : memref<80xi32, #tpu.memory_space<vmem>>) semaphore(%arg30 : memref<!tpu.dma_semaphore, #tpu.memory_space<semaphore_mem>>) {add = true}
    %dma_start3A_87 = arith.constant 5 : i32
    %dma_start3A_88 = arith.constant 0 : i32
    %dma_start3A_89 = tpu.memref_slice %arg6[%dma_start3A_87, %dma_start3A_88] : memref<250x80xi32, #tpu.memory_space<vmem>> -> memref<1x80xi32, #tpu.memory_space<vmem>>
    %dma_start3A_90 = tpu.memref_squeeze %dma_start3A_89 : memref<1x80xi32, #tpu.memory_space<vmem>> -> memref<80xi32, #tpu.memory_space<vmem>>
    %dma_start3A_91 = arith.constant 0 : i32
    %dma_start3A_92 = arith.constant 0 : i32
    %dma_start3A_93 = tpu.memref_slice %arg2[%arg0, %dma_start3A_91, %dma_start3A_92] : memref<2x10000x32xf32, #tpu.memory_space<hbm>> -> memref<1x10000x32xf32, #tpu.memory_space<hbm>>
    %dma_start3A_94 = tpu.memref_squeeze %dma_start3A_93 : memref<1x10000x32xf32, #tpu.memory_space<hbm>> -> memref<10000x32xf32, #tpu.memory_space<hbm>>
    %dma_start3A_95 = arith.constant 0 : i32
    %dma_start3A_96 = arith.constant 0 : i32
    %dma_start3A_97 = tpu.memref_slice %dma_start3A_94[%dma_start3A_95, %dma_start3A_96] : memref<10000x32xf32, #tpu.memory_space<hbm>> -> memref<10000x32xf32, #tpu.memory_space<hbm>>
    tpu.enqueue_indirect_dma source(%dma_start3A_97 : memref<10000x32xf32, #tpu.memory_space<hbm>>) target(%arg13 : memref<80x32xf32, #tpu.memory_space<vmem>>) offsets(%dma_start3A_90 : memref<80xi32, #tpu.memory_space<vmem>>) semaphore(%arg25 : memref<!tpu.dma_semaphore, #tpu.memory_space<semaphore_mem>>)
    %dma_wait3A_98 = arith.constant 1 : i32
    %dma_wait3A_99 = arith.constant 0 : i32
    %dma_wait3A_100 = tpu.memref_slice %arg6[%dma_wait3A_98, %dma_wait3A_99] : memref<250x80xi32, #tpu.memory_space<vmem>> -> memref<1x80xi32, #tpu.memory_space<vmem>>
    %dma_wait3A_101 = tpu.memref_squeeze %dma_wait3A_100 : memref<1x80xi32, #tpu.memory_space<vmem>> -> memref<80xi32, #tpu.memory_space<vmem>>
    %dma_wait3A_102 = arith.constant 0 : i32
    %dma_wait3A_103 = arith.constant 0 : i32
    %dma_wait3A_104 = tpu.memref_slice %arg2[%arg0, %dma_wait3A_102, %dma_wait3A_103] : memref<2x10000x32xf32, #tpu.memory_space<hbm>> -> memref<1x10000x32xf32, #tpu.memory_space<hbm>>
    %dma_wait3A_105 = tpu.memref_squeeze %dma_wait3A_104 : memref<1x10000x32xf32, #tpu.memory_space<hbm>> -> memref<10000x32xf32, #tpu.memory_space<hbm>>
    %dma_wait3A_106 = arith.constant 0 : i32
    %dma_wait3A_107 = arith.constant 0 : i32
    %dma_wait3A_108 = tpu.memref_slice %dma_wait3A_105[%dma_wait3A_106, %dma_wait3A_107] : memref<10000x32xf32, #tpu.memory_space<hbm>> -> memref<10000x32xf32, #tpu.memory_space<hbm>>
    tpu.wait_indirect_dma semaphore(%arg21 : memref<!tpu.dma_semaphore, #tpu.memory_space<semaphore_mem>>) src(%dma_wait3A_108 : memref<10000x32xf32, #tpu.memory_space<hbm>>) dst(%arg9 : memref<80x32xf32, #tpu.memory_space<vmem>>)
    %dma_start3A_109 = arith.constant 1 : i32
    %dma_start3A_110 = arith.constant 0 : i32
    %dma_start3A_111 = tpu.memref_slice %arg7[%dma_start3A_109, %dma_start3A_110] : memref<250x80xi32, #tpu.memory_space<vmem>> -> memref<1x80xi32, #tpu.memory_space<vmem>>
    %dma_start3A_112 = tpu.memref_squeeze %dma_start3A_111 : memref<1x80xi32, #tpu.memory_space<vmem>> -> memref<80xi32, #tpu.memory_space<vmem>>
    %dma_start3A_113 = arith.constant 0 : i32
    %dma_start3A_114 = arith.constant 0 : i32
    %dma_start3A_115 = tpu.memref_slice %arg19[%dma_start3A_113, %dma_start3A_114] : memref<10240x32xf32, #tpu.memory_space<vmem_shared>> -> memref<10240x32xf32, #tpu.memory_space<vmem_shared>>
    tpu.enqueue_indirect_dma source(%arg9 : memref<80x32xf32, #tpu.memory_space<vmem>>) target(%dma_start3A_115 : memref<10240x32xf32, #tpu.memory_space<vmem_shared>>) offsets(%dma_start3A_112 : memref<80xi32, #tpu.memory_space<vmem>>) semaphore(%arg31 : memref<!tpu.dma_semaphore, #tpu.memory_space<semaphore_mem>>) {add = true}
    %dma_start3A_116 = arith.constant 6 : i32
    %dma_start3A_117 = arith.constant 0 : i32
    %dma_start3A_118 = tpu.memref_slice %arg6[%dma_start3A_116, %dma_start3A_117] : memref<250x80xi32, #tpu.memory_space<vmem>> -> memref<1x80xi32, #tpu.memory_space<vmem>>
    %dma_start3A_119 = tpu.memref_squeeze %dma_start3A_118 : memref<1x80xi32, #tpu.memory_space<vmem>> -> memref<80xi32, #tpu.memory_space<vmem>>
    %dma_start3A_120 = arith.constant 0 : i32
    %dma_start3A_121 = arith.constant 0 : i32
    %dma_start3A_122 = tpu.memref_slice %arg2[%arg0, %dma_start3A_120, %dma_start3A_121] : memref<2x10000x32xf32, #tpu.memory_space<hbm>> -> memref<1x10000x32xf32, #tpu.memory_space<hbm>>
    %dma_start3A_123 = tpu.memref_squeeze %dma_start3A_122 : memref<1x10000x32xf32, #tpu.memory_space<hbm>> -> memref<10000x32xf32, #tpu.memory_space<hbm>>
    %dma_start3A_124 = arith.constant 0 : i32
    %dma_start3A_125 = arith.constant 0 : i32
    %dma_start3A_126 = tpu.memref_slice %dma_start3A_123[%dma_start3A_124, %dma_start3A_125] : memref<10000x32xf32, #tpu.memory_space<hbm>> -> memref<10000x32xf32, #tpu.memory_space<hbm>>
    tpu.enqueue_indirect_dma source(%dma_start3A_126 : memref<10000x32xf32, #tpu.memory_space<hbm>>) target(%arg14 : memref<80x32xf32, #tpu.memory_space<vmem>>) offsets(%dma_start3A_119 : memref<80xi32, #tpu.memory_space<vmem>>) semaphore(%arg26 : memref<!tpu.dma_semaphore, #tpu.memory_space<semaphore_mem>>)
    %dma_wait3A_127 = arith.constant 2 : i32
    %dma_wait3A_128 = arith.constant 0 : i32
    %dma_wait3A_129 = tpu.memref_slice %arg6[%dma_wait3A_127, %dma_wait3A_128] : memref<250x80xi32, #tpu.memory_space<vmem>> -> memref<1x80xi32, #tpu.memory_space<vmem>>
    %dma_wait3A_130 = tpu.memref_squeeze %dma_wait3A_129 : memref<1x80xi32, #tpu.memory_space<vmem>> -> memref<80xi32, #tpu.memory_space<vmem>>
    %dma_wait3A_131 = arith.constant 0 : i32
    %dma_wait3A_132 = arith.constant 0 : i32
    %dma_wait3A_133 = tpu.memref_slice %arg2[%arg0, %dma_wait3A_131, %dma_wait3A_132] : memref<2x10000x32xf32, #tpu.memory_space<hbm>> -> memref<1x10000x32xf32, #tpu.memory_space<hbm>>
    %dma_wait3A_134 = tpu.memref_squeeze %dma_wait3A_133 : memref<1x10000x32xf32, #tpu.memory_space<hbm>> -> memref<10000x32xf32, #tpu.memory_space<hbm>>
    %dma_wait3A_135 = arith.constant 0 : i32
    %dma_wait3A_136 = arith.constant 0 : i32
    %dma_wait3A_137 = tpu.memref_slice %dma_wait3A_134[%dma_wait3A_135, %dma_wait3A_136] : memref<10000x32xf32, #tpu.memory_space<hbm>> -> memref<10000x32xf32, #tpu.memory_space<hbm>>
    tpu.wait_indirect_dma semaphore(%arg22 : memref<!tpu.dma_semaphore, #tpu.memory_space<semaphore_mem>>) src(%dma_wait3A_137 : memref<10000x32xf32, #tpu.memory_space<hbm>>) dst(%arg10 : memref<80x32xf32, #tpu.memory_space<vmem>>)
    %dma_start3A_138 = arith.constant 2 : i32
    %dma_start3A_139 = arith.constant 0 : i32
    %dma_start3A_140 = tpu.memref_slice %arg7[%dma_start3A_138, %dma_start3A_139] : memref<250x80xi32, #tpu.memory_space<vmem>> -> memref<1x80xi32, #tpu.memory_space<vmem>>
    %dma_start3A_141 = tpu.memref_squeeze %dma_start3A_140 : memref<1x80xi32, #tpu.memory_space<vmem>> -> memref<80xi32, #tpu.memory_space<vmem>>
    %dma_start3A_142 = arith.constant 0 : i32
    %dma_start3A_143 = arith.constant 0 : i32
    %dma_start3A_144 = tpu.memref_slice %arg19[%dma_start3A_142, %dma_start3A_143] : memref<10240x32xf32, #tpu.memory_space<vmem_shared>> -> memref<10240x32xf32, #tpu.memory_space<vmem_shared>>
    tpu.enqueue_indirect_dma source(%arg10 : memref<80x32xf32, #tpu.memory_space<vmem>>) target(%dma_start3A_144 : memref<10240x32xf32, #tpu.memory_space<vmem_shared>>) offsets(%dma_start3A_141 : memref<80xi32, #tpu.memory_space<vmem>>) semaphore(%arg32 : memref<!tpu.dma_semaphore, #tpu.memory_space<semaphore_mem>>) {add = true}
    %dma_start3A_145 = arith.constant 7 : i32
    %dma_start3A_146 = arith.constant 0 : i32
    %dma_start3A_147 = tpu.memref_slice %arg6[%dma_start3A_145, %dma_start3A_146] : memref<250x80xi32, #tpu.memory_space<vmem>> -> memref<1x80xi32, #tpu.memory_space<vmem>>
    %dma_start3A_148 = tpu.memref_squeeze %dma_start3A_147 : memref<1x80xi32, #tpu.memory_space<vmem>> -> memref<80xi32, #tpu.memory_space<vmem>>
    %dma_start3A_149 = arith.constant 0 : i32
    %dma_start3A_150 = arith.constant 0 : i32
    %dma_start3A_151 = tpu.memref_slice %arg2[%arg0, %dma_start3A_149, %dma_start3A_150] : memref<2x10000x32xf32, #tpu.memory_space<hbm>> -> memref<1x10000x32xf32, #tpu.memory_space<hbm>>
    %dma_start3A_152 = tpu.memref_squeeze %dma_start3A_151 : memref<1x10000x32xf32, #tpu.memory_space<hbm>> -> memref<10000x32xf32, #tpu.memory_space<hbm>>
    %dma_start3A_153 = arith.constant 0 : i32
    %dma_start3A_154 = arith.constant 0 : i32
    %dma_start3A_155 = tpu.memref_slice %dma_start3A_152[%dma_start3A_153, %dma_start3A_154] : memref<10000x32xf32, #tpu.memory_space<hbm>> -> memref<10000x32xf32, #tpu.memory_space<hbm>>
    tpu.enqueue_indirect_dma source(%dma_start3A_155 : memref<10000x32xf32, #tpu.memory_space<hbm>>) target(%arg15 : memref<80x32xf32, #tpu.memory_space<vmem>>) offsets(%dma_start3A_148 : memref<80xi32, #tpu.memory_space<vmem>>) semaphore(%arg27 : memref<!tpu.dma_semaphore, #tpu.memory_space<semaphore_mem>>)
    %dma_wait3A_156 = arith.constant 3 : i32
    %dma_wait3A_157 = arith.constant 0 : i32
    %dma_wait3A_158 = tpu.memref_slice %arg6[%dma_wait3A_156, %dma_wait3A_157] : memref<250x80xi32, #tpu.memory_space<vmem>> -> memref<1x80xi32, #tpu.memory_space<vmem>>
    %dma_wait3A_159 = tpu.memref_squeeze %dma_wait3A_158 : memref<1x80xi32, #tpu.memory_space<vmem>> -> memref<80xi32, #tpu.memory_space<vmem>>
    %dma_wait3A_160 = arith.constant 0 : i32
    %dma_wait3A_161 = arith.constant 0 : i32
    %dma_wait3A_162 = tpu.memref_slice %arg2[%arg0, %dma_wait3A_160, %dma_wait3A_161] : memref<2x10000x32xf32, #tpu.memory_space<hbm>> -> memref<1x10000x32xf32, #tpu.memory_space<hbm>>
    %dma_wait3A_163 = tpu.memref_squeeze %dma_wait3A_162 : memref<1x10000x32xf32, #tpu.memory_space<hbm>> -> memref<10000x32xf32, #tpu.memory_space<hbm>>
    %dma_wait3A_164 = arith.constant 0 : i32
    %dma_wait3A_165 = arith.constant 0 : i32
    %dma_wait3A_166 = tpu.memref_slice %dma_wait3A_163[%dma_wait3A_164, %dma_wait3A_165] : memref<10000x32xf32, #tpu.memory_space<hbm>> -> memref<10000x32xf32, #tpu.memory_space<hbm>>
    tpu.wait_indirect_dma semaphore(%arg23 : memref<!tpu.dma_semaphore, #tpu.memory_space<semaphore_mem>>) src(%dma_wait3A_166 : memref<10000x32xf32, #tpu.memory_space<hbm>>) dst(%arg11 : memref<80x32xf32, #tpu.memory_space<vmem>>)
    %dma_start3A_167 = arith.constant 3 : i32
    %dma_start3A_168 = arith.constant 0 : i32
    %dma_start3A_169 = tpu.memref_slice %arg7[%dma_start3A_167, %dma_start3A_168] : memref<250x80xi32, #tpu.memory_space<vmem>> -> memref<1x80xi32, #tpu.memory_space<vmem>>
    %dma_start3A_170 = tpu.memref_squeeze %dma_start3A_169 : memref<1x80xi32, #tpu.memory_space<vmem>> -> memref<80xi32, #tpu.memory_space<vmem>>
    %dma_start3A_171 = arith.constant 0 : i32
    %dma_start3A_172 = arith.constant 0 : i32
    %dma_start3A_173 = tpu.memref_slice %arg19[%dma_start3A_171, %dma_start3A_172] : memref<10240x32xf32, #tpu.memory_space<vmem_shared>> -> memref<10240x32xf32, #tpu.memory_space<vmem_shared>>
    tpu.enqueue_indirect_dma source(%arg11 : memref<80x32xf32, #tpu.memory_space<vmem>>) target(%dma_start3A_173 : memref<10240x32xf32, #tpu.memory_space<vmem_shared>>) offsets(%dma_start3A_170 : memref<80xi32, #tpu.memory_space<vmem>>) semaphore(%arg33 : memref<!tpu.dma_semaphore, #tpu.memory_space<semaphore_mem>>) {add = true}
    %dma_start3A_174 = arith.constant 8 : i32
    %dma_start3A_175 = arith.constant 0 : i32
    %dma_start3A_176 = tpu.memref_slice %arg6[%dma_start3A_174, %dma_start3A_175] : memref<250x80xi32, #tpu.memory_space<vmem>> -> memref<1x80xi32, #tpu.memory_space<vmem>>
    %dma_start3A_177 = tpu.memref_squeeze %dma_start3A_176 : memref<1x80xi32, #tpu.memory_space<vmem>> -> memref<80xi32, #tpu.memory_space<vmem>>
    %dma_start3A_178 = arith.constant 0 : i32
    %dma_start3A_179 = arith.constant 0 : i32
    %dma_start3A_180 = tpu.memref_slice %arg2[%arg0, %dma_start3A_178, %dma_start3A_179] : memref<2x10000x32xf32, #tpu.memory_space<hbm>> -> memref<1x10000x32xf32, #tpu.memory_space<hbm>>
    %dma_start3A_181 = tpu.memref_squeeze %dma_start3A_180 : memref<1x10000x32xf32, #tpu.memory_space<hbm>> -> memref<10000x32xf32, #tpu.memory_space<hbm>>
    %dma_start3A_182 = arith.constant 0 : i32
    %dma_start3A_183 = arith.constant 0 : i32
    %dma_start3A_184 = tpu.memref_slice %dma_start3A_181[%dma_start3A_182, %dma_start3A_183] : memref<10000x32xf32, #tpu.memory_space<hbm>> -> memref<10000x32xf32, #tpu.memory_space<hbm>>
    tpu.enqueue_indirect_dma source(%dma_start3A_184 : memref<10000x32xf32, #tpu.memory_space<hbm>>) target(%arg16 : memref<80x32xf32, #tpu.memory_space<vmem>>) offsets(%dma_start3A_177 : memref<80xi32, #tpu.memory_space<vmem>>) semaphore(%arg28 : memref<!tpu.dma_semaphore, #tpu.memory_space<semaphore_mem>>)
    %dma_wait3A_185 = arith.constant 4 : i32
    %dma_wait3A_186 = arith.constant 0 : i32
    %dma_wait3A_187 = tpu.memref_slice %arg6[%dma_wait3A_185, %dma_wait3A_186] : memref<250x80xi32, #tpu.memory_space<vmem>> -> memref<1x80xi32, #tpu.memory_space<vmem>>
    %dma_wait3A_188 = tpu.memref_squeeze %dma_wait3A_187 : memref<1x80xi32, #tpu.memory_space<vmem>> -> memref<80xi32, #tpu.memory_space<vmem>>
    %dma_wait3A_189 = arith.constant 0 : i32
    %dma_wait3A_190 = arith.constant 0 : i32
    %dma_wait3A_191 = tpu.memref_slice %arg2[%arg0, %dma_wait3A_189, %dma_wait3A_190] : memref<2x10000x32xf32, #tpu.memory_space<hbm>> -> memref<1x10000x32xf32, #tpu.memory_space<hbm>>
    %dma_wait3A_192 = tpu.memref_squeeze %dma_wait3A_191 : memref<1x10000x32xf32, #tpu.memory_space<hbm>> -> memref<10000x32xf32, #tpu.memory_space<hbm>>
    %dma_wait3A_193 = arith.constant 0 : i32
    %dma_wait3A_194 = arith.constant 0 : i32
    %dma_wait3A_195 = tpu.memref_slice %dma_wait3A_192[%dma_wait3A_193, %dma_wait3A_194] : memref<10000x32xf32, #tpu.memory_space<hbm>> -> memref<10000x32xf32, #tpu.memory_space<hbm>>
    tpu.wait_indirect_dma semaphore(%arg24 : memref<!tpu.dma_semaphore, #tpu.memory_space<semaphore_mem>>) src(%dma_wait3A_195 : memref<10000x32xf32, #tpu.memory_space<hbm>>) dst(%arg12 : memref<80x32xf32, #tpu.memory_space<vmem>>)
    %dma_start3A_196 = arith.constant 4 : i32
    %dma_start3A_197 = arith.constant 0 : i32
    %dma_start3A_198 = tpu.memref_slice %arg7[%dma_start3A_196, %dma_start3A_197] : memref<250x80xi32, #tpu.memory_space<vmem>> -> memref<1x80xi32, #tpu.memory_space<vmem>>
    %dma_start3A_199 = tpu.memref_squeeze %dma_start3A_198 : memref<1x80xi32, #tpu.memory_space<vmem>> -> memref<80xi32, #tpu.memory_space<vmem>>
    %dma_start3A_200 = arith.constant 0 : i32
    %dma_start3A_201 = arith.constant 0 : i32
    %dma_start3A_202 = tpu.memref_slice %arg19[%dma_start3A_200, %dma_start3A_201] : memref<10240x32xf32, #tpu.memory_space<vmem_shared>> -> memref<10240x32xf32, #tpu.memory_space<vmem_shared>>
    tpu.enqueue_indirect_dma source(%arg12 : memref<80x32xf32, #tpu.memory_space<vmem>>) target(%dma_start3A_202 : memref<10240x32xf32, #tpu.memory_space<vmem_shared>>) offsets(%dma_start3A_199 : memref<80xi32, #tpu.memory_space<vmem>>) semaphore(%arg34 : memref<!tpu.dma_semaphore, #tpu.memory_space<semaphore_mem>>) {add = true}
    %dma_start3A_203 = arith.constant 9 : i32
    %dma_start3A_204 = arith.constant 0 : i32
    %dma_start3A_205 = tpu.memref_slice %arg6[%dma_start3A_203, %dma_start3A_204] : memref<250x80xi32, #tpu.memory_space<vmem>> -> memref<1x80xi32, #tpu.memory_space<vmem>>
    %dma_start3A_206 = tpu.memref_squeeze %dma_start3A_205 : memref<1x80xi32, #tpu.memory_space<vmem>> -> memref<80xi32, #tpu.memory_space<vmem>>
    %dma_start3A_207 = arith.constant 0 : i32
    %dma_start3A_208 = arith.constant 0 : i32
    %dma_start3A_209 = tpu.memref_slice %arg2[%arg0, %dma_start3A_207, %dma_start3A_208] : memref<2x10000x32xf32, #tpu.memory_space<hbm>> -> memref<1x10000x32xf32, #tpu.memory_space<hbm>>
    %dma_start3A_210 = tpu.memref_squeeze %dma_start3A_209 : memref<1x10000x32xf32, #tpu.memory_space<hbm>> -> memref<10000x32xf32, #tpu.memory_space<hbm>>
    %dma_start3A_211 = arith.constant 0 : i32
    %dma_start3A_212 = arith.constant 0 : i32
    %dma_start3A_213 = tpu.memref_slice %dma_start3A_210[%dma_start3A_211, %dma_start3A_212] : memref<10000x32xf32, #tpu.memory_space<hbm>> -> memref<10000x32xf32, #tpu.memory_space<hbm>>
    tpu.enqueue_indirect_dma source(%dma_start3A_213 : memref<10000x32xf32, #tpu.memory_space<hbm>>) target(%arg17 : memref<80x32xf32, #tpu.memory_space<vmem>>) offsets(%dma_start3A_206 : memref<80xi32, #tpu.memory_space<vmem>>) semaphore(%arg29 : memref<!tpu.dma_semaphore, #tpu.memory_space<semaphore_mem>>)
    %scan3A_214 = arith.constant 0 : i32
    %scan3A_215 = arith.constant 0 : i32
    %scan3A_216 = arith.constant 24 : i32
    %scan3A_217 = arith.addi %scan3A_215, %scan3A_216 : i32
    %scan3A_218 = arith.constant 1 : i32
    scf.for %scan3A_381 = %scan3A_215 to %scan3A_217 step %scan3A_218  : i32 {
      %mul3A_382 = arith.constant 10 : i32
      %mul3A_383 = arith.muli %mul3A_382, %scan3A_381 : i32
      %add3A_384 = arith.constant 5 : i32
      %add3A_385 = arith.addi %mul3A_383, %add3A_384 : i32
      %add3A_386 = arith.constant 0 : i32
      %add3A_387 = arith.addi %add3A_385, %add3A_386 : i32
      %dma_wait3A_388 = arith.constant 0 : i32
      %dma_wait3A_389 = tpu.memref_slice %arg6[%add3A_387, %dma_wait3A_388] : memref<250x80xi32, #tpu.memory_space<vmem>> -> memref<1x80xi32, #tpu.memory_space<vmem>>
      %dma_wait3A_390 = tpu.memref_squeeze %dma_wait3A_389 : memref<1x80xi32, #tpu.memory_space<vmem>> -> memref<80xi32, #tpu.memory_space<vmem>>
      %dma_wait3A_391 = arith.constant 0 : i32
      %dma_wait3A_392 = arith.constant 0 : i32
      %dma_wait3A_393 = tpu.memref_slice %arg2[%arg0, %dma_wait3A_391, %dma_wait3A_392] : memref<2x10000x32xf32, #tpu.memory_space<hbm>> -> memref<1x10000x32xf32, #tpu.memory_space<hbm>>
      %dma_wait3A_394 = tpu.memref_squeeze %dma_wait3A_393 : memref<1x10000x32xf32, #tpu.memory_space<hbm>> -> memref<10000x32xf32, #tpu.memory_space<hbm>>
      %dma_wait3A_395 = arith.constant 0 : i32
      %dma_wait3A_396 = arith.constant 0 : i32
      %dma_wait3A_397 = tpu.memref_slice %dma_wait3A_394[%dma_wait3A_395, %dma_wait3A_396] : memref<10000x32xf32, #tpu.memory_space<hbm>> -> memref<10000x32xf32, #tpu.memory_space<hbm>>
      tpu.wait_indirect_dma semaphore(%arg25 : memref<!tpu.dma_semaphore, #tpu.memory_space<semaphore_mem>>) src(%dma_wait3A_397 : memref<10000x32xf32, #tpu.memory_space<hbm>>) dst(%arg13 : memref<80x32xf32, #tpu.memory_space<vmem>>)
      %dma_start3A_398 = arith.constant 0 : i32
      %dma_start3A_399 = tpu.memref_slice %arg7[%add3A_387, %dma_start3A_398] : memref<250x80xi32, #tpu.memory_space<vmem>> -> memref<1x80xi32, #tpu.memory_space<vmem>>
      %dma_start3A_400 = tpu.memref_squeeze %dma_start3A_399 : memref<1x80xi32, #tpu.memory_space<vmem>> -> memref<80xi32, #tpu.memory_space<vmem>>
      %dma_start3A_401 = arith.constant 0 : i32
      %dma_start3A_402 = arith.constant 0 : i32
      %dma_start3A_403 = tpu.memref_slice %arg19[%dma_start3A_401, %dma_start3A_402] : memref<10240x32xf32, #tpu.memory_space<vmem_shared>> -> memref<10240x32xf32, #tpu.memory_space<vmem_shared>>
      tpu.enqueue_indirect_dma source(%arg13 : memref<80x32xf32, #tpu.memory_space<vmem>>) target(%dma_start3A_403 : memref<10240x32xf32, #tpu.memory_space<vmem_shared>>) offsets(%dma_start3A_400 : memref<80xi32, #tpu.memory_space<vmem>>) semaphore(%arg35 : memref<!tpu.dma_semaphore, #tpu.memory_space<semaphore_mem>>) {add = true}
      %dma_wait3A_404 = arith.constant 0 : i32
      %dma_wait3A_405 = arith.constant 0 : i32
      %dma_wait3A_406 = tpu.memref_slice %arg7[%dma_wait3A_404, %dma_wait3A_405] : memref<250x80xi32, #tpu.memory_space<vmem>> -> memref<1x80xi32, #tpu.memory_space<vmem>>
      %dma_wait3A_407 = tpu.memref_squeeze %dma_wait3A_406 : memref<1x80xi32, #tpu.memory_space<vmem>> -> memref<80xi32, #tpu.memory_space<vmem>>
      %dma_wait3A_408 = arith.constant 0 : i32
      %dma_wait3A_409 = arith.constant 0 : i32
      %dma_wait3A_410 = tpu.memref_slice %arg19[%dma_wait3A_408, %dma_wait3A_409] : memref<10240x32xf32, #tpu.memory_space<vmem_shared>> -> memref<10240x32xf32, #tpu.memory_space<vmem_shared>>
      tpu.wait_indirect_dma semaphore(%arg30 : memref<!tpu.dma_semaphore, #tpu.memory_space<semaphore_mem>>) src(%arg8 : memref<80x32xf32, #tpu.memory_space<vmem>>) dst(%dma_wait3A_410 : memref<10240x32xf32, #tpu.memory_space<vmem_shared>>)
      %add3A_411 = arith.constant 5 : i32
      %add3A_412 = arith.addi %add3A_387, %add3A_411 : i32
      %dma_start3A_413 = arith.constant 0 : i32
      %dma_start3A_414 = tpu.memref_slice %arg6[%add3A_412, %dma_start3A_413] : memref<250x80xi32, #tpu.memory_space<vmem>> -> memref<1x80xi32, #tpu.memory_space<vmem>>
      %dma_start3A_415 = tpu.memref_squeeze %dma_start3A_414 : memref<1x80xi32, #tpu.memory_space<vmem>> -> memref<80xi32, #tpu.memory_space<vmem>>
      %dma_start3A_416 = arith.constant 0 : i32
      %dma_start3A_417 = arith.constant 0 : i32
      %dma_start3A_418 = tpu.memref_slice %arg2[%arg0, %dma_start3A_416, %dma_start3A_417] : memref<2x10000x32xf32, #tpu.memory_space<hbm>> -> memref<1x10000x32xf32, #tpu.memory_space<hbm>>
      %dma_start3A_419 = tpu.memref_squeeze %dma_start3A_418 : memref<1x10000x32xf32, #tpu.memory_space<hbm>> -> memref<10000x32xf32, #tpu.memory_space<hbm>>
      %dma_start3A_420 = arith.constant 0 : i32
      %dma_start3A_421 = arith.constant 0 : i32
      %dma_start3A_422 = tpu.memref_slice %dma_start3A_419[%dma_start3A_420, %dma_start3A_421] : memref<10000x32xf32, #tpu.memory_space<hbm>> -> memref<10000x32xf32, #tpu.memory_space<hbm>>
      tpu.enqueue_indirect_dma source(%dma_start3A_422 : memref<10000x32xf32, #tpu.memory_space<hbm>>) target(%arg8 : memref<80x32xf32, #tpu.memory_space<vmem>>) offsets(%dma_start3A_415 : memref<80xi32, #tpu.memory_space<vmem>>) semaphore(%arg20 : memref<!tpu.dma_semaphore, #tpu.memory_space<semaphore_mem>>)
      %add3A_423 = arith.constant 1 : i32
      %add3A_424 = arith.addi %add3A_385, %add3A_423 : i32
      %dma_wait3A_425 = arith.constant 0 : i32
      %dma_wait3A_426 = tpu.memref_slice %arg6[%add3A_424, %dma_wait3A_425] : memref<250x80xi32, #tpu.memory_space<vmem>> -> memref<1x80xi32, #tpu.memory_space<vmem>>
      %dma_wait3A_427 = tpu.memref_squeeze %dma_wait3A_426 : memref<1x80xi32, #tpu.memory_space<vmem>> -> memref<80xi32, #tpu.memory_space<vmem>>
      %dma_wait3A_428 = arith.constant 0 : i32
      %dma_wait3A_429 = arith.constant 0 : i32
      %dma_wait3A_430 = tpu.memref_slice %arg2[%arg0, %dma_wait3A_428, %dma_wait3A_429] : memref<2x10000x32xf32, #tpu.memory_space<hbm>> -> memref<1x10000x32xf32, #tpu.memory_space<hbm>>
      %dma_wait3A_431 = tpu.memref_squeeze %dma_wait3A_430 : memref<1x10000x32xf32, #tpu.memory_space<hbm>> -> memref<10000x32xf32, #tpu.memory_space<hbm>>
      %dma_wait3A_432 = arith.constant 0 : i32
      %dma_wait3A_433 = arith.constant 0 : i32
      %dma_wait3A_434 = tpu.memref_slice %dma_wait3A_431[%dma_wait3A_432, %dma_wait3A_433] : memref<10000x32xf32, #tpu.memory_space<hbm>> -> memref<10000x32xf32, #tpu.memory_space<hbm>>
      tpu.wait_indirect_dma semaphore(%arg26 : memref<!tpu.dma_semaphore, #tpu.memory_space<semaphore_mem>>) src(%dma_wait3A_434 : memref<10000x32xf32, #tpu.memory_space<hbm>>) dst(%arg14 : memref<80x32xf32, #tpu.memory_space<vmem>>)
      %dma_start3A_435 = arith.constant 0 : i32
      %dma_start3A_436 = tpu.memref_slice %arg7[%add3A_424, %dma_start3A_435] : memref<250x80xi32, #tpu.memory_space<vmem>> -> memref<1x80xi32, #tpu.memory_space<vmem>>
      %dma_start3A_437 = tpu.memref_squeeze %dma_start3A_436 : memref<1x80xi32, #tpu.memory_space<vmem>> -> memref<80xi32, #tpu.memory_space<vmem>>
      %dma_start3A_438 = arith.constant 0 : i32
      %dma_start3A_439 = arith.constant 0 : i32
      %dma_start3A_440 = tpu.memref_slice %arg19[%dma_start3A_438, %dma_start3A_439] : memref<10240x32xf32, #tpu.memory_space<vmem_shared>> -> memref<10240x32xf32, #tpu.memory_space<vmem_shared>>
      tpu.enqueue_indirect_dma source(%arg14 : memref<80x32xf32, #tpu.memory_space<vmem>>) target(%dma_start3A_440 : memref<10240x32xf32, #tpu.memory_space<vmem_shared>>) offsets(%dma_start3A_437 : memref<80xi32, #tpu.memory_space<vmem>>) semaphore(%arg36 : memref<!tpu.dma_semaphore, #tpu.memory_space<semaphore_mem>>) {add = true}
      %dma_wait3A_441 = arith.constant 0 : i32
      %dma_wait3A_442 = arith.constant 0 : i32
      %dma_wait3A_443 = tpu.memref_slice %arg7[%dma_wait3A_441, %dma_wait3A_442] : memref<250x80xi32, #tpu.memory_space<vmem>> -> memref<1x80xi32, #tpu.memory_space<vmem>>
      %dma_wait3A_444 = tpu.memref_squeeze %dma_wait3A_443 : memref<1x80xi32, #tpu.memory_space<vmem>> -> memref<80xi32, #tpu.memory_space<vmem>>
      %dma_wait3A_445 = arith.constant 0 : i32
      %dma_wait3A_446 = arith.constant 0 : i32
      %dma_wait3A_447 = tpu.memref_slice %arg19[%dma_wait3A_445, %dma_wait3A_446] : memref<10240x32xf32, #tpu.memory_space<vmem_shared>> -> memref<10240x32xf32, #tpu.memory_space<vmem_shared>>
      tpu.wait_indirect_dma semaphore(%arg31 : memref<!tpu.dma_semaphore, #tpu.memory_space<semaphore_mem>>) src(%arg9 : memref<80x32xf32, #tpu.memory_space<vmem>>) dst(%dma_wait3A_447 : memref<10240x32xf32, #tpu.memory_space<vmem_shared>>)
      %add3A_448 = arith.constant 5 : i32
      %add3A_449 = arith.addi %add3A_424, %add3A_448 : i32
      %dma_start3A_450 = arith.constant 0 : i32
      %dma_start3A_451 = tpu.memref_slice %arg6[%add3A_449, %dma_start3A_450] : memref<250x80xi32, #tpu.memory_space<vmem>> -> memref<1x80xi32, #tpu.memory_space<vmem>>
      %dma_start3A_452 = tpu.memref_squeeze %dma_start3A_451 : memref<1x80xi32, #tpu.memory_space<vmem>> -> memref<80xi32, #tpu.memory_space<vmem>>
      %dma_start3A_453 = arith.constant 0 : i32
      %dma_start3A_454 = arith.constant 0 : i32
      %dma_start3A_455 = tpu.memref_slice %arg2[%arg0, %dma_start3A_453, %dma_start3A_454] : memref<2x10000x32xf32, #tpu.memory_space<hbm>> -> memref<1x10000x32xf32, #tpu.memory_space<hbm>>
      %dma_start3A_456 = tpu.memref_squeeze %dma_start3A_455 : memref<1x10000x32xf32, #tpu.memory_space<hbm>> -> memref<10000x32xf32, #tpu.memory_space<hbm>>
      %dma_start3A_457 = arith.constant 0 : i32
      %dma_start3A_458 = arith.constant 0 : i32
      %dma_start3A_459 = tpu.memref_slice %dma_start3A_456[%dma_start3A_457, %dma_start3A_458] : memref<10000x32xf32, #tpu.memory_space<hbm>> -> memref<10000x32xf32, #tpu.memory_space<hbm>>
      tpu.enqueue_indirect_dma source(%dma_start3A_459 : memref<10000x32xf32, #tpu.memory_space<hbm>>) target(%arg9 : memref<80x32xf32, #tpu.memory_space<vmem>>) offsets(%dma_start3A_452 : memref<80xi32, #tpu.memory_space<vmem>>) semaphore(%arg21 : memref<!tpu.dma_semaphore, #tpu.memory_space<semaphore_mem>>)
      %add3A_460 = arith.constant 2 : i32
      %add3A_461 = arith.addi %add3A_385, %add3A_460 : i32
      %dma_wait3A_462 = arith.constant 0 : i32
      %dma_wait3A_463 = tpu.memref_slice %arg6[%add3A_461, %dma_wait3A_462] : memref<250x80xi32, #tpu.memory_space<vmem>> -> memref<1x80xi32, #tpu.memory_space<vmem>>
      %dma_wait3A_464 = tpu.memref_squeeze %dma_wait3A_463 : memref<1x80xi32, #tpu.memory_space<vmem>> -> memref<80xi32, #tpu.memory_space<vmem>>
      %dma_wait3A_465 = arith.constant 0 : i32
      %dma_wait3A_466 = arith.constant 0 : i32
      %dma_wait3A_467 = tpu.memref_slice %arg2[%arg0, %dma_wait3A_465, %dma_wait3A_466] : memref<2x10000x32xf32, #tpu.memory_space<hbm>> -> memref<1x10000x32xf32, #tpu.memory_space<hbm>>
      %dma_wait3A_468 = tpu.memref_squeeze %dma_wait3A_467 : memref<1x10000x32xf32, #tpu.memory_space<hbm>> -> memref<10000x32xf32, #tpu.memory_space<hbm>>
      %dma_wait3A_469 = arith.constant 0 : i32
      %dma_wait3A_470 = arith.constant 0 : i32
      %dma_wait3A_471 = tpu.memref_slice %dma_wait3A_468[%dma_wait3A_469, %dma_wait3A_470] : memref<10000x32xf32, #tpu.memory_space<hbm>> -> memref<10000x32xf32, #tpu.memory_space<hbm>>
      tpu.wait_indirect_dma semaphore(%arg27 : memref<!tpu.dma_semaphore, #tpu.memory_space<semaphore_mem>>) src(%dma_wait3A_471 : memref<10000x32xf32, #tpu.memory_space<hbm>>) dst(%arg15 : memref<80x32xf32, #tpu.memory_space<vmem>>)
      %dma_start3A_472 = arith.constant 0 : i32
      %dma_start3A_473 = tpu.memref_slice %arg7[%add3A_461, %dma_start3A_472] : memref<250x80xi32, #tpu.memory_space<vmem>> -> memref<1x80xi32, #tpu.memory_space<vmem>>
      %dma_start3A_474 = tpu.memref_squeeze %dma_start3A_473 : memref<1x80xi32, #tpu.memory_space<vmem>> -> memref<80xi32, #tpu.memory_space<vmem>>
      %dma_start3A_475 = arith.constant 0 : i32
      %dma_start3A_476 = arith.constant 0 : i32
      %dma_start3A_477 = tpu.memref_slice %arg19[%dma_start3A_475, %dma_start3A_476] : memref<10240x32xf32, #tpu.memory_space<vmem_shared>> -> memref<10240x32xf32, #tpu.memory_space<vmem_shared>>
      tpu.enqueue_indirect_dma source(%arg15 : memref<80x32xf32, #tpu.memory_space<vmem>>) target(%dma_start3A_477 : memref<10240x32xf32, #tpu.memory_space<vmem_shared>>) offsets(%dma_start3A_474 : memref<80xi32, #tpu.memory_space<vmem>>) semaphore(%arg37 : memref<!tpu.dma_semaphore, #tpu.memory_space<semaphore_mem>>) {add = true}
      %dma_wait3A_478 = arith.constant 0 : i32
      %dma_wait3A_479 = arith.constant 0 : i32
      %dma_wait3A_480 = tpu.memref_slice %arg7[%dma_wait3A_478, %dma_wait3A_479] : memref<250x80xi32, #tpu.memory_space<vmem>> -> memref<1x80xi32, #tpu.memory_space<vmem>>
      %dma_wait3A_481 = tpu.memref_squeeze %dma_wait3A_480 : memref<1x80xi32, #tpu.memory_space<vmem>> -> memref<80xi32, #tpu.memory_space<vmem>>
      %dma_wait3A_482 = arith.constant 0 : i32
      %dma_wait3A_483 = arith.constant 0 : i32
      %dma_wait3A_484 = tpu.memref_slice %arg19[%dma_wait3A_482, %dma_wait3A_483] : memref<10240x32xf32, #tpu.memory_space<vmem_shared>> -> memref<10240x32xf32, #tpu.memory_space<vmem_shared>>
      tpu.wait_indirect_dma semaphore(%arg32 : memref<!tpu.dma_semaphore, #tpu.memory_space<semaphore_mem>>) src(%arg10 : memref<80x32xf32, #tpu.memory_space<vmem>>) dst(%dma_wait3A_484 : memref<10240x32xf32, #tpu.memory_space<vmem_shared>>)
      %add3A_485 = arith.constant 5 : i32
      %add3A_486 = arith.addi %add3A_461, %add3A_485 : i32
      %dma_start3A_487 = arith.constant 0 : i32
      %dma_start3A_488 = tpu.memref_slice %arg6[%add3A_486, %dma_start3A_487] : memref<250x80xi32, #tpu.memory_space<vmem>> -> memref<1x80xi32, #tpu.memory_space<vmem>>
      %dma_start3A_489 = tpu.memref_squeeze %dma_start3A_488 : memref<1x80xi32, #tpu.memory_space<vmem>> -> memref<80xi32, #tpu.memory_space<vmem>>
      %dma_start3A_490 = arith.constant 0 : i32
      %dma_start3A_491 = arith.constant 0 : i32
      %dma_start3A_492 = tpu.memref_slice %arg2[%arg0, %dma_start3A_490, %dma_start3A_491] : memref<2x10000x32xf32, #tpu.memory_space<hbm>> -> memref<1x10000x32xf32, #tpu.memory_space<hbm>>
      %dma_start3A_493 = tpu.memref_squeeze %dma_start3A_492 : memref<1x10000x32xf32, #tpu.memory_space<hbm>> -> memref<10000x32xf32, #tpu.memory_space<hbm>>
      %dma_start3A_494 = arith.constant 0 : i32
      %dma_start3A_495 = arith.constant 0 : i32
      %dma_start3A_496 = tpu.memref_slice %dma_start3A_493[%dma_start3A_494, %dma_start3A_495] : memref<10000x32xf32, #tpu.memory_space<hbm>> -> memref<10000x32xf32, #tpu.memory_space<hbm>>
      tpu.enqueue_indirect_dma source(%dma_start3A_496 : memref<10000x32xf32, #tpu.memory_space<hbm>>) target(%arg10 : memref<80x32xf32, #tpu.memory_space<vmem>>) offsets(%dma_start3A_489 : memref<80xi32, #tpu.memory_space<vmem>>) semaphore(%arg22 : memref<!tpu.dma_semaphore, #tpu.memory_space<semaphore_mem>>)
      %add3A_497 = arith.constant 3 : i32
      %add3A_498 = arith.addi %add3A_385, %add3A_497 : i32
      %dma_wait3A_499 = arith.constant 0 : i32
      %dma_wait3A_500 = tpu.memref_slice %arg6[%add3A_498, %dma_wait3A_499] : memref<250x80xi32, #tpu.memory_space<vmem>> -> memref<1x80xi32, #tpu.memory_space<vmem>>
      %dma_wait3A_501 = tpu.memref_squeeze %dma_wait3A_500 : memref<1x80xi32, #tpu.memory_space<vmem>> -> memref<80xi32, #tpu.memory_space<vmem>>
      %dma_wait3A_502 = arith.constant 0 : i32
      %dma_wait3A_503 = arith.constant 0 : i32
      %dma_wait3A_504 = tpu.memref_slice %arg2[%arg0, %dma_wait3A_502, %dma_wait3A_503] : memref<2x10000x32xf32, #tpu.memory_space<hbm>> -> memref<1x10000x32xf32, #tpu.memory_space<hbm>>
      %dma_wait3A_505 = tpu.memref_squeeze %dma_wait3A_504 : memref<1x10000x32xf32, #tpu.memory_space<hbm>> -> memref<10000x32xf32, #tpu.memory_space<hbm>>
      %dma_wait3A_506 = arith.constant 0 : i32
      %dma_wait3A_507 = arith.constant 0 : i32
      %dma_wait3A_508 = tpu.memref_slice %dma_wait3A_505[%dma_wait3A_506, %dma_wait3A_507] : memref<10000x32xf32, #tpu.memory_space<hbm>> -> memref<10000x32xf32, #tpu.memory_space<hbm>>
      tpu.wait_indirect_dma semaphore(%arg28 : memref<!tpu.dma_semaphore, #tpu.memory_space<semaphore_mem>>) src(%dma_wait3A_508 : memref<10000x32xf32, #tpu.memory_space<hbm>>) dst(%arg16 : memref<80x32xf32, #tpu.memory_space<vmem>>)
      %dma_start3A_509 = arith.constant 0 : i32
      %dma_start3A_510 = tpu.memref_slice %arg7[%add3A_498, %dma_start3A_509] : memref<250x80xi32, #tpu.memory_space<vmem>> -> memref<1x80xi32, #tpu.memory_space<vmem>>
      %dma_start3A_511 = tpu.memref_squeeze %dma_start3A_510 : memref<1x80xi32, #tpu.memory_space<vmem>> -> memref<80xi32, #tpu.memory_space<vmem>>
      %dma_start3A_512 = arith.constant 0 : i32
      %dma_start3A_513 = arith.constant 0 : i32
      %dma_start3A_514 = tpu.memref_slice %arg19[%dma_start3A_512, %dma_start3A_513] : memref<10240x32xf32, #tpu.memory_space<vmem_shared>> -> memref<10240x32xf32, #tpu.memory_space<vmem_shared>>
      tpu.enqueue_indirect_dma source(%arg16 : memref<80x32xf32, #tpu.memory_space<vmem>>) target(%dma_start3A_514 : memref<10240x32xf32, #tpu.memory_space<vmem_shared>>) offsets(%dma_start3A_511 : memref<80xi32, #tpu.memory_space<vmem>>) semaphore(%arg38 : memref<!tpu.dma_semaphore, #tpu.memory_space<semaphore_mem>>) {add = true}
      %dma_wait3A_515 = arith.constant 0 : i32
      %dma_wait3A_516 = arith.constant 0 : i32
      %dma_wait3A_517 = tpu.memref_slice %arg7[%dma_wait3A_515, %dma_wait3A_516] : memref<250x80xi32, #tpu.memory_space<vmem>> -> memref<1x80xi32, #tpu.memory_space<vmem>>
      %dma_wait3A_518 = tpu.memref_squeeze %dma_wait3A_517 : memref<1x80xi32, #tpu.memory_space<vmem>> -> memref<80xi32, #tpu.memory_space<vmem>>
      %dma_wait3A_519 = arith.constant 0 : i32
      %dma_wait3A_520 = arith.constant 0 : i32
      %dma_wait3A_521 = tpu.memref_slice %arg19[%dma_wait3A_519, %dma_wait3A_520] : memref<10240x32xf32, #tpu.memory_space<vmem_shared>> -> memref<10240x32xf32, #tpu.memory_space<vmem_shared>>
      tpu.wait_indirect_dma semaphore(%arg33 : memref<!tpu.dma_semaphore, #tpu.memory_space<semaphore_mem>>) src(%arg11 : memref<80x32xf32, #tpu.memory_space<vmem>>) dst(%dma_wait3A_521 : memref<10240x32xf32, #tpu.memory_space<vmem_shared>>)
      %add3A_522 = arith.constant 5 : i32
      %add3A_523 = arith.addi %add3A_498, %add3A_522 : i32
      %dma_start3A_524 = arith.constant 0 : i32
      %dma_start3A_525 = tpu.memref_slice %arg6[%add3A_523, %dma_start3A_524] : memref<250x80xi32, #tpu.memory_space<vmem>> -> memref<1x80xi32, #tpu.memory_space<vmem>>
      %dma_start3A_526 = tpu.memref_squeeze %dma_start3A_525 : memref<1x80xi32, #tpu.memory_space<vmem>> -> memref<80xi32, #tpu.memory_space<vmem>>
      %dma_start3A_527 = arith.constant 0 : i32
      %dma_start3A_528 = arith.constant 0 : i32
      %dma_start3A_529 = tpu.memref_slice %arg2[%arg0, %dma_start3A_527, %dma_start3A_528] : memref<2x10000x32xf32, #tpu.memory_space<hbm>> -> memref<1x10000x32xf32, #tpu.memory_space<hbm>>
      %dma_start3A_530 = tpu.memref_squeeze %dma_start3A_529 : memref<1x10000x32xf32, #tpu.memory_space<hbm>> -> memref<10000x32xf32, #tpu.memory_space<hbm>>
      %dma_start3A_531 = arith.constant 0 : i32
      %dma_start3A_532 = arith.constant 0 : i32
      %dma_start3A_533 = tpu.memref_slice %dma_start3A_530[%dma_start3A_531, %dma_start3A_532] : memref<10000x32xf32, #tpu.memory_space<hbm>> -> memref<10000x32xf32, #tpu.memory_space<hbm>>
      tpu.enqueue_indirect_dma source(%dma_start3A_533 : memref<10000x32xf32, #tpu.memory_space<hbm>>) target(%arg11 : memref<80x32xf32, #tpu.memory_space<vmem>>) offsets(%dma_start3A_526 : memref<80xi32, #tpu.memory_space<vmem>>) semaphore(%arg23 : memref<!tpu.dma_semaphore, #tpu.memory_space<semaphore_mem>>)
      %add3A_534 = arith.constant 4 : i32
      %add3A_535 = arith.addi %add3A_385, %add3A_534 : i32
      %dma_wait3A_536 = arith.constant 0 : i32
      %dma_wait3A_537 = tpu.memref_slice %arg6[%add3A_535, %dma_wait3A_536] : memref<250x80xi32, #tpu.memory_space<vmem>> -> memref<1x80xi32, #tpu.memory_space<vmem>>
      %dma_wait3A_538 = tpu.memref_squeeze %dma_wait3A_537 : memref<1x80xi32, #tpu.memory_space<vmem>> -> memref<80xi32, #tpu.memory_space<vmem>>
      %dma_wait3A_539 = arith.constant 0 : i32
      %dma_wait3A_540 = arith.constant 0 : i32
      %dma_wait3A_541 = tpu.memref_slice %arg2[%arg0, %dma_wait3A_539, %dma_wait3A_540] : memref<2x10000x32xf32, #tpu.memory_space<hbm>> -> memref<1x10000x32xf32, #tpu.memory_space<hbm>>
      %dma_wait3A_542 = tpu.memref_squeeze %dma_wait3A_541 : memref<1x10000x32xf32, #tpu.memory_space<hbm>> -> memref<10000x32xf32, #tpu.memory_space<hbm>>
      %dma_wait3A_543 = arith.constant 0 : i32
      %dma_wait3A_544 = arith.constant 0 : i32
      %dma_wait3A_545 = tpu.memref_slice %dma_wait3A_542[%dma_wait3A_543, %dma_wait3A_544] : memref<10000x32xf32, #tpu.memory_space<hbm>> -> memref<10000x32xf32, #tpu.memory_space<hbm>>
      tpu.wait_indirect_dma semaphore(%arg29 : memref<!tpu.dma_semaphore, #tpu.memory_space<semaphore_mem>>) src(%dma_wait3A_545 : memref<10000x32xf32, #tpu.memory_space<hbm>>) dst(%arg17 : memref<80x32xf32, #tpu.memory_space<vmem>>)
      %dma_start3A_546 = arith.constant 0 : i32
      %dma_start3A_547 = tpu.memref_slice %arg7[%add3A_535, %dma_start3A_546] : memref<250x80xi32, #tpu.memory_space<vmem>> -> memref<1x80xi32, #tpu.memory_space<vmem>>
      %dma_start3A_548 = tpu.memref_squeeze %dma_start3A_547 : memref<1x80xi32, #tpu.memory_space<vmem>> -> memref<80xi32, #tpu.memory_space<vmem>>
      %dma_start3A_549 = arith.constant 0 : i32
      %dma_start3A_550 = arith.constant 0 : i32
      %dma_start3A_551 = tpu.memref_slice %arg19[%dma_start3A_549, %dma_start3A_550] : memref<10240x32xf32, #tpu.memory_space<vmem_shared>> -> memref<10240x32xf32, #tpu.memory_space<vmem_shared>>
      tpu.enqueue_indirect_dma source(%arg17 : memref<80x32xf32, #tpu.memory_space<vmem>>) target(%dma_start3A_551 : memref<10240x32xf32, #tpu.memory_space<vmem_shared>>) offsets(%dma_start3A_548 : memref<80xi32, #tpu.memory_space<vmem>>) semaphore(%arg39 : memref<!tpu.dma_semaphore, #tpu.memory_space<semaphore_mem>>) {add = true}
      %dma_wait3A_552 = arith.constant 0 : i32
      %dma_wait3A_553 = arith.constant 0 : i32
      %dma_wait3A_554 = tpu.memref_slice %arg7[%dma_wait3A_552, %dma_wait3A_553] : memref<250x80xi32, #tpu.memory_space<vmem>> -> memref<1x80xi32, #tpu.memory_space<vmem>>
      %dma_wait3A_555 = tpu.memref_squeeze %dma_wait3A_554 : memref<1x80xi32, #tpu.memory_space<vmem>> -> memref<80xi32, #tpu.memory_space<vmem>>
      %dma_wait3A_556 = arith.constant 0 : i32
      %dma_wait3A_557 = arith.constant 0 : i32
      %dma_wait3A_558 = tpu.memref_slice %arg19[%dma_wait3A_556, %dma_wait3A_557] : memref<10240x32xf32, #tpu.memory_space<vmem_shared>> -> memref<10240x32xf32, #tpu.memory_space<vmem_shared>>
      tpu.wait_indirect_dma semaphore(%arg34 : memref<!tpu.dma_semaphore, #tpu.memory_space<semaphore_mem>>) src(%arg12 : memref<80x32xf32, #tpu.memory_space<vmem>>) dst(%dma_wait3A_558 : memref<10240x32xf32, #tpu.memory_space<vmem_shared>>)
      %add3A_559 = arith.constant 5 : i32
      %add3A_560 = arith.addi %add3A_535, %add3A_559 : i32
      %dma_start3A_561 = arith.constant 0 : i32
      %dma_start3A_562 = tpu.memref_slice %arg6[%add3A_560, %dma_start3A_561] : memref<250x80xi32, #tpu.memory_space<vmem>> -> memref<1x80xi32, #tpu.memory_space<vmem>>
      %dma_start3A_563 = tpu.memref_squeeze %dma_start3A_562 : memref<1x80xi32, #tpu.memory_space<vmem>> -> memref<80xi32, #tpu.memory_space<vmem>>
      %dma_start3A_564 = arith.constant 0 : i32
      %dma_start3A_565 = arith.constant 0 : i32
      %dma_start3A_566 = tpu.memref_slice %arg2[%arg0, %dma_start3A_564, %dma_start3A_565] : memref<2x10000x32xf32, #tpu.memory_space<hbm>> -> memref<1x10000x32xf32, #tpu.memory_space<hbm>>
      %dma_start3A_567 = tpu.memref_squeeze %dma_start3A_566 : memref<1x10000x32xf32, #tpu.memory_space<hbm>> -> memref<10000x32xf32, #tpu.memory_space<hbm>>
      %dma_start3A_568 = arith.constant 0 : i32
      %dma_start3A_569 = arith.constant 0 : i32
      %dma_start3A_570 = tpu.memref_slice %dma_start3A_567[%dma_start3A_568, %dma_start3A_569] : memref<10000x32xf32, #tpu.memory_space<hbm>> -> memref<10000x32xf32, #tpu.memory_space<hbm>>
      tpu.enqueue_indirect_dma source(%dma_start3A_570 : memref<10000x32xf32, #tpu.memory_space<hbm>>) target(%arg12 : memref<80x32xf32, #tpu.memory_space<vmem>>) offsets(%dma_start3A_563 : memref<80xi32, #tpu.memory_space<vmem>>) semaphore(%arg24 : memref<!tpu.dma_semaphore, #tpu.memory_space<semaphore_mem>>)
      %add3A_571 = arith.constant 5 : i32
      %add3A_572 = arith.addi %add3A_385, %add3A_571 : i32
      %dma_wait3A_573 = arith.constant 0 : i32
      %dma_wait3A_574 = tpu.memref_slice %arg6[%add3A_572, %dma_wait3A_573] : memref<250x80xi32, #tpu.memory_space<vmem>> -> memref<1x80xi32, #tpu.memory_space<vmem>>
      %dma_wait3A_575 = tpu.memref_squeeze %dma_wait3A_574 : memref<1x80xi32, #tpu.memory_space<vmem>> -> memref<80xi32, #tpu.memory_space<vmem>>
      %dma_wait3A_576 = arith.constant 0 : i32
      %dma_wait3A_577 = arith.constant 0 : i32
      %dma_wait3A_578 = tpu.memref_slice %arg2[%arg0, %dma_wait3A_576, %dma_wait3A_577] : memref<2x10000x32xf32, #tpu.memory_space<hbm>> -> memref<1x10000x32xf32, #tpu.memory_space<hbm>>
      %dma_wait3A_579 = tpu.memref_squeeze %dma_wait3A_578 : memref<1x10000x32xf32, #tpu.memory_space<hbm>> -> memref<10000x32xf32, #tpu.memory_space<hbm>>
      %dma_wait3A_580 = arith.constant 0 : i32
      %dma_wait3A_581 = arith.constant 0 : i32
      %dma_wait3A_582 = tpu.memref_slice %dma_wait3A_579[%dma_wait3A_580, %dma_wait3A_581] : memref<10000x32xf32, #tpu.memory_space<hbm>> -> memref<10000x32xf32, #tpu.memory_space<hbm>>
      tpu.wait_indirect_dma semaphore(%arg20 : memref<!tpu.dma_semaphore, #tpu.memory_space<semaphore_mem>>) src(%dma_wait3A_582 : memref<10000x32xf32, #tpu.memory_space<hbm>>) dst(%arg8 : memref<80x32xf32, #tpu.memory_space<vmem>>)
      %dma_start3A_583 = arith.constant 0 : i32
      %dma_start3A_584 = tpu.memref_slice %arg7[%add3A_572, %dma_start3A_583] : memref<250x80xi32, #tpu.memory_space<vmem>> -> memref<1x80xi32, #tpu.memory_space<vmem>>
      %dma_start3A_585 = tpu.memref_squeeze %dma_start3A_584 : memref<1x80xi32, #tpu.memory_space<vmem>> -> memref<80xi32, #tpu.memory_space<vmem>>
      %dma_start3A_586 = arith.constant 0 : i32
      %dma_start3A_587 = arith.constant 0 : i32
      %dma_start3A_588 = tpu.memref_slice %arg19[%dma_start3A_586, %dma_start3A_587] : memref<10240x32xf32, #tpu.memory_space<vmem_shared>> -> memref<10240x32xf32, #tpu.memory_space<vmem_shared>>
      tpu.enqueue_indirect_dma source(%arg8 : memref<80x32xf32, #tpu.memory_space<vmem>>) target(%dma_start3A_588 : memref<10240x32xf32, #tpu.memory_space<vmem_shared>>) offsets(%dma_start3A_585 : memref<80xi32, #tpu.memory_space<vmem>>) semaphore(%arg30 : memref<!tpu.dma_semaphore, #tpu.memory_space<semaphore_mem>>) {add = true}
      %dma_wait3A_589 = arith.constant 0 : i32
      %dma_wait3A_590 = arith.constant 0 : i32
      %dma_wait3A_591 = tpu.memref_slice %arg7[%dma_wait3A_589, %dma_wait3A_590] : memref<250x80xi32, #tpu.memory_space<vmem>> -> memref<1x80xi32, #tpu.memory_space<vmem>>
      %dma_wait3A_592 = tpu.memref_squeeze %dma_wait3A_591 : memref<1x80xi32, #tpu.memory_space<vmem>> -> memref<80xi32, #tpu.memory_space<vmem>>
      %dma_wait3A_593 = arith.constant 0 : i32
      %dma_wait3A_594 = arith.constant 0 : i32
      %dma_wait3A_595 = tpu.memref_slice %arg19[%dma_wait3A_593, %dma_wait3A_594] : memref<10240x32xf32, #tpu.memory_space<vmem_shared>> -> memref<10240x32xf32, #tpu.memory_space<vmem_shared>>
      tpu.wait_indirect_dma semaphore(%arg35 : memref<!tpu.dma_semaphore, #tpu.memory_space<semaphore_mem>>) src(%arg13 : memref<80x32xf32, #tpu.memory_space<vmem>>) dst(%dma_wait3A_595 : memref<10240x32xf32, #tpu.memory_space<vmem_shared>>)
      %add3A_596 = arith.constant 5 : i32
      %add3A_597 = arith.addi %add3A_572, %add3A_596 : i32
      %dma_start3A_598 = arith.constant 0 : i32
      %dma_start3A_599 = tpu.memref_slice %arg6[%add3A_597, %dma_start3A_598] : memref<250x80xi32, #tpu.memory_space<vmem>> -> memref<1x80xi32, #tpu.memory_space<vmem>>
      %dma_start3A_600 = tpu.memref_squeeze %dma_start3A_599 : memref<1x80xi32, #tpu.memory_space<vmem>> -> memref<80xi32, #tpu.memory_space<vmem>>
      %dma_start3A_601 = arith.constant 0 : i32
      %dma_start3A_602 = arith.constant 0 : i32
      %dma_start3A_603 = tpu.memref_slice %arg2[%arg0, %dma_start3A_601, %dma_start3A_602] : memref<2x10000x32xf32, #tpu.memory_space<hbm>> -> memref<1x10000x32xf32, #tpu.memory_space<hbm>>
      %dma_start3A_604 = tpu.memref_squeeze %dma_start3A_603 : memref<1x10000x32xf32, #tpu.memory_space<hbm>> -> memref<10000x32xf32, #tpu.memory_space<hbm>>
      %dma_start3A_605 = arith.constant 0 : i32
      %dma_start3A_606 = arith.constant 0 : i32
      %dma_start3A_607 = tpu.memref_slice %dma_start3A_604[%dma_start3A_605, %dma_start3A_606] : memref<10000x32xf32, #tpu.memory_space<hbm>> -> memref<10000x32xf32, #tpu.memory_space<hbm>>
      tpu.enqueue_indirect_dma source(%dma_start3A_607 : memref<10000x32xf32, #tpu.memory_space<hbm>>) target(%arg13 : memref<80x32xf32, #tpu.memory_space<vmem>>) offsets(%dma_start3A_600 : memref<80xi32, #tpu.memory_space<vmem>>) semaphore(%arg25 : memref<!tpu.dma_semaphore, #tpu.memory_space<semaphore_mem>>)
      %add3A_608 = arith.constant 6 : i32
      %add3A_609 = arith.addi %add3A_385, %add3A_608 : i32
      %dma_wait3A_610 = arith.constant 0 : i32
      %dma_wait3A_611 = tpu.memref_slice %arg6[%add3A_609, %dma_wait3A_610] : memref<250x80xi32, #tpu.memory_space<vmem>> -> memref<1x80xi32, #tpu.memory_space<vmem>>
      %dma_wait3A_612 = tpu.memref_squeeze %dma_wait3A_611 : memref<1x80xi32, #tpu.memory_space<vmem>> -> memref<80xi32, #tpu.memory_space<vmem>>
      %dma_wait3A_613 = arith.constant 0 : i32
      %dma_wait3A_614 = arith.constant 0 : i32
      %dma_wait3A_615 = tpu.memref_slice %arg2[%arg0, %dma_wait3A_613, %dma_wait3A_614] : memref<2x10000x32xf32, #tpu.memory_space<hbm>> -> memref<1x10000x32xf32, #tpu.memory_space<hbm>>
      %dma_wait3A_616 = tpu.memref_squeeze %dma_wait3A_615 : memref<1x10000x32xf32, #tpu.memory_space<hbm>> -> memref<10000x32xf32, #tpu.memory_space<hbm>>
      %dma_wait3A_617 = arith.constant 0 : i32
      %dma_wait3A_618 = arith.constant 0 : i32
      %dma_wait3A_619 = tpu.memref_slice %dma_wait3A_616[%dma_wait3A_617, %dma_wait3A_618] : memref<10000x32xf32, #tpu.memory_space<hbm>> -> memref<10000x32xf32, #tpu.memory_space<hbm>>
      tpu.wait_indirect_dma semaphore(%arg21 : memref<!tpu.dma_semaphore, #tpu.memory_space<semaphore_mem>>) src(%dma_wait3A_619 : memref<10000x32xf32, #tpu.memory_space<hbm>>) dst(%arg9 : memref<80x32xf32, #tpu.memory_space<vmem>>)
      %dma_start3A_620 = arith.constant 0 : i32
      %dma_start3A_621 = tpu.memref_slice %arg7[%add3A_609, %dma_start3A_620] : memref<250x80xi32, #tpu.memory_space<vmem>> -> memref<1x80xi32, #tpu.memory_space<vmem>>
      %dma_start3A_622 = tpu.memref_squeeze %dma_start3A_621 : memref<1x80xi32, #tpu.memory_space<vmem>> -> memref<80xi32, #tpu.memory_space<vmem>>
      %dma_start3A_623 = arith.constant 0 : i32
      %dma_start3A_624 = arith.constant 0 : i32
      %dma_start3A_625 = tpu.memref_slice %arg19[%dma_start3A_623, %dma_start3A_624] : memref<10240x32xf32, #tpu.memory_space<vmem_shared>> -> memref<10240x32xf32, #tpu.memory_space<vmem_shared>>
      tpu.enqueue_indirect_dma source(%arg9 : memref<80x32xf32, #tpu.memory_space<vmem>>) target(%dma_start3A_625 : memref<10240x32xf32, #tpu.memory_space<vmem_shared>>) offsets(%dma_start3A_622 : memref<80xi32, #tpu.memory_space<vmem>>) semaphore(%arg31 : memref<!tpu.dma_semaphore, #tpu.memory_space<semaphore_mem>>) {add = true}
      %dma_wait3A_626 = arith.constant 0 : i32
      %dma_wait3A_627 = arith.constant 0 : i32
      %dma_wait3A_628 = tpu.memref_slice %arg7[%dma_wait3A_626, %dma_wait3A_627] : memref<250x80xi32, #tpu.memory_space<vmem>> -> memref<1x80xi32, #tpu.memory_space<vmem>>
      %dma_wait3A_629 = tpu.memref_squeeze %dma_wait3A_628 : memref<1x80xi32, #tpu.memory_space<vmem>> -> memref<80xi32, #tpu.memory_space<vmem>>
      %dma_wait3A_630 = arith.constant 0 : i32
      %dma_wait3A_631 = arith.constant 0 : i32
      %dma_wait3A_632 = tpu.memref_slice %arg19[%dma_wait3A_630, %dma_wait3A_631] : memref<10240x32xf32, #tpu.memory_space<vmem_shared>> -> memref<10240x32xf32, #tpu.memory_space<vmem_shared>>
      tpu.wait_indirect_dma semaphore(%arg36 : memref<!tpu.dma_semaphore, #tpu.memory_space<semaphore_mem>>) src(%arg14 : memref<80x32xf32, #tpu.memory_space<vmem>>) dst(%dma_wait3A_632 : memref<10240x32xf32, #tpu.memory_space<vmem_shared>>)
      %add3A_633 = arith.constant 5 : i32
      %add3A_634 = arith.addi %add3A_609, %add3A_633 : i32
      %dma_start3A_635 = arith.constant 0 : i32
      %dma_start3A_636 = tpu.memref_slice %arg6[%add3A_634, %dma_start3A_635] : memref<250x80xi32, #tpu.memory_space<vmem>> -> memref<1x80xi32, #tpu.memory_space<vmem>>
      %dma_start3A_637 = tpu.memref_squeeze %dma_start3A_636 : memref<1x80xi32, #tpu.memory_space<vmem>> -> memref<80xi32, #tpu.memory_space<vmem>>
      %dma_start3A_638 = arith.constant 0 : i32
      %dma_start3A_639 = arith.constant 0 : i32
      %dma_start3A_640 = tpu.memref_slice %arg2[%arg0, %dma_start3A_638, %dma_start3A_639] : memref<2x10000x32xf32, #tpu.memory_space<hbm>> -> memref<1x10000x32xf32, #tpu.memory_space<hbm>>
      %dma_start3A_641 = tpu.memref_squeeze %dma_start3A_640 : memref<1x10000x32xf32, #tpu.memory_space<hbm>> -> memref<10000x32xf32, #tpu.memory_space<hbm>>
      %dma_start3A_642 = arith.constant 0 : i32
      %dma_start3A_643 = arith.constant 0 : i32
      %dma_start3A_644 = tpu.memref_slice %dma_start3A_641[%dma_start3A_642, %dma_start3A_643] : memref<10000x32xf32, #tpu.memory_space<hbm>> -> memref<10000x32xf32, #tpu.memory_space<hbm>>
      tpu.enqueue_indirect_dma source(%dma_start3A_644 : memref<10000x32xf32, #tpu.memory_space<hbm>>) target(%arg14 : memref<80x32xf32, #tpu.memory_space<vmem>>) offsets(%dma_start3A_637 : memref<80xi32, #tpu.memory_space<vmem>>) semaphore(%arg26 : memref<!tpu.dma_semaphore, #tpu.memory_space<semaphore_mem>>)
      %add3A_645 = arith.constant 7 : i32
      %add3A_646 = arith.addi %add3A_385, %add3A_645 : i32
      %dma_wait3A_647 = arith.constant 0 : i32
      %dma_wait3A_648 = tpu.memref_slice %arg6[%add3A_646, %dma_wait3A_647] : memref<250x80xi32, #tpu.memory_space<vmem>> -> memref<1x80xi32, #tpu.memory_space<vmem>>
      %dma_wait3A_649 = tpu.memref_squeeze %dma_wait3A_648 : memref<1x80xi32, #tpu.memory_space<vmem>> -> memref<80xi32, #tpu.memory_space<vmem>>
      %dma_wait3A_650 = arith.constant 0 : i32
      %dma_wait3A_651 = arith.constant 0 : i32
      %dma_wait3A_652 = tpu.memref_slice %arg2[%arg0, %dma_wait3A_650, %dma_wait3A_651] : memref<2x10000x32xf32, #tpu.memory_space<hbm>> -> memref<1x10000x32xf32, #tpu.memory_space<hbm>>
      %dma_wait3A_653 = tpu.memref_squeeze %dma_wait3A_652 : memref<1x10000x32xf32, #tpu.memory_space<hbm>> -> memref<10000x32xf32, #tpu.memory_space<hbm>>
      %dma_wait3A_654 = arith.constant 0 : i32
      %dma_wait3A_655 = arith.constant 0 : i32
      %dma_wait3A_656 = tpu.memref_slice %dma_wait3A_653[%dma_wait3A_654, %dma_wait3A_655] : memref<10000x32xf32, #tpu.memory_space<hbm>> -> memref<10000x32xf32, #tpu.memory_space<hbm>>
      tpu.wait_indirect_dma semaphore(%arg22 : memref<!tpu.dma_semaphore, #tpu.memory_space<semaphore_mem>>) src(%dma_wait3A_656 : memref<10000x32xf32, #tpu.memory_space<hbm>>) dst(%arg10 : memref<80x32xf32, #tpu.memory_space<vmem>>)
      %dma_start3A_657 = arith.constant 0 : i32
      %dma_start3A_658 = tpu.memref_slice %arg7[%add3A_646, %dma_start3A_657] : memref<250x80xi32, #tpu.memory_space<vmem>> -> memref<1x80xi32, #tpu.memory_space<vmem>>
      %dma_start3A_659 = tpu.memref_squeeze %dma_start3A_658 : memref<1x80xi32, #tpu.memory_space<vmem>> -> memref<80xi32, #tpu.memory_space<vmem>>
      %dma_start3A_660 = arith.constant 0 : i32
      %dma_start3A_661 = arith.constant 0 : i32
      %dma_start3A_662 = tpu.memref_slice %arg19[%dma_start3A_660, %dma_start3A_661] : memref<10240x32xf32, #tpu.memory_space<vmem_shared>> -> memref<10240x32xf32, #tpu.memory_space<vmem_shared>>
      tpu.enqueue_indirect_dma source(%arg10 : memref<80x32xf32, #tpu.memory_space<vmem>>) target(%dma_start3A_662 : memref<10240x32xf32, #tpu.memory_space<vmem_shared>>) offsets(%dma_start3A_659 : memref<80xi32, #tpu.memory_space<vmem>>) semaphore(%arg32 : memref<!tpu.dma_semaphore, #tpu.memory_space<semaphore_mem>>) {add = true}
      %dma_wait3A_663 = arith.constant 0 : i32
      %dma_wait3A_664 = arith.constant 0 : i32
      %dma_wait3A_665 = tpu.memref_slice %arg7[%dma_wait3A_663, %dma_wait3A_664] : memref<250x80xi32, #tpu.memory_space<vmem>> -> memref<1x80xi32, #tpu.memory_space<vmem>>
      %dma_wait3A_666 = tpu.memref_squeeze %dma_wait3A_665 : memref<1x80xi32, #tpu.memory_space<vmem>> -> memref<80xi32, #tpu.memory_space<vmem>>
      %dma_wait3A_667 = arith.constant 0 : i32
      %dma_wait3A_668 = arith.constant 0 : i32
      %dma_wait3A_669 = tpu.memref_slice %arg19[%dma_wait3A_667, %dma_wait3A_668] : memref<10240x32xf32, #tpu.memory_space<vmem_shared>> -> memref<10240x32xf32, #tpu.memory_space<vmem_shared>>
      tpu.wait_indirect_dma semaphore(%arg37 : memref<!tpu.dma_semaphore, #tpu.memory_space<semaphore_mem>>) src(%arg15 : memref<80x32xf32, #tpu.memory_space<vmem>>) dst(%dma_wait3A_669 : memref<10240x32xf32, #tpu.memory_space<vmem_shared>>)
      %add3A_670 = arith.constant 5 : i32
      %add3A_671 = arith.addi %add3A_646, %add3A_670 : i32
      %dma_start3A_672 = arith.constant 0 : i32
      %dma_start3A_673 = tpu.memref_slice %arg6[%add3A_671, %dma_start3A_672] : memref<250x80xi32, #tpu.memory_space<vmem>> -> memref<1x80xi32, #tpu.memory_space<vmem>>
      %dma_start3A_674 = tpu.memref_squeeze %dma_start3A_673 : memref<1x80xi32, #tpu.memory_space<vmem>> -> memref<80xi32, #tpu.memory_space<vmem>>
      %dma_start3A_675 = arith.constant 0 : i32
      %dma_start3A_676 = arith.constant 0 : i32
      %dma_start3A_677 = tpu.memref_slice %arg2[%arg0, %dma_start3A_675, %dma_start3A_676] : memref<2x10000x32xf32, #tpu.memory_space<hbm>> -> memref<1x10000x32xf32, #tpu.memory_space<hbm>>
      %dma_start3A_678 = tpu.memref_squeeze %dma_start3A_677 : memref<1x10000x32xf32, #tpu.memory_space<hbm>> -> memref<10000x32xf32, #tpu.memory_space<hbm>>
      %dma_start3A_679 = arith.constant 0 : i32
      %dma_start3A_680 = arith.constant 0 : i32
      %dma_start3A_681 = tpu.memref_slice %dma_start3A_678[%dma_start3A_679, %dma_start3A_680] : memref<10000x32xf32, #tpu.memory_space<hbm>> -> memref<10000x32xf32, #tpu.memory_space<hbm>>
      tpu.enqueue_indirect_dma source(%dma_start3A_681 : memref<10000x32xf32, #tpu.memory_space<hbm>>) target(%arg15 : memref<80x32xf32, #tpu.memory_space<vmem>>) offsets(%dma_start3A_674 : memref<80xi32, #tpu.memory_space<vmem>>) semaphore(%arg27 : memref<!tpu.dma_semaphore, #tpu.memory_space<semaphore_mem>>)
      %add3A_682 = arith.constant 8 : i32
      %add3A_683 = arith.addi %add3A_385, %add3A_682 : i32
      %dma_wait3A_684 = arith.constant 0 : i32
      %dma_wait3A_685 = tpu.memref_slice %arg6[%add3A_683, %dma_wait3A_684] : memref<250x80xi32, #tpu.memory_space<vmem>> -> memref<1x80xi32, #tpu.memory_space<vmem>>
      %dma_wait3A_686 = tpu.memref_squeeze %dma_wait3A_685 : memref<1x80xi32, #tpu.memory_space<vmem>> -> memref<80xi32, #tpu.memory_space<vmem>>
      %dma_wait3A_687 = arith.constant 0 : i32
      %dma_wait3A_688 = arith.constant 0 : i32
      %dma_wait3A_689 = tpu.memref_slice %arg2[%arg0, %dma_wait3A_687, %dma_wait3A_688] : memref<2x10000x32xf32, #tpu.memory_space<hbm>> -> memref<1x10000x32xf32, #tpu.memory_space<hbm>>
      %dma_wait3A_690 = tpu.memref_squeeze %dma_wait3A_689 : memref<1x10000x32xf32, #tpu.memory_space<hbm>> -> memref<10000x32xf32, #tpu.memory_space<hbm>>
      %dma_wait3A_691 = arith.constant 0 : i32
      %dma_wait3A_692 = arith.constant 0 : i32
      %dma_wait3A_693 = tpu.memref_slice %dma_wait3A_690[%dma_wait3A_691, %dma_wait3A_692] : memref<10000x32xf32, #tpu.memory_space<hbm>> -> memref<10000x32xf32, #tpu.memory_space<hbm>>
      tpu.wait_indirect_dma semaphore(%arg23 : memref<!tpu.dma_semaphore, #tpu.memory_space<semaphore_mem>>) src(%dma_wait3A_693 : memref<10000x32xf32, #tpu.memory_space<hbm>>) dst(%arg11 : memref<80x32xf32, #tpu.memory_space<vmem>>)
      %dma_start3A_694 = arith.constant 0 : i32
      %dma_start3A_695 = tpu.memref_slice %arg7[%add3A_683, %dma_start3A_694] : memref<250x80xi32, #tpu.memory_space<vmem>> -> memref<1x80xi32, #tpu.memory_space<vmem>>
      %dma_start3A_696 = tpu.memref_squeeze %dma_start3A_695 : memref<1x80xi32, #tpu.memory_space<vmem>> -> memref<80xi32, #tpu.memory_space<vmem>>
      %dma_start3A_697 = arith.constant 0 : i32
      %dma_start3A_698 = arith.constant 0 : i32
      %dma_start3A_699 = tpu.memref_slice %arg19[%dma_start3A_697, %dma_start3A_698] : memref<10240x32xf32, #tpu.memory_space<vmem_shared>> -> memref<10240x32xf32, #tpu.memory_space<vmem_shared>>
      tpu.enqueue_indirect_dma source(%arg11 : memref<80x32xf32, #tpu.memory_space<vmem>>) target(%dma_start3A_699 : memref<10240x32xf32, #tpu.memory_space<vmem_shared>>) offsets(%dma_start3A_696 : memref<80xi32, #tpu.memory_space<vmem>>) semaphore(%arg33 : memref<!tpu.dma_semaphore, #tpu.memory_space<semaphore_mem>>) {add = true}
      %dma_wait3A_700 = arith.constant 0 : i32
      %dma_wait3A_701 = arith.constant 0 : i32
      %dma_wait3A_702 = tpu.memref_slice %arg7[%dma_wait3A_700, %dma_wait3A_701] : memref<250x80xi32, #tpu.memory_space<vmem>> -> memref<1x80xi32, #tpu.memory_space<vmem>>
      %dma_wait3A_703 = tpu.memref_squeeze %dma_wait3A_702 : memref<1x80xi32, #tpu.memory_space<vmem>> -> memref<80xi32, #tpu.memory_space<vmem>>
      %dma_wait3A_704 = arith.constant 0 : i32
      %dma_wait3A_705 = arith.constant 0 : i32
      %dma_wait3A_706 = tpu.memref_slice %arg19[%dma_wait3A_704, %dma_wait3A_705] : memref<10240x32xf32, #tpu.memory_space<vmem_shared>> -> memref<10240x32xf32, #tpu.memory_space<vmem_shared>>
      tpu.wait_indirect_dma semaphore(%arg38 : memref<!tpu.dma_semaphore, #tpu.memory_space<semaphore_mem>>) src(%arg16 : memref<80x32xf32, #tpu.memory_space<vmem>>) dst(%dma_wait3A_706 : memref<10240x32xf32, #tpu.memory_space<vmem_shared>>)
      %add3A_707 = arith.constant 5 : i32
      %add3A_708 = arith.addi %add3A_683, %add3A_707 : i32
      %dma_start3A_709 = arith.constant 0 : i32
      %dma_start3A_710 = tpu.memref_slice %arg6[%add3A_708, %dma_start3A_709] : memref<250x80xi32, #tpu.memory_space<vmem>> -> memref<1x80xi32, #tpu.memory_space<vmem>>
      %dma_start3A_711 = tpu.memref_squeeze %dma_start3A_710 : memref<1x80xi32, #tpu.memory_space<vmem>> -> memref<80xi32, #tpu.memory_space<vmem>>
      %dma_start3A_712 = arith.constant 0 : i32
      %dma_start3A_713 = arith.constant 0 : i32
      %dma_start3A_714 = tpu.memref_slice %arg2[%arg0, %dma_start3A_712, %dma_start3A_713] : memref<2x10000x32xf32, #tpu.memory_space<hbm>> -> memref<1x10000x32xf32, #tpu.memory_space<hbm>>
      %dma_start3A_715 = tpu.memref_squeeze %dma_start3A_714 : memref<1x10000x32xf32, #tpu.memory_space<hbm>> -> memref<10000x32xf32, #tpu.memory_space<hbm>>
      %dma_start3A_716 = arith.constant 0 : i32
      %dma_start3A_717 = arith.constant 0 : i32
      %dma_start3A_718 = tpu.memref_slice %dma_start3A_715[%dma_start3A_716, %dma_start3A_717] : memref<10000x32xf32, #tpu.memory_space<hbm>> -> memref<10000x32xf32, #tpu.memory_space<hbm>>
      tpu.enqueue_indirect_dma source(%dma_start3A_718 : memref<10000x32xf32, #tpu.memory_space<hbm>>) target(%arg16 : memref<80x32xf32, #tpu.memory_space<vmem>>) offsets(%dma_start3A_711 : memref<80xi32, #tpu.memory_space<vmem>>) semaphore(%arg28 : memref<!tpu.dma_semaphore, #tpu.memory_space<semaphore_mem>>)
      %add3A_719 = arith.constant 9 : i32
      %add3A_720 = arith.addi %add3A_385, %add3A_719 : i32
      %dma_wait3A_721 = arith.constant 0 : i32
      %dma_wait3A_722 = tpu.memref_slice %arg6[%add3A_720, %dma_wait3A_721] : memref<250x80xi32, #tpu.memory_space<vmem>> -> memref<1x80xi32, #tpu.memory_space<vmem>>
      %dma_wait3A_723 = tpu.memref_squeeze %dma_wait3A_722 : memref<1x80xi32, #tpu.memory_space<vmem>> -> memref<80xi32, #tpu.memory_space<vmem>>
      %dma_wait3A_724 = arith.constant 0 : i32
      %dma_wait3A_725 = arith.constant 0 : i32
      %dma_wait3A_726 = tpu.memref_slice %arg2[%arg0, %dma_wait3A_724, %dma_wait3A_725] : memref<2x10000x32xf32, #tpu.memory_space<hbm>> -> memref<1x10000x32xf32, #tpu.memory_space<hbm>>
      %dma_wait3A_727 = tpu.memref_squeeze %dma_wait3A_726 : memref<1x10000x32xf32, #tpu.memory_space<hbm>> -> memref<10000x32xf32, #tpu.memory_space<hbm>>
      %dma_wait3A_728 = arith.constant 0 : i32
      %dma_wait3A_729 = arith.constant 0 : i32
      %dma_wait3A_730 = tpu.memref_slice %dma_wait3A_727[%dma_wait3A_728, %dma_wait3A_729] : memref<10000x32xf32, #tpu.memory_space<hbm>> -> memref<10000x32xf32, #tpu.memory_space<hbm>>
      tpu.wait_indirect_dma semaphore(%arg24 : memref<!tpu.dma_semaphore, #tpu.memory_space<semaphore_mem>>) src(%dma_wait3A_730 : memref<10000x32xf32, #tpu.memory_space<hbm>>) dst(%arg12 : memref<80x32xf32, #tpu.memory_space<vmem>>)
      %dma_start3A_731 = arith.constant 0 : i32
      %dma_start3A_732 = tpu.memref_slice %arg7[%add3A_720, %dma_start3A_731] : memref<250x80xi32, #tpu.memory_space<vmem>> -> memref<1x80xi32, #tpu.memory_space<vmem>>
      %dma_start3A_733 = tpu.memref_squeeze %dma_start3A_732 : memref<1x80xi32, #tpu.memory_space<vmem>> -> memref<80xi32, #tpu.memory_space<vmem>>
      %dma_start3A_734 = arith.constant 0 : i32
      %dma_start3A_735 = arith.constant 0 : i32
      %dma_start3A_736 = tpu.memref_slice %arg19[%dma_start3A_734, %dma_start3A_735] : memref<10240x32xf32, #tpu.memory_space<vmem_shared>> -> memref<10240x32xf32, #tpu.memory_space<vmem_shared>>
      tpu.enqueue_indirect_dma source(%arg12 : memref<80x32xf32, #tpu.memory_space<vmem>>) target(%dma_start3A_736 : memref<10240x32xf32, #tpu.memory_space<vmem_shared>>) offsets(%dma_start3A_733 : memref<80xi32, #tpu.memory_space<vmem>>) semaphore(%arg34 : memref<!tpu.dma_semaphore, #tpu.memory_space<semaphore_mem>>) {add = true}
      %dma_wait3A_737 = arith.constant 0 : i32
      %dma_wait3A_738 = arith.constant 0 : i32
      %dma_wait3A_739 = tpu.memref_slice %arg7[%dma_wait3A_737, %dma_wait3A_738] : memref<250x80xi32, #tpu.memory_space<vmem>> -> memref<1x80xi32, #tpu.memory_space<vmem>>
      %dma_wait3A_740 = tpu.memref_squeeze %dma_wait3A_739 : memref<1x80xi32, #tpu.memory_space<vmem>> -> memref<80xi32, #tpu.memory_space<vmem>>
      %dma_wait3A_741 = arith.constant 0 : i32
      %dma_wait3A_742 = arith.constant 0 : i32
      %dma_wait3A_743 = tpu.memref_slice %arg19[%dma_wait3A_741, %dma_wait3A_742] : memref<10240x32xf32, #tpu.memory_space<vmem_shared>> -> memref<10240x32xf32, #tpu.memory_space<vmem_shared>>
      tpu.wait_indirect_dma semaphore(%arg39 : memref<!tpu.dma_semaphore, #tpu.memory_space<semaphore_mem>>) src(%arg17 : memref<80x32xf32, #tpu.memory_space<vmem>>) dst(%dma_wait3A_743 : memref<10240x32xf32, #tpu.memory_space<vmem_shared>>)
      %add3A_744 = arith.constant 5 : i32
      %add3A_745 = arith.addi %add3A_720, %add3A_744 : i32
      %dma_start3A_746 = arith.constant 0 : i32
      %dma_start3A_747 = tpu.memref_slice %arg6[%add3A_745, %dma_start3A_746] : memref<250x80xi32, #tpu.memory_space<vmem>> -> memref<1x80xi32, #tpu.memory_space<vmem>>
      %dma_start3A_748 = tpu.memref_squeeze %dma_start3A_747 : memref<1x80xi32, #tpu.memory_space<vmem>> -> memref<80xi32, #tpu.memory_space<vmem>>
      %dma_start3A_749 = arith.constant 0 : i32
      %dma_start3A_750 = arith.constant 0 : i32
      %dma_start3A_751 = tpu.memref_slice %arg2[%arg0, %dma_start3A_749, %dma_start3A_750] : memref<2x10000x32xf32, #tpu.memory_space<hbm>> -> memref<1x10000x32xf32, #tpu.memory_space<hbm>>
      %dma_start3A_752 = tpu.memref_squeeze %dma_start3A_751 : memref<1x10000x32xf32, #tpu.memory_space<hbm>> -> memref<10000x32xf32, #tpu.memory_space<hbm>>
      %dma_start3A_753 = arith.constant 0 : i32
      %dma_start3A_754 = arith.constant 0 : i32
      %dma_start3A_755 = tpu.memref_slice %dma_start3A_752[%dma_start3A_753, %dma_start3A_754] : memref<10000x32xf32, #tpu.memory_space<hbm>> -> memref<10000x32xf32, #tpu.memory_space<hbm>>
      tpu.enqueue_indirect_dma source(%dma_start3A_755 : memref<10000x32xf32, #tpu.memory_space<hbm>>) target(%arg17 : memref<80x32xf32, #tpu.memory_space<vmem>>) offsets(%dma_start3A_748 : memref<80xi32, #tpu.memory_space<vmem>>) semaphore(%arg29 : memref<!tpu.dma_semaphore, #tpu.memory_space<semaphore_mem>>)
    }
    %scan3A_219 = arith.constant 24 : i32
    %dma_wait3A_220 = arith.constant 245 : i32
    %dma_wait3A_221 = arith.constant 0 : i32
    %dma_wait3A_222 = tpu.memref_slice %arg6[%dma_wait3A_220, %dma_wait3A_221] : memref<250x80xi32, #tpu.memory_space<vmem>> -> memref<1x80xi32, #tpu.memory_space<vmem>>
    %dma_wait3A_223 = tpu.memref_squeeze %dma_wait3A_222 : memref<1x80xi32, #tpu.memory_space<vmem>> -> memref<80xi32, #tpu.memory_space<vmem>>
    %dma_wait3A_224 = arith.constant 0 : i32
    %dma_wait3A_225 = arith.constant 0 : i32
    %dma_wait3A_226 = tpu.memref_slice %arg2[%arg0, %dma_wait3A_224, %dma_wait3A_225] : memref<2x10000x32xf32, #tpu.memory_space<hbm>> -> memref<1x10000x32xf32, #tpu.memory_space<hbm>>
    %dma_wait3A_227 = tpu.memref_squeeze %dma_wait3A_226 : memref<1x10000x32xf32, #tpu.memory_space<hbm>> -> memref<10000x32xf32, #tpu.memory_space<hbm>>
    %dma_wait3A_228 = arith.constant 0 : i32
    %dma_wait3A_229 = arith.constant 0 : i32
    %dma_wait3A_230 = tpu.memref_slice %dma_wait3A_227[%dma_wait3A_228, %dma_wait3A_229] : memref<10000x32xf32, #tpu.memory_space<hbm>> -> memref<10000x32xf32, #tpu.memory_space<hbm>>
    tpu.wait_indirect_dma semaphore(%arg25 : memref<!tpu.dma_semaphore, #tpu.memory_space<semaphore_mem>>) src(%dma_wait3A_230 : memref<10000x32xf32, #tpu.memory_space<hbm>>) dst(%arg13 : memref<80x32xf32, #tpu.memory_space<vmem>>)
    %dma_start3A_231 = arith.constant 245 : i32
    %dma_start3A_232 = arith.constant 0 : i32
    %dma_start3A_233 = tpu.memref_slice %arg7[%dma_start3A_231, %dma_start3A_232] : memref<250x80xi32, #tpu.memory_space<vmem>> -> memref<1x80xi32, #tpu.memory_space<vmem>>
    %dma_start3A_234 = tpu.memref_squeeze %dma_start3A_233 : memref<1x80xi32, #tpu.memory_space<vmem>> -> memref<80xi32, #tpu.memory_space<vmem>>
    %dma_start3A_235 = arith.constant 0 : i32
    %dma_start3A_236 = arith.constant 0 : i32
    %dma_start3A_237 = tpu.memref_slice %arg19[%dma_start3A_235, %dma_start3A_236] : memref<10240x32xf32, #tpu.memory_space<vmem_shared>> -> memref<10240x32xf32, #tpu.memory_space<vmem_shared>>
    tpu.enqueue_indirect_dma source(%arg13 : memref<80x32xf32, #tpu.memory_space<vmem>>) target(%dma_start3A_237 : memref<10240x32xf32, #tpu.memory_space<vmem_shared>>) offsets(%dma_start3A_234 : memref<80xi32, #tpu.memory_space<vmem>>) semaphore(%arg35 : memref<!tpu.dma_semaphore, #tpu.memory_space<semaphore_mem>>) {add = true}
    %dma_wait3A_238 = arith.constant 0 : i32
    %dma_wait3A_239 = arith.constant 0 : i32
    %dma_wait3A_240 = tpu.memref_slice %arg7[%dma_wait3A_238, %dma_wait3A_239] : memref<250x80xi32, #tpu.memory_space<vmem>> -> memref<1x80xi32, #tpu.memory_space<vmem>>
    %dma_wait3A_241 = tpu.memref_squeeze %dma_wait3A_240 : memref<1x80xi32, #tpu.memory_space<vmem>> -> memref<80xi32, #tpu.memory_space<vmem>>
    %dma_wait3A_242 = arith.constant 0 : i32
    %dma_wait3A_243 = arith.constant 0 : i32
    %dma_wait3A_244 = tpu.memref_slice %arg19[%dma_wait3A_242, %dma_wait3A_243] : memref<10240x32xf32, #tpu.memory_space<vmem_shared>> -> memref<10240x32xf32, #tpu.memory_space<vmem_shared>>
    tpu.wait_indirect_dma semaphore(%arg30 : memref<!tpu.dma_semaphore, #tpu.memory_space<semaphore_mem>>) src(%arg8 : memref<80x32xf32, #tpu.memory_space<vmem>>) dst(%dma_wait3A_244 : memref<10240x32xf32, #tpu.memory_space<vmem_shared>>)
    %dma_wait3A_245 = arith.constant 246 : i32
    %dma_wait3A_246 = arith.constant 0 : i32
    %dma_wait3A_247 = tpu.memref_slice %arg6[%dma_wait3A_245, %dma_wait3A_246] : memref<250x80xi32, #tpu.memory_space<vmem>> -> memref<1x80xi32, #tpu.memory_space<vmem>>
    %dma_wait3A_248 = tpu.memref_squeeze %dma_wait3A_247 : memref<1x80xi32, #tpu.memory_space<vmem>> -> memref<80xi32, #tpu.memory_space<vmem>>
    %dma_wait3A_249 = arith.constant 0 : i32
    %dma_wait3A_250 = arith.constant 0 : i32
    %dma_wait3A_251 = tpu.memref_slice %arg2[%arg0, %dma_wait3A_249, %dma_wait3A_250] : memref<2x10000x32xf32, #tpu.memory_space<hbm>> -> memref<1x10000x32xf32, #tpu.memory_space<hbm>>
    %dma_wait3A_252 = tpu.memref_squeeze %dma_wait3A_251 : memref<1x10000x32xf32, #tpu.memory_space<hbm>> -> memref<10000x32xf32, #tpu.memory_space<hbm>>
    %dma_wait3A_253 = arith.constant 0 : i32
    %dma_wait3A_254 = arith.constant 0 : i32
    %dma_wait3A_255 = tpu.memref_slice %dma_wait3A_252[%dma_wait3A_253, %dma_wait3A_254] : memref<10000x32xf32, #tpu.memory_space<hbm>> -> memref<10000x32xf32, #tpu.memory_space<hbm>>
    tpu.wait_indirect_dma semaphore(%arg26 : memref<!tpu.dma_semaphore, #tpu.memory_space<semaphore_mem>>) src(%dma_wait3A_255 : memref<10000x32xf32, #tpu.memory_space<hbm>>) dst(%arg14 : memref<80x32xf32, #tpu.memory_space<vmem>>)
    %dma_start3A_256 = arith.constant 246 : i32
    %dma_start3A_257 = arith.constant 0 : i32
    %dma_start3A_258 = tpu.memref_slice %arg7[%dma_start3A_256, %dma_start3A_257] : memref<250x80xi32, #tpu.memory_space<vmem>> -> memref<1x80xi32, #tpu.memory_space<vmem>>
    %dma_start3A_259 = tpu.memref_squeeze %dma_start3A_258 : memref<1x80xi32, #tpu.memory_space<vmem>> -> memref<80xi32, #tpu.memory_space<vmem>>
    %dma_start3A_260 = arith.constant 0 : i32
    %dma_start3A_261 = arith.constant 0 : i32
    %dma_start3A_262 = tpu.memref_slice %arg19[%dma_start3A_260, %dma_start3A_261] : memref<10240x32xf32, #tpu.memory_space<vmem_shared>> -> memref<10240x32xf32, #tpu.memory_space<vmem_shared>>
    tpu.enqueue_indirect_dma source(%arg14 : memref<80x32xf32, #tpu.memory_space<vmem>>) target(%dma_start3A_262 : memref<10240x32xf32, #tpu.memory_space<vmem_shared>>) offsets(%dma_start3A_259 : memref<80xi32, #tpu.memory_space<vmem>>) semaphore(%arg36 : memref<!tpu.dma_semaphore, #tpu.memory_space<semaphore_mem>>) {add = true}
    %dma_wait3A_263 = arith.constant 0 : i32
    %dma_wait3A_264 = arith.constant 0 : i32
    %dma_wait3A_265 = tpu.memref_slice %arg7[%dma_wait3A_263, %dma_wait3A_264] : memref<250x80xi32, #tpu.memory_space<vmem>> -> memref<1x80xi32, #tpu.memory_space<vmem>>
    %dma_wait3A_266 = tpu.memref_squeeze %dma_wait3A_265 : memref<1x80xi32, #tpu.memory_space<vmem>> -> memref<80xi32, #tpu.memory_space<vmem>>
    %dma_wait3A_267 = arith.constant 0 : i32
    %dma_wait3A_268 = arith.constant 0 : i32
    %dma_wait3A_269 = tpu.memref_slice %arg19[%dma_wait3A_267, %dma_wait3A_268] : memref<10240x32xf32, #tpu.memory_space<vmem_shared>> -> memref<10240x32xf32, #tpu.memory_space<vmem_shared>>
    tpu.wait_indirect_dma semaphore(%arg31 : memref<!tpu.dma_semaphore, #tpu.memory_space<semaphore_mem>>) src(%arg9 : memref<80x32xf32, #tpu.memory_space<vmem>>) dst(%dma_wait3A_269 : memref<10240x32xf32, #tpu.memory_space<vmem_shared>>)
    %dma_wait3A_270 = arith.constant 247 : i32
    %dma_wait3A_271 = arith.constant 0 : i32
    %dma_wait3A_272 = tpu.memref_slice %arg6[%dma_wait3A_270, %dma_wait3A_271] : memref<250x80xi32, #tpu.memory_space<vmem>> -> memref<1x80xi32, #tpu.memory_space<vmem>>
    %dma_wait3A_273 = tpu.memref_squeeze %dma_wait3A_272 : memref<1x80xi32, #tpu.memory_space<vmem>> -> memref<80xi32, #tpu.memory_space<vmem>>
    %dma_wait3A_274 = arith.constant 0 : i32
    %dma_wait3A_275 = arith.constant 0 : i32
    %dma_wait3A_276 = tpu.memref_slice %arg2[%arg0, %dma_wait3A_274, %dma_wait3A_275] : memref<2x10000x32xf32, #tpu.memory_space<hbm>> -> memref<1x10000x32xf32, #tpu.memory_space<hbm>>
    %dma_wait3A_277 = tpu.memref_squeeze %dma_wait3A_276 : memref<1x10000x32xf32, #tpu.memory_space<hbm>> -> memref<10000x32xf32, #tpu.memory_space<hbm>>
    %dma_wait3A_278 = arith.constant 0 : i32
    %dma_wait3A_279 = arith.constant 0 : i32
    %dma_wait3A_280 = tpu.memref_slice %dma_wait3A_277[%dma_wait3A_278, %dma_wait3A_279] : memref<10000x32xf32, #tpu.memory_space<hbm>> -> memref<10000x32xf32, #tpu.memory_space<hbm>>
    tpu.wait_indirect_dma semaphore(%arg27 : memref<!tpu.dma_semaphore, #tpu.memory_space<semaphore_mem>>) src(%dma_wait3A_280 : memref<10000x32xf32, #tpu.memory_space<hbm>>) dst(%arg15 : memref<80x32xf32, #tpu.memory_space<vmem>>)
    %dma_start3A_281 = arith.constant 247 : i32
    %dma_start3A_282 = arith.constant 0 : i32
    %dma_start3A_283 = tpu.memref_slice %arg7[%dma_start3A_281, %dma_start3A_282] : memref<250x80xi32, #tpu.memory_space<vmem>> -> memref<1x80xi32, #tpu.memory_space<vmem>>
    %dma_start3A_284 = tpu.memref_squeeze %dma_start3A_283 : memref<1x80xi32, #tpu.memory_space<vmem>> -> memref<80xi32, #tpu.memory_space<vmem>>
    %dma_start3A_285 = arith.constant 0 : i32
    %dma_start3A_286 = arith.constant 0 : i32
    %dma_start3A_287 = tpu.memref_slice %arg19[%dma_start3A_285, %dma_start3A_286] : memref<10240x32xf32, #tpu.memory_space<vmem_shared>> -> memref<10240x32xf32, #tpu.memory_space<vmem_shared>>
    tpu.enqueue_indirect_dma source(%arg15 : memref<80x32xf32, #tpu.memory_space<vmem>>) target(%dma_start3A_287 : memref<10240x32xf32, #tpu.memory_space<vmem_shared>>) offsets(%dma_start3A_284 : memref<80xi32, #tpu.memory_space<vmem>>) semaphore(%arg37 : memref<!tpu.dma_semaphore, #tpu.memory_space<semaphore_mem>>) {add = true}
    %dma_wait3A_288 = arith.constant 0 : i32
    %dma_wait3A_289 = arith.constant 0 : i32
    %dma_wait3A_290 = tpu.memref_slice %arg7[%dma_wait3A_288, %dma_wait3A_289] : memref<250x80xi32, #tpu.memory_space<vmem>> -> memref<1x80xi32, #tpu.memory_space<vmem>>
    %dma_wait3A_291 = tpu.memref_squeeze %dma_wait3A_290 : memref<1x80xi32, #tpu.memory_space<vmem>> -> memref<80xi32, #tpu.memory_space<vmem>>
    %dma_wait3A_292 = arith.constant 0 : i32
    %dma_wait3A_293 = arith.constant 0 : i32
    %dma_wait3A_294 = tpu.memref_slice %arg19[%dma_wait3A_292, %dma_wait3A_293] : memref<10240x32xf32, #tpu.memory_space<vmem_shared>> -> memref<10240x32xf32, #tpu.memory_space<vmem_shared>>
    tpu.wait_indirect_dma semaphore(%arg32 : memref<!tpu.dma_semaphore, #tpu.memory_space<semaphore_mem>>) src(%arg10 : memref<80x32xf32, #tpu.memory_space<vmem>>) dst(%dma_wait3A_294 : memref<10240x32xf32, #tpu.memory_space<vmem_shared>>)
    %dma_wait3A_295 = arith.constant 248 : i32
    %dma_wait3A_296 = arith.constant 0 : i32
    %dma_wait3A_297 = tpu.memref_slice %arg6[%dma_wait3A_295, %dma_wait3A_296] : memref<250x80xi32, #tpu.memory_space<vmem>> -> memref<1x80xi32, #tpu.memory_space<vmem>>
    %dma_wait3A_298 = tpu.memref_squeeze %dma_wait3A_297 : memref<1x80xi32, #tpu.memory_space<vmem>> -> memref<80xi32, #tpu.memory_space<vmem>>
    %dma_wait3A_299 = arith.constant 0 : i32
    %dma_wait3A_300 = arith.constant 0 : i32
    %dma_wait3A_301 = tpu.memref_slice %arg2[%arg0, %dma_wait3A_299, %dma_wait3A_300] : memref<2x10000x32xf32, #tpu.memory_space<hbm>> -> memref<1x10000x32xf32, #tpu.memory_space<hbm>>
    %dma_wait3A_302 = tpu.memref_squeeze %dma_wait3A_301 : memref<1x10000x32xf32, #tpu.memory_space<hbm>> -> memref<10000x32xf32, #tpu.memory_space<hbm>>
    %dma_wait3A_303 = arith.constant 0 : i32
    %dma_wait3A_304 = arith.constant 0 : i32
    %dma_wait3A_305 = tpu.memref_slice %dma_wait3A_302[%dma_wait3A_303, %dma_wait3A_304] : memref<10000x32xf32, #tpu.memory_space<hbm>> -> memref<10000x32xf32, #tpu.memory_space<hbm>>
    tpu.wait_indirect_dma semaphore(%arg28 : memref<!tpu.dma_semaphore, #tpu.memory_space<semaphore_mem>>) src(%dma_wait3A_305 : memref<10000x32xf32, #tpu.memory_space<hbm>>) dst(%arg16 : memref<80x32xf32, #tpu.memory_space<vmem>>)
    %dma_start3A_306 = arith.constant 248 : i32
    %dma_start3A_307 = arith.constant 0 : i32
    %dma_start3A_308 = tpu.memref_slice %arg7[%dma_start3A_306, %dma_start3A_307] : memref<250x80xi32, #tpu.memory_space<vmem>> -> memref<1x80xi32, #tpu.memory_space<vmem>>
    %dma_start3A_309 = tpu.memref_squeeze %dma_start3A_308 : memref<1x80xi32, #tpu.memory_space<vmem>> -> memref<80xi32, #tpu.memory_space<vmem>>
    %dma_start3A_310 = arith.constant 0 : i32
    %dma_start3A_311 = arith.constant 0 : i32
    %dma_start3A_312 = tpu.memref_slice %arg19[%dma_start3A_310, %dma_start3A_311] : memref<10240x32xf32, #tpu.memory_space<vmem_shared>> -> memref<10240x32xf32, #tpu.memory_space<vmem_shared>>
    tpu.enqueue_indirect_dma source(%arg16 : memref<80x32xf32, #tpu.memory_space<vmem>>) target(%dma_start3A_312 : memref<10240x32xf32, #tpu.memory_space<vmem_shared>>) offsets(%dma_start3A_309 : memref<80xi32, #tpu.memory_space<vmem>>) semaphore(%arg38 : memref<!tpu.dma_semaphore, #tpu.memory_space<semaphore_mem>>) {add = true}
    %dma_wait3A_313 = arith.constant 0 : i32
    %dma_wait3A_314 = arith.constant 0 : i32
    %dma_wait3A_315 = tpu.memref_slice %arg7[%dma_wait3A_313, %dma_wait3A_314] : memref<250x80xi32, #tpu.memory_space<vmem>> -> memref<1x80xi32, #tpu.memory_space<vmem>>
    %dma_wait3A_316 = tpu.memref_squeeze %dma_wait3A_315 : memref<1x80xi32, #tpu.memory_space<vmem>> -> memref<80xi32, #tpu.memory_space<vmem>>
    %dma_wait3A_317 = arith.constant 0 : i32
    %dma_wait3A_318 = arith.constant 0 : i32
    %dma_wait3A_319 = tpu.memref_slice %arg19[%dma_wait3A_317, %dma_wait3A_318] : memref<10240x32xf32, #tpu.memory_space<vmem_shared>> -> memref<10240x32xf32, #tpu.memory_space<vmem_shared>>
    tpu.wait_indirect_dma semaphore(%arg33 : memref<!tpu.dma_semaphore, #tpu.memory_space<semaphore_mem>>) src(%arg11 : memref<80x32xf32, #tpu.memory_space<vmem>>) dst(%dma_wait3A_319 : memref<10240x32xf32, #tpu.memory_space<vmem_shared>>)
    %dma_wait3A_320 = arith.constant 249 : i32
    %dma_wait3A_321 = arith.constant 0 : i32
    %dma_wait3A_322 = tpu.memref_slice %arg6[%dma_wait3A_320, %dma_wait3A_321] : memref<250x80xi32, #tpu.memory_space<vmem>> -> memref<1x80xi32, #tpu.memory_space<vmem>>
    %dma_wait3A_323 = tpu.memref_squeeze %dma_wait3A_322 : memref<1x80xi32, #tpu.memory_space<vmem>> -> memref<80xi32, #tpu.memory_space<vmem>>
    %dma_wait3A_324 = arith.constant 0 : i32
    %dma_wait3A_325 = arith.constant 0 : i32
    %dma_wait3A_326 = tpu.memref_slice %arg2[%arg0, %dma_wait3A_324, %dma_wait3A_325] : memref<2x10000x32xf32, #tpu.memory_space<hbm>> -> memref<1x10000x32xf32, #tpu.memory_space<hbm>>
    %dma_wait3A_327 = tpu.memref_squeeze %dma_wait3A_326 : memref<1x10000x32xf32, #tpu.memory_space<hbm>> -> memref<10000x32xf32, #tpu.memory_space<hbm>>
    %dma_wait3A_328 = arith.constant 0 : i32
    %dma_wait3A_329 = arith.constant 0 : i32
    %dma_wait3A_330 = tpu.memref_slice %dma_wait3A_327[%dma_wait3A_328, %dma_wait3A_329] : memref<10000x32xf32, #tpu.memory_space<hbm>> -> memref<10000x32xf32, #tpu.memory_space<hbm>>
    tpu.wait_indirect_dma semaphore(%arg29 : memref<!tpu.dma_semaphore, #tpu.memory_space<semaphore_mem>>) src(%dma_wait3A_330 : memref<10000x32xf32, #tpu.memory_space<hbm>>) dst(%arg17 : memref<80x32xf32, #tpu.memory_space<vmem>>)
    %dma_start3A_331 = arith.constant 249 : i32
    %dma_start3A_332 = arith.constant 0 : i32
    %dma_start3A_333 = tpu.memref_slice %arg7[%dma_start3A_331, %dma_start3A_332] : memref<250x80xi32, #tpu.memory_space<vmem>> -> memref<1x80xi32, #tpu.memory_space<vmem>>
    %dma_start3A_334 = tpu.memref_squeeze %dma_start3A_333 : memref<1x80xi32, #tpu.memory_space<vmem>> -> memref<80xi32, #tpu.memory_space<vmem>>
    %dma_start3A_335 = arith.constant 0 : i32
    %dma_start3A_336 = arith.constant 0 : i32
    %dma_start3A_337 = tpu.memref_slice %arg19[%dma_start3A_335, %dma_start3A_336] : memref<10240x32xf32, #tpu.memory_space<vmem_shared>> -> memref<10240x32xf32, #tpu.memory_space<vmem_shared>>
    tpu.enqueue_indirect_dma source(%arg17 : memref<80x32xf32, #tpu.memory_space<vmem>>) target(%dma_start3A_337 : memref<10240x32xf32, #tpu.memory_space<vmem_shared>>) offsets(%dma_start3A_334 : memref<80xi32, #tpu.memory_space<vmem>>) semaphore(%arg39 : memref<!tpu.dma_semaphore, #tpu.memory_space<semaphore_mem>>) {add = true}
    %dma_wait3A_338 = arith.constant 0 : i32
    %dma_wait3A_339 = arith.constant 0 : i32
    %dma_wait3A_340 = tpu.memref_slice %arg7[%dma_wait3A_338, %dma_wait3A_339] : memref<250x80xi32, #tpu.memory_space<vmem>> -> memref<1x80xi32, #tpu.memory_space<vmem>>
    %dma_wait3A_341 = tpu.memref_squeeze %dma_wait3A_340 : memref<1x80xi32, #tpu.memory_space<vmem>> -> memref<80xi32, #tpu.memory_space<vmem>>
    %dma_wait3A_342 = arith.constant 0 : i32
    %dma_wait3A_343 = arith.constant 0 : i32
    %dma_wait3A_344 = tpu.memref_slice %arg19[%dma_wait3A_342, %dma_wait3A_343] : memref<10240x32xf32, #tpu.memory_space<vmem_shared>> -> memref<10240x32xf32, #tpu.memory_space<vmem_shared>>
    tpu.wait_indirect_dma semaphore(%arg34 : memref<!tpu.dma_semaphore, #tpu.memory_space<semaphore_mem>>) src(%arg12 : memref<80x32xf32, #tpu.memory_space<vmem>>) dst(%dma_wait3A_344 : memref<10240x32xf32, #tpu.memory_space<vmem_shared>>)
    %dma_wait3A_345 = arith.constant 0 : i32
    %dma_wait3A_346 = arith.constant 0 : i32
    %dma_wait3A_347 = tpu.memref_slice %arg7[%dma_wait3A_345, %dma_wait3A_346] : memref<250x80xi32, #tpu.memory_space<vmem>> -> memref<1x80xi32, #tpu.memory_space<vmem>>
    %dma_wait3A_348 = tpu.memref_squeeze %dma_wait3A_347 : memref<1x80xi32, #tpu.memory_space<vmem>> -> memref<80xi32, #tpu.memory_space<vmem>>
    %dma_wait3A_349 = arith.constant 0 : i32
    %dma_wait3A_350 = arith.constant 0 : i32
    %dma_wait3A_351 = tpu.memref_slice %arg19[%dma_wait3A_349, %dma_wait3A_350] : memref<10240x32xf32, #tpu.memory_space<vmem_shared>> -> memref<10240x32xf32, #tpu.memory_space<vmem_shared>>
    tpu.wait_indirect_dma semaphore(%arg35 : memref<!tpu.dma_semaphore, #tpu.memory_space<semaphore_mem>>) src(%arg13 : memref<80x32xf32, #tpu.memory_space<vmem>>) dst(%dma_wait3A_351 : memref<10240x32xf32, #tpu.memory_space<vmem_shared>>)
    %dma_wait3A_352 = arith.constant 0 : i32
    %dma_wait3A_353 = arith.constant 0 : i32
    %dma_wait3A_354 = tpu.memref_slice %arg7[%dma_wait3A_352, %dma_wait3A_353] : memref<250x80xi32, #tpu.memory_space<vmem>> -> memref<1x80xi32, #tpu.memory_space<vmem>>
    %dma_wait3A_355 = tpu.memref_squeeze %dma_wait3A_354 : memref<1x80xi32, #tpu.memory_space<vmem>> -> memref<80xi32, #tpu.memory_space<vmem>>
    %dma_wait3A_356 = arith.constant 0 : i32
    %dma_wait3A_357 = arith.constant 0 : i32
    %dma_wait3A_358 = tpu.memref_slice %arg19[%dma_wait3A_356, %dma_wait3A_357] : memref<10240x32xf32, #tpu.memory_space<vmem_shared>> -> memref<10240x32xf32, #tpu.memory_space<vmem_shared>>
    tpu.wait_indirect_dma semaphore(%arg36 : memref<!tpu.dma_semaphore, #tpu.memory_space<semaphore_mem>>) src(%arg14 : memref<80x32xf32, #tpu.memory_space<vmem>>) dst(%dma_wait3A_358 : memref<10240x32xf32, #tpu.memory_space<vmem_shared>>)
    %dma_wait3A_359 = arith.constant 0 : i32
    %dma_wait3A_360 = arith.constant 0 : i32
    %dma_wait3A_361 = tpu.memref_slice %arg7[%dma_wait3A_359, %dma_wait3A_360] : memref<250x80xi32, #tpu.memory_space<vmem>> -> memref<1x80xi32, #tpu.memory_space<vmem>>
    %dma_wait3A_362 = tpu.memref_squeeze %dma_wait3A_361 : memref<1x80xi32, #tpu.memory_space<vmem>> -> memref<80xi32, #tpu.memory_space<vmem>>
    %dma_wait3A_363 = arith.constant 0 : i32
    %dma_wait3A_364 = arith.constant 0 : i32
    %dma_wait3A_365 = tpu.memref_slice %arg19[%dma_wait3A_363, %dma_wait3A_364] : memref<10240x32xf32, #tpu.memory_space<vmem_shared>> -> memref<10240x32xf32, #tpu.memory_space<vmem_shared>>
    tpu.wait_indirect_dma semaphore(%arg37 : memref<!tpu.dma_semaphore, #tpu.memory_space<semaphore_mem>>) src(%arg15 : memref<80x32xf32, #tpu.memory_space<vmem>>) dst(%dma_wait3A_365 : memref<10240x32xf32, #tpu.memory_space<vmem_shared>>)
    %dma_wait3A_366 = arith.constant 0 : i32
    %dma_wait3A_367 = arith.constant 0 : i32
    %dma_wait3A_368 = tpu.memref_slice %arg7[%dma_wait3A_366, %dma_wait3A_367] : memref<250x80xi32, #tpu.memory_space<vmem>> -> memref<1x80xi32, #tpu.memory_space<vmem>>
    %dma_wait3A_369 = tpu.memref_squeeze %dma_wait3A_368 : memref<1x80xi32, #tpu.memory_space<vmem>> -> memref<80xi32, #tpu.memory_space<vmem>>
    %dma_wait3A_370 = arith.constant 0 : i32
    %dma_wait3A_371 = arith.constant 0 : i32
    %dma_wait3A_372 = tpu.memref_slice %arg19[%dma_wait3A_370, %dma_wait3A_371] : memref<10240x32xf32, #tpu.memory_space<vmem_shared>> -> memref<10240x32xf32, #tpu.memory_space<vmem_shared>>
    tpu.wait_indirect_dma semaphore(%arg38 : memref<!tpu.dma_semaphore, #tpu.memory_space<semaphore_mem>>) src(%arg16 : memref<80x32xf32, #tpu.memory_space<vmem>>) dst(%dma_wait3A_372 : memref<10240x32xf32, #tpu.memory_space<vmem_shared>>)
    %dma_wait3A_373 = arith.constant 0 : i32
    %dma_wait3A_374 = arith.constant 0 : i32
    %dma_wait3A_375 = tpu.memref_slice %arg7[%dma_wait3A_373, %dma_wait3A_374] : memref<250x80xi32, #tpu.memory_space<vmem>> -> memref<1x80xi32, #tpu.memory_space<vmem>>
    %dma_wait3A_376 = tpu.memref_squeeze %dma_wait3A_375 : memref<1x80xi32, #tpu.memory_space<vmem>> -> memref<80xi32, #tpu.memory_space<vmem>>
    %dma_wait3A_377 = arith.constant 0 : i32
    %dma_wait3A_378 = arith.constant 0 : i32
    %dma_wait3A_379 = tpu.memref_slice %arg19[%dma_wait3A_377, %dma_wait3A_378] : memref<10240x32xf32, #tpu.memory_space<vmem_shared>> -> memref<10240x32xf32, #tpu.memory_space<vmem_shared>>
    tpu.wait_indirect_dma semaphore(%arg39 : memref<!tpu.dma_semaphore, #tpu.memory_space<semaphore_mem>>) src(%arg17 : memref<80x32xf32, #tpu.memory_space<vmem>>) dst(%dma_wait3A_379 : memref<10240x32xf32, #tpu.memory_space<vmem_shared>>)
    %barrier3A_380 = arith.constant 0 : index
    tpu.barrier barrier_id(%barrier3A_380)
    "tpu.region"() ({
      %run_scoped3A = tpu.sem_alloc : memref<!tpu.dma_semaphore, #tpu.memory_space<semaphore_mem>>
      %dma_start3A_381 = arith.constant 0 : i32
      %dma_start3A_382 = tpu.memref_slice %arg5[%arg0, %mul3A_6, %dma_start3A_381] : memref<2x10240x32xf32, #tpu.memory_space<hbm>> -> memref<1x640x32xf32, #tpu.memory_space<hbm>>
      %dma_start3A_383 = tpu.memref_squeeze %dma_start3A_382 : memref<1x640x32xf32, #tpu.memory_space<hbm>> -> memref<640x32xf32, #tpu.memory_space<hbm>>
      %dma_start3A_384 = arith.constant 0 : i32
      %dma_start3A_385 = tpu.memref_slice %arg19[%mul3A_6, %dma_start3A_384] : memref<10240x32xf32, #tpu.memory_space<vmem_shared>> -> memref<640x32xf32, #tpu.memory_space<vmem_shared>>
      tpu.enqueue_dma source(%dma_start3A_385 : memref<640x32xf32, #tpu.memory_space<vmem_shared>>) target(%dma_start3A_383 : memref<640x32xf32, #tpu.memory_space<hbm>>) target_semaphore(%run_scoped3A : memref<!tpu.dma_semaphore, #tpu.memory_space<semaphore_mem>>)
      %dma_wait3A_386 = arith.constant 0 : i32
      %dma_wait3A_387 = tpu.memref_slice %arg5[%arg0, %mul3A_6, %dma_wait3A_386] : memref<2x10240x32xf32, #tpu.memory_space<hbm>> -> memref<1x640x32xf32, #tpu.memory_space<hbm>>
      %dma_wait3A_388 = tpu.memref_squeeze %dma_wait3A_387 : memref<1x640x32xf32, #tpu.memory_space<hbm>> -> memref<640x32xf32, #tpu.memory_space<hbm>>
      %dma_wait3A_389 = arith.constant 0 : i32
      %dma_wait3A_390 = tpu.memref_slice %arg19[%mul3A_6, %dma_wait3A_389] : memref<10240x32xf32, #tpu.memory_space<vmem_shared>> -> memref<640x32xf32, #tpu.memory_space<vmem_shared>>
      tpu.wait_dma2 semaphore(%run_scoped3A : memref<!tpu.dma_semaphore, #tpu.memory_space<semaphore_mem>>) src(%dma_wait3A_390 : memref<640x32xf32, #tpu.memory_space<vmem_shared>>) dst(%dma_wait3A_388 : memref<640x32xf32, #tpu.memory_space<hbm>>)
      tpu.yield
    }) : () -> ()
    return
  }
}

module attributes {stable_mosaic.version = 14 : i64} {
  func.func @body(%arg0: i32, %arg1: memref<2x1000x8xf32, #tpu.memory_space<vmem>>, %arg2: memref<1000x128xf32, #tpu.memory_space<vmem>>, %arg3: memref<1000x1xf32, #tpu.memory_space<vmem>>, %arg4: memref<2x1000x64xf32, #tpu.memory_space<vmem>>) attributes {dimension_semantics = [#tpu.dimension_semantics<arbitrary>], iteration_bounds = array<i64: 10>, scalar_prefetch = 0 : i64, scratch_operands = 0 : i64, tpu.core_type = #tpu.core_type<tc>, window_params = [{transform_indices = @transform_0, window_bounds = array<i64: 2, 1000, 8>}, {transform_indices = @transform_1, window_bounds = array<i64: 1000, 128>}, {transform_indices = @transform_2, window_bounds = array<i64: 1000, 1>}, {transform_indices = @transform_3, window_bounds = array<i64: 2, 1000, 64>}]} {
    %get3A = arith.constant 0 : index
    %get3A_0 = arith.constant 0 : index
    %get3A_1 = arith.constant 0 : index
    %get3A_2 = vector.load %arg1[%get3A, %get3A_0, %get3A_1] : memref<2x1000x8xf32, #tpu.memory_space<vmem>>, vector<1x1000x1xf32>
    %get3A_3 = vector.shape_cast %get3A_2 : vector<1x1000x1xf32> to vector<1000x1xf32>
    %get3A_4 = arith.constant 1 : index
    %get3A_5 = arith.constant 0 : index
    %get3A_6 = arith.constant 0 : index
    %get3A_7 = vector.load %arg1[%get3A_4, %get3A_5, %get3A_6] : memref<2x1000x8xf32, #tpu.memory_space<vmem>>, vector<1x1000x1xf32>
    %get3A_8 = vector.shape_cast %get3A_7 : vector<1x1000x1xf32> to vector<1000x1xf32>
    %add3A = arith.addf %get3A_3, %get3A_8 : vector<1000x1xf32>
    %add3A_9 = arith.constant 1.000000e+00 : f32
    %add3A_10 = vector.broadcast %add3A_9 : f32 to vector<1000x1xf32>
    %add3A_11 = arith.addf %add3A, %add3A_10 : vector<1000x1xf32>
    %rsqrt3A = math.rsqrt %add3A_11 : vector<1000x1xf32>
    %swap3A = arith.constant 0 : index
    %swap3A_12 = arith.constant 0 : index
    %swap3A_13 = vector.load %arg3[%swap3A, %swap3A_12] : memref<1000x1xf32, #tpu.memory_space<vmem>>, vector<1000x1xf32>
    tpu.vector_store %arg3[%swap3A, %swap3A_12], %rsqrt3A {strides = array<i32>} : memref<1000x1xf32, #tpu.memory_space<vmem>>, vector<1000x1xf32>,
    %get3A_14 = arith.constant 0 : index
    %get3A_15 = arith.constant 0 : index
    %get3A_16 = vector.load %arg2[%get3A_14, %get3A_15] : memref<1000x128xf32, #tpu.memory_space<vmem>>, vector<1000x128xf32>
    %mul3A = vector.broadcast %rsqrt3A : vector<1000x1xf32> to vector<1000x128xf32>
    %mul3A_17 = arith.mulf %get3A_16, %mul3A : vector<1000x128xf32>
    %slice3A = vector.extract_strided_slice %mul3A_17 {offsets = [0, 0], sizes = [1000, 64], strides = [1, 1]} : vector<1000x128xf32> to vector<1000x64xf32>
    %swap3A_18 = arith.constant 0 : index
    %swap3A_19 = arith.constant 0 : index
    %swap3A_20 = arith.constant 0 : index
    %swap3A_21 = vector.load %arg4[%swap3A_18, %swap3A_19, %swap3A_20] : memref<2x1000x64xf32, #tpu.memory_space<vmem>>, vector<1x1000x64xf32>
    %swap3A_22 = vector.shape_cast %swap3A_21 : vector<1x1000x64xf32> to vector<1000x64xf32>
    %swap3A_23 = vector.shape_cast %slice3A : vector<1000x64xf32> to vector<1x1000x64xf32>
    tpu.vector_store %arg4[%swap3A_18, %swap3A_19, %swap3A_20], %swap3A_23 {strides = array<i32>} : memref<2x1000x64xf32, #tpu.memory_space<vmem>>, vector<1x1000x64xf32>,
    %slice3A_24 = vector.extract_strided_slice %mul3A_17 {offsets = [0, 64], sizes = [1000, 64], strides = [1, 1]} : vector<1000x128xf32> to vector<1000x64xf32>
    %swap3A_25 = arith.constant 1 : index
    %swap3A_26 = arith.constant 0 : index
    %swap3A_27 = arith.constant 0 : index
    %swap3A_28 = vector.load %arg4[%swap3A_25, %swap3A_26, %swap3A_27] : memref<2x1000x64xf32, #tpu.memory_space<vmem>>, vector<1x1000x64xf32>
    %swap3A_29 = vector.shape_cast %swap3A_28 : vector<1x1000x64xf32> to vector<1000x64xf32>
    %swap3A_30 = vector.shape_cast %slice3A_24 : vector<1000x64xf32> to vector<1x1000x64xf32>
    tpu.vector_store %arg4[%swap3A_25, %swap3A_26, %swap3A_27], %swap3A_30 {strides = array<i32>} : memref<2x1000x64xf32, #tpu.memory_space<vmem>>, vector<1x1000x64xf32>,
    return
  }
  func.func @transform_0(%arg0: i32) -> (i32, i32, i32) {
    %c0_i32 = arith.constant 0 : i32
    %c0_i32_0 = arith.constant 0 : i32
    %c0_i32_1 = arith.constant 0 : i32
    return %c0_i32, %arg0, %c0_i32_0 : i32, i32, i32
  }
  func.func @transform_1(%arg0: i32) -> (i32, i32) {
    %c0_i32 = arith.constant 0 : i32
    %c0_i32_0 = arith.constant 0 : i32
    return %arg0, %c0_i32 : i32, i32
  }
  func.func @transform_2(%arg0: i32) -> (i32, i32) {
    %c0_i32 = arith.constant 0 : i32
    %c0_i32_0 = arith.constant 0 : i32
    return %arg0, %c0_i32 : i32, i32
  }
  func.func @transform_3(%arg0: i32) -> (i32, i32, i32) {
    %c0_i32 = arith.constant 0 : i32
    %c0_i32_0 = arith.constant 0 : i32
    %c0_i32_1 = arith.constant 0 : i32
    return %c0_i32, %arg0, %c0_i32_0 : i32, i32, i32
  }
}

module attributes {stable_mosaic.version = 14 : i64} {
  func.func @body(%arg0: i32, %arg1: memref<2x1000x64xf32, #tpu.memory_space<vmem>>, %arg2: memref<2x1000x64xf32, #tpu.memory_space<vmem>>, %arg3: memref<1000x1xf32, #tpu.memory_space<vmem>>, %arg4: memref<128x256xf32, #tpu.memory_space<vmem>>, %arg5: memref<1x256xf32, #tpu.memory_space<vmem>>, %arg6: memref<256x64xf32, #tpu.memory_space<vmem>>, %arg7: memref<2x1000x32xf32, #tpu.memory_space<vmem>>) attributes {dimension_semantics = [#tpu.dimension_semantics<arbitrary>], iteration_bounds = array<i64: 10>, scalar_prefetch = 0 : i64, scratch_operands = 0 : i64, tpu.core_type = #tpu.core_type<tc>, window_params = [{transform_indices = @transform_0, window_bounds = array<i64: 2, 1000, 64>}, {transform_indices = @transform_1, window_bounds = array<i64: 2, 1000, 64>}, {transform_indices = @transform_2, window_bounds = array<i64: 1000, 1>}, {pipeline_mode = #tpu.pipeline_mode<synchronous>, transform_indices = @transform_3, window_bounds = array<i64: 128, 256>}, {pipeline_mode = #tpu.pipeline_mode<synchronous>, transform_indices = @transform_4, window_bounds = array<i64: 1, 256>}, {pipeline_mode = #tpu.pipeline_mode<synchronous>, transform_indices = @transform_5, window_bounds = array<i64: 256, 64>}, {transform_indices = @transform_6, window_bounds = array<i64: 2, 1000, 32>}]} {
    %get3A = arith.constant 0 : index
    %get3A_0 = arith.constant 0 : index
    %get3A_1 = arith.constant 0 : index
    %get3A_2 = vector.load %arg1[%get3A, %get3A_0, %get3A_1] : memref<2x1000x64xf32, #tpu.memory_space<vmem>>, vector<1x1000x64xf32>
    %get3A_3 = vector.shape_cast %get3A_2 : vector<1x1000x64xf32> to vector<1000x64xf32>
    %get3A_4 = arith.constant 1 : index
    %get3A_5 = arith.constant 0 : index
    %get3A_6 = arith.constant 0 : index
    %get3A_7 = vector.load %arg1[%get3A_4, %get3A_5, %get3A_6] : memref<2x1000x64xf32, #tpu.memory_space<vmem>>, vector<1x1000x64xf32>
    %get3A_8 = vector.shape_cast %get3A_7 : vector<1x1000x64xf32> to vector<1000x64xf32>
    %concatenate3A = tpu.concatenate %get3A_3, %get3A_8 in 1 : vector<1000x64xf32>, vector<1000x64xf32> -> vector<1000x128xf32>
    %get3A_9 = arith.constant 0 : index
    %get3A_10 = arith.constant 0 : index
    %get3A_11 = arith.constant 0 : index
    %get3A_12 = vector.load %arg2[%get3A_9, %get3A_10, %get3A_11] : memref<2x1000x64xf32, #tpu.memory_space<vmem>>, vector<1x1000x64xf32>
    %get3A_13 = vector.shape_cast %get3A_12 : vector<1x1000x64xf32> to vector<1000x64xf32>
    %get3A_14 = arith.constant 1 : index
    %get3A_15 = arith.constant 0 : index
    %get3A_16 = arith.constant 0 : index
    %get3A_17 = vector.load %arg2[%get3A_14, %get3A_15, %get3A_16] : memref<2x1000x64xf32, #tpu.memory_space<vmem>>, vector<1x1000x64xf32>
    %get3A_18 = vector.shape_cast %get3A_17 : vector<1x1000x64xf32> to vector<1000x64xf32>
    %concatenate3A_19 = tpu.concatenate %get3A_13, %get3A_18 in 1 : vector<1000x64xf32>, vector<1000x64xf32> -> vector<1000x128xf32>
    %add3A = arith.addf %concatenate3A, %concatenate3A_19 : vector<1000x128xf32>
    %get3A_20 = arith.constant 0 : index
    %get3A_21 = arith.constant 0 : index
    %get3A_22 = vector.load %arg3[%get3A_20, %get3A_21] : memref<1000x1xf32, #tpu.memory_space<vmem>>, vector<1000x1xf32>
    %mul3A = vector.broadcast %get3A_22 : vector<1000x1xf32> to vector<1000x128xf32>
    %mul3A_23 = arith.mulf %add3A, %mul3A : vector<1000x128xf32>
    %get3A_24 = arith.constant 0 : index
    %get3A_25 = arith.constant 0 : index
    %get3A_26 = vector.load %arg4[%get3A_24, %get3A_25] : memref<128x256xf32, #tpu.memory_space<vmem>>, vector<128x256xf32>
    %dot_general3A = arith.constant dense<0.000000e+00> : vector<1000x256xf32>
    %dot_general3A_27 = tpu.matmul %mul3A_23, %get3A_26, %dot_general3A {dimension_numbers = #tpu.dot_dimension_numbers<[1], [0], [0], [1], [0, 0, 1, 1], [], []>, transpose_lhs_hint = false} : vector<1000x128xf32>, vector<128x256xf32>, vector<1000x256xf32> -> vector<1000x256xf32>
    %get3A_28 = arith.constant 0 : index
    %get3A_29 = arith.constant 0 : index
    %get3A_30 = vector.load %arg5[%get3A_28, %get3A_29] : memref<1x256xf32, #tpu.memory_space<vmem>>, vector<1x256xf32>
    %add3A_31 = vector.broadcast %get3A_30 : vector<1x256xf32> to vector<1000x256xf32>
    %add3A_32 = arith.addf %dot_general3A_27, %add3A_31 : vector<1000x256xf32>
    %get3A_33 = arith.constant 0 : index
    %get3A_34 = arith.constant 0 : index
    %get3A_35 = vector.load %arg6[%get3A_33, %get3A_34] : memref<256x64xf32, #tpu.memory_space<vmem>>, vector<256x64xf32>
    %dot_general3A_36 = arith.constant dense<0.000000e+00> : vector<1000x64xf32>
    %dot_general3A_37 = tpu.matmul %add3A_32, %get3A_35, %dot_general3A_36 {dimension_numbers = #tpu.dot_dimension_numbers<[1], [0], [0], [1], [0, 0, 1, 1], [], []>, transpose_lhs_hint = false} : vector<1000x256xf32>, vector<256x64xf32>, vector<1000x64xf32> -> vector<1000x64xf32>
    %get3A_38 = arith.constant 0 : index
    %get3A_39 = arith.constant 0 : index
    %get3A_40 = vector.load %arg3[%get3A_38, %get3A_39] : memref<1000x1xf32, #tpu.memory_space<vmem>>, vector<1000x1xf32>
    %mul3A_41 = vector.broadcast %get3A_40 : vector<1000x1xf32> to vector<1000x64xf32>
    %mul3A_42 = arith.mulf %dot_general3A_37, %mul3A_41 : vector<1000x64xf32>
    %slice3A = vector.extract_strided_slice %mul3A_42 {offsets = [0, 0], sizes = [1000, 32], strides = [1, 1]} : vector<1000x64xf32> to vector<1000x32xf32>
    %swap3A = arith.constant 0 : index
    %swap3A_43 = arith.constant 0 : index
    %swap3A_44 = arith.constant 0 : index
    %swap3A_45 = vector.load %arg7[%swap3A, %swap3A_43, %swap3A_44] : memref<2x1000x32xf32, #tpu.memory_space<vmem>>, vector<1x1000x32xf32>
    %swap3A_46 = vector.shape_cast %swap3A_45 : vector<1x1000x32xf32> to vector<1000x32xf32>
    %swap3A_47 = vector.shape_cast %slice3A : vector<1000x32xf32> to vector<1x1000x32xf32>
    tpu.vector_store %arg7[%swap3A, %swap3A_43, %swap3A_44], %swap3A_47 {strides = array<i32>} : memref<2x1000x32xf32, #tpu.memory_space<vmem>>, vector<1x1000x32xf32>,
    %slice3A_48 = vector.extract_strided_slice %mul3A_42 {offsets = [0, 32], sizes = [1000, 32], strides = [1, 1]} : vector<1000x64xf32> to vector<1000x32xf32>
    %swap3A_49 = arith.constant 1 : index
    %swap3A_50 = arith.constant 0 : index
    %swap3A_51 = arith.constant 0 : index
    %swap3A_52 = vector.load %arg7[%swap3A_49, %swap3A_50, %swap3A_51] : memref<2x1000x32xf32, #tpu.memory_space<vmem>>, vector<1x1000x32xf32>
    %swap3A_53 = vector.shape_cast %swap3A_52 : vector<1x1000x32xf32> to vector<1000x32xf32>
    %swap3A_54 = vector.shape_cast %slice3A_48 : vector<1000x32xf32> to vector<1x1000x32xf32>
    tpu.vector_store %arg7[%swap3A_49, %swap3A_50, %swap3A_51], %swap3A_54 {strides = array<i32>} : memref<2x1000x32xf32, #tpu.memory_space<vmem>>, vector<1x1000x32xf32>,
    return
  }
  func.func @transform_0(%arg0: i32) -> (i32, i32, i32) {
    %c0_i32 = arith.constant 0 : i32
    %c0_i32_0 = arith.constant 0 : i32
    %c0_i32_1 = arith.constant 0 : i32
    return %c0_i32, %arg0, %c0_i32_0 : i32, i32, i32
  }
  func.func @transform_1(%arg0: i32) -> (i32, i32, i32) {
    %c0_i32 = arith.constant 0 : i32
    %c0_i32_0 = arith.constant 0 : i32
    %c0_i32_1 = arith.constant 0 : i32
    return %c0_i32, %arg0, %c0_i32_0 : i32, i32, i32
  }
  func.func @transform_2(%arg0: i32) -> (i32, i32) {
    %c0_i32 = arith.constant 0 : i32
    %c0_i32_0 = arith.constant 0 : i32
    return %arg0, %c0_i32 : i32, i32
  }
  func.func @transform_3(%arg0: i32) -> (i32, i32) {
    %c0_i32 = arith.constant 0 : i32
    %c0_i32_0 = arith.constant 0 : i32
    %c0_i32_1 = arith.constant 0 : i32
    return %c0_i32, %c0_i32_0 : i32, i32
  }
  func.func @transform_4(%arg0: i32) -> (i32, i32) {
    %c0_i32 = arith.constant 0 : i32
    %c0_i32_0 = arith.constant 0 : i32
    %c0_i32_1 = arith.constant 0 : i32
    return %c0_i32, %c0_i32_0 : i32, i32
  }
  func.func @transform_5(%arg0: i32) -> (i32, i32) {
    %c0_i32 = arith.constant 0 : i32
    %c0_i32_0 = arith.constant 0 : i32
    %c0_i32_1 = arith.constant 0 : i32
    return %c0_i32, %c0_i32_0 : i32, i32
  }
  func.func @transform_6(%arg0: i32) -> (i32, i32, i32) {
    %c0_i32 = arith.constant 0 : i32
    %c0_i32_0 = arith.constant 0 : i32
    %c0_i32_1 = arith.constant 0 : i32
    return %c0_i32, %arg0, %c0_i32_0 : i32, i32, i32
  }
}

module attributes {stable_mosaic.version = 14 : i64} {
  func.func @body(%arg0: i32, %arg1: memref<2x1000x32xf32, #tpu.memory_space<vmem>>, %arg2: memref<2x1000x32xf32, #tpu.memory_space<vmem>>, %arg3: memref<1000x1xf32, #tpu.memory_space<vmem>>, %arg4: memref<1x64xf32, #tpu.memory_space<vmem>>, %arg5: memref<1000x64xf32, #tpu.memory_space<vmem>>, %arg6: memref<64x64xf32, #tpu.memory_space<vmem>>, %arg7: memref<64x64xf32, #tpu.memory_space<vmem>>, %arg8: memref<1x64xf32, #tpu.memory_space<vmem>>, %arg9: memref<1000x64xf32, #tpu.memory_space<vmem>>) attributes {dimension_semantics = [#tpu.dimension_semantics<arbitrary>], iteration_bounds = array<i64: 10>, scalar_prefetch = 0 : i64, scratch_operands = 0 : i64, tpu.core_type = #tpu.core_type<tc>, window_params = [{transform_indices = @transform_0, window_bounds = array<i64: 2, 1000, 32>}, {transform_indices = @transform_1, window_bounds = array<i64: 2, 1000, 32>}, {transform_indices = @transform_2, window_bounds = array<i64: 1000, 1>}, {pipeline_mode = #tpu.pipeline_mode<synchronous>, transform_indices = @transform_3, window_bounds = array<i64: 1, 64>}, {transform_indices = @transform_4, window_bounds = array<i64: 1000, 64>}, {pipeline_mode = #tpu.pipeline_mode<synchronous>, transform_indices = @transform_5, window_bounds = array<i64: 64, 64>}, {pipeline_mode = #tpu.pipeline_mode<synchronous>, transform_indices = @transform_6, window_bounds = array<i64: 64, 64>}, {pipeline_mode = #tpu.pipeline_mode<synchronous>, transform_indices = @transform_7, window_bounds = array<i64: 1, 64>}, {transform_indices = @transform_8, window_bounds = array<i64: 1000, 64>}]} {
    %get3A = arith.constant 0 : index
    %get3A_0 = arith.constant 0 : index
    %get3A_1 = arith.constant 0 : index
    %get3A_2 = vector.load %arg1[%get3A, %get3A_0, %get3A_1] : memref<2x1000x32xf32, #tpu.memory_space<vmem>>, vector<1x1000x32xf32>
    %get3A_3 = vector.shape_cast %get3A_2 : vector<1x1000x32xf32> to vector<1000x32xf32>
    %get3A_4 = arith.constant 1 : index
    %get3A_5 = arith.constant 0 : index
    %get3A_6 = arith.constant 0 : index
    %get3A_7 = vector.load %arg1[%get3A_4, %get3A_5, %get3A_6] : memref<2x1000x32xf32, #tpu.memory_space<vmem>>, vector<1x1000x32xf32>
    %get3A_8 = vector.shape_cast %get3A_7 : vector<1x1000x32xf32> to vector<1000x32xf32>
    %concatenate3A = tpu.concatenate %get3A_3, %get3A_8 in 1 : vector<1000x32xf32>, vector<1000x32xf32> -> vector<1000x64xf32>
    %get3A_9 = arith.constant 0 : index
    %get3A_10 = arith.constant 0 : index
    %get3A_11 = arith.constant 0 : index
    %get3A_12 = vector.load %arg2[%get3A_9, %get3A_10, %get3A_11] : memref<2x1000x32xf32, #tpu.memory_space<vmem>>, vector<1x1000x32xf32>
    %get3A_13 = vector.shape_cast %get3A_12 : vector<1x1000x32xf32> to vector<1000x32xf32>
    %get3A_14 = arith.constant 1 : index
    %get3A_15 = arith.constant 0 : index
    %get3A_16 = arith.constant 0 : index
    %get3A_17 = vector.load %arg2[%get3A_14, %get3A_15, %get3A_16] : memref<2x1000x32xf32, #tpu.memory_space<vmem>>, vector<1x1000x32xf32>
    %get3A_18 = vector.shape_cast %get3A_17 : vector<1x1000x32xf32> to vector<1000x32xf32>
    %concatenate3A_19 = tpu.concatenate %get3A_13, %get3A_18 in 1 : vector<1000x32xf32>, vector<1000x32xf32> -> vector<1000x64xf32>
    %add3A = arith.addf %concatenate3A, %concatenate3A_19 : vector<1000x64xf32>
    %get3A_20 = arith.constant 0 : index
    %get3A_21 = arith.constant 0 : index
    %get3A_22 = vector.load %arg3[%get3A_20, %get3A_21] : memref<1000x1xf32, #tpu.memory_space<vmem>>, vector<1000x1xf32>
    %mul3A = vector.broadcast %get3A_22 : vector<1000x1xf32> to vector<1000x64xf32>
    %mul3A_23 = arith.mulf %add3A, %mul3A : vector<1000x64xf32>
    %get3A_24 = arith.constant 0 : index
    %get3A_25 = arith.constant 0 : index
    %get3A_26 = vector.load %arg4[%get3A_24, %get3A_25] : memref<1x64xf32, #tpu.memory_space<vmem>>, vector<1x64xf32>
    %add3A_27 = vector.broadcast %get3A_26 : vector<1x64xf32> to vector<1000x64xf32>
    %add3A_28 = arith.addf %mul3A_23, %add3A_27 : vector<1000x64xf32>
    %max3A = arith.constant 0.000000e+00 : f32
    %max3A_29 = vector.broadcast %max3A : f32 to vector<1000x64xf32>
    %max3A_30 = arith.maximumf %add3A_28, %max3A_29 : vector<1000x64xf32>
    %get3A_31 = arith.constant 0 : index
    %get3A_32 = arith.constant 0 : index
    %get3A_33 = vector.load %arg5[%get3A_31, %get3A_32] : memref<1000x64xf32, #tpu.memory_space<vmem>>, vector<1000x64xf32>
    %get3A_34 = arith.constant 0 : index
    %get3A_35 = arith.constant 0 : index
    %get3A_36 = vector.load %arg6[%get3A_34, %get3A_35] : memref<64x64xf32, #tpu.memory_space<vmem>>, vector<64x64xf32>
    %dot_general3A = arith.constant dense<0.000000e+00> : vector<1000x64xf32>
    %dot_general3A_37 = tpu.matmul %get3A_33, %get3A_36, %dot_general3A {dimension_numbers = #tpu.dot_dimension_numbers<[1], [0], [0], [1], [0, 0, 1, 1], [], []>, transpose_lhs_hint = false} : vector<1000x64xf32>, vector<64x64xf32>, vector<1000x64xf32> -> vector<1000x64xf32>
    %get3A_38 = arith.constant 0 : index
    %get3A_39 = arith.constant 0 : index
    %get3A_40 = vector.load %arg7[%get3A_38, %get3A_39] : memref<64x64xf32, #tpu.memory_space<vmem>>, vector<64x64xf32>
    %dot_general3A_41 = arith.constant dense<0.000000e+00> : vector<1000x64xf32>
    %dot_general3A_42 = tpu.matmul %max3A_30, %get3A_40, %dot_general3A_41 {dimension_numbers = #tpu.dot_dimension_numbers<[1], [0], [0], [1], [0, 0, 1, 1], [], []>, transpose_lhs_hint = false} : vector<1000x64xf32>, vector<64x64xf32>, vector<1000x64xf32> -> vector<1000x64xf32>
    %add3A_43 = arith.addf %dot_general3A_37, %dot_general3A_42 : vector<1000x64xf32>
    %get3A_44 = arith.constant 0 : index
    %get3A_45 = arith.constant 0 : index
    %get3A_46 = vector.load %arg8[%get3A_44, %get3A_45] : memref<1x64xf32, #tpu.memory_space<vmem>>, vector<1x64xf32>
    %add3A_47 = vector.broadcast %get3A_46 : vector<1x64xf32> to vector<1000x64xf32>
    %add3A_48 = arith.addf %add3A_43, %add3A_47 : vector<1000x64xf32>
    %swap3A = arith.constant 0 : index
    %swap3A_49 = arith.constant 0 : index
    %swap3A_50 = vector.load %arg9[%swap3A, %swap3A_49] : memref<1000x64xf32, #tpu.memory_space<vmem>>, vector<1000x64xf32>
    tpu.vector_store %arg9[%swap3A, %swap3A_49], %add3A_48 {strides = array<i32>} : memref<1000x64xf32, #tpu.memory_space<vmem>>, vector<1000x64xf32>,
    return
  }
  func.func @transform_0(%arg0: i32) -> (i32, i32, i32) {
    %c0_i32 = arith.constant 0 : i32
    %c0_i32_0 = arith.constant 0 : i32
    %c0_i32_1 = arith.constant 0 : i32
    return %c0_i32, %arg0, %c0_i32_0 : i32, i32, i32
  }
  func.func @transform_1(%arg0: i32) -> (i32, i32, i32) {
    %c0_i32 = arith.constant 0 : i32
    %c0_i32_0 = arith.constant 0 : i32
    %c0_i32_1 = arith.constant 0 : i32
    return %c0_i32, %arg0, %c0_i32_0 : i32, i32, i32
  }
  func.func @transform_2(%arg0: i32) -> (i32, i32) {
    %c0_i32 = arith.constant 0 : i32
    %c0_i32_0 = arith.constant 0 : i32
    return %arg0, %c0_i32 : i32, i32
  }
  func.func @transform_3(%arg0: i32) -> (i32, i32) {
    %c0_i32 = arith.constant 0 : i32
    %c0_i32_0 = arith.constant 0 : i32
    %c0_i32_1 = arith.constant 0 : i32
    return %c0_i32, %c0_i32_0 : i32, i32
  }
  func.func @transform_4(%arg0: i32) -> (i32, i32) {
    %c0_i32 = arith.constant 0 : i32
    %c0_i32_0 = arith.constant 0 : i32
    return %arg0, %c0_i32 : i32, i32
  }
  func.func @transform_5(%arg0: i32) -> (i32, i32) {
    %c0_i32 = arith.constant 0 : i32
    %c0_i32_0 = arith.constant 0 : i32
    %c0_i32_1 = arith.constant 0 : i32
    return %c0_i32, %c0_i32_0 : i32, i32
  }
  func.func @transform_6(%arg0: i32) -> (i32, i32) {
    %c0_i32 = arith.constant 0 : i32
    %c0_i32_0 = arith.constant 0 : i32
    %c0_i32_1 = arith.constant 0 : i32
    return %c0_i32, %c0_i32_0 : i32, i32
  }
  func.func @transform_7(%arg0: i32) -> (i32, i32) {
    %c0_i32 = arith.constant 0 : i32
    %c0_i32_0 = arith.constant 0 : i32
    %c0_i32_1 = arith.constant 0 : i32
    return %c0_i32, %c0_i32_0 : i32, i32
  }
  func.func @transform_8(%arg0: i32) -> (i32, i32) {
    %c0_i32 = arith.constant 0 : i32
    %c0_i32_0 = arith.constant 0 : i32
    return %arg0, %c0_i32 : i32, i32
  }
}

</mosaic_0001>

<sc_bundles>
// kernel: kernel.11.cloned.1.call-start
scs
__scs_entry_jumppad:
0x0: {  	(pc) =	sbr.rel $0x88, $3  }
0x1: {  	(tag) =	ssettag $0x0;
	lr =	simm.s32 $0x1  }
0x2: {  	[smem:$0x3F98] =	sst lr;
	_ =	strace $0xD0000000  }
0x3: {  	_ = 	snop  }
0x4: {  	_ = 	snop  }
0x5: {  	_ = 	snop  }
0x6: {  	_ = 	snop  }
0x7: {  	_ = 	snop  }
__scs_overlays_trampoline_lowered:
0x8: {  	[smem:$0x3FA7] =	sst s0  }
0x9: {  	[smem:$0x3FA8] =	sst s1  }
0xa: {  	[smem:$0x3FA9] =	sst s2  }
0xb: {  	[smem:$0x3FAA] =	sst s3  }
0xc: {  	[smem:$0x3FAB] =	sst s4  }
0xd: {  	[smem:$0x3FAC] =	sst s5  }
0xe: {  	[smem:$0x3FAD] =	sst s6  }
0xf: {  	[smem:$0x3FAE] =	sst s7  }
0x10: {  	[smem:$0x3FAF] =	sst s8  }
0x11: {  	[smem:$0x3FB0] =	sst s9;
	s0 =	simm.s32 @!p0 $0x0  }
0x12: {  	s1 =	sld [smem:$0x3F96];
	s0 =	simm.s32 @p0 $0x1  }
0x13: {  	[smem:$0x3FB1] =	sst s0;
	s0 =	simm.s32 @!p1 $0x0  }
0x14: {  	s2 =	sld [smem:$0x3F95];
	s0 =	simm.s32 @p1 $0x1  }
0x15: {  	[smem:$0x3FB2] =	sst s0;
	s0 =	simm.s32 @!p2 $0x0  }
0x16: {  	s3 =	sld [smem:$0x3FDB];
	s0 =	simm.s32 @p2 $0x1  }
0x17: {  	s4 =	simm.s32 $0x1BF5;
	[smem:$0x3FB4] =	sst s0  }
0x18: {  	s0 =	sld [smem:$0x3F97];
	_ =	swait.ge [sflag:s4], $0x0  }
0x19: {  	s7 =	sld [smem:$0x3F98]  }
0x1a: {  	s8 =	sadd.s32 $0xFFFFE003, lr  }
0x1b: {  	s9 =	sadd.s32 $0xFFFFFEF7, lr;
	s5 =	simm.s32 $0xFFFFFFFF;
	p2 =	slt.u32 s8, $0xFFFFF086  }
0x1c: {  	p1 =	slt.u32 s9, $0xF7A;
	s5 =	simm.s32 @!p2 $0x0  }
0x1d: {  	s5 =	simm.s32 @p1 $0x1;
	p0 =	seq.s32 s7, s2  }
0x1e: {  	s7 =	smul.u32 @!p0 $0xF7A, s2;
	p2 =	seq.s32 @!p0 s5, $0x0  }
0x1f: {  	s9 =	smul.u32 $0xF7A, s1;
	s8 =	simm.s32 @!p0 $0x1BF5;
	p2 =	por !p2, p0  }
0x20: {  	[sflag:s8] =	ssyncset.s32 @!p0 $0xFFFFF086;
	s6 =	sadd.s32 @!p0 s3, s7;
	s7 =	simm.s32 @!p0 $0x108  }
0x21: {  	s3 =	sadd.s32 s3, s9;
	s6 =	sadd.s32 @!p0 $0x88, s6;
	s7 =	simm.s32 @p2 $0x1082  }
0x22: {  	[simem:s7], [sflag:s8] =	dma.local @!p0 [hbm:s6], $0xF7A  }
0x23: {  	s9 =	sor.u32 $0xD0000000, s2;
	s6 =	simm.s32 $0x108;
	_ =	swait.ge @!p0 [sflag:s8], $0x0  }
0x24: {  	s3 =	sadd.s32 $0x88, s3;
	s6 =	simm.s32 @!p1 $0x1082;
	[sflag:s4] =	ssyncset.s32 $0xFFFFF086  }
0x25: {  	[simem:s6], [sflag:s4] =	dma.local [hbm:s3], $0xF7A  }
0x26: {  	[smem:$0x3F98] =	sst s1;
	(tag) =	ssettag s2;
	_ =	strace s9  }
0x27: {  	s1 =	sld [smem:$0x3FA8]  }
0x28: {  	s2 =	sld [smem:$0x3FA9]  }
0x29: {  	s4 =	sld [smem:$0x3FAB]  }
0x2a: {  	p0 =	seq.s32 s5, $0x0;
	s5 =	sld [smem:$0x3FAC]  }
0x2b: {  	s6 =	sld [smem:$0x3FAD]  }
0x2c: {  	s7 =	sld [smem:$0x3FAE]  }
0x2d: {  	s3 =	simm.s32 $0x108;
	s8 =	sld [smem:$0x3FAF]  }
0x2e: {  	s3 =	simm.s32 @!p0 $0x1082;
	s9 =	sld [smem:$0x3FB0]  }
0x2f: {  	lr =	sadd.s32 s0, s3;
	s0 =	sld [smem:$0x3FA7]  }
0x30: {  	s3 =	sld [smem:$0x3FAA]  }
0x31: {  	[smem:$0x3FB3] =	sst s10  }
0x32: {  	s10 =	sld [smem:$0x3FB1];
	_ =	sdelay $0x3  }
0x33: {  	p0 =	seq.s32 s10, $0x1;
	s10 =	sld [smem:$0x3FB3];
	_ =	sdelay $0x3  }
0x34: {  	[smem:$0x3FB3] =	sst s10  }
0x35: {  	s10 =	sld [smem:$0x3FB2];
	_ =	sdelay $0x3  }
0x36: {  	p1 =	seq.s32 s10, $0x1;
	s10 =	sld [smem:$0x3FB3];
	_ =	sdelay $0x3  }
0x37: {  	[smem:$0x3FB3] =	sst s10  }
0x38: {  	s10 =	sld [smem:$0x3FB4]  }
0x39: {  	_ = 	snop;
	(pc) =	sbr.ind lr, $3  }
0x3a: {  	_ = 	snop  }
0x3b: {  	_ = 	snop  }
0x3c: {  	p2 =	seq.s32 s10, $0x1;
	s10 =	sld [smem:$0x3FB3]  }
0x3d: {  	_ =	shalt  }
0x3e: {  	_ =	shalt  }
0x3f: {  	_ =	shalt  }
0x40: {  	_ =	shalt  }
0x41: {  	_ =	shalt  }
0x42: {  	_ =	shalt  }
0x43: {  	_ =	shalt  }
0x44: {  	_ =	shalt  }
0x45: {  	_ =	shalt  }
0x46: {  	_ =	shalt  }
0x47: {  	_ =	shalt  }
0x48: {  	_ =	shalt  }
0x49: {  	_ =	shalt  }
0x4a: {  	_ =	shalt  }
0x4b: {  	_ =	shalt  }
0x4c: {  	_ =	shalt  }
0x4d: {  	_ =	shalt  }
0x4e: {  	_ =	shalt  }
0x4f: {  	_ =	shalt  }
0x50: {  	_ =	shalt  }
0x51: {  	_ =	shalt  }
0x52: {  	_ =	shalt  }
0x53: {  	_ =	shalt  }
0x54: {  	_ =	shalt  }
0x55: {  	_ =	shalt  }
0x56: {  	_ =	shalt  }
0x57: {  	_ =	shalt  }
0x58: {  	_ =	shalt  }
0x59: {  	_ =	shalt  }
0x5a: {  	_ =	shalt  }
0x5b: {  	_ =	shalt  }
0x5c: {  	_ =	shalt  }
0x5d: {  	_ =	shalt  }
0x5e: {  	_ =	shalt  }
0x5f: {  	_ =	shalt  }
0x60: {  	_ =	shalt  }
0x61: {  	_ =	shalt  }
0x62: {  	_ =	shalt  }
0x63: {  	_ =	shalt  }
0x64: {  	_ =	shalt  }
0x65: {  	_ =	shalt  }
0x66: {  	_ =	shalt  }
0x67: {  	_ =	shalt  }
0x68: {  	_ =	shalt  }
0x69: {  	_ =	shalt  }
0x6a: {  	_ =	shalt  }
0x6b: {  	_ =	shalt  }
0x6c: {  	_ =	shalt  }
0x6d: {  	_ =	shalt  }
0x6e: {  	_ =	shalt  }
0x6f: {  	_ =	shalt  }
0x70: {  	_ =	shalt  }
0x71: {  	_ =	shalt  }
0x72: {  	_ =	shalt  }
0x73: {  	_ =	shalt  }
0x74: {  	_ =	shalt  }
0x75: {  	_ =	shalt  }
0x76: {  	_ =	shalt  }
0x77: {  	_ =	shalt  }
0x78: {  	_ =	shalt  }
0x79: {  	_ =	shalt  }
0x7a: {  	_ =	shalt  }
0x7b: {  	_ =	shalt  }
0x7c: {  	_ =	shalt  }
0x7d: {  	_ =	shalt  }
0x7e: {  	_ =	shalt  }
0x7f: {  	_ =	shalt  }
0x80: {  	_ =	shalt  }
0x81: {  	_ =	shalt  }
0x82: {  	_ =	shalt  }
0x83: {  	_ =	shalt  }
0x84: {  	_ =	shalt  }
0x85: {  	_ =	shalt  }
0x86: {  	_ =	shalt  }
0x87: {  	_ =	shalt  }
.Lfunc_end0:
.L_simem_size_0:
called_computation.1_lowered:
.L_overlay_start_0:
0x88: {  	s2 =	sld [smem:$0x3FD9]  }
0x89: {  	s3 =	sld [smem:$0x3FFE];
	_ =	sdelay $0x1  }
0x8a: {  	s1 =	srdreg.scid  }
0x8b: {  	s0 =	sand.u32 $0x1, s1  }
0x8c: {  	s16 =	sshll.u32 s0, $0xA;
	s2 =	sadd.s32 s3, s2  }
0x8d: {  	s2 =	sadd.s32 s2, s16  }
0x8e: {  	[smem:$0x3FBF] =	sst s2  }
0x8f: {  	_ = 	snop  }
0x90: {  	(tm) =	ssettm $0x1  }
0x91: {  	s17 =	sld [smem:$0x3FFB];
	_ =	sdelay $0x3  }
0x92: {  	_ =	strace s17  }
0x93: {  	s2 =	sld [smem:$0x3FFC];
	_ =	sdelay $0x3  }
0x94: {  	_ =	strace s2  }
0x95: {  	s2 =	sld [smem:$0x3FFD];
	_ =	sdelay $0x3  }
0x96: {  	_ =	strace s2  }
0x97: {  	_ =	strace $0x8FFFFFFF  }
0x98: {  	s18 =	sld [smem:$0x3FDB];
	_ =	sdelay $0x1  }
0x99: {  	s19 =	simm.s32 $_scs_section_size  }
0x9a: {  	s4 =	simm.s32 $_size__tile_overlayer_lowered;
	s5 =	simm.s32 $_tile_overlayer_lowered  }
0x9b: {  	s22 =	simm.s32 $0x1BFF;
	s21 =	sshll.u32 s5, $0x1;
	s2 =	sadd.s32 s19, s18  }
0x9c: {  	s6 =	simm.s32 $0x0;
	s20 =	sshll.u32 s4, $0x1;
	s4 =	sadd.s32 s21, s2  }
0x9d: {  	[timem:s6], [sflag:s22] =	dma.local [hbm:s4], s20  }
0x9e: {  	_ =	swait.ge [sflag:s22], s20  }
0x9f: {  	s3 =	ssub.s32 $0x0, s20;
	[sflag:s22] =	ssyncset.done $0x0  }
0xa0: {  	[sflag:s22] =	ssyncadd.s32 s3;
	_ =	sdelay $0x1  }
0xa1: {  	s23 =	simm.s32 $0x1B8B  }
0xa2: {  	_ =	swait.ge [sflag:s23], $0x1  }
0xa3: {  	[sflag:s23] =	ssyncset.done $0x0  }
0xa4: {  	s25 =	simm.s32 $0x1B8E;
	s24 =	sld [smem:$0x3FFE];
	[sflag:s23] =	ssyncadd.s32 $0xFFFFFFFF  }
0xa5: {  	s26 =	simm.s32 $execute0_lowered;
	[smem:$0x3FD2] =	sst s25  }
0xa6: {  	s4 =	sshll.u32 s26, $0x1;
	_ =	strace $0x80000049;
	[dreg:$0x1] =	wrdreg $0xFFFFFFFF  }
0xa7: {  	s28 =	simm.s32 $_size_execute0_lowered;
	s2 =	sadd.s32 s2, s4;
	[dreg:$0x0] =	wrdreg $0x0  }
0xa8: {  	s4 =	sshll.u32 s28, $0x1;
	[dreg:$0x2] =	wrdreg s2  }
0xa9: {  	[dreg:$0x3] =	wrdreg s4  }
0xaa: {  	[dreg:$0x4] =	wrdreg $0xC0  }
0xab: {  	_ =	task [dreg:s6], $0x5FFFF  }
0xac: {  	[dreg:$0x1] =	wrdreg $0xFFFFFFFF  }
0xad: {  	[dreg:$0x0] =	wrdreg $0x60  }
0xae: {  	[dreg:$0x2] =	wrdreg s24  }
0xaf: {  	[dreg:$0x3] =	wrdreg $0x120400  }
0xb0: {  	[dreg:$0x4] =	wrdreg $0x9  }
0xb1: {  	_ =	task.clear_ibuf [dreg:s6], $0x5FFFF;
	_ =	strace $0x90000049  }
0xb2: {  	s29 =	simm.s32 $0x9;
	_ =	strace $0x8000004B  }
0xb3: {  	_ =	swait.ge [sflag:s29], $0x1  }
0xb4: {  	[sflag:s29] =	ssyncadd.s32 $0xFFFFFFFF  }
0xb5: {  	_ =	strace $0x9000004B  }
0xb6: {  	_ =	sfence  }
0xb7: {  	s30 =	sld [smem:$0x0];
	_ =	sdelay $0x2  }
0xb8: {  	s31 =	sshll.u32 s1, $0xD;
	s1 =	sshrl.u32 s1, $0x2  }
0xb9: {  	s3 =	sand.u32 $0x4000, s31;
	s1 =	sadd.s32 s1, s30  }
0xba: {  	s0 =	sor.u32 s3, s0;
	s1 =	sshll.u32 s1, $0x11  }
0xbb: {  	s0 =	sor.u32 s1, s0  }
0xbc: {  	s0 =	sadd.s32 $0x8F2B, s0  }
0xbd: {  	[sflag:s0] =	ssyncadd.remote.s32 $0x1  }
0xbe: {  	_ =	sfence.sel $0xFFFF  }
0xbf: {  	[dreg:$0x0] =	wrdreg $0xFFFFFFFF;
	(pc) =	sbr.abs _section_cstart, $3  }
0xc0: {  	[dreg:$0x1] =	wrdreg $0xFFFFFFFF  }
0xc1: {  	_ =	task.clear_ibuf [dreg:s6], $0x2FFFF;
	_ =	strace $0x9FFFFFFF  }
0xc2: {  	(tm) =	ssettm $0x7FFFFFFF  }
0xc3: {  	_ =	shalt  }
tec
execute0_lowered:
.L_overlay_start_1:
0x0: {  	(tag) =	ssettag $0x1  }
0x1: {  	s0 =	rddreg [dreg:$0x0];
	s1 =	srdreg.scid  }
0x2: {  	s2 =	rddreg [dreg:$0x1];
	s7 =	stileid.u32;
	s5 =	simm.s32 $0x0  }
0x3: {  	s14 =	simm.s32 $0xB;
	s15 =	simm.s32 $0x4E20;
	s16 =	simm.s32 $0x10040  }
0x4: {  	s17 =	simm.s32 $0x50;
	s18 =	simm.s32 $0x9C40;
	s19 =	simm.s32 $0xB040  }
0x5: {  	s21 =	simm.s32 $0xC440;
	s29 =	simm.s32 $0xEC40;
	s4 =	smul.u32 $0xA000, s7  }
0x6: {  	s30 =	simm.s32 $0x3;
	s31 =	simm.s32 $0x6;
	s6 =	smul.u32 $0x9C4, s7  }
0x7: {  	s20 =	simm.s32 $0x5;
	s1 =	sand.u32 $0x1, s1;
	s7 =	smul.u32 $0x28000, s7  }
0x8: {  	s28 =	simm.s32 $0xA;
	[smem:$0x7FF] =	sst s5;
	s3 =	smul.u32 $0x13880, s1  }
0x9: {  	s22 =	smul.u32 $0xA0000, s1;
	_ =	strace $0x8000004A;
	s1 =	ssub.s32 $0x2, s1  }
0xa: {  	s6 =	sadd.s32 s6, s0;
	s23 =	sshrl.u32 s1, $0x1;
	s7 =	sshrl.u32 s7, $0x2  }
0xb: {  	s3 =	sadd.s32 s3, s0;
	s5 =	sadd.s32 s4, s22;
	s1 =	ssub.s32 s1, s23  }
0xc: {  	s24 =	sadd.s32 $0x2200, s6;
	s25 =	sadd.s32 s7, s2;
	s6 =	sadd.s32 $0xC000, s6  }
0xd: {  	s22 =	simm.s32 $0x1;
	s23 =	simm.s32 $0x8;
	[dreg:$0x3] =	wrdreg s24  }
0xe: {  	s5 =	sshrl.u32 s5, $0x3;
	[dreg:$0x4] =	wrdreg s6;
	s6 =	sadd.s32 s4, s2  }
0xf: {  	s26 =	sadd.s32 $0x2000, s25;
	s8 =	sadd.s32 $0x4000, s25;
	s9 =	sadd.s32 $0x6000, s25  }
0x10: {  	s10 =	sadd.s32 $0x8000, s25;
	s11 =	sadd.s32 $0x64000, s3;
	s13 =	smax.u32 s1, $0x1  }
0x11: {  	s24 =	simm.s32 $0xD840;
	s25 =	simm.s32 $0x2;
	s1 =	simm.s32 $0x7  }
0x12: {  	s3 =	simm.s32 $0x0;
	s0 =	sadd.s32 s5, s0;
	[dreg:$0x5] =	wrdreg s26  }
0x13: {  	v0 =	vimm.f32 $0.0e+00;
	s26 =	simm.s32 $0x9;
	s12 =	sadd.s32 $0x8B200, s0;
	s0 =	simm.s32 $0x4  }
.LBB2_1:
0x14: {  	s4 =	simm.s32 $0x0;
	s5 =	rddreg [dreg:$0x3]  }
0x15: {  	[tilespmem:s4], [sflag:$0xB] =	stream.linear.gather [hbm4b:s5+s4], $0x4E20, $0x38;
	[tilespmem:$0x1C040] =	vst v63  }
0x16: {  	_ =	swait.ge [sflag:s14], $0x4E20  }
0x17: {  	[sflag:s14] =	ssyncset.done $0x0  }
0x18: {  	s7 =	rddreg [dreg:$0x4];
	[sflag:s14] =	ssyncadd.s32 $0xFFFFB1E0  }
0x19: {  	[tilespmem:s15], [sflag:$0xB] =	stream.linear.gather [hbm4b:s7+s4], $0x4E20, $0x38;
	[tilespmem:$0x1C040] =	vst v63  }
0x1a: {  	_ =	swait.ge [sflag:s14], $0x4E20  }
0x1b: {  	[sflag:s14] =	ssyncset.done $0x0  }
0x1c: {  	s5 =	simm.s32 $0x100;
	s4 =	simm.s32 $0x0;
	[sflag:s14] =	ssyncadd.s32 $0xFFFFB1E0  }
.LBB2_2:
0x1d: {  	p0 =	sne.s32 s5, $0x7F00;
	[tilespmem:s4+$0x10070] =	vst v0;
	s7 =	smov.u32 s5;
	s5 =	sadd.s32 $0x100, s5  }
.Ltmp0:
0x1e: {  	[tilespmem:s4+$0x10060] =	vst v0;
	(pc) =	sbr.rel @p0 .LBB2_2-.Ltmp0, $3  }
0x1f: {  	[tilespmem:s4+$0x10040] =	vst v0  }
0x20: {  	[tilespmem:s4+$0x10050] =	vst v0;
	_ =	sdelay $0x1  }
0x21: {  	s4 =	sshra.s32 s7, $0x2  }
0x22: {  	[tilespmem:s4+$0x10070] =	vst v0  }
0x23: {  	[tilespmem:s4+$0x10060] =	vst v0  }
0x24: {  	[tilespmem:s4+$0x10040] =	vst v0  }
0x25: {  	[tilespmem:s4+$0x10050] =	vst v0  }
0x26: {  	[spmem:s6] =	stream.linear.scatter [tilespmem:s16], [sflag:$0xB], $0x2000, $0x38;
	[tilespmem:$0x1C040] =	vst v63  }
0x27: {  	_ =	swait.ge [sflag:s14], $0x2000  }
0x28: {  	[sflag:s14] =	ssyncset.done $0x0  }
0x29: {  	s7 =	rddreg [dreg:$0x5];
	[sflag:s14] =	ssyncadd.s32 $0xFFFFE000  }
0x2a: {  	[spmem:s7] =	stream.linear.scatter [tilespmem:s16], [sflag:$0xB], $0x2000, $0x38;
	[tilespmem:$0x1C040] =	vst v63  }
0x2b: {  	_ =	swait.ge [sflag:s14], $0x2000  }
0x2c: {  	[sflag:s14] =	ssyncset.done $0x0  }
0x2d: {  	[sflag:s14] =	ssyncadd.s32 $0xFFFFE000  }
0x2e: {  	[spmem:s8] =	stream.linear.scatter [tilespmem:s16], [sflag:$0xB], $0x2000, $0x38;
	[tilespmem:$0x1C040] =	vst v63  }
0x2f: {  	_ =	swait.ge [sflag:s14], $0x2000  }
0x30: {  	[sflag:s14] =	ssyncset.done $0x0  }
0x31: {  	[sflag:s14] =	ssyncadd.s32 $0xFFFFE000  }
0x32: {  	[spmem:s9] =	stream.linear.scatter [tilespmem:s16], [sflag:$0xB], $0x2000, $0x38;
	[tilespmem:$0x1C040] =	vst v63  }
0x33: {  	_ =	swait.ge [sflag:s14], $0x2000  }
0x34: {  	[sflag:s14] =	ssyncset.done $0x0  }
0x35: {  	[sflag:s14] =	ssyncadd.s32 $0xFFFFE000  }
0x36: {  	[spmem:s10] =	stream.linear.scatter [tilespmem:s16], [sflag:$0xB], $0x2000, $0x38;
	[tilespmem:$0x1C040] =	vst v63  }
0x37: {  	_ =	swait.ge [sflag:s14], $0x2000  }
0x38: {  	[sflag:s14] =	ssyncset.done $0x0  }
0x39: {  	[sflag:s14] =	ssyncadd.s32 $0xFFFFE000  }
0x3a: {  	s5 =	simm.s32 $0x0;
	[bflag:$0x0] =	sbarrier.arrive $0xFFFF  }
0x3b: {  	[tilespmem:s18], [sflag:$0x1] =	stream.indirect.gather [hbm4b:s11+s17], $0x40, s5, s17, $0xb8;
	[tilespmem:$0x1C040] =	vst v63  }
0x3c: {  	_ = 	snop  }
0x3d: {  	[tilespmem:s19], [sflag:$0x2] =	stream.indirect.gather [hbm4b:s11+s17], $0x40, s17, s17, $0xb8;
	[tilespmem:$0x1C040] =	vst v63  }
0x3e: {  	s7 =	simm.s32 $0xA0  }
0x3f: {  	[tilespmem:s21], [sflag:$0x3] =	stream.indirect.gather [hbm4b:s11+s17], $0x40, s7, s17, $0xb8;
	[tilespmem:$0x1C040] =	vst v63  }
0x40: {  	_ =	swait.ge [sflag:s22], $0x1400  }
0x41: {  	[sflag:s22] =	ssyncset.done $0x0  }
0x42: {  	[sflag:s22] =	ssyncadd.s32 $0xFFFFEC00  }
0x43: {  	[spmem:s2] =	stream.indirect.scatter.add.f32 [tilespmem:s18], [sflag:$0x6], $0x40, s15, s17, $0xb8;
	[tilespmem:$0x1C040] =	vst v63  }
0x44: {  	s5 =	simm.s32 $0xF0  }
0x45: {  	[tilespmem:s24], [sflag:$0x4] =	stream.indirect.gather [hbm4b:s11+s17], $0x40, s5, s17, $0xb8;
	[tilespmem:$0x1C040] =	vst v63  }
0x46: {  	_ =	swait.ge [sflag:s25], $0x1400  }
0x47: {  	[sflag:s25] =	ssyncset.done $0x0  }
0x48: {  	s7 =	simm.s32 $0x4E70;
	[sflag:s25] =	ssyncadd.s32 $0xFFFFEC00  }
0x49: {  	[spmem:s2] =	stream.indirect.scatter.add.f32 [tilespmem:s19], [sflag:$0x7], $0x40, s7, s17, $0xb8;
	[tilespmem:$0x1C040] =	vst v63  }
0x4a: {  	s5 =	simm.s32 $0x140  }
0x4b: {  	[tilespmem:s29], [sflag:$0x5] =	stream.indirect.gather [hbm4b:s11+s17], $0x40, s5, s17, $0xb8;
	[tilespmem:$0x1C040] =	vst v63  }
0x4c: {  	_ =	swait.ge [sflag:s30], $0x1400  }
0x4d: {  	[sflag:s30] =	ssyncset.done $0x0  }
0x4e: {  	s7 =	simm.s32 $0x4EC0;
	[sflag:s30] =	ssyncadd.s32 $0xFFFFEC00  }
0x4f: {  	[spmem:s2] =	stream.indirect.scatter.add.f32 [tilespmem:s21], [sflag:$0x8], $0x40, s7, s17, $0xb8;
	[tilespmem:$0x1C040] =	vst v63  }
0x50: {  	_ =	swait.ge [sflag:s31], $0x1400  }
0x51: {  	[sflag:s31] =	ssyncset.done $0x0  }
0x52: {  	s5 =	simm.s32 $0x190;
	[sflag:s31] =	ssyncadd.s32 $0xFFFFEC00  }
0x53: {  	[tilespmem:s18], [sflag:$0x1] =	stream.indirect.gather [hbm4b:s11+s17], $0x40, s5, s17, $0xb8;
	[tilespmem:$0x1C040] =	vst v63  }
0x54: {  	_ =	swait.ge [sflag:s0], $0x1400  }
0x55: {  	[sflag:s0] =	ssyncset.done $0x0  }
0x56: {  	s7 =	simm.s32 $0x4F10;
	[sflag:s0] =	ssyncadd.s32 $0xFFFFEC00  }
0x57: {  	[spmem:s2] =	stream.indirect.scatter.add.f32 [tilespmem:s24], [sflag:$0x9], $0x40, s7, s17, $0xb8;
	[tilespmem:$0x1C040] =	vst v63  }
0x58: {  	_ =	swait.ge [sflag:s1], $0x1400  }
0x59: {  	[sflag:s1] =	ssyncset.done $0x0  }
0x5a: {  	s5 =	simm.s32 $0x1E0;
	[sflag:s1] =	ssyncadd.s32 $0xFFFFEC00  }
0x5b: {  	[tilespmem:s19], [sflag:$0x2] =	stream.indirect.gather [hbm4b:s11+s17], $0x40, s5, s17, $0xb8;
	[tilespmem:$0x1C040] =	vst v63  }
0x5c: {  	_ =	swait.ge [sflag:s20], $0x1400  }
0x5d: {  	[sflag:s20] =	ssyncset.done $0x0  }
0x5e: {  	s7 =	simm.s32 $0x4F60;
	[sflag:s20] =	ssyncadd.s32 $0xFFFFEC00  }
0x5f: {  	[spmem:s2] =	stream.indirect.scatter.add.f32 [tilespmem:s29], [sflag:$0xA], $0x40, s7, s17, $0xb8;
	[tilespmem:$0x1C040] =	vst v63  }
0x60: {  	_ =	swait.ge [sflag:s23], $0x1400  }
0x61: {  	[sflag:s23] =	ssyncset.done $0x0  }
0x62: {  	s5 =	simm.s32 $0x230;
	[sflag:s23] =	ssyncadd.s32 $0xFFFFEC00  }
0x63: {  	[tilespmem:s21], [sflag:$0x3] =	stream.indirect.gather [hbm4b:s11+s17], $0x40, s5, s17, $0xb8;
	[tilespmem:$0x1C040] =	vst v63  }
0x64: {  	_ =	swait.ge [sflag:s22], $0x1400  }
0x65: {  	[sflag:s22] =	ssyncset.done $0x0  }
0x66: {  	s7 =	simm.s32 $0x4FB0;
	[sflag:s22] =	ssyncadd.s32 $0xFFFFEC00  }
0x67: {  	[spmem:s2] =	stream.indirect.scatter.add.f32 [tilespmem:s18], [sflag:$0x6], $0x40, s7, s17, $0xb8;
	[tilespmem:$0x1C040] =	vst v63  }
0x68: {  	_ =	swait.ge [sflag:s26], $0x1400  }
0x69: {  	[sflag:s26] =	ssyncset.done $0x0  }
0x6a: {  	s5 =	simm.s32 $0x280;
	[sflag:s26] =	ssyncadd.s32 $0xFFFFEC00  }
0x6b: {  	[tilespmem:s24], [sflag:$0x4] =	stream.indirect.gather [hbm4b:s11+s17], $0x40, s5, s17, $0xb8;
	[tilespmem:$0x1C040] =	vst v63  }
0x6c: {  	_ =	swait.ge [sflag:s25], $0x1400  }
0x6d: {  	[sflag:s25] =	ssyncset.done $0x0  }
0x6e: {  	s7 =	simm.s32 $0x5000;
	[sflag:s25] =	ssyncadd.s32 $0xFFFFEC00  }
0x6f: {  	[spmem:s2] =	stream.indirect.scatter.add.f32 [tilespmem:s19], [sflag:$0x7], $0x40, s7, s17, $0xb8;
	[tilespmem:$0x1C040] =	vst v63  }
0x70: {  	_ =	swait.ge [sflag:s28], $0x1400  }
0x71: {  	[sflag:s28] =	ssyncset.done $0x0  }
0x72: {  	s4 =	simm.s32 $0x640;
	s5 =	simm.s32 $0x2D0;
	[sflag:s28] =	ssyncadd.s32 $0xFFFFEC00  }
.LBB2_4:
0x73: {  	[tilespmem:s29], [sflag:$0x5] =	stream.indirect.gather [hbm4b:s11+s17], $0x40, s5, s17, $0xb8;
	[tilespmem:$0x1C040] =	vst v63  }
0x74: {  	s5 =	smov.u32 s4  }
0x75: {  	p0 =	sne.s32 s4, $0x12C00;
	s4 =	sadd.s32 $0x640, s4;
	_ =	swait.ge [sflag:s30], $0x1400  }
0x76: {  	s5 =	sshra.s32 s5, $0x2;
	[sflag:s30] =	ssyncset.done $0x0  }
0x77: {  	s7 =	sadd.s32 $0x4EC0, s5;
	[sflag:s30] =	ssyncadd.s32 $0xFFFFEC00  }
0x78: {  	[spmem:s2] =	stream.indirect.scatter.add.f32 [tilespmem:s21], [sflag:$0x8], $0x40, s7, s17, $0xb8;
	[tilespmem:$0x1C040] =	vst v63  }
0x79: {  	_ =	swait.ge [sflag:s31], $0x1400  }
0x7a: {  	[sflag:s31] =	ssyncset.done $0x0  }
0x7b: {  	s7 =	sadd.s32 $0x190, s5;
	[sflag:s31] =	ssyncadd.s32 $0xFFFFEC00  }
0x7c: {  	[tilespmem:s18], [sflag:$0x1] =	stream.indirect.gather [hbm4b:s11+s17], $0x40, s7, s17, $0xb8;
	[tilespmem:$0x1C040] =	vst v63  }
0x7d: {  	_ =	swait.ge [sflag:s0], $0x1400  }
0x7e: {  	[sflag:s0] =	ssyncset.done $0x0  }
0x7f: {  	s7 =	sadd.s32 $0x4F10, s5;
	[sflag:s0] =	ssyncadd.s32 $0xFFFFEC00  }
0x80: {  	[spmem:s2] =	stream.indirect.scatter.add.f32 [tilespmem:s24], [sflag:$0x9], $0x40, s7, s17, $0xb8;
	[tilespmem:$0x1C040] =	vst v63  }
0x81: {  	_ =	swait.ge [sflag:s1], $0x1400  }
0x82: {  	[sflag:s1] =	ssyncset.done $0x0  }
0x83: {  	s7 =	sadd.s32 $0x1E0, s5;
	[sflag:s1] =	ssyncadd.s32 $0xFFFFEC00  }
0x84: {  	[tilespmem:s19], [sflag:$0x2] =	stream.indirect.gather [hbm4b:s11+s17], $0x40, s7, s17, $0xb8;
	[tilespmem:$0x1C040] =	vst v63  }
0x85: {  	_ =	swait.ge [sflag:s20], $0x1400  }
0x86: {  	[sflag:s20] =	ssyncset.done $0x0  }
0x87: {  	s7 =	sadd.s32 $0x4F60, s5;
	[sflag:s20] =	ssyncadd.s32 $0xFFFFEC00  }
0x88: {  	[spmem:s2] =	stream.indirect.scatter.add.f32 [tilespmem:s29], [sflag:$0xA], $0x40, s7, s17, $0xb8;
	[tilespmem:$0x1C040] =	vst v63  }
0x89: {  	_ =	swait.ge [sflag:s23], $0x1400  }
0x8a: {  	[sflag:s23] =	ssyncset.done $0x0  }
0x8b: {  	s7 =	sadd.s32 $0x230, s5;
	[sflag:s23] =	ssyncadd.s32 $0xFFFFEC00  }
0x8c: {  	[tilespmem:s21], [sflag:$0x3] =	stream.indirect.gather [hbm4b:s11+s17], $0x40, s7, s17, $0xb8;
	[tilespmem:$0x1C040] =	vst v63  }
0x8d: {  	_ =	swait.ge [sflag:s22], $0x1400  }
0x8e: {  	[sflag:s22] =	ssyncset.done $0x0  }
0x8f: {  	s7 =	sadd.s32 $0x4FB0, s5;
	[sflag:s22] =	ssyncadd.s32 $0xFFFFEC00  }
0x90: {  	[spmem:s2] =	stream.indirect.scatter.add.f32 [tilespmem:s18], [sflag:$0x6], $0x40, s7, s17, $0xb8;
	[tilespmem:$0x1C040] =	vst v63  }
0x91: {  	_ =	swait.ge [sflag:s26], $0x1400  }
0x92: {  	[sflag:s26] =	ssyncset.done $0x0  }
0x93: {  	s7 =	sadd.s32 $0x280, s5;
	[sflag:s26] =	ssyncadd.s32 $0xFFFFEC00  }
0x94: {  	[tilespmem:s24], [sflag:$0x4] =	stream.indirect.gather [hbm4b:s11+s17], $0x40, s7, s17, $0xb8;
	[tilespmem:$0x1C040] =	vst v63  }
0x95: {  	_ =	swait.ge [sflag:s25], $0x1400  }
0x96: {  	[sflag:s25] =	ssyncset.done $0x0  }
.Ltmp1:
0x97: {  	s7 =	sadd.s32 $0x5000, s5;
	[sflag:s25] =	ssyncadd.s32 $0xFFFFEC00;
	(pc) =	sbr.rel @p0 .LBB2_4-.Ltmp1, $4  }
0x98: {  	[spmem:s2] =	stream.indirect.scatter.add.f32 [tilespmem:s19], [sflag:$0x7], $0x40, s7, s17, $0xb8;
	[tilespmem:$0x1C040] =	vst v63  }
0x99: {  	_ =	swait.ge [sflag:s28], $0x1400  }
0x9a: {  	[sflag:s28] =	ssyncset.done $0x0  }
0x9b: {  	s5 =	sadd.s32 $0x2D0, s5;
	[sflag:s28] =	ssyncadd.s32 $0xFFFFEC00  }
0x9c: {  	[tilespmem:s29], [sflag:$0x5] =	stream.indirect.gather [hbm4b:s11+s17], $0x40, s5, s17, $0xb8;
	[tilespmem:$0x1C040] =	vst v63  }
0x9d: {  	_ =	swait.ge [sflag:s30], $0x1400  }
0x9e: {  	[sflag:s30] =	ssyncset.done $0x0  }
0x9f: {  	s4 =	simm.s32 $0x9B50;
	[sflag:s30] =	ssyncadd.s32 $0xFFFFEC00  }
0xa0: {  	[spmem:s2] =	stream.indirect.scatter.add.f32 [tilespmem:s21], [sflag:$0x8], $0x40, s4, s17, $0xb8;
	[tilespmem:$0x1C040] =	vst v63  }
0xa1: {  	_ =	swait.ge [sflag:s31], $0x1400  }
0xa2: {  	[sflag:s31] =	ssyncset.done $0x0  }
0xa3: {  	[sflag:s31] =	ssyncadd.s32 $0xFFFFEC00  }
0xa4: {  	_ =	swait.ge [sflag:s0], $0x1400  }
0xa5: {  	[sflag:s0] =	ssyncset.done $0x0  }
0xa6: {  	s5 =	simm.s32 $0x9BA0;
	[sflag:s0] =	ssyncadd.s32 $0xFFFFEC00  }
0xa7: {  	[spmem:s2] =	stream.indirect.scatter.add.f32 [tilespmem:s24], [sflag:$0x9], $0x40, s5, s17, $0xb8;
	[tilespmem:$0x1C040] =	vst v63  }
0xa8: {  	_ =	swait.ge [sflag:s1], $0x1400  }
0xa9: {  	[sflag:s1] =	ssyncset.done $0x0  }
0xaa: {  	[sflag:s1] =	ssyncadd.s32 $0xFFFFEC00  }
0xab: {  	_ =	swait.ge [sflag:s20], $0x1400  }
0xac: {  	[sflag:s20] =	ssyncset.done $0x0  }
0xad: {  	s7 =	simm.s32 $0x9BF0;
	[sflag:s20] =	ssyncadd.s32 $0xFFFFEC00  }
0xae: {  	[spmem:s2] =	stream.indirect.scatter.add.f32 [tilespmem:s29], [sflag:$0xA], $0x40, s7, s17, $0xb8;
	[tilespmem:$0x1C040] =	vst v63  }
0xaf: {  	_ =	swait.ge [sflag:s23], $0x1400  }
0xb0: {  	[sflag:s23] =	ssyncset.done $0x0  }
0xb1: {  	[sflag:s23] =	ssyncadd.s32 $0xFFFFEC00  }
0xb2: {  	_ =	swait.ge [sflag:s26], $0x1400  }
0xb3: {  	[sflag:s26] =	ssyncset.done $0x0  }
0xb4: {  	[sflag:s26] =	ssyncadd.s32 $0xFFFFEC00  }
0xb5: {  	s5 =	stileid.u32;
	_ =	swait.ge [sflag:s28], $0x1400  }
0xb6: {  	s3 =	sadd.s32 $0x1, s3;
	s4 =	sshll.u32 s5, $0x6;
	[sflag:s28] =	ssyncset.done $0x0  }
0xb7: {  	p0 =	sne.s32 s3, s13;
	s4 =	sor.u32 $0x1C0B, s4;
	[sflag:s28] =	ssyncadd.s32 $0xFFFFEC00  }
.Ltmp2:
0xb8: {  	s7 =	sshrl.u32 s6, $0x3;
	[bflag:$0x0] =	sbarrier.arrive $0xFFFF;
	(pc) =	sbr.rel @p0 .LBB2_1-.Ltmp2, $4  }
0xb9: {  	[hbm:s12], [sflag:s4] =	dma.local [spmem:s7], $0x1400  }
0xba: {  	_ =	swait.ge [sflag:s14], $0x1400  }
0xbb: {  	[sflag:s14] =	ssyncset.done $0x0  }
0xbc: {  	[sflag:s14] =	ssyncadd.s32 $0xFFFFEC00  }
0xbd: {  	_ =	sfence.sel $0x180000  }
0xbe: {  	[bflag:$0x0] =	sbarrier.arrive $0xFFFF  }
0xbf: {  	_ =	strace $0x9000004A  }
0xc0: {  	s0 =	stileid.u32;
	[bflag:$0x2] =	sbarrier.arrive $0xFFFF  }
0xc1: {  	p0 =	sne.s32 s0, $0x0;
	s0 =	rddreg [dreg:$0x2]  }
0xc2: {  	s0 =	sadd.s32 @!p0 $0x100000, s0  }
0xc3: {  	[sflag:s0] =	ssyncadd.tile.s32 @!p0 $0x1;
	_ =	shalt  }
.Lfunc_end2:
_tile_overlayer_lowered:
.L_overlay_start_2:
0xc4: {  	(tag) =	ssettag $0x2  }
0xc5: {  	s0 =	rddreg [dreg:$0x0];
	s2 =	stileid.u32  }
0xc6: {  	s1 =	rddreg [dreg:$0x1];
	p0 =	sne.s32 s2, $0x0  }
0xc7: {  	s3 =	rddreg [dreg:$0x2];
	[bflag:$0x3] =	sbarrier.arrive $0xFFFF;
	s2 =	simm.s32 @!p0 $0x1C0B  }
0xc8: {  	[timem:s3], [sflag:s2] =	dma.local @!p0 [hbm:s0], s1  }
0xc9: {  	s0 =	simm.s32 @!p0 $0xB  }
0xca: {  	_ =	swait.ge @!p0 [sflag:s0], s1  }
0xcb: {  	s1 =	ssub.s32 @!p0 $0x0, s1;
	[sflag:s0] =	ssyncset.done @!p0 $0x0  }
0xcc: {  	[sflag:s0] =	ssyncadd.s32 @!p0 s1  }
0xcd: {  	[bflag:$0x3] =	sbarrier.arrive $0xFFFF  }
0xce: {  	_ =	shalt  }

// kernel: kernel.14.cloned.1.call-start
scs
__scs_entry_jumppad:
0x0: {  	(pc) =	sbr.rel $0x88, $3  }
0x1: {  	(tag) =	ssettag $0x0;
	lr =	simm.s32 $0x1  }
0x2: {  	[smem:$0x3F98] =	sst lr;
	_ =	strace $0xD0000000  }
0x3: {  	_ = 	snop  }
0x4: {  	_ = 	snop  }
0x5: {  	_ = 	snop  }
0x6: {  	_ = 	snop  }
0x7: {  	_ = 	snop  }
__scs_overlays_trampoline_lowered:
0x8: {  	[smem:$0x3FA7] =	sst s0  }
0x9: {  	[smem:$0x3FA8] =	sst s1  }
0xa: {  	[smem:$0x3FA9] =	sst s2  }
0xb: {  	[smem:$0x3FAA] =	sst s3  }
0xc: {  	[smem:$0x3FAB] =	sst s4  }
0xd: {  	[smem:$0x3FAC] =	sst s5  }
0xe: {  	[smem:$0x3FAD] =	sst s6  }
0xf: {  	[smem:$0x3FAE] =	sst s7  }
0x10: {  	[smem:$0x3FAF] =	sst s8  }
0x11: {  	[smem:$0x3FB0] =	sst s9;
	s0 =	simm.s32 @!p0 $0x0  }
0x12: {  	s1 =	sld [smem:$0x3F96];
	s0 =	simm.s32 @p0 $0x1  }
0x13: {  	[smem:$0x3FB1] =	sst s0;
	s0 =	simm.s32 @!p1 $0x0  }
0x14: {  	s2 =	sld [smem:$0x3F95];
	s0 =	simm.s32 @p1 $0x1  }
0x15: {  	[smem:$0x3FB2] =	sst s0;
	s0 =	simm.s32 @!p2 $0x0  }
0x16: {  	s3 =	sld [smem:$0x3FDB];
	s0 =	simm.s32 @p2 $0x1  }
0x17: {  	s4 =	simm.s32 $0x1BF5;
	[smem:$0x3FB4] =	sst s0  }
0x18: {  	s0 =	sld [smem:$0x3F97];
	_ =	swait.ge [sflag:s4], $0x0  }
0x19: {  	s7 =	sld [smem:$0x3F98]  }
0x1a: {  	s8 =	sadd.s32 $0xFFFFE003, lr  }
0x1b: {  	s9 =	sadd.s32 $0xFFFFFEF7, lr;
	s5 =	simm.s32 $0xFFFFFFFF;
	p2 =	slt.u32 s8, $0xFFFFF086  }
0x1c: {  	p1 =	slt.u32 s9, $0xF7A;
	s5 =	simm.s32 @!p2 $0x0  }
0x1d: {  	s5 =	simm.s32 @p1 $0x1;
	p0 =	seq.s32 s7, s2  }
0x1e: {  	s7 =	smul.u32 @!p0 $0xF7A, s2;
	p2 =	seq.s32 @!p0 s5, $0x0  }
0x1f: {  	s9 =	smul.u32 $0xF7A, s1;
	s8 =	simm.s32 @!p0 $0x1BF5;
	p2 =	por !p2, p0  }
0x20: {  	[sflag:s8] =	ssyncset.s32 @!p0 $0xFFFFF086;
	s6 =	sadd.s32 @!p0 s3, s7;
	s7 =	simm.s32 @!p0 $0x108  }
0x21: {  	s3 =	sadd.s32 s3, s9;
	s6 =	sadd.s32 @!p0 $0x88, s6;
	s7 =	simm.s32 @p2 $0x1082  }
0x22: {  	[simem:s7], [sflag:s8] =	dma.local @!p0 [hbm:s6], $0xF7A  }
0x23: {  	s9 =	sor.u32 $0xD0000000, s2;
	s6 =	simm.s32 $0x108;
	_ =	swait.ge @!p0 [sflag:s8], $0x0  }
0x24: {  	s3 =	sadd.s32 $0x88, s3;
	s6 =	simm.s32 @!p1 $0x1082;
	[sflag:s4] =	ssyncset.s32 $0xFFFFF086  }
0x25: {  	[simem:s6], [sflag:s4] =	dma.local [hbm:s3], $0xF7A  }
0x26: {  	[smem:$0x3F98] =	sst s1;
	(tag) =	ssettag s2;
	_ =	strace s9  }
0x27: {  	s1 =	sld [smem:$0x3FA8]  }
0x28: {  	s2 =	sld [smem:$0x3FA9]  }
0x29: {  	s4 =	sld [smem:$0x3FAB]  }
0x2a: {  	p0 =	seq.s32 s5, $0x0;
	s5 =	sld [smem:$0x3FAC]  }
0x2b: {  	s6 =	sld [smem:$0x3FAD]  }
0x2c: {  	s7 =	sld [smem:$0x3FAE]  }
0x2d: {  	s3 =	simm.s32 $0x108;
	s8 =	sld [smem:$0x3FAF]  }
0x2e: {  	s3 =	simm.s32 @!p0 $0x1082;
	s9 =	sld [smem:$0x3FB0]  }
0x2f: {  	lr =	sadd.s32 s0, s3;
	s0 =	sld [smem:$0x3FA7]  }
0x30: {  	s3 =	sld [smem:$0x3FAA]  }
0x31: {  	[smem:$0x3FB3] =	sst s10  }
0x32: {  	s10 =	sld [smem:$0x3FB1];
	_ =	sdelay $0x3  }
0x33: {  	p0 =	seq.s32 s10, $0x1;
	s10 =	sld [smem:$0x3FB3];
	_ =	sdelay $0x3  }
0x34: {  	[smem:$0x3FB3] =	sst s10  }
0x35: {  	s10 =	sld [smem:$0x3FB2];
	_ =	sdelay $0x3  }
0x36: {  	p1 =	seq.s32 s10, $0x1;
	s10 =	sld [smem:$0x3FB3];
	_ =	sdelay $0x3  }
0x37: {  	[smem:$0x3FB3] =	sst s10  }
0x38: {  	s10 =	sld [smem:$0x3FB4]  }
0x39: {  	_ = 	snop;
	(pc) =	sbr.ind lr, $3  }
0x3a: {  	_ = 	snop  }
0x3b: {  	_ = 	snop  }
0x3c: {  	p2 =	seq.s32 s10, $0x1;
	s10 =	sld [smem:$0x3FB3]  }
0x3d: {  	_ =	shalt  }
0x3e: {  	_ =	shalt  }
0x3f: {  	_ =	shalt  }
0x40: {  	_ =	shalt  }
0x41: {  	_ =	shalt  }
0x42: {  	_ =	shalt  }
0x43: {  	_ =	shalt  }
0x44: {  	_ =	shalt  }
0x45: {  	_ =	shalt  }
0x46: {  	_ =	shalt  }
0x47: {  	_ =	shalt  }
0x48: {  	_ =	shalt  }
0x49: {  	_ =	shalt  }
0x4a: {  	_ =	shalt  }
0x4b: {  	_ =	shalt  }
0x4c: {  	_ =	shalt  }
0x4d: {  	_ =	shalt  }
0x4e: {  	_ =	shalt  }
0x4f: {  	_ =	shalt  }
0x50: {  	_ =	shalt  }
0x51: {  	_ =	shalt  }
0x52: {  	_ =	shalt  }
0x53: {  	_ =	shalt  }
0x54: {  	_ =	shalt  }
0x55: {  	_ =	shalt  }
0x56: {  	_ =	shalt  }
0x57: {  	_ =	shalt  }
0x58: {  	_ =	shalt  }
0x59: {  	_ =	shalt  }
0x5a: {  	_ =	shalt  }
0x5b: {  	_ =	shalt  }
0x5c: {  	_ =	shalt  }
0x5d: {  	_ =	shalt  }
0x5e: {  	_ =	shalt  }
0x5f: {  	_ =	shalt  }
0x60: {  	_ =	shalt  }
0x61: {  	_ =	shalt  }
0x62: {  	_ =	shalt  }
0x63: {  	_ =	shalt  }
0x64: {  	_ =	shalt  }
0x65: {  	_ =	shalt  }
0x66: {  	_ =	shalt  }
0x67: {  	_ =	shalt  }
0x68: {  	_ =	shalt  }
0x69: {  	_ =	shalt  }
0x6a: {  	_ =	shalt  }
0x6b: {  	_ =	shalt  }
0x6c: {  	_ =	shalt  }
0x6d: {  	_ =	shalt  }
0x6e: {  	_ =	shalt  }
0x6f: {  	_ =	shalt  }
0x70: {  	_ =	shalt  }
0x71: {  	_ =	shalt  }
0x72: {  	_ =	shalt  }
0x73: {  	_ =	shalt  }
0x74: {  	_ =	shalt  }
0x75: {  	_ =	shalt  }
0x76: {  	_ =	shalt  }
0x77: {  	_ =	shalt  }
0x78: {  	_ =	shalt  }
0x79: {  	_ =	shalt  }
0x7a: {  	_ =	shalt  }
0x7b: {  	_ =	shalt  }
0x7c: {  	_ =	shalt  }
0x7d: {  	_ =	shalt  }
0x7e: {  	_ =	shalt  }
0x7f: {  	_ =	shalt  }
0x80: {  	_ =	shalt  }
0x81: {  	_ =	shalt  }
0x82: {  	_ =	shalt  }
0x83: {  	_ =	shalt  }
0x84: {  	_ =	shalt  }
0x85: {  	_ =	shalt  }
0x86: {  	_ =	shalt  }
0x87: {  	_ =	shalt  }
.Lfunc_end0:
.L_simem_size_0:
called_computation.2_lowered:
.L_overlay_start_0:
0x88: {  	s2 =	sld [smem:$0x3FD9]  }
0x89: {  	s3 =	sld [smem:$0x3FFE];
	_ =	sdelay $0x1  }
0x8a: {  	s1 =	srdreg.scid  }
0x8b: {  	s0 =	sand.u32 $0x1, s1  }
0x8c: {  	s17 =	sshll.u32 s0, $0xA;
	s2 =	sadd.s32 s3, s2  }
0x8d: {  	s2 =	sadd.s32 s2, s17  }
0x8e: {  	[smem:$0x3FBF] =	sst s2  }
0x8f: {  	_ = 	snop  }
0x90: {  	s2 =	sld [smem:$0x3FD0];
	(tm) =	ssettm $0x1  }
0x91: {  	s18 =	sld [smem:$0x3FFB];
	_ =	sdelay $0x3  }
0x92: {  	_ =	strace s18  }
0x93: {  	s3 =	sld [smem:$0x3FFC];
	_ =	sdelay $0x3  }
0x94: {  	_ =	strace s3  }
0x95: {  	s3 =	sld [smem:$0x3FFD];
	_ =	sdelay $0x3  }
0x96: {  	_ =	strace s3  }
0x97: {  	_ =	strace $0x8FFFFFFF  }
0x98: {  	s19 =	sld [smem:$0x3FDB];
	_ =	sdelay $0x1  }
0x99: {  	s4 =	simm.s32 $_scs_section_size  }
0x9a: {  	s5 =	simm.s32 $_size__tile_overlayer_lowered;
	s6 =	simm.s32 $_tile_overlayer_lowered  }
0x9b: {  	s22 =	simm.s32 $0x1BFF;
	s21 =	sshll.u32 s6, $0x1;
	s3 =	sadd.s32 s4, s19  }
0x9c: {  	s7 =	simm.s32 $0x0;
	s20 =	sshll.u32 s5, $0x1;
	s5 =	sadd.s32 s21, s3  }
0x9d: {  	[timem:s7], [sflag:s22] =	dma.local [hbm:s5], s20  }
0x9e: {  	_ =	swait.ge [sflag:s22], s20  }
0x9f: {  	s4 =	ssub.s32 $0x0, s20;
	[sflag:s22] =	ssyncset.done $0x0  }
0xa0: {  	[sflag:s22] =	ssyncadd.s32 s4;
	_ =	sdelay $0x1  }
0xa1: {  	s23 =	simm.s32 $0x1B8B  }
0xa2: {  	_ =	swait.ge [sflag:s23], $0x1  }
0xa3: {  	[sflag:s23] =	ssyncset.done $0x0  }
0xa4: {  	s25 =	simm.s32 $0x1B8E;
	s24 =	sld [smem:$0x3FFE];
	[sflag:s23] =	ssyncadd.s32 $0xFFFFFFFF  }
0xa5: {  	s26 =	simm.s32 $execute0_lowered;
	[smem:$0x3FD2] =	sst s25  }
0xa6: {  	s5 =	sshll.u32 s26, $0x1;
	_ =	strace $0x8000004C;
	[dreg:$0x1] =	wrdreg $0xFFFFFFFF  }
0xa7: {  	s28 =	simm.s32 $_size_execute0_lowered;
	s3 =	sadd.s32 s3, s5;
	[dreg:$0x0] =	wrdreg $0x0  }
0xa8: {  	s5 =	sshll.u32 s28, $0x1;
	[dreg:$0x2] =	wrdreg s3  }
0xa9: {  	[dreg:$0x3] =	wrdreg s5  }
0xaa: {  	[dreg:$0x4] =	wrdreg $0xC0  }
0xab: {  	_ =	task [dreg:s7], $0x5FFFF  }
0xac: {  	[dreg:$0x1] =	wrdreg $0xFFFFFFFF  }
0xad: {  	[dreg:$0x0] =	wrdreg $0x60  }
0xae: {  	[dreg:$0x2] =	wrdreg s2  }
0xaf: {  	[dreg:$0x3] =	wrdreg s24  }
0xb0: {  	[dreg:$0x4] =	wrdreg $0x110400  }
0xb1: {  	[dreg:$0x5] =	wrdreg $0x9  }
0xb2: {  	_ =	task.clear_ibuf [dreg:s7], $0x6FFFF;
	_ =	strace $0x9000004C  }
0xb3: {  	s29 =	simm.s32 $0x9;
	_ =	strace $0x8000004E  }
0xb4: {  	_ =	swait.ge [sflag:s29], $0x1  }
0xb5: {  	[sflag:s29] =	ssyncadd.s32 $0xFFFFFFFF  }
0xb6: {  	_ =	strace $0x9000004E  }
0xb7: {  	_ =	sfence  }
0xb8: {  	s30 =	sld [smem:$0x0];
	_ =	sdelay $0x2  }
0xb9: {  	s31 =	sshll.u32 s1, $0xD;
	s1 =	sshrl.u32 s1, $0x2  }
0xba: {  	s3 =	sand.u32 $0x4000, s31;
	s1 =	sadd.s32 s1, s30  }
0xbb: {  	s0 =	sor.u32 s3, s0;
	s1 =	sshll.u32 s1, $0x11  }
0xbc: {  	s0 =	sor.u32 s1, s0  }
0xbd: {  	s0 =	sadd.s32 $0x8F2B, s0  }
0xbe: {  	[sflag:s0] =	ssyncadd.remote.s32 $0x1  }
0xbf: {  	_ =	sfence.sel $0xFFFF  }
0xc0: {  	[dreg:$0x0] =	wrdreg $0xFFFFFFFF;
	(pc) =	sbr.abs _section_cstart, $3  }
0xc1: {  	[dreg:$0x1] =	wrdreg $0xFFFFFFFF  }
0xc2: {  	_ =	task.clear_ibuf [dreg:s7], $0x2FFFF;
	_ =	strace $0x9FFFFFFF  }
0xc3: {  	(tm) =	ssettm $0x7FFFFFFF  }
tec
execute0_lowered:
.L_overlay_start_1:
0x0: {  	(tag) =	ssettag $0x1  }
0x1: {  	s0 =	rddreg [dreg:$0x0]  }
0x2: {  	s1 =	rddreg [dreg:$0x1];
	s8 =	stileid.u32  }
0x3: {  	s3 =	srdreg.scid;
	s2 =	rddreg [dreg:$0x2]  }
0x4: {  	s6 =	simm.s32 $0x0;
	s17 =	simm.s32 $0x50;
	s29 =	simm.s32 $0x3  }
0x5: {  	s31 =	simm.s32 $0x5;
	s9 =	simm.s32 $0xD;
	s10 =	simm.s32 $0x9  }
0x6: {  	s12 =	simm.s32 $0xE;
	s13 =	simm.s32 $0xA;
	s4 =	smul.u32 $0x5000, s8  }
0x7: {  	s15 =	simm.s32 $0x10;
	s14 =	simm.s32 $0x11;
	s18 =	smul.u32 $0x9C4, s8  }
0x8: {  	s3 =	sand.u32 $0x1, s3;
	[smem:$0x7FF] =	sst s6;
	s8 =	smul.u32 $0x14000, s8  }
0x9: {  	s16 =	simm.s32 $0x12;
	s5 =	smul.u32 $0x50000, s3;
	_ =	strace $0x8000004D  }
0xa: {  	s7 =	ssub.s32 $0x2, s3;
	s3 =	smul.u32 $0x9C40, s3;
	s6 =	sadd.s32 s18, s1  }
0xb: {  	s19 =	sshrl.u32 s7, $0x1;
	s21 =	sshrl.u32 s8, $0x2;
	s8 =	simm.s32 $0x8  }
0xc: {  	s18 =	simm.s32 $0x13;
	s5 =	sadd.s32 s4, s5;
	s20 =	sadd.s32 $0x2200, s6  }
0xd: {  	s6 =	sadd.s32 $0xC000, s6;
	s22 =	sadd.s32 s21, s2;
	s4 =	sadd.s32 s4, s2  }
0xe: {  	s11 =	sadd.s32 s0, s3;
	s3 =	simm.s32 $0x6;
	[dreg:$0x4] =	wrdreg s20  }
0xf: {  	s0 =	simm.s32 $0x0;
	s5 =	sshrl.u32 s5, $0x3;
	[dreg:$0x5] =	wrdreg s6  }
0x10: {  	[dreg:$0x6] =	wrdreg s4;
	s23 =	sadd.s32 $0x1000, s22;
	s24 =	sadd.s32 $0x2000, s22  }
0x11: {  	s25 =	sadd.s32 $0x3000, s22;
	s26 =	sadd.s32 $0x4000, s22;
	[dreg:$0x7] =	wrdreg s23  }
0x12: {  	s22 =	simm.s32 $0x1;
	s4 =	simm.s32 $0xB;
	[dreg:$0x8] =	wrdreg s24  }
0x13: {  	s6 =	simm.s32 $0xF;
	s1 =	sadd.s32 s5, s1;
	[dreg:$0x9] =	wrdreg s25  }
0x14: {  	s5 =	ssub.s32 s7, s19;
	[dreg:$0xa] =	wrdreg s26;
	s25 =	simm.s32 $0x15  }
0x15: {  	s24 =	simm.s32 $0x4;
	s7 =	simm.s32 $0xC;
	s28 =	sadd.s32 $0x64000, s1  }
0x16: {  	s19 =	simm.s32 $0x14;
	s30 =	smax.u32 s5, $0x1;
	[dreg:$0xb] =	wrdreg s28  }
0x17: {  	v0 =	vimm.f32 $0.0e+00;
	s1 =	simm.s32 $0x2;
	s5 =	simm.s32 $0x7;
	[dreg:$0xc] =	wrdreg s30  }
.LBB2_1:
0x18: {  	[dreg:$0xd] =	wrdreg s0  }
0x19: {  	s28 =	simm.s32 $0x0;
	s23 =	rddreg [dreg:$0x4]  }
0x1a: {  	[tilespmem:s28], [sflag:$0x15] =	stream.linear.gather [hbm4b:s23+s28], $0x4E20, $0x38;
	[tilespmem:$0x16040] =	vst v63  }
0x1b: {  	_ =	swait.ge [sflag:s25], $0x4E20  }
0x1c: {  	[sflag:s25] =	ssyncset.done $0x0  }
0x1d: {  	s21 =	simm.s32 $0x4E20;
	s30 =	rddreg [dreg:$0x5];
	[sflag:s25] =	ssyncadd.s32 $0xFFFFB1E0  }
0x1e: {  	[tilespmem:s21], [sflag:$0x15] =	stream.linear.gather [hbm4b:s30+s28], $0x4E20, $0x38;
	[tilespmem:$0x16040] =	vst v63  }
0x1f: {  	_ =	swait.ge [sflag:s25], $0x4E20  }
0x20: {  	[sflag:s25] =	ssyncset.done $0x0  }
0x21: {  	s23 =	simm.s32 $0x0;
	s21 =	simm.s32 $0x80;
	[sflag:s25] =	ssyncadd.s32 $0xFFFFB1E0  }
.LBB2_2:
0x22: {  	p0 =	sne.s32 s21, $0x3F80;
	[tilespmem:s23+$0x10040] =	vst v0;
	s25 =	smov.u32 s21;
	s21 =	sadd.s32 $0x80, s21  }
.Ltmp0:
0x23: {  	[tilespmem:s23+$0x10050] =	vst v0;
	(pc) =	sbr.rel @p0 .LBB2_2-.Ltmp0, $2  }
0x24: {  	_ =	sdelay $0x2  }
0x25: {  	s23 =	sshra.s32 s25, $0x2  }
0x26: {  	[tilespmem:s23+$0x10040] =	vst v0  }
0x27: {  	[tilespmem:s23+$0x10050] =	vst v0;
	s21 =	rddreg [dreg:$0x6];
	s25 =	simm.s32 $0x10040;
	s30 =	simm.s32 $0x15  }
0x28: {  	[spmem:s21] =	stream.linear.scatter [tilespmem:s25], [sflag:$0x15], $0x1000, $0x38;
	[tilespmem:$0x16040] =	vst v63  }
0x29: {  	_ =	swait.ge [sflag:s30], $0x1000  }
0x2a: {  	[sflag:s30] =	ssyncset.done $0x0  }
0x2b: {  	s0 =	rddreg [dreg:$0x7];
	[sflag:s30] =	ssyncadd.s32 $0xFFFFF000  }
0x2c: {  	[spmem:s0] =	stream.linear.scatter [tilespmem:s25], [sflag:$0x15], $0x1000, $0x38;
	[tilespmem:$0x16040] =	vst v63  }
0x2d: {  	_ =	swait.ge [sflag:s30], $0x1000  }
0x2e: {  	[sflag:s30] =	ssyncset.done $0x0  }
0x2f: {  	s20 =	rddreg [dreg:$0x8];
	[sflag:s30] =	ssyncadd.s32 $0xFFFFF000  }
0x30: {  	[spmem:s20] =	stream.linear.scatter [tilespmem:s25], [sflag:$0x15], $0x1000, $0x38;
	[tilespmem:$0x16040] =	vst v63  }
0x31: {  	_ =	swait.ge [sflag:s30], $0x1000  }
0x32: {  	[sflag:s30] =	ssyncset.done $0x0  }
0x33: {  	s26 =	rddreg [dreg:$0x9];
	[sflag:s30] =	ssyncadd.s32 $0xFFFFF000  }
0x34: {  	[spmem:s26] =	stream.linear.scatter [tilespmem:s25], [sflag:$0x15], $0x1000, $0x38;
	[tilespmem:$0x16040] =	vst v63  }
0x35: {  	_ =	swait.ge [sflag:s30], $0x1000  }
0x36: {  	[sflag:s30] =	ssyncset.done $0x0  }
0x37: {  	s28 =	rddreg [dreg:$0xa];
	[sflag:s30] =	ssyncadd.s32 $0xFFFFF000  }
0x38: {  	[spmem:s28] =	stream.linear.scatter [tilespmem:s25], [sflag:$0x15], $0x1000, $0x38;
	[tilespmem:$0x16040] =	vst v63  }
0x39: {  	_ =	swait.ge [sflag:s30], $0x1000  }
0x3a: {  	[sflag:s30] =	ssyncset.done $0x0  }
0x3b: {  	[sflag:s30] =	ssyncadd.s32 $0xFFFFF000  }
0x3c: {  	s25 =	simm.s32 $0x9C40;
	s30 =	simm.s32 $0x0;
	[bflag:$0x0] =	sbarrier.arrive $0xFFFF  }
0x3d: {  	[tilespmem:s25], [sflag:$0x1] =	stream.indirect.gather [hbm4b:s11+s17], $0x20, s30, s17, $0xb8;
	[tilespmem:$0x16040] =	vst v63  }
0x3e: {  	s28 =	simm.s32 $0xA640  }
0x3f: {  	[tilespmem:s28], [sflag:$0x2] =	stream.indirect.gather [hbm4b:s11+s17], $0x20, s17, s17, $0xb8;
	[tilespmem:$0x16040] =	vst v63  }
0x40: {  	s0 =	simm.s32 $0xA0;
	s30 =	simm.s32 $0xB040  }
0x41: {  	[tilespmem:s30], [sflag:$0x3] =	stream.indirect.gather [hbm4b:s11+s17], $0x20, s0, s17, $0xb8;
	[tilespmem:$0x16040] =	vst v63  }
0x42: {  	s23 =	simm.s32 $0xBA40;
	s20 =	simm.s32 $0xF0  }
0x43: {  	[tilespmem:s23], [sflag:$0x4] =	stream.indirect.gather [hbm4b:s11+s17], $0x20, s20, s17, $0xb8;
	[tilespmem:$0x16040] =	vst v63  }
0x44: {  	s26 =	simm.s32 $0x140;
	s0 =	simm.s32 $0xC440  }
0x45: {  	[tilespmem:s0], [sflag:$0x5] =	stream.indirect.gather [hbm4b:s11+s17], $0x20, s26, s17, $0xb8;
	[tilespmem:$0x16040] =	vst v63  }
0x46: {  	_ =	swait.ge [sflag:s22], $0xA00  }
0x47: {  	[sflag:s22] =	ssyncset.done $0x0  }
0x48: {  	s0 =	simm.s32 $0x4E20;
	[sflag:s22] =	ssyncadd.s32 $0xFFFFF600  }
0x49: {  	[spmem:s2] =	stream.indirect.scatter.add.f32 [tilespmem:s25], [sflag:$0xB], $0x20, s0, s17, $0xb8;
	[tilespmem:$0x16040] =	vst v63  }
0x4a: {  	s26 =	simm.s32 $0x190;
	s0 =	simm.s32 $0xCE40  }
0x4b: {  	[tilespmem:s0], [sflag:$0x6] =	stream.indirect.gather [hbm4b:s11+s17], $0x20, s26, s17, $0xb8;
	[tilespmem:$0x16040] =	vst v63  }
0x4c: {  	_ =	swait.ge [sflag:s1], $0xA00  }
0x4d: {  	[sflag:s1] =	ssyncset.done $0x0  }
0x4e: {  	s26 =	simm.s32 $0x4E70;
	[sflag:s1] =	ssyncadd.s32 $0xFFFFF600  }
0x4f: {  	[spmem:s2] =	stream.indirect.scatter.add.f32 [tilespmem:s28], [sflag:$0xC], $0x20, s26, s17, $0xb8;
	[tilespmem:$0x16040] =	vst v63  }
0x50: {  	s21 =	simm.s32 $0x1E0;
	s26 =	simm.s32 $0xD840  }
0x51: {  	[tilespmem:s26], [sflag:$0x7] =	stream.indirect.gather [hbm4b:s11+s17], $0x20, s21, s17, $0xb8;
	[tilespmem:$0x16040] =	vst v63  }
0x52: {  	_ =	swait.ge [sflag:s29], $0xA00  }
0x53: {  	[sflag:s29] =	ssyncset.done $0x0  }
0x54: {  	s26 =	simm.s32 $0x4EC0;
	[sflag:s29] =	ssyncadd.s32 $0xFFFFF600  }
0x55: {  	[spmem:s2] =	stream.indirect.scatter.add.f32 [tilespmem:s30], [sflag:$0xD], $0x20, s26, s17, $0xb8;
	[tilespmem:$0x16040] =	vst v63  }
0x56: {  	s21 =	simm.s32 $0x230;
	s26 =	simm.s32 $0xE240  }
0x57: {  	[tilespmem:s26], [sflag:$0x8] =	stream.indirect.gather [hbm4b:s11+s17], $0x20, s21, s17, $0xb8;
	[tilespmem:$0x16040] =	vst v63  }
0x58: {  	_ =	swait.ge [sflag:s24], $0xA00  }
0x59: {  	[sflag:s24] =	ssyncset.done $0x0  }
0x5a: {  	s26 =	simm.s32 $0x4F10;
	[sflag:s24] =	ssyncadd.s32 $0xFFFFF600  }
0x5b: {  	[spmem:s2] =	stream.indirect.scatter.add.f32 [tilespmem:s23], [sflag:$0xE], $0x20, s26, s17, $0xb8;
	[tilespmem:$0x16040] =	vst v63  }
0x5c: {  	s21 =	simm.s32 $0x280;
	s26 =	simm.s32 $0xEC40  }
0x5d: {  	[tilespmem:s26], [sflag:$0x9] =	stream.indirect.gather [hbm4b:s11+s17], $0x20, s21, s17, $0xb8;
	[tilespmem:$0x16040] =	vst v63  }
0x5e: {  	_ =	swait.ge [sflag:s31], $0xA00  }
0x5f: {  	[sflag:s31] =	ssyncset.done $0x0  }
0x60: {  	s20 =	simm.s32 $0xC440;
	s21 =	simm.s32 $0x4F60;
	[sflag:s31] =	ssyncadd.s32 $0xFFFFF600  }
0x61: {  	[spmem:s2] =	stream.indirect.scatter.add.f32 [tilespmem:s20], [sflag:$0xF], $0x20, s21, s17, $0xb8;
	[tilespmem:$0x16040] =	vst v63  }
0x62: {  	s21 =	simm.s32 $0x2D0;
	s20 =	simm.s32 $0xF640  }
0x63: {  	[tilespmem:s20], [sflag:$0xA] =	stream.indirect.gather [hbm4b:s11+s17], $0x20, s21, s17, $0xb8;
	[tilespmem:$0x16040] =	vst v63  }
0x64: {  	_ =	swait.ge [sflag:s3], $0xA00  }
0x65: {  	[sflag:s3] =	ssyncset.done $0x0  }
0x66: {  	[sflag:s3] =	ssyncadd.s32 $0xFFFFF600;
	s3 =	simm.s32 $0x4FB0  }
0x67: {  	[spmem:s2] =	stream.indirect.scatter.add.f32 [tilespmem:s0], [sflag:$0x10], $0x20, s3, s17, $0xb8;
	[tilespmem:$0x16040] =	vst v63  }
0x68: {  	_ =	swait.ge [sflag:s4], $0xA00  }
0x69: {  	[sflag:s4] =	ssyncset.done $0x0  }
0x6a: {  	s3 =	simm.s32 $0x320;
	[sflag:s4] =	ssyncadd.s32 $0xFFFFF600  }
0x6b: {  	[tilespmem:s25], [sflag:$0x1] =	stream.indirect.gather [hbm4b:s11+s17], $0x20, s3, s17, $0xb8;
	[tilespmem:$0x16040] =	vst v63  }
0x6c: {  	_ =	swait.ge [sflag:s5], $0xA00  }
0x6d: {  	[sflag:s5] =	ssyncset.done $0x0  }
0x6e: {  	s4 =	simm.s32 $0x5000;
	[sflag:s5] =	ssyncadd.s32 $0xFFFFF600;
	s5 =	simm.s32 $0xD840  }
0x6f: {  	[spmem:s2] =	stream.indirect.scatter.add.f32 [tilespmem:s5], [sflag:$0x11], $0x20, s4, s17, $0xb8;
	[tilespmem:$0x16040] =	vst v63  }
0x70: {  	_ =	swait.ge [sflag:s7], $0xA00  }
0x71: {  	[sflag:s7] =	ssyncset.done $0x0  }
0x72: {  	s4 =	simm.s32 $0x370;
	[sflag:s7] =	ssyncadd.s32 $0xFFFFF600  }
0x73: {  	[tilespmem:s28], [sflag:$0x2] =	stream.indirect.gather [hbm4b:s11+s17], $0x20, s4, s17, $0xb8;
	[tilespmem:$0x16040] =	vst v63  }
0x74: {  	_ =	swait.ge [sflag:s8], $0xA00  }
0x75: {  	[sflag:s8] =	ssyncset.done $0x0  }
0x76: {  	s7 =	simm.s32 $0x5050;
	[sflag:s8] =	ssyncadd.s32 $0xFFFFF600;
	s8 =	simm.s32 $0xE240  }
0x77: {  	[spmem:s2] =	stream.indirect.scatter.add.f32 [tilespmem:s8], [sflag:$0x12], $0x20, s7, s17, $0xb8;
	[tilespmem:$0x16040] =	vst v63  }
0x78: {  	_ =	swait.ge [sflag:s9], $0xA00  }
0x79: {  	[sflag:s9] =	ssyncset.done $0x0  }
0x7a: {  	s3 =	simm.s32 $0x3C0;
	[sflag:s9] =	ssyncadd.s32 $0xFFFFF600  }
0x7b: {  	[tilespmem:s30], [sflag:$0x3] =	stream.indirect.gather [hbm4b:s11+s17], $0x20, s3, s17, $0xb8;
	[tilespmem:$0x16040] =	vst v63  }
0x7c: {  	_ =	swait.ge [sflag:s10], $0xA00  }
0x7d: {  	[sflag:s10] =	ssyncset.done $0x0  }
0x7e: {  	s26 =	simm.s32 $0xEC40;
	s7 =	simm.s32 $0x50A0;
	[sflag:s10] =	ssyncadd.s32 $0xFFFFF600  }
0x7f: {  	[spmem:s2] =	stream.indirect.scatter.add.f32 [tilespmem:s26], [sflag:$0x13], $0x20, s7, s17, $0xb8;
	[tilespmem:$0x16040] =	vst v63  }
0x80: {  	_ =	swait.ge [sflag:s12], $0xA00  }
0x81: {  	[sflag:s12] =	ssyncset.done $0x0  }
0x82: {  	s8 =	simm.s32 $0x410;
	[sflag:s12] =	ssyncadd.s32 $0xFFFFF600  }
0x83: {  	[tilespmem:s23], [sflag:$0x4] =	stream.indirect.gather [hbm4b:s11+s17], $0x20, s8, s17, $0xb8;
	[tilespmem:$0x16040] =	vst v63  }
0x84: {  	_ =	swait.ge [sflag:s13], $0xA00  }
0x85: {  	[sflag:s13] =	ssyncset.done $0x0  }
0x86: {  	s9 =	simm.s32 $0x50F0;
	[sflag:s13] =	ssyncadd.s32 $0xFFFFF600  }
0x87: {  	[spmem:s2] =	stream.indirect.scatter.add.f32 [tilespmem:s20], [sflag:$0x14], $0x20, s9, s17, $0xb8;
	[tilespmem:$0x16040] =	vst v63  }
0x88: {  	_ =	swait.ge [sflag:s6], $0xA00  }
0x89: {  	[sflag:s6] =	ssyncset.done $0x0  }
0x8a: {  	s10 =	simm.s32 $0x460;
	s12 =	simm.s32 $0xC440;
	[sflag:s6] =	ssyncadd.s32 $0xFFFFF600  }
0x8b: {  	[tilespmem:s12], [sflag:$0x5] =	stream.indirect.gather [hbm4b:s11+s17], $0x20, s10, s17, $0xb8;
	[tilespmem:$0x16040] =	vst v63  }
0x8c: {  	_ =	swait.ge [sflag:s22], $0xA00  }
0x8d: {  	[sflag:s22] =	ssyncset.done $0x0  }
0x8e: {  	s13 =	simm.s32 $0x5140;
	[sflag:s22] =	ssyncadd.s32 $0xFFFFF600  }
0x8f: {  	[spmem:s2] =	stream.indirect.scatter.add.f32 [tilespmem:s25], [sflag:$0xB], $0x20, s13, s17, $0xb8;
	[tilespmem:$0x16040] =	vst v63  }
0x90: {  	_ =	swait.ge [sflag:s15], $0xA00  }
0x91: {  	[sflag:s15] =	ssyncset.done $0x0  }
0x92: {  	[sflag:s15] =	ssyncadd.s32 $0xFFFFF600;
	s15 =	simm.s32 $0x4B0  }
0x93: {  	[tilespmem:s0], [sflag:$0x6] =	stream.indirect.gather [hbm4b:s11+s17], $0x20, s15, s17, $0xb8;
	[tilespmem:$0x16040] =	vst v63  }
0x94: {  	_ =	swait.ge [sflag:s1], $0xA00  }
0x95: {  	[sflag:s1] =	ssyncset.done $0x0  }
0x96: {  	s20 =	simm.s32 $0x5190;
	[sflag:s1] =	ssyncadd.s32 $0xFFFFF600  }
0x97: {  	[spmem:s2] =	stream.indirect.scatter.add.f32 [tilespmem:s28], [sflag:$0xC], $0x20, s20, s17, $0xb8;
	[tilespmem:$0x16040] =	vst v63  }
0x98: {  	_ =	swait.ge [sflag:s14], $0xA00  }
0x99: {  	[sflag:s14] =	ssyncset.done $0x0  }
0x9a: {  	s5 =	simm.s32 $0xD840;
	s22 =	simm.s32 $0x500;
	[sflag:s14] =	ssyncadd.s32 $0xFFFFF600  }
0x9b: {  	[tilespmem:s5], [sflag:$0x7] =	stream.indirect.gather [hbm4b:s11+s17], $0x20, s22, s17, $0xb8;
	[tilespmem:$0x16040] =	vst v63  }
0x9c: {  	_ =	swait.ge [sflag:s29], $0xA00  }
0x9d: {  	[sflag:s29] =	ssyncset.done $0x0  }
0x9e: {  	s25 =	simm.s32 $0x51E0;
	[sflag:s29] =	ssyncadd.s32 $0xFFFFF600  }
0x9f: {  	[spmem:s2] =	stream.indirect.scatter.add.f32 [tilespmem:s30], [sflag:$0xD], $0x20, s25, s17, $0xb8;
	[tilespmem:$0x16040] =	vst v63  }
0xa0: {  	_ =	swait.ge [sflag:s16], $0xA00  }
0xa1: {  	[sflag:s16] =	ssyncset.done $0x0  }
0xa2: {  	s4 =	simm.s32 $0xE240;
	s28 =	simm.s32 $0x550;
	[sflag:s16] =	ssyncadd.s32 $0xFFFFF600  }
0xa3: {  	[tilespmem:s4], [sflag:$0x8] =	stream.indirect.gather [hbm4b:s11+s17], $0x20, s28, s17, $0xb8;
	[tilespmem:$0x16040] =	vst v63  }
0xa4: {  	_ =	swait.ge [sflag:s24], $0xA00  }
0xa5: {  	[sflag:s24] =	ssyncset.done $0x0  }
0xa6: {  	s29 =	simm.s32 $0x5230;
	[sflag:s24] =	ssyncadd.s32 $0xFFFFF600  }
0xa7: {  	[spmem:s2] =	stream.indirect.scatter.add.f32 [tilespmem:s23], [sflag:$0xE], $0x20, s29, s17, $0xb8;
	[tilespmem:$0x16040] =	vst v63  }
0xa8: {  	s21 =	simm.s32 $0xC80;
	s3 =	simm.s32 $0x4;
	_ =	swait.ge [sflag:s18], $0xA00  }
0xa9: {  	s7 =	simm.s32 $0x7;
	s8 =	simm.s32 $0x8;
	[sflag:s18] =	ssyncset.done $0x0  }
0xaa: {  	s9 =	simm.s32 $0xD;
	s30 =	simm.s32 $0x5A0;
	[sflag:s18] =	ssyncadd.s32 $0xFFFFF600  }
0xab: {  	[tilespmem:s26], [sflag:$0x9] =	stream.indirect.gather [hbm4b:s11+s17], $0x20, s30, s17, $0xb8;
	[tilespmem:$0x16040] =	vst v63  }
0xac: {  	s6 =	simm.s32 $0xF;
	s10 =	simm.s32 $0x9;
	_ =	swait.ge [sflag:s31], $0xA00  }
0xad: {  	s13 =	simm.s32 $0xA;
	s15 =	simm.s32 $0xC;
	[sflag:s31] =	ssyncset.done $0x0  }
0xae: {  	s1 =	simm.s32 $0x2;
	[sflag:s31] =	ssyncadd.s32 $0xFFFFF600;
	s31 =	simm.s32 $0x5280  }
0xaf: {  	[spmem:s2] =	stream.indirect.scatter.add.f32 [tilespmem:s12], [sflag:$0xF], $0x20, s31, s17, $0xb8;
	[tilespmem:$0x16040] =	vst v63  }
0xb0: {  	s22 =	simm.s32 $0x1;
	s5 =	simm.s32 $0xB;
	_ =	swait.ge [sflag:s19], $0xA00  }
0xb1: {  	s4 =	simm.s32 $0x6;
	s24 =	simm.s32 $0x3;
	[sflag:s19] =	ssyncset.done $0x0  }
0xb2: {  	s23 =	simm.s32 $0x5F0;
	s12 =	simm.s32 $0xE;
	[sflag:s19] =	ssyncadd.s32 $0xFFFFF600  }
.LBB2_4:
0xb3: {  	s20 =	simm.s32 $0xF640  }
0xb4: {  	[tilespmem:s20], [sflag:$0xA] =	stream.indirect.gather [hbm4b:s11+s17], $0x20, s23, s17, $0xb8;
	[tilespmem:$0x16040] =	vst v63  }
0xb5: {  	s23 =	smov.u32 s21  }
0xb6: {  	p0 =	sne.s32 s21, $0x11F80;
	s21 =	sadd.s32 $0xC80, s21;
	_ =	swait.ge [sflag:s4], $0xA00  }
0xb7: {  	s23 =	sshra.s32 s23, $0x2;
	[sflag:s4] =	ssyncset.done $0x0  }
0xb8: {  	s30 =	simm.s32 $0xCE40;
	s25 =	sadd.s32 $0x4FB0, s23;
	[sflag:s4] =	ssyncadd.s32 $0xFFFFF600  }
0xb9: {  	[spmem:s2] =	stream.indirect.scatter.add.f32 [tilespmem:s30], [sflag:$0x10], $0x20, s25, s17, $0xb8;
	[tilespmem:$0x16040] =	vst v63  }
0xba: {  	_ =	swait.ge [sflag:s5], $0xA00  }
0xbb: {  	[sflag:s5] =	ssyncset.done $0x0  }
0xbc: {  	s0 =	simm.s32 $0x9C40;
	s25 =	sadd.s32 $0x320, s23;
	[sflag:s5] =	ssyncadd.s32 $0xFFFFF600  }
0xbd: {  	[tilespmem:s0], [sflag:$0x1] =	stream.indirect.gather [hbm4b:s11+s17], $0x20, s25, s17, $0xb8;
	[tilespmem:$0x16040] =	vst v63  }
0xbe: {  	_ =	swait.ge [sflag:s7], $0xA00  }
0xbf: {  	[sflag:s7] =	ssyncset.done $0x0  }
0xc0: {  	s26 =	simm.s32 $0xD840;
	s25 =	sadd.s32 $0x5000, s23;
	[sflag:s7] =	ssyncadd.s32 $0xFFFFF600  }
0xc1: {  	[spmem:s2] =	stream.indirect.scatter.add.f32 [tilespmem:s26], [sflag:$0x11], $0x20, s25, s17, $0xb8;
	[tilespmem:$0x16040] =	vst v63  }
0xc2: {  	_ =	swait.ge [sflag:s15], $0xA00  }
0xc3: {  	[sflag:s15] =	ssyncset.done $0x0  }
0xc4: {  	s28 =	simm.s32 $0xA640;
	s25 =	sadd.s32 $0x370, s23;
	[sflag:s15] =	ssyncadd.s32 $0xFFFFF600  }
0xc5: {  	[tilespmem:s28], [sflag:$0x2] =	stream.indirect.gather [hbm4b:s11+s17], $0x20, s25, s17, $0xb8;
	[tilespmem:$0x16040] =	vst v63  }
0xc6: {  	_ =	swait.ge [sflag:s8], $0xA00  }
0xc7: {  	[sflag:s8] =	ssyncset.done $0x0  }
0xc8: {  	s29 =	simm.s32 $0xE240;
	s25 =	sadd.s32 $0x5050, s23;
	[sflag:s8] =	ssyncadd.s32 $0xFFFFF600  }
0xc9: {  	[spmem:s2] =	stream.indirect.scatter.add.f32 [tilespmem:s29], [sflag:$0x12], $0x20, s25, s17, $0xb8;
	[tilespmem:$0x16040] =	vst v63  }
0xca: {  	_ =	swait.ge [sflag:s9], $0xA00  }
0xcb: {  	[sflag:s9] =	ssyncset.done $0x0  }
0xcc: {  	s19 =	simm.s32 $0xB040;
	s25 =	sadd.s32 $0x3C0, s23;
	[sflag:s9] =	ssyncadd.s32 $0xFFFFF600  }
0xcd: {  	[tilespmem:s19], [sflag:$0x3] =	stream.indirect.gather [hbm4b:s11+s17], $0x20, s25, s17, $0xb8;
	[tilespmem:$0x16040] =	vst v63  }
0xce: {  	_ =	swait.ge [sflag:s10], $0xA00  }
0xcf: {  	[sflag:s10] =	ssyncset.done $0x0  }
0xd0: {  	s31 =	simm.s32 $0xEC40;
	s25 =	sadd.s32 $0x50A0, s23;
	[sflag:s10] =	ssyncadd.s32 $0xFFFFF600  }
0xd1: {  	[spmem:s2] =	stream.indirect.scatter.add.f32 [tilespmem:s31], [sflag:$0x13], $0x20, s25, s17, $0xb8;
	[tilespmem:$0x16040] =	vst v63  }
0xd2: {  	_ =	swait.ge [sflag:s12], $0xA00  }
0xd3: {  	[sflag:s12] =	ssyncset.done $0x0  }
0xd4: {  	s18 =	simm.s32 $0xBA40;
	s25 =	sadd.s32 $0x410, s23;
	[sflag:s12] =	ssyncadd.s32 $0xFFFFF600  }
0xd5: {  	[tilespmem:s18], [sflag:$0x4] =	stream.indirect.gather [hbm4b:s11+s17], $0x20, s25, s17, $0xb8;
	[tilespmem:$0x16040] =	vst v63  }
0xd6: {  	_ =	swait.ge [sflag:s13], $0xA00  }
0xd7: {  	[sflag:s13] =	ssyncset.done $0x0  }
0xd8: {  	s25 =	sadd.s32 $0x50F0, s23;
	[sflag:s13] =	ssyncadd.s32 $0xFFFFF600  }
0xd9: {  	[spmem:s2] =	stream.indirect.scatter.add.f32 [tilespmem:s20], [sflag:$0x14], $0x20, s25, s17, $0xb8;
	[tilespmem:$0x16040] =	vst v63  }
0xda: {  	_ =	swait.ge [sflag:s6], $0xA00  }
0xdb: {  	[sflag:s6] =	ssyncset.done $0x0  }
0xdc: {  	s16 =	simm.s32 $0xC440;
	s25 =	sadd.s32 $0x460, s23;
	[sflag:s6] =	ssyncadd.s32 $0xFFFFF600  }
0xdd: {  	[tilespmem:s16], [sflag:$0x5] =	stream.indirect.gather [hbm4b:s11+s17], $0x20, s25, s17, $0xb8;
	[tilespmem:$0x16040] =	vst v63  }
0xde: {  	_ =	swait.ge [sflag:s22], $0xA00  }
0xdf: {  	[sflag:s22] =	ssyncset.done $0x0  }
0xe0: {  	s25 =	sadd.s32 $0x5140, s23;
	[sflag:s22] =	ssyncadd.s32 $0xFFFFF600  }
0xe1: {  	[spmem:s2] =	stream.indirect.scatter.add.f32 [tilespmem:s0], [sflag:$0xB], $0x20, s25, s17, $0xb8;
	[tilespmem:$0x16040] =	vst v63  }
0xe2: {  	s0 =	simm.s32 $0x10  }
0xe3: {  	_ =	swait.ge [sflag:s0], $0xA00  }
0xe4: {  	[sflag:s0] =	ssyncset.done $0x0  }
0xe5: {  	s14 =	simm.s32 $0xCE40;
	s25 =	sadd.s32 $0x4B0, s23;
	[sflag:s0] =	ssyncadd.s32 $0xFFFFF600  }
0xe6: {  	[tilespmem:s30], [sflag:$0x6] =	stream.indirect.gather [hbm4b:s11+s17], $0x20, s25, s17, $0xb8;
	[tilespmem:$0x16040] =	vst v63  }
0xe7: {  	_ =	swait.ge [sflag:s1], $0xA00  }
0xe8: {  	[sflag:s1] =	ssyncset.done $0x0  }
0xe9: {  	s0 =	simm.s32 $0x11;
	s25 =	sadd.s32 $0x5190, s23;
	[sflag:s1] =	ssyncadd.s32 $0xFFFFF600  }
0xea: {  	[spmem:s2] =	stream.indirect.scatter.add.f32 [tilespmem:s28], [sflag:$0xC], $0x20, s25, s17, $0xb8;
	[tilespmem:$0x16040] =	vst v63  }
0xeb: {  	_ =	swait.ge [sflag:s0], $0xA00  }
0xec: {  	[sflag:s0] =	ssyncset.done $0x0  }
0xed: {  	s30 =	simm.s32 $0xD840;
	s25 =	sadd.s32 $0x500, s23;
	[sflag:s0] =	ssyncadd.s32 $0xFFFFF600  }
0xee: {  	[tilespmem:s26], [sflag:$0x7] =	stream.indirect.gather [hbm4b:s11+s17], $0x20, s25, s17, $0xb8;
	[tilespmem:$0x16040] =	vst v63  }
0xef: {  	_ =	swait.ge [sflag:s24], $0xA00  }
0xf0: {  	[sflag:s24] =	ssyncset.done $0x0  }
0xf1: {  	s0 =	simm.s32 $0x12;
	s25 =	sadd.s32 $0x51E0, s23;
	[sflag:s24] =	ssyncadd.s32 $0xFFFFF600  }
0xf2: {  	[spmem:s2] =	stream.indirect.scatter.add.f32 [tilespmem:s19], [sflag:$0xD], $0x20, s25, s17, $0xb8;
	[tilespmem:$0x16040] =	vst v63  }
0xf3: {  	_ =	swait.ge [sflag:s0], $0xA00  }
0xf4: {  	[sflag:s0] =	ssyncset.done $0x0  }
0xf5: {  	s28 =	simm.s32 $0xE240;
	s25 =	sadd.s32 $0x550, s23;
	[sflag:s0] =	ssyncadd.s32 $0xFFFFF600  }
0xf6: {  	[tilespmem:s29], [sflag:$0x8] =	stream.indirect.gather [hbm4b:s11+s17], $0x20, s25, s17, $0xb8;
	[tilespmem:$0x16040] =	vst v63  }
0xf7: {  	_ =	swait.ge [sflag:s3], $0xA00  }
0xf8: {  	[sflag:s3] =	ssyncset.done $0x0  }
0xf9: {  	s0 =	simm.s32 $0x13;
	s25 =	sadd.s32 $0x5230, s23;
	[sflag:s3] =	ssyncadd.s32 $0xFFFFF600  }
0xfa: {  	[spmem:s2] =	stream.indirect.scatter.add.f32 [tilespmem:s18], [sflag:$0xE], $0x20, s25, s17, $0xb8;
	[tilespmem:$0x16040] =	vst v63  }
0xfb: {  	_ =	swait.ge [sflag:s0], $0xA00  }
0xfc: {  	[sflag:s0] =	ssyncset.done $0x0  }
0xfd: {  	s25 =	sadd.s32 $0x5A0, s23;
	[sflag:s0] =	ssyncadd.s32 $0xFFFFF600  }
0xfe: {  	[tilespmem:s31], [sflag:$0x9] =	stream.indirect.gather [hbm4b:s11+s17], $0x20, s25, s17, $0xb8;
	[tilespmem:$0x16040] =	vst v63  }
0xff: {  	s20 =	simm.s32 $0xEC40;
	s31 =	simm.s32 $0x5  }
0x100: {  	_ =	swait.ge [sflag:s31], $0xA00  }
0x101: {  	s0 =	simm.s32 $0x14;
	[sflag:s31] =	ssyncset.done $0x0  }
.Ltmp1:
0x102: {  	s25 =	sadd.s32 $0x5280, s23;
	[sflag:s31] =	ssyncadd.s32 $0xFFFFF600;
	(pc) =	sbr.rel @p0 .LBB2_4-.Ltmp1, $4  }
0x103: {  	[spmem:s2] =	stream.indirect.scatter.add.f32 [tilespmem:s16], [sflag:$0xF], $0x20, s25, s17, $0xb8;
	[tilespmem:$0x16040] =	vst v63  }
0x104: {  	_ =	swait.ge [sflag:s0], $0xA00  }
0x105: {  	[sflag:s0] =	ssyncset.done $0x0  }
0x106: {  	s23 =	sadd.s32 $0x5F0, s23;
	[sflag:s0] =	ssyncadd.s32 $0xFFFFF600  }
0x107: {  	s21 =	simm.s32 $0xF640  }
0x108: {  	[tilespmem:s21], [sflag:$0xA] =	stream.indirect.gather [hbm4b:s11+s17], $0x20, s23, s17, $0xb8;
	[tilespmem:$0x16040] =	vst v63  }
0x109: {  	_ =	swait.ge [sflag:s4], $0xA00  }
0x10a: {  	[sflag:s4] =	ssyncset.done $0x0  }
0x10b: {  	s0 =	simm.s32 $0x9AB0;
	[sflag:s4] =	ssyncadd.s32 $0xFFFFF600  }
0x10c: {  	[spmem:s2] =	stream.indirect.scatter.add.f32 [tilespmem:s14], [sflag:$0x10], $0x20, s0, s17, $0xb8;
	[tilespmem:$0x16040] =	vst v63  }
0x10d: {  	_ =	swait.ge [sflag:s5], $0xA00  }
0x10e: {  	[sflag:s5] =	ssyncset.done $0x0  }
0x10f: {  	[sflag:s5] =	ssyncadd.s32 $0xFFFFF600  }
0x110: {  	_ =	swait.ge [sflag:s7], $0xA00  }
0x111: {  	[sflag:s7] =	ssyncset.done $0x0  }
0x112: {  	s14 =	simm.s32 $0x9B00;
	[sflag:s7] =	ssyncadd.s32 $0xFFFFF600  }
0x113: {  	[spmem:s2] =	stream.indirect.scatter.add.f32 [tilespmem:s30], [sflag:$0x11], $0x20, s14, s17, $0xb8;
	[tilespmem:$0x16040] =	vst v63  }
0x114: {  	_ =	swait.ge [sflag:s15], $0xA00  }
0x115: {  	[sflag:s15] =	ssyncset.done $0x0  }
0x116: {  	[sflag:s15] =	ssyncadd.s32 $0xFFFFF600  }
0x117: {  	_ =	swait.ge [sflag:s8], $0xA00  }
0x118: {  	[sflag:s8] =	ssyncset.done $0x0  }
0x119: {  	s16 =	simm.s32 $0x9B50;
	[sflag:s8] =	ssyncadd.s32 $0xFFFFF600  }
0x11a: {  	[spmem:s2] =	stream.indirect.scatter.add.f32 [tilespmem:s28], [sflag:$0x12], $0x20, s16, s17, $0xb8;
	[tilespmem:$0x16040] =	vst v63  }
0x11b: {  	_ =	swait.ge [sflag:s9], $0xA00  }
0x11c: {  	[sflag:s9] =	ssyncset.done $0x0  }
0x11d: {  	[sflag:s9] =	ssyncadd.s32 $0xFFFFF600  }
0x11e: {  	_ =	swait.ge [sflag:s10], $0xA00  }
0x11f: {  	[sflag:s10] =	ssyncset.done $0x0  }
0x120: {  	s18 =	simm.s32 $0x9BA0;
	[sflag:s10] =	ssyncadd.s32 $0xFFFFF600  }
0x121: {  	[spmem:s2] =	stream.indirect.scatter.add.f32 [tilespmem:s20], [sflag:$0x13], $0x20, s18, s17, $0xb8;
	[tilespmem:$0x16040] =	vst v63  }
0x122: {  	_ =	swait.ge [sflag:s12], $0xA00  }
0x123: {  	[sflag:s12] =	ssyncset.done $0x0  }
0x124: {  	[sflag:s12] =	ssyncadd.s32 $0xFFFFF600  }
0x125: {  	_ =	swait.ge [sflag:s13], $0xA00  }
0x126: {  	[sflag:s13] =	ssyncset.done $0x0  }
0x127: {  	s19 =	simm.s32 $0x9BF0;
	[sflag:s13] =	ssyncadd.s32 $0xFFFFF600  }
0x128: {  	[spmem:s2] =	stream.indirect.scatter.add.f32 [tilespmem:s21], [sflag:$0x14], $0x20, s19, s17, $0xb8;
	[tilespmem:$0x16040] =	vst v63  }
0x129: {  	_ =	swait.ge [sflag:s6], $0xA00  }
0x12a: {  	[sflag:s6] =	ssyncset.done $0x0  }
0x12b: {  	s20 =	simm.s32 $0x10;
	[sflag:s6] =	ssyncadd.s32 $0xFFFFF600  }
0x12c: {  	_ =	swait.ge [sflag:s20], $0xA00  }
0x12d: {  	[sflag:s20] =	ssyncset.done $0x0  }
0x12e: {  	s21 =	simm.s32 $0x11;
	[sflag:s20] =	ssyncadd.s32 $0xFFFFF600  }
0x12f: {  	_ =	swait.ge [sflag:s21], $0xA00  }
0x130: {  	[sflag:s21] =	ssyncset.done $0x0  }
0x131: {  	s22 =	simm.s32 $0x12;
	[sflag:s21] =	ssyncadd.s32 $0xFFFFF600  }
0x132: {  	_ =	swait.ge [sflag:s22], $0xA00  }
0x133: {  	[sflag:s22] =	ssyncset.done $0x0  }
0x134: {  	s23 =	simm.s32 $0x13;
	[sflag:s22] =	ssyncadd.s32 $0xFFFFF600  }
0x135: {  	_ =	swait.ge [sflag:s23], $0xA00  }
0x136: {  	[sflag:s23] =	ssyncset.done $0x0  }
0x137: {  	s24 =	simm.s32 $0x14;
	[sflag:s23] =	ssyncadd.s32 $0xFFFFF600  }
0x138: {  	_ =	swait.ge [sflag:s24], $0xA00  }
0x139: {  	[sflag:s24] =	ssyncset.done $0x0  }
0x13a: {  	[sflag:s24] =	ssyncadd.s32 $0xFFFFF600  }
0x13b: {  	s25 =	stileid.u32;
	[bflag:$0x0] =	sbarrier.arrive $0xFFFF  }
0x13c: {  	s21 =	sshll.u32 s25, $0x6;
	s26 =	rddreg [dreg:$0x6]  }
0x13d: {  	s21 =	sor.u32 $0x1C15, s21;
	s25 =	rddreg [dreg:$0xb];
	s23 =	sshrl.u32 s26, $0x3  }
0x13e: {  	[hbm:s25], [sflag:s21] =	dma.local [spmem:s23], $0xA00  }
0x13f: {  	s25 =	simm.s32 $0x15  }
0x140: {  	s1 =	simm.s32 $0x2;
	s29 =	simm.s32 $0x3;
	_ =	swait.ge [sflag:s25], $0xA00  }
0x141: {  	s3 =	simm.s32 $0x6;
	s4 =	simm.s32 $0xB;
	s28 =	rddreg [dreg:$0xd]  }
0x142: {  	s5 =	simm.s32 $0x7;
	s30 =	rddreg [dreg:$0xc];
	s0 =	sadd.s32 $0x1, s28  }
0x143: {  	s7 =	simm.s32 $0xC;
	s14 =	simm.s32 $0x11;
	p0 =	sne.s32 s0, s30  }
.Ltmp2:
0x144: {  	s15 =	simm.s32 $0x10;
	s8 =	simm.s32 $0x8;
	(pc) =	sbr.rel @p0 .LBB2_1-.Ltmp2, $4  }
0x145: {  	s16 =	simm.s32 $0x12;
	s9 =	simm.s32 $0xD;
	s10 =	simm.s32 $0x9  }
0x146: {  	s18 =	simm.s32 $0x13;
	s12 =	simm.s32 $0xE;
	s13 =	simm.s32 $0xA  }
0x147: {  	s19 =	simm.s32 $0x14;
	s6 =	simm.s32 $0xF;
	[sflag:s25] =	ssyncset.done $0x0  }
0x148: {  	s22 =	simm.s32 $0x1;
	s24 =	simm.s32 $0x4;
	[sflag:s25] =	ssyncadd.s32 $0xFFFFF600  }
0x149: {  	_ =	sfence.sel $0x180000  }
0x14a: {  	[bflag:$0x0] =	sbarrier.arrive $0xFFFF  }
0x14b: {  	_ =	strace $0x9000004D  }
0x14c: {  	s0 =	stileid.u32;
	[bflag:$0x2] =	sbarrier.arrive $0xFFFF  }
0x14d: {  	p0 =	sne.s32 s0, $0x0;
	s0 =	rddreg [dreg:$0x3]  }
0x14e: {  	s0 =	sadd.s32 @!p0 $0x100000, s0  }
0x14f: {  	[sflag:s0] =	ssyncadd.tile.s32 @!p0 $0x1;
	_ =	shalt  }
.Lfunc_end2:
_tile_overlayer_lowered:
.L_overlay_start_2:
0x150: {  	(tag) =	ssettag $0x2  }
0x151: {  	s0 =	rddreg [dreg:$0x0];
	s2 =	stileid.u32  }
0x152: {  	s1 =	rddreg [dreg:$0x1];
	p0 =	sne.s32 s2, $0x0  }
0x153: {  	s3 =	rddreg [dreg:$0x2];
	[bflag:$0x3] =	sbarrier.arrive $0xFFFF;
	s2 =	simm.s32 @!p0 $0x1C15  }
0x154: {  	[timem:s3], [sflag:s2] =	dma.local @!p0 [hbm:s0], s1  }
0x155: {  	s0 =	simm.s32 @!p0 $0x15  }
0x156: {  	_ =	swait.ge @!p0 [sflag:s0], s1  }
0x157: {  	s1 =	ssub.s32 @!p0 $0x0, s1;
	[sflag:s0] =	ssyncset.done @!p0 $0x0  }
0x158: {  	[sflag:s0] =	ssyncadd.s32 @!p0 s1  }
0x159: {  	[bflag:$0x3] =	sbarrier.arrive $0xFFFF  }
0x15a: {  	_ =	shalt  }

// kernel: kernel.8.cloned.1.call-start
scs
__scs_entry_jumppad:
0x0: {  	(pc) =	sbr.rel $0x88, $3  }
0x1: {  	(tag) =	ssettag $0x0;
	lr =	simm.s32 $0x1  }
0x2: {  	[smem:$0x3F98] =	sst lr;
	_ =	strace $0xD0000000  }
0x3: {  	_ = 	snop  }
0x4: {  	_ = 	snop  }
0x5: {  	_ = 	snop  }
0x6: {  	_ = 	snop  }
0x7: {  	_ = 	snop  }
__scs_overlays_trampoline_lowered:
0x8: {  	[smem:$0x3FA7] =	sst s0  }
0x9: {  	[smem:$0x3FA8] =	sst s1  }
0xa: {  	[smem:$0x3FA9] =	sst s2  }
0xb: {  	[smem:$0x3FAA] =	sst s3  }
0xc: {  	[smem:$0x3FAB] =	sst s4  }
0xd: {  	[smem:$0x3FAC] =	sst s5  }
0xe: {  	[smem:$0x3FAD] =	sst s6  }
0xf: {  	[smem:$0x3FAE] =	sst s7  }
0x10: {  	[smem:$0x3FAF] =	sst s8  }
0x11: {  	[smem:$0x3FB0] =	sst s9;
	s0 =	simm.s32 @!p0 $0x0  }
0x12: {  	s1 =	sld [smem:$0x3F96];
	s0 =	simm.s32 @p0 $0x1  }
0x13: {  	[smem:$0x3FB1] =	sst s0;
	s0 =	simm.s32 @!p1 $0x0  }
0x14: {  	s2 =	sld [smem:$0x3F95];
	s0 =	simm.s32 @p1 $0x1  }
0x15: {  	[smem:$0x3FB2] =	sst s0;
	s0 =	simm.s32 @!p2 $0x0  }
0x16: {  	s3 =	sld [smem:$0x3FDB];
	s0 =	simm.s32 @p2 $0x1  }
0x17: {  	s4 =	simm.s32 $0x1BF5;
	[smem:$0x3FB4] =	sst s0  }
0x18: {  	s0 =	sld [smem:$0x3F97];
	_ =	swait.ge [sflag:s4], $0x0  }
0x19: {  	s7 =	sld [smem:$0x3F98]  }
0x1a: {  	s8 =	sadd.s32 $0xFFFFE003, lr  }
0x1b: {  	s9 =	sadd.s32 $0xFFFFFEF7, lr;
	s5 =	simm.s32 $0xFFFFFFFF;
	p2 =	slt.u32 s8, $0xFFFFF086  }
0x1c: {  	p1 =	slt.u32 s9, $0xF7A;
	s5 =	simm.s32 @!p2 $0x0  }
0x1d: {  	s5 =	simm.s32 @p1 $0x1;
	p0 =	seq.s32 s7, s2  }
0x1e: {  	s7 =	smul.u32 @!p0 $0xF7A, s2;
	p2 =	seq.s32 @!p0 s5, $0x0  }
0x1f: {  	s9 =	smul.u32 $0xF7A, s1;
	s8 =	simm.s32 @!p0 $0x1BF5;
	p2 =	por !p2, p0  }
0x20: {  	[sflag:s8] =	ssyncset.s32 @!p0 $0xFFFFF086;
	s6 =	sadd.s32 @!p0 s3, s7;
	s7 =	simm.s32 @!p0 $0x108  }
0x21: {  	s3 =	sadd.s32 s3, s9;
	s6 =	sadd.s32 @!p0 $0x88, s6;
	s7 =	simm.s32 @p2 $0x1082  }
0x22: {  	[simem:s7], [sflag:s8] =	dma.local @!p0 [hbm:s6], $0xF7A  }
0x23: {  	s9 =	sor.u32 $0xD0000000, s2;
	s6 =	simm.s32 $0x108;
	_ =	swait.ge @!p0 [sflag:s8], $0x0  }
0x24: {  	s3 =	sadd.s32 $0x88, s3;
	s6 =	simm.s32 @!p1 $0x1082;
	[sflag:s4] =	ssyncset.s32 $0xFFFFF086  }
0x25: {  	[simem:s6], [sflag:s4] =	dma.local [hbm:s3], $0xF7A  }
0x26: {  	[smem:$0x3F98] =	sst s1;
	(tag) =	ssettag s2;
	_ =	strace s9  }
0x27: {  	s1 =	sld [smem:$0x3FA8]  }
0x28: {  	s2 =	sld [smem:$0x3FA9]  }
0x29: {  	s4 =	sld [smem:$0x3FAB]  }
0x2a: {  	p0 =	seq.s32 s5, $0x0;
	s5 =	sld [smem:$0x3FAC]  }
0x2b: {  	s6 =	sld [smem:$0x3FAD]  }
0x2c: {  	s7 =	sld [smem:$0x3FAE]  }
0x2d: {  	s3 =	simm.s32 $0x108;
	s8 =	sld [smem:$0x3FAF]  }
0x2e: {  	s3 =	simm.s32 @!p0 $0x1082;
	s9 =	sld [smem:$0x3FB0]  }
0x2f: {  	lr =	sadd.s32 s0, s3;
	s0 =	sld [smem:$0x3FA7]  }
0x30: {  	s3 =	sld [smem:$0x3FAA]  }
0x31: {  	[smem:$0x3FB3] =	sst s10  }
0x32: {  	s10 =	sld [smem:$0x3FB1];
	_ =	sdelay $0x3  }
0x33: {  	p0 =	seq.s32 s10, $0x1;
	s10 =	sld [smem:$0x3FB3];
	_ =	sdelay $0x3  }
0x34: {  	[smem:$0x3FB3] =	sst s10  }
0x35: {  	s10 =	sld [smem:$0x3FB2];
	_ =	sdelay $0x3  }
0x36: {  	p1 =	seq.s32 s10, $0x1;
	s10 =	sld [smem:$0x3FB3];
	_ =	sdelay $0x3  }
0x37: {  	[smem:$0x3FB3] =	sst s10  }
0x38: {  	s10 =	sld [smem:$0x3FB4]  }
0x39: {  	_ = 	snop;
	(pc) =	sbr.ind lr, $3  }
0x3a: {  	_ = 	snop  }
0x3b: {  	_ = 	snop  }
0x3c: {  	p2 =	seq.s32 s10, $0x1;
	s10 =	sld [smem:$0x3FB3]  }
0x3d: {  	_ =	shalt  }
0x3e: {  	_ =	shalt  }
0x3f: {  	_ =	shalt  }
0x40: {  	_ =	shalt  }
0x41: {  	_ =	shalt  }
0x42: {  	_ =	shalt  }
0x43: {  	_ =	shalt  }
0x44: {  	_ =	shalt  }
0x45: {  	_ =	shalt  }
0x46: {  	_ =	shalt  }
0x47: {  	_ =	shalt  }
0x48: {  	_ =	shalt  }
0x49: {  	_ =	shalt  }
0x4a: {  	_ =	shalt  }
0x4b: {  	_ =	shalt  }
0x4c: {  	_ =	shalt  }
0x4d: {  	_ =	shalt  }
0x4e: {  	_ =	shalt  }
0x4f: {  	_ =	shalt  }
0x50: {  	_ =	shalt  }
0x51: {  	_ =	shalt  }
0x52: {  	_ =	shalt  }
0x53: {  	_ =	shalt  }
0x54: {  	_ =	shalt  }
0x55: {  	_ =	shalt  }
0x56: {  	_ =	shalt  }
0x57: {  	_ =	shalt  }
0x58: {  	_ =	shalt  }
0x59: {  	_ =	shalt  }
0x5a: {  	_ =	shalt  }
0x5b: {  	_ =	shalt  }
0x5c: {  	_ =	shalt  }
0x5d: {  	_ =	shalt  }
0x5e: {  	_ =	shalt  }
0x5f: {  	_ =	shalt  }
0x60: {  	_ =	shalt  }
0x61: {  	_ =	shalt  }
0x62: {  	_ =	shalt  }
0x63: {  	_ =	shalt  }
0x64: {  	_ =	shalt  }
0x65: {  	_ =	shalt  }
0x66: {  	_ =	shalt  }
0x67: {  	_ =	shalt  }
0x68: {  	_ =	shalt  }
0x69: {  	_ =	shalt  }
0x6a: {  	_ =	shalt  }
0x6b: {  	_ =	shalt  }
0x6c: {  	_ =	shalt  }
0x6d: {  	_ =	shalt  }
0x6e: {  	_ =	shalt  }
0x6f: {  	_ =	shalt  }
0x70: {  	_ =	shalt  }
0x71: {  	_ =	shalt  }
0x72: {  	_ =	shalt  }
0x73: {  	_ =	shalt  }
0x74: {  	_ =	shalt  }
0x75: {  	_ =	shalt  }
0x76: {  	_ =	shalt  }
0x77: {  	_ =	shalt  }
0x78: {  	_ =	shalt  }
0x79: {  	_ =	shalt  }
0x7a: {  	_ =	shalt  }
0x7b: {  	_ =	shalt  }
0x7c: {  	_ =	shalt  }
0x7d: {  	_ =	shalt  }
0x7e: {  	_ =	shalt  }
0x7f: {  	_ =	shalt  }
0x80: {  	_ =	shalt  }
0x81: {  	_ =	shalt  }
0x82: {  	_ =	shalt  }
0x83: {  	_ =	shalt  }
0x84: {  	_ =	shalt  }
0x85: {  	_ =	shalt  }
0x86: {  	_ =	shalt  }
0x87: {  	_ =	shalt  }
.Lfunc_end0:
.L_simem_size_0:
called_computation_lowered:
.L_overlay_start_0:
0x88: {  	s2 =	sld [smem:$0x3FD9]  }
0x89: {  	s3 =	sld [smem:$0x3FFE];
	_ =	sdelay $0x1  }
0x8a: {  	s1 =	srdreg.scid  }
0x8b: {  	s0 =	sand.u32 $0x1, s1  }
0x8c: {  	s17 =	sshll.u32 s0, $0xA;
	s2 =	sadd.s32 s3, s2  }
0x8d: {  	s2 =	sadd.s32 s2, s17  }
0x8e: {  	[smem:$0x3FBF] =	sst s2  }
0x8f: {  	_ = 	snop  }
0x90: {  	s2 =	sld [smem:$0x3FD0];
	(tm) =	ssettm $0x1  }
0x91: {  	s18 =	sld [smem:$0x3FFB];
	_ =	sdelay $0x3  }
0x92: {  	_ =	strace s18  }
0x93: {  	s3 =	sld [smem:$0x3FFC];
	_ =	sdelay $0x3  }
0x94: {  	_ =	strace s3  }
0x95: {  	s3 =	sld [smem:$0x3FFD];
	_ =	sdelay $0x3  }
0x96: {  	_ =	strace s3  }
0x97: {  	_ =	strace $0x8FFFFFFF  }
0x98: {  	s19 =	sld [smem:$0x3FDB];
	_ =	sdelay $0x1  }
0x99: {  	s4 =	simm.s32 $_scs_section_size  }
0x9a: {  	s5 =	simm.s32 $_size__tile_overlayer_lowered;
	s6 =	simm.s32 $_tile_overlayer_lowered  }
0x9b: {  	s22 =	simm.s32 $0x1BFF;
	s21 =	sshll.u32 s6, $0x1;
	s3 =	sadd.s32 s4, s19  }
0x9c: {  	s7 =	simm.s32 $0x0;
	s20 =	sshll.u32 s5, $0x1;
	s5 =	sadd.s32 s21, s3  }
0x9d: {  	[timem:s7], [sflag:s22] =	dma.local [hbm:s5], s20  }
0x9e: {  	_ =	swait.ge [sflag:s22], s20  }
0x9f: {  	s4 =	ssub.s32 $0x0, s20;
	[sflag:s22] =	ssyncset.done $0x0  }
0xa0: {  	[sflag:s22] =	ssyncadd.s32 s4;
	_ =	sdelay $0x1  }
0xa1: {  	s23 =	simm.s32 $0x1B8B  }
0xa2: {  	_ =	swait.ge [sflag:s23], $0x1  }
0xa3: {  	[sflag:s23] =	ssyncset.done $0x0  }
0xa4: {  	s25 =	simm.s32 $0x1B8E;
	s24 =	sld [smem:$0x3FFE];
	[sflag:s23] =	ssyncadd.s32 $0xFFFFFFFF  }
0xa5: {  	s26 =	simm.s32 $execute0_lowered;
	[smem:$0x3FD2] =	sst s25  }
0xa6: {  	s5 =	sshll.u32 s26, $0x1;
	_ =	strace $0x80000046;
	[dreg:$0x1] =	wrdreg $0xFFFFFFFF  }
0xa7: {  	s28 =	simm.s32 $_size_execute0_lowered;
	s3 =	sadd.s32 s3, s5;
	[dreg:$0x0] =	wrdreg $0x0  }
0xa8: {  	s5 =	sshll.u32 s28, $0x1;
	[dreg:$0x2] =	wrdreg s3  }
0xa9: {  	[dreg:$0x3] =	wrdreg s5  }
0xaa: {  	[dreg:$0x4] =	wrdreg $0xC0  }
0xab: {  	_ =	task [dreg:s7], $0x5FFFF  }
0xac: {  	[dreg:$0x1] =	wrdreg $0xFFFFFFFF  }
0xad: {  	[dreg:$0x0] =	wrdreg $0x60  }
0xae: {  	[dreg:$0x2] =	wrdreg s24  }
0xaf: {  	[dreg:$0x3] =	wrdreg s2  }
0xb0: {  	[dreg:$0x4] =	wrdreg $0x2D900  }
0xb1: {  	[dreg:$0x5] =	wrdreg $0x9  }
0xb2: {  	_ =	task.clear_ibuf [dreg:s7], $0x6FFFF;
	_ =	strace $0x90000046  }
0xb3: {  	s29 =	simm.s32 $0x9;
	_ =	strace $0x80000048  }
0xb4: {  	_ =	swait.ge [sflag:s29], $0x1  }
0xb5: {  	[sflag:s29] =	ssyncadd.s32 $0xFFFFFFFF  }
0xb6: {  	_ =	strace $0x90000048  }
0xb7: {  	_ =	sfence  }
0xb8: {  	s30 =	sld [smem:$0x0];
	_ =	sdelay $0x2  }
0xb9: {  	s31 =	sshll.u32 s1, $0xD;
	s1 =	sshrl.u32 s1, $0x2  }
0xba: {  	s3 =	sand.u32 $0x4000, s31;
	s1 =	sadd.s32 s1, s30  }
0xbb: {  	s0 =	sor.u32 s3, s0;
	s1 =	sshll.u32 s1, $0x11  }
0xbc: {  	s0 =	sor.u32 s1, s0  }
0xbd: {  	s0 =	sadd.s32 $0x8F2B, s0  }
0xbe: {  	[sflag:s0] =	ssyncadd.remote.s32 $0x1  }
0xbf: {  	_ =	sfence.sel $0xFFFF  }
0xc0: {  	[dreg:$0x0] =	wrdreg $0xFFFFFFFF;
	(pc) =	sbr.abs _section_cstart, $3  }
0xc1: {  	[dreg:$0x1] =	wrdreg $0xFFFFFFFF  }
0xc2: {  	_ =	task.clear_ibuf [dreg:s7], $0x2FFFF;
	_ =	strace $0x9FFFFFFF  }
0xc3: {  	(tm) =	ssettm $0x7FFFFFFF  }
tec
execute0_lowered:
.L_overlay_start_1:
0x0: {  	(tag) =	ssettag $0x1  }
0x1: {  	s5 =	rddreg [dreg:$0x0]  }
0x2: {  	s0 =	srdreg.scid;
	s11 =	rddreg [dreg:$0x1]  }
0x3: {  	s2 =	rddreg [dreg:$0x2];
	s1 =	stileid.u32  }
0x4: {  	s3 =	simm.s32 $0x0;
	s14 =	simm.s32 $0x2710;
	s15 =	simm.s32 $0x2990  }
0x5: {  	s16 =	simm.s32 $0x50;
	s17 =	simm.s32 $0xA0;
	s18 =	simm.s32 $0xF0  }
0x6: {  	s19 =	simm.s32 $0x1;
	s6 =	sand.u32 $0x1, s0;
	s0 =	rddreg [dreg:$0x3]  }
0x7: {  	s22 =	simm.s32 $0x0;
	[smem:$0x7FF] =	sst s3;
	s8 =	smul.u32 $0x1400, s1  }
0x8: {  	s10 =	smul.u32 $0x5000, s1;
	s20 =	sshll.u32 s1, $0x6;
	s4 =	sshll.u32 s6, $0x4  }
0x9: {  	_ =	strace $0x80000047;
	s9 =	ssub.s32 $0x2, s6;
	s12 =	smul.u32 $0x14000, s6  }
0xa: {  	s20 =	sor.u32 $0x1C02, s20;
	s4 =	sor.u32 s1, s4;
	s29 =	sshrl.u32 s9, $0x1  }
0xb: {  	s30 =	sshrl.u32 s10, $0x2;
	s6 =	sadd.s32 s8, s2;
	s7 =	smul.u32 $0x4E2, s4  }
0xc: {  	s4 =	sadd.s32 $0x15E00, s5;
	s13 =	ssub.s32 s9, s29;
	s10 =	sadd.s32 s30, s2  }
0xd: {  	s31 =	sadd.s32 s8, s12;
	s21 =	sshrl.u32 s6, $0x3;
	s8 =	sadd.s32 $0x800, s10  }
0xe: {  	s12 =	sshrl.u32 s31, $0x3;
	s9 =	sadd.s32 $0xC00, s10;
	s5 =	sadd.s32 s7, s5  }
0xf: {  	s7 =	sadd.s32 $0x400, s10;
	s10 =	sadd.s32 $0x1000, s10;
	s11 =	sadd.s32 s11, s12  }
0x10: {  	s12 =	smax.u32 s13, $0x1;
	s13 =	simm.s32 $0x2;
	s5 =	sadd.s32 $0xC000, s5  }
.LBB2_1:
0x11: {  	[tilespmem:s3], [sflag:$0x2] =	stream.linear.gather [hbm4b:s5+s3], $0x2710, $0x38;
	[tilespmem:$0x4190] =	vst v63  }
0x12: {  	_ =	swait.ge [sflag:s13], $0x2710  }
0x13: {  	[sflag:s13] =	ssyncset.done $0x0  }
0x14: {  	[sflag:s13] =	ssyncadd.s32 $0xFFFFD8F0  }
0x15: {  	[tilespmem:s14], [sflag:$0x2] =	stream.linear.gather [hbm4b:s4+s3], $0x680, $0x38;
	[tilespmem:$0x4190] =	vst v63  }
0x16: {  	_ =	swait.ge [sflag:s13], $0x680  }
0x17: {  	[sflag:s13] =	ssyncset.done $0x0  }
0x18: {  	[sflag:s13] =	ssyncadd.s32 $0xFFFFF980  }
0x19: {  	[spmem:s6] =	stream.linear.scatter [tilespmem:s15], [sflag:$0x2], $0x400, $0x38;
	[tilespmem:$0x4190] =	vst v63  }
0x1a: {  	_ =	swait.ge [sflag:s13], $0x400  }
0x1b: {  	[sflag:s13] =	ssyncset.done $0x0  }
0x1c: {  	[sflag:s13] =	ssyncadd.s32 $0xFFFFFC00  }
0x1d: {  	[spmem:s7] =	stream.linear.scatter [tilespmem:s15], [sflag:$0x2], $0x400, $0x38;
	[tilespmem:$0x4190] =	vst v63  }
0x1e: {  	_ =	swait.ge [sflag:s13], $0x400  }
0x1f: {  	[sflag:s13] =	ssyncset.done $0x0  }
0x20: {  	[sflag:s13] =	ssyncadd.s32 $0xFFFFFC00  }
0x21: {  	[spmem:s8] =	stream.linear.scatter [tilespmem:s15], [sflag:$0x2], $0x400, $0x38;
	[tilespmem:$0x4190] =	vst v63  }
0x22: {  	_ =	swait.ge [sflag:s13], $0x400  }
0x23: {  	[sflag:s13] =	ssyncset.done $0x0  }
0x24: {  	[sflag:s13] =	ssyncadd.s32 $0xFFFFFC00  }
0x25: {  	[spmem:s9] =	stream.linear.scatter [tilespmem:s15], [sflag:$0x2], $0x400, $0x38;
	[tilespmem:$0x4190] =	vst v63  }
0x26: {  	_ =	swait.ge [sflag:s13], $0x400  }
0x27: {  	[sflag:s13] =	ssyncset.done $0x0  }
0x28: {  	[sflag:s13] =	ssyncadd.s32 $0xFFFFFC00  }
0x29: {  	[spmem:s10] =	stream.linear.scatter [tilespmem:s15], [sflag:$0x2], $0x400, $0x38;
	[tilespmem:$0x4190] =	vst v63  }
0x2a: {  	_ =	swait.ge [sflag:s13], $0x400  }
0x2b: {  	[sflag:s13] =	ssyncset.done $0x0  }
0x2c: {  	[sflag:s13] =	ssyncadd.s32 $0xFFFFFC00  }
0x2d: {  	[bflag:$0x0] =	sbarrier.arrive $0xFFFF  }
0x2e: {  	[spmem:s2] =	stream.indirect.scatter.add.f32 [tilespmem:s14], [sflag:$0x1], $0x8, s3, s16, $0xb8;
	[tilespmem:$0x4190] =	vst v63  }
0x2f: {  	_ = 	snop  }
0x30: {  	[spmem:s2] =	stream.indirect.scatter.add.f32 [tilespmem:s14], [sflag:$0x1], $0x8, s16, s16, $0xb8;
	[tilespmem:$0x4190] =	vst v63  }
0x31: {  	_ = 	snop  }
0x32: {  	[spmem:s2] =	stream.indirect.scatter.add.f32 [tilespmem:s14], [sflag:$0x1], $0x8, s17, s16, $0xb8;
	[tilespmem:$0x4190] =	vst v63  }
0x33: {  	_ = 	snop  }
0x34: {  	[spmem:s2] =	stream.indirect.scatter.add.f32 [tilespmem:s14], [sflag:$0x1], $0x8, s18, s16, $0xb8;
	[tilespmem:$0x4190] =	vst v63  }
0x35: {  	_ =	swait.ge [sflag:s19], $0x280  }
0x36: {  	[sflag:s19] =	ssyncset.done $0x0  }
0x37: {  	s23 =	simm.s32 $0x640;
	s24 =	simm.s32 $0x140;
	[sflag:s19] =	ssyncadd.s32 $0xFFFFFD80  }
.LBB2_2:
0x38: {  	[spmem:s2] =	stream.indirect.scatter.add.f32 [tilespmem:s14], [sflag:$0x1], $0x8, s24, s16, $0xb8;
	[tilespmem:$0x4190] =	vst v63  }
0x39: {  	s24 =	smov.u32 s23;
	p0 =	sne.s32 s23, $0x9B00  }
.Ltmp0:
0x3a: {  	s23 =	sadd.s32 $0x140, s23;
	(pc) =	sbr.rel @p0 .LBB2_2-.Ltmp0, $4  }
0x3b: {  	_ = 	snop  }
0x3c: {  	_ =	swait.ge [sflag:s19], $0x280  }
0x3d: {  	[sflag:s19] =	ssyncset.done $0x0  }
0x3e: {  	s24 =	sshra.s32 s24, $0x2;
	[sflag:s19] =	ssyncadd.s32 $0xFFFFFD80  }
0x3f: {  	[spmem:s2] =	stream.indirect.scatter.add.f32 [tilespmem:s14], [sflag:$0x1], $0x8, s24, s16, $0xb8;
	[tilespmem:$0x4190] =	vst v63  }
0x40: {  	_ =	swait.ge [sflag:s19], $0x280  }
0x41: {  	[sflag:s19] =	ssyncset.done $0x0  }
0x42: {  	[sflag:s19] =	ssyncadd.s32 $0xFFFFFD80  }
0x43: {  	_ =	swait.ge [sflag:s19], $0x280  }
0x44: {  	[sflag:s19] =	ssyncset.done $0x0  }
0x45: {  	[sflag:s19] =	ssyncadd.s32 $0xFFFFFD80  }
0x46: {  	_ =	swait.ge [sflag:s19], $0x280  }
0x47: {  	[sflag:s19] =	ssyncset.done $0x0  }
0x48: {  	[sflag:s19] =	ssyncadd.s32 $0xFFFFFD80  }
0x49: {  	_ =	swait.ge [sflag:s19], $0x280  }
0x4a: {  	s22 =	sadd.s32 $0x1, s22;
	[sflag:s19] =	ssyncset.done $0x0  }
0x4b: {  	p0 =	sne.s32 s22, s12;
	[sflag:s19] =	ssyncadd.s32 $0xFFFFFD80  }
.Ltmp1:
0x4c: {  	[bflag:$0x0] =	sbarrier.arrive $0xFFFF;
	(pc) =	sbr.rel @p0 .LBB2_1-.Ltmp1, $4  }
0x4d: {  	[hbm:s11], [sflag:s20] =	dma.local [spmem:s21], $0x280  }
0x4e: {  	_ =	swait.ge [sflag:s13], $0x280  }
0x4f: {  	[sflag:s13] =	ssyncset.done $0x0  }
0x50: {  	[sflag:s13] =	ssyncadd.s32 $0xFFFFFD80  }
0x51: {  	_ =	sfence.sel $0x180000  }
0x52: {  	[bflag:$0x0] =	sbarrier.arrive $0xFFFF  }
0x53: {  	p0 =	sne.s32 s1, $0x0;
	_ =	strace $0x90000047  }
0x54: {  	s0 =	sadd.s32 @!p0 $0x100000, s0;
	[bflag:$0x2] =	sbarrier.arrive $0xFFFF  }
0x55: {  	[sflag:s0] =	ssyncadd.tile.s32 @!p0 $0x1;
	_ =	shalt  }
.Lfunc_end2:
_tile_overlayer_lowered:
.L_overlay_start_2:
0x56: {  	(tag) =	ssettag $0x2  }
0x57: {  	s0 =	rddreg [dreg:$0x0];
	s2 =	stileid.u32  }
0x58: {  	s1 =	rddreg [dreg:$0x1];
	p0 =	sne.s32 s2, $0x0  }
0x59: {  	s3 =	rddreg [dreg:$0x2];
	[bflag:$0x3] =	sbarrier.arrive $0xFFFF;
	s2 =	simm.s32 @!p0 $0x1C02  }
0x5a: {  	[timem:s3], [sflag:s2] =	dma.local @!p0 [hbm:s0], s1  }
0x5b: {  	s0 =	simm.s32 @!p0 $0x2  }
0x5c: {  	_ =	swait.ge @!p0 [sflag:s0], s1  }
0x5d: {  	s1 =	ssub.s32 @!p0 $0x0, s1;
	[sflag:s0] =	ssyncset.done @!p0 $0x0  }
0x5e: {  	[sflag:s0] =	ssyncadd.s32 @!p0 s1  }
0x5f: {  	[bflag:$0x3] =	sbarrier.arrive $0xFFFF  }
0x60: {  	_ =	shalt  }

</sc_bundles>
